<compile_context>
chip_gen: v7x
topology: tpu7x:2x2x1
jax: 0.10.2.dev20260603
libtpu: 0.0.44.dev20260713+nightly
codegen_flags: <defaults>
</compile_context>

<pallas_src>
import functools

import jax
import jax.numpy as jnp
from jax import lax
from jax.experimental import pallas as pl
from jax.experimental.pallas import tpu as pltpu
from jax.experimental.pallas import tpu_sc as plsc

VOCAB = 1000000
DIM = 64
BATCH = 16384
NEG = 20

NC = 2
NS = 16
L = 16
NW = NC * NS
BPW = BATCH // NW
CB = 16
NCHUNK = BPW // CB
NROWS = CB * NEG


def _sc_body(tidx_h, cidx_h, nidx_h, wtab_h, ctab_h, pos_h, negf_h,
             tidx_v, cidx_v, nbuf_a, nbuf_b, w_a, c_a, n_a, w_b, c_b, n_b,
             pos_buf, neg_flat, scr, sem_a, sem_b):
    c = lax.axis_index("c")
    s = lax.axis_index("s")
    wid = s * NC + c
    base = wid * BPW

    pltpu.sync_copy(tidx_h.at[pl.ds(base, BPW)], tidx_v)
    pltpu.sync_copy(cidx_h.at[pl.ds(base, BPW)], cidx_v)

    iota = lax.iota(jnp.int32, L)

    def issue(j, nbuf, w_rows, c_rows, n_rows, sem):
        jb = j * CB
        pltpu.sync_copy(nidx_h.at[pl.ds((base + jb) * NEG, NROWS)], nbuf)
        tv = tidx_v[pl.ds(jb, L)]
        cv2 = cidx_v[pl.ds(jb, L)]
        for l in range(L):
            pltpu.async_copy(wtab_h.at[pl.ds(tv[l], 1), :],
                             w_rows.at[pl.ds(l, 1), :], sem)
            pltpu.async_copy(ctab_h.at[pl.ds(cv2[l], 1), :],
                             c_rows.at[pl.ds(l, 1), :], sem)

        def issue_n(m, carry2):
            nv = nbuf[pl.ds(m * L, L)]
            for l in range(L):
                pltpu.async_copy(ctab_h.at[pl.ds(nv[l], 1), :],
                                 n_rows.at[pl.ds(m * L + l, 1), :], sem)
            return carry2

        lax.fori_loop(0, NROWS // L, issue_n, 0)

    def drain(w_rows, c_rows, n_rows, sem):
        pltpu.make_async_copy(wtab_h.at[pl.ds(0, CB), :], w_rows, sem).wait()
        pltpu.make_async_copy(ctab_h.at[pl.ds(0, CB), :], c_rows, sem).wait()
        pltpu.make_async_copy(ctab_h.at[pl.ds(0, NROWS), :], n_rows,
                              sem).wait()

    def compute(j, w_rows, c_rows, n_rows):
        jb = j * CB

        def elem_body(i, carry2):
            jbi = jb + i
            wv = [w_rows[i, pl.ds(c * L, L)] for c in range(DIM // L)]
            cv = [c_rows[i, pl.ds(c * L, L)] for c in range(DIM // L)]
            p = (wv[0] * cv[0] + wv[1] * cv[1]) + (wv[2] * cv[2] + wv[3] * cv[3])
            scr[pl.ds(NEG * L, L)] = plsc.cumsum(p)
            nrow = i * NEG
            for k in range(NEG):
                nv = [n_rows[nrow + k, pl.ds(c * L, L)] for c in range(DIM // L)]
                q = (wv[0] * nv[0] + wv[1] * nv[1]) + (wv[2] * nv[2] + wv[3] * nv[3])
                scr[pl.ds(k * L, L)] = plsc.cumsum(q)
            jbi_v = jnp.broadcast_to(jbi, (L,)).astype(jnp.int32)
            t_lo = plsc.load_gather(scr, [iota * L + (L - 1)])
            plsc.store_scatter(neg_flat, [iota * BPW + jbi_v], t_lo)
            t_hi = plsc.load_gather(scr, [(iota + L) * L + (L - 1)])
            plsc.store_scatter(neg_flat, [(iota + L) * BPW + jbi_v], t_hi,
                               mask=iota < (NEG - L))
            plsc.store_scatter(pos_buf, [jbi_v], t_hi,
                               mask=iota == (NEG - L))
            return carry2

        lax.fori_loop(0, CB, elem_body, 0)

    issue(0, nbuf_a, w_a, c_a, n_a, sem_a)

    def body(jj, carry):
        a = 2 * jj
        issue(a + 1, nbuf_b, w_b, c_b, n_b, sem_b)
        drain(w_a, c_a, n_a, sem_a)
        compute(a, w_a, c_a, n_a)

        @pl.when(a + 2 < NCHUNK)
        def _():
            issue(a + 2, nbuf_a, w_a, c_a, n_a, sem_a)

        drain(w_b, c_b, n_b, sem_b)
        compute(a + 1, w_b, c_b, n_b)
        return carry

    lax.fori_loop(0, NCHUNK // 2, body, 0)

    pltpu.sync_copy(pos_buf, pos_h.at[pl.ds(base, BPW)])
    for k in range(NEG):
        pltpu.sync_copy(neg_flat.at[pl.ds(k * BPW, BPW)],
                        negf_h.at[pl.ds(k * BATCH + base, BPW)])


_sc_scores = functools.partial(
    pl.kernel,
    out_type=(
        jax.ShapeDtypeStruct((BATCH,), jnp.float32),
        jax.ShapeDtypeStruct((NEG * BATCH,), jnp.float32),
    ),
    mesh=plsc.VectorSubcoreMesh(
        core_axis_name="c", subcore_axis_name="s", num_cores=NC,
        num_subcores=NS),
    compiler_params=pltpu.CompilerParams(
        needs_layout_passes=False, use_tc_tiling_on_sc=True),
    scratch_types=[
        pltpu.VMEM((BPW,), jnp.int32),
        pltpu.VMEM((BPW,), jnp.int32),
        pltpu.VMEM((NROWS,), jnp.int32),
        pltpu.VMEM((NROWS,), jnp.int32),
        pltpu.VMEM((CB, DIM), jnp.float32),
        pltpu.VMEM((CB, DIM), jnp.float32),
        pltpu.VMEM((NROWS, DIM), jnp.float32),
        pltpu.VMEM((CB, DIM), jnp.float32),
        pltpu.VMEM((CB, DIM), jnp.float32),
        pltpu.VMEM((NROWS, DIM), jnp.float32),
        pltpu.VMEM((BPW,), jnp.float32),
        pltpu.VMEM((NEG * BPW,), jnp.float32),
        pltpu.VMEM((2 * NEG * L,), jnp.float32),
        pltpu.SemaphoreType.DMA,
        pltpu.SemaphoreType.DMA,
    ],
)(_sc_body)


def _loss_body(pos_ref, negt_ref, out_ref):
    p = jnp.clip(pos_ref[...], -10.0, 10.0)
    pos_sum = jnp.sum(jax.nn.log_sigmoid(p))
    n = jnp.clip(negt_ref[...], -10.0, 10.0)
    neg_sum = jnp.sum(jax.nn.log_sigmoid(-n))
    loss = -(pos_sum / BATCH) - (neg_sum / (BATCH * NEG))
    out_ref[...] = jnp.broadcast_to(loss, (1, 1))


_loss = pl.pallas_call(
    _loss_body,
    out_shape=jax.ShapeDtypeStruct((1, 1), jnp.float32),
)


def kernel(target_word, context_word, negative_samples, word_embeddings,
           context_embeddings):
    tidx = target_word.astype(jnp.int32)
    cidx = context_word.astype(jnp.int32)
    nidx = negative_samples.astype(jnp.int32).reshape(-1)
    pos, negf = _sc_scores(tidx, cidx, nidx, word_embeddings,
                           context_embeddings)
    out = _loss(pos.reshape(BATCH // 128, 128), negf.reshape(NEG, BATCH))
    return out[0, 0]

# --- scband reference (transcript-rebuilt; emitter-appended) ---
"""Pipeline reference for scband-skip-gram-negative-sampling-24781961298640 (READ-ONLY COPY).

The authoritative reference and input builder live on the scoring server;
editing this copy changes nothing except your own understanding.
"""

import jax, jax.numpy as jnp
import numpy as np

VOCAB = 1000000
DIM = 64
BATCH = 16384
NEG = 20


def _xavier_uniform(key, shape):
    fan_in, fan_out = shape[0], shape[1]
    limit = float(np.sqrt(6.0 / (fan_in + fan_out)))
    return jax.random.uniform(key, shape, dtype=jnp.float32, minval=-limit, maxval=limit)


def setup_inputs(seed: int = 0) -> dict:
    key = jax.random.key(seed)
    k1, k2, k3, k4, k5 = jax.random.split(key, 5)
    target_word = jax.random.randint(k1, (BATCH,), 0, VOCAB, dtype=jnp.int64 if jax.config.jax_enable_x64 else jnp.int32)
    context_word = jax.random.randint(k2, (BATCH,), 0, VOCAB, dtype=jnp.int64 if jax.config.jax_enable_x64 else jnp.int32)
    negative_samples = jax.random.randint(k3, (BATCH, NEG), 0, VOCAB, dtype=jnp.int64 if jax.config.jax_enable_x64 else jnp.int32)
    word_embeddings = _xavier_uniform(k4, (VOCAB, DIM))
    context_embeddings = _xavier_uniform(k5, (VOCAB, DIM))
    return {
        "target_word": target_word,
        "context_word": context_word,
        "negative_samples": negative_samples,
        "word_embeddings": word_embeddings,
        "context_embeddings": context_embeddings,
    }


def reference(target_word, context_word, negative_samples, word_embeddings, context_embeddings):
    # gather embeddings (SparseCore-style lookups)
    word_emb = jnp.take(word_embeddings, target_word, axis=0)          # [B, D]
    context_emb = jnp.take(context_embeddings, context_word, axis=0)   # [B, D]
    neg_embs = jnp.take(context_embeddings, negative_samples, axis=0)  # [B, K, D]

    pos_score = jnp.sum(word_emb * context_emb, axis=1)                # [B]
    pos_score = jnp.clip(pos_score, -10.0, 10.0)
    pos_loss = -jnp.mean(jax.nn.log_sigmoid(pos_score))

    # bmm: [B, K, D] x [B, D, 1] -> [B, K]
    neg_score = jnp.einsum("bkd,bd->bk", neg_embs, word_emb)
    neg_score = jnp.clip(neg_score, -10.0, 10.0)
    neg_loss = -jnp.mean(jax.nn.log_sigmoid(-neg_score))

    return pos_loss + neg_loss

if __name__ == "__main__":
    import jax
    _d = setup_inputs()
    print(jax.jit(kernel)(*tuple(_d.values())))

</pallas_src>

<mosaic_0001>
#map = affine_map<(d0, d1) -> (0)>
#map1 = affine_map<(d0, d1) -> (0, 0)>
module attributes {stable_mosaic.version = 14 : i64} {
  func.func @_sc_body(%arg0: i32, %arg1: i32, %arg2: memref<16384xi32, #tpu.memory_space<hbm>>, %arg3: memref<16384xi32, #tpu.memory_space<hbm>>, %arg4: memref<327680xi32, #tpu.memory_space<hbm>>, %arg5: memref<1000000x64xf32, #tpu.memory_space<hbm>>, %arg6: memref<1000000x64xf32, #tpu.memory_space<hbm>>, %arg7: memref<16384xf32, #tpu.memory_space<hbm>>, %arg8: memref<327680xf32, #tpu.memory_space<hbm>>, %arg9: memref<512xi32, #tpu.memory_space<vmem>>, %arg10: memref<512xi32, #tpu.memory_space<vmem>>, %arg11: memref<320xi32, #tpu.memory_space<vmem>>, %arg12: memref<320xi32, #tpu.memory_space<vmem>>, %arg13: memref<16x64xf32, #tpu.memory_space<vmem>>, %arg14: memref<16x64xf32, #tpu.memory_space<vmem>>, %arg15: memref<320x64xf32, #tpu.memory_space<vmem>>, %arg16: memref<16x64xf32, #tpu.memory_space<vmem>>, %arg17: memref<16x64xf32, #tpu.memory_space<vmem>>, %arg18: memref<320x64xf32, #tpu.memory_space<vmem>>, %arg19: memref<512xf32, #tpu.memory_space<vmem>>, %arg20: memref<10240xf32, #tpu.memory_space<vmem>>, %arg21: memref<640xf32, #tpu.memory_space<vmem>>, %arg22: memref<!tpu.dma_semaphore, #tpu.memory_space<semaphore_mem>>, %arg23: memref<!tpu.dma_semaphore, #tpu.memory_space<semaphore_mem>>) attributes {dimension_semantics = [#tpu.dimension_semantics<core_parallel>, #tpu.dimension_semantics<subcore_parallel>], iteration_bounds = array<i64: 2, 16>, scalar_prefetch = 0 : i64, scratch_operands = 15 : i64, tpu.core_type = #tpu.core_type<sc_vector_subcore>, window_params = [{transform_indices = #map}, {transform_indices = #map}, {transform_indices = #map}, {transform_indices = #map1}, {transform_indices = #map1}, {transform_indices = #map}, {transform_indices = #map}]} {
    %mul3A = arith.constant 2 : i32
    %mul3A_0 = arith.muli %arg1, %mul3A : i32
    %add3A = arith.addi %mul3A_0, %arg0 : i32
    %mul3A_1 = arith.constant 512 : i32
    %mul3A_2 = arith.muli %add3A, %mul3A_1 : i32
    "tpu.region"() ({
      %run_scoped3A = tpu.sem_alloc : memref<!tpu.dma_semaphore, #tpu.memory_space<semaphore_mem>>
      %dma_start3A_442 = tpu.memref_slice %arg2[%mul3A_2] : memref<16384xi32, #tpu.memory_space<hbm>> -> memref<512xi32, #tpu.memory_space<hbm>>
      %dma_start3A_443 = tpu.memref_slice %arg2[%mul3A_2] : memref<16384xi32, #tpu.memory_space<hbm>> -> memref<512xi32, #tpu.memory_space<hbm>>
      tpu.enqueue_dma source(%dma_start3A_443 : memref<512xi32, #tpu.memory_space<hbm>>) target(%arg9 : memref<512xi32, #tpu.memory_space<vmem>>) target_semaphore(%run_scoped3A : memref<!tpu.dma_semaphore, #tpu.memory_space<semaphore_mem>>)
      %dma_wait3A = tpu.memref_slice %arg2[%mul3A_2] : memref<16384xi32, #tpu.memory_space<hbm>> -> memref<512xi32, #tpu.memory_space<hbm>>
      %dma_wait3A_444 = tpu.memref_slice %arg2[%mul3A_2] : memref<16384xi32, #tpu.memory_space<hbm>> -> memref<512xi32, #tpu.memory_space<hbm>>
      tpu.wait_dma2 semaphore(%run_scoped3A : memref<!tpu.dma_semaphore, #tpu.memory_space<semaphore_mem>>) src(%dma_wait3A_444 : memref<512xi32, #tpu.memory_space<hbm>>) dst(%arg9 : memref<512xi32, #tpu.memory_space<vmem>>)
      tpu.yield
    }) : () -> ()
    "tpu.region"() ({
      %run_scoped3A = tpu.sem_alloc : memref<!tpu.dma_semaphore, #tpu.memory_space<semaphore_mem>>
      %dma_start3A_442 = tpu.memref_slice %arg3[%mul3A_2] : memref<16384xi32, #tpu.memory_space<hbm>> -> memref<512xi32, #tpu.memory_space<hbm>>
      %dma_start3A_443 = tpu.memref_slice %arg3[%mul3A_2] : memref<16384xi32, #tpu.memory_space<hbm>> -> memref<512xi32, #tpu.memory_space<hbm>>
      tpu.enqueue_dma source(%dma_start3A_443 : memref<512xi32, #tpu.memory_space<hbm>>) target(%arg10 : memref<512xi32, #tpu.memory_space<vmem>>) target_semaphore(%run_scoped3A : memref<!tpu.dma_semaphore, #tpu.memory_space<semaphore_mem>>)
      %dma_wait3A = tpu.memref_slice %arg3[%mul3A_2] : memref<16384xi32, #tpu.memory_space<hbm>> -> memref<512xi32, #tpu.memory_space<hbm>>
      %dma_wait3A_444 = tpu.memref_slice %arg3[%mul3A_2] : memref<16384xi32, #tpu.memory_space<hbm>> -> memref<512xi32, #tpu.memory_space<hbm>>
      tpu.wait_dma2 semaphore(%run_scoped3A : memref<!tpu.dma_semaphore, #tpu.memory_space<semaphore_mem>>) src(%dma_wait3A_444 : memref<512xi32, #tpu.memory_space<hbm>>) dst(%arg10 : memref<512xi32, #tpu.memory_space<vmem>>)
      tpu.yield
    }) : () -> ()
    %iota3A = tpu.iota {dimensions = array<i32: 0>} : vector<16xi32>
    %add3A_3 = arith.constant 0 : i32
    %add3A_4 = arith.addi %mul3A_2, %add3A_3 : i32
    %mul3A_5 = arith.constant 20 : i32
    %mul3A_6 = arith.muli %add3A_4, %mul3A_5 : i32
    "tpu.region"() ({
      %run_scoped3A = tpu.sem_alloc : memref<!tpu.dma_semaphore, #tpu.memory_space<semaphore_mem>>
      %dma_start3A_442 = tpu.memref_slice %arg4[%mul3A_6] : memref<327680xi32, #tpu.memory_space<hbm>> -> memref<320xi32, #tpu.memory_space<hbm>>
      %dma_start3A_443 = tpu.memref_slice %arg4[%mul3A_6] : memref<327680xi32, #tpu.memory_space<hbm>> -> memref<320xi32, #tpu.memory_space<hbm>>
      tpu.enqueue_dma source(%dma_start3A_443 : memref<320xi32, #tpu.memory_space<hbm>>) target(%arg11 : memref<320xi32, #tpu.memory_space<vmem>>) target_semaphore(%run_scoped3A : memref<!tpu.dma_semaphore, #tpu.memory_space<semaphore_mem>>)
      %dma_wait3A = tpu.memref_slice %arg4[%mul3A_6] : memref<327680xi32, #tpu.memory_space<hbm>> -> memref<320xi32, #tpu.memory_space<hbm>>
      %dma_wait3A_444 = tpu.memref_slice %arg4[%mul3A_6] : memref<327680xi32, #tpu.memory_space<hbm>> -> memref<320xi32, #tpu.memory_space<hbm>>
      tpu.wait_dma2 semaphore(%run_scoped3A : memref<!tpu.dma_semaphore, #tpu.memory_space<semaphore_mem>>) src(%dma_wait3A_444 : memref<320xi32, #tpu.memory_space<hbm>>) dst(%arg11 : memref<320xi32, #tpu.memory_space<vmem>>)
      tpu.yield
    }) : () -> ()
    %get3A = arith.constant 0 : index
    %get3A_7 = tpu.vector_load %arg9[%get3A] {strides = array<i32>} : memref<512xi32, #tpu.memory_space<vmem>>, vector<16xi32>,
    %get3A_8 = arith.constant 0 : index
    %get3A_9 = tpu.vector_load %arg10[%get3A_8] {strides = array<i32>} : memref<512xi32, #tpu.memory_space<vmem>>, vector<16xi32>,
    %slice3A = vector.extract_strided_slice %get3A_7 {offsets = [0], sizes = [1], strides = [1]} : vector<16xi32> to vector<1xi32>
    %squeeze3A = vector.extract %slice3A[0] : i32 from vector<1xi32>
    %dma_start3A = arith.constant 0 : i32
    %dma_start3A_10 = arith.constant 0 : i32
    %dma_start3A_11 = tpu.memref_slice %arg13[%dma_start3A, %dma_start3A_10] : memref<16x64xf32, #tpu.memory_space<vmem>> -> memref<1x64xf32, #tpu.memory_space<vmem>>
    %dma_start3A_12 = arith.constant 0 : i32
    %dma_start3A_13 = tpu.memref_slice %arg5[%squeeze3A, %dma_start3A_12] : memref<1000000x64xf32, #tpu.memory_space<hbm>> -> memref<1x64xf32, #tpu.memory_space<hbm>>
    %dma_start3A_14 = arith.constant 0 : i32
    %dma_start3A_15 = arith.constant 0 : i32
    %dma_start3A_16 = tpu.memref_slice %arg13[%dma_start3A_14, %dma_start3A_15] : memref<16x64xf32, #tpu.memory_space<vmem>> -> memref<1x64xf32, #tpu.memory_space<vmem>>
    %dma_start3A_17 = arith.constant 0 : i32
    %dma_start3A_18 = tpu.memref_slice %arg5[%squeeze3A, %dma_start3A_17] : memref<1000000x64xf32, #tpu.memory_space<hbm>> -> memref<1x64xf32, #tpu.memory_space<hbm>>
    tpu.enqueue_dma source(%dma_start3A_18 : memref<1x64xf32, #tpu.memory_space<hbm>>) target(%dma_start3A_16 : memref<1x64xf32, #tpu.memory_space<vmem>>) target_semaphore(%arg22 : memref<!tpu.dma_semaphore, #tpu.memory_space<semaphore_mem>>)
    %slice3A_19 = vector.extract_strided_slice %get3A_9 {offsets = [0], sizes = [1], strides = [1]} : vector<16xi32> to vector<1xi32>
    %squeeze3A_20 = vector.extract %slice3A_19[0] : i32 from vector<1xi32>
    %dma_start3A_21 = arith.constant 0 : i32
    %dma_start3A_22 = arith.constant 0 : i32
    %dma_start3A_23 = tpu.memref_slice %arg14[%dma_start3A_21, %dma_start3A_22] : memref<16x64xf32, #tpu.memory_space<vmem>> -> memref<1x64xf32, #tpu.memory_space<vmem>>
    %dma_start3A_24 = arith.constant 0 : i32
    %dma_start3A_25 = tpu.memref_slice %arg6[%squeeze3A_20, %dma_start3A_24] : memref<1000000x64xf32, #tpu.memory_space<hbm>> -> memref<1x64xf32, #tpu.memory_space<hbm>>
    %dma_start3A_26 = arith.constant 0 : i32
    %dma_start3A_27 = arith.constant 0 : i32
    %dma_start3A_28 = tpu.memref_slice %arg14[%dma_start3A_26, %dma_start3A_27] : memref<16x64xf32, #tpu.memory_space<vmem>> -> memref<1x64xf32, #tpu.memory_space<vmem>>
    %dma_start3A_29 = arith.constant 0 : i32
    %dma_start3A_30 = tpu.memref_slice %arg6[%squeeze3A_20, %dma_start3A_29] : memref<1000000x64xf32, #tpu.memory_space<hbm>> -> memref<1x64xf32, #tpu.memory_space<hbm>>
    tpu.enqueue_dma source(%dma_start3A_30 : memref<1x64xf32, #tpu.memory_space<hbm>>) target(%dma_start3A_28 : memref<1x64xf32, #tpu.memory_space<vmem>>) target_semaphore(%arg22 : memref<!tpu.dma_semaphore, #tpu.memory_space<semaphore_mem>>)
    %slice3A_31 = vector.extract_strided_slice %get3A_7 {offsets = [1], sizes = [1], strides = [1]} : vector<16xi32> to vector<1xi32>
    %squeeze3A_32 = vector.extract %slice3A_31[0] : i32 from vector<1xi32>
    %dma_start3A_33 = arith.constant 1 : i32
    %dma_start3A_34 = arith.constant 0 : i32
    %dma_start3A_35 = tpu.memref_slice %arg13[%dma_start3A_33, %dma_start3A_34] : memref<16x64xf32, #tpu.memory_space<vmem>> -> memref<1x64xf32, #tpu.memory_space<vmem>>
    %dma_start3A_36 = arith.constant 0 : i32
    %dma_start3A_37 = tpu.memref_slice %arg5[%squeeze3A_32, %dma_start3A_36] : memref<1000000x64xf32, #tpu.memory_space<hbm>> -> memref<1x64xf32, #tpu.memory_space<hbm>>
    %dma_start3A_38 = arith.constant 1 : i32
    %dma_start3A_39 = arith.constant 0 : i32
    %dma_start3A_40 = tpu.memref_slice %arg13[%dma_start3A_38, %dma_start3A_39] : memref<16x64xf32, #tpu.memory_space<vmem>> -> memref<1x64xf32, #tpu.memory_space<vmem>>
    %dma_start3A_41 = arith.constant 0 : i32
    %dma_start3A_42 = tpu.memref_slice %arg5[%squeeze3A_32, %dma_start3A_41] : memref<1000000x64xf32, #tpu.memory_space<hbm>> -> memref<1x64xf32, #tpu.memory_space<hbm>>
    tpu.enqueue_dma source(%dma_start3A_42 : memref<1x64xf32, #tpu.memory_space<hbm>>) target(%dma_start3A_40 : memref<1x64xf32, #tpu.memory_space<vmem>>) target_semaphore(%arg22 : memref<!tpu.dma_semaphore, #tpu.memory_space<semaphore_mem>>)
    %slice3A_43 = vector.extract_strided_slice %get3A_9 {offsets = [1], sizes = [1], strides = [1]} : vector<16xi32> to vector<1xi32>
    %squeeze3A_44 = vector.extract %slice3A_43[0] : i32 from vector<1xi32>
    %dma_start3A_45 = arith.constant 1 : i32
    %dma_start3A_46 = arith.constant 0 : i32
    %dma_start3A_47 = tpu.memref_slice %arg14[%dma_start3A_45, %dma_start3A_46] : memref<16x64xf32, #tpu.memory_space<vmem>> -> memref<1x64xf32, #tpu.memory_space<vmem>>
    %dma_start3A_48 = arith.constant 0 : i32
    %dma_start3A_49 = tpu.memref_slice %arg6[%squeeze3A_44, %dma_start3A_48] : memref<1000000x64xf32, #tpu.memory_space<hbm>> -> memref<1x64xf32, #tpu.memory_space<hbm>>
    %dma_start3A_50 = arith.constant 1 : i32
    %dma_start3A_51 = arith.constant 0 : i32
    %dma_start3A_52 = tpu.memref_slice %arg14[%dma_start3A_50, %dma_start3A_51] : memref<16x64xf32, #tpu.memory_space<vmem>> -> memref<1x64xf32, #tpu.memory_space<vmem>>
    %dma_start3A_53 = arith.constant 0 : i32
    %dma_start3A_54 = tpu.memref_slice %arg6[%squeeze3A_44, %dma_start3A_53] : memref<1000000x64xf32, #tpu.memory_space<hbm>> -> memref<1x64xf32, #tpu.memory_space<hbm>>
    tpu.enqueue_dma source(%dma_start3A_54 : memref<1x64xf32, #tpu.memory_space<hbm>>) target(%dma_start3A_52 : memref<1x64xf32, #tpu.memory_space<vmem>>) target_semaphore(%arg22 : memref<!tpu.dma_semaphore, #tpu.memory_space<semaphore_mem>>)
    %slice3A_55 = vector.extract_strided_slice %get3A_7 {offsets = [2], sizes = [1], strides = [1]} : vector<16xi32> to vector<1xi32>
    %squeeze3A_56 = vector.extract %slice3A_55[0] : i32 from vector<1xi32>
    %dma_start3A_57 = arith.constant 2 : i32
    %dma_start3A_58 = arith.constant 0 : i32
    %dma_start3A_59 = tpu.memref_slice %arg13[%dma_start3A_57, %dma_start3A_58] : memref<16x64xf32, #tpu.memory_space<vmem>> -> memref<1x64xf32, #tpu.memory_space<vmem>>
    %dma_start3A_60 = arith.constant 0 : i32
    %dma_start3A_61 = tpu.memref_slice %arg5[%squeeze3A_56, %dma_start3A_60] : memref<1000000x64xf32, #tpu.memory_space<hbm>> -> memref<1x64xf32, #tpu.memory_space<hbm>>
    %dma_start3A_62 = arith.constant 2 : i32
    %dma_start3A_63 = arith.constant 0 : i32
    %dma_start3A_64 = tpu.memref_slice %arg13[%dma_start3A_62, %dma_start3A_63] : memref<16x64xf32, #tpu.memory_space<vmem>> -> memref<1x64xf32, #tpu.memory_space<vmem>>
    %dma_start3A_65 = arith.constant 0 : i32
    %dma_start3A_66 = tpu.memref_slice %arg5[%squeeze3A_56, %dma_start3A_65] : memref<1000000x64xf32, #tpu.memory_space<hbm>> -> memref<1x64xf32, #tpu.memory_space<hbm>>
    tpu.enqueue_dma source(%dma_start3A_66 : memref<1x64xf32, #tpu.memory_space<hbm>>) target(%dma_start3A_64 : memref<1x64xf32, #tpu.memory_space<vmem>>) target_semaphore(%arg22 : memref<!tpu.dma_semaphore, #tpu.memory_space<semaphore_mem>>)
    %slice3A_67 = vector.extract_strided_slice %get3A_9 {offsets = [2], sizes = [1], strides = [1]} : vector<16xi32> to vector<1xi32>
    %squeeze3A_68 = vector.extract %slice3A_67[0] : i32 from vector<1xi32>
    %dma_start3A_69 = arith.constant 2 : i32
    %dma_start3A_70 = arith.constant 0 : i32
    %dma_start3A_71 = tpu.memref_slice %arg14[%dma_start3A_69, %dma_start3A_70] : memref<16x64xf32, #tpu.memory_space<vmem>> -> memref<1x64xf32, #tpu.memory_space<vmem>>
    %dma_start3A_72 = arith.constant 0 : i32
    %dma_start3A_73 = tpu.memref_slice %arg6[%squeeze3A_68, %dma_start3A_72] : memref<1000000x64xf32, #tpu.memory_space<hbm>> -> memref<1x64xf32, #tpu.memory_space<hbm>>
    %dma_start3A_74 = arith.constant 2 : i32
    %dma_start3A_75 = arith.constant 0 : i32
    %dma_start3A_76 = tpu.memref_slice %arg14[%dma_start3A_74, %dma_start3A_75] : memref<16x64xf32, #tpu.memory_space<vmem>> -> memref<1x64xf32, #tpu.memory_space<vmem>>
    %dma_start3A_77 = arith.constant 0 : i32
    %dma_start3A_78 = tpu.memref_slice %arg6[%squeeze3A_68, %dma_start3A_77] : memref<1000000x64xf32, #tpu.memory_space<hbm>> -> memref<1x64xf32, #tpu.memory_space<hbm>>
    tpu.enqueue_dma source(%dma_start3A_78 : memref<1x64xf32, #tpu.memory_space<hbm>>) target(%dma_start3A_76 : memref<1x64xf32, #tpu.memory_space<vmem>>) target_semaphore(%arg22 : memref<!tpu.dma_semaphore, #tpu.memory_space<semaphore_mem>>)
    %slice3A_79 = vector.extract_strided_slice %get3A_7 {offsets = [3], sizes = [1], strides = [1]} : vector<16xi32> to vector<1xi32>
    %squeeze3A_80 = vector.extract %slice3A_79[0] : i32 from vector<1xi32>
    %dma_start3A_81 = arith.constant 3 : i32
    %dma_start3A_82 = arith.constant 0 : i32
    %dma_start3A_83 = tpu.memref_slice %arg13[%dma_start3A_81, %dma_start3A_82] : memref<16x64xf32, #tpu.memory_space<vmem>> -> memref<1x64xf32, #tpu.memory_space<vmem>>
    %dma_start3A_84 = arith.constant 0 : i32
    %dma_start3A_85 = tpu.memref_slice %arg5[%squeeze3A_80, %dma_start3A_84] : memref<1000000x64xf32, #tpu.memory_space<hbm>> -> memref<1x64xf32, #tpu.memory_space<hbm>>
    %dma_start3A_86 = arith.constant 3 : i32
    %dma_start3A_87 = arith.constant 0 : i32
    %dma_start3A_88 = tpu.memref_slice %arg13[%dma_start3A_86, %dma_start3A_87] : memref<16x64xf32, #tpu.memory_space<vmem>> -> memref<1x64xf32, #tpu.memory_space<vmem>>
    %dma_start3A_89 = arith.constant 0 : i32
    %dma_start3A_90 = tpu.memref_slice %arg5[%squeeze3A_80, %dma_start3A_89] : memref<1000000x64xf32, #tpu.memory_space<hbm>> -> memref<1x64xf32, #tpu.memory_space<hbm>>
    tpu.enqueue_dma source(%dma_start3A_90 : memref<1x64xf32, #tpu.memory_space<hbm>>) target(%dma_start3A_88 : memref<1x64xf32, #tpu.memory_space<vmem>>) target_semaphore(%arg22 : memref<!tpu.dma_semaphore, #tpu.memory_space<semaphore_mem>>)
    %slice3A_91 = vector.extract_strided_slice %get3A_9 {offsets = [3], sizes = [1], strides = [1]} : vector<16xi32> to vector<1xi32>
    %squeeze3A_92 = vector.extract %slice3A_91[0] : i32 from vector<1xi32>
    %dma_start3A_93 = arith.constant 3 : i32
    %dma_start3A_94 = arith.constant 0 : i32
    %dma_start3A_95 = tpu.memref_slice %arg14[%dma_start3A_93, %dma_start3A_94] : memref<16x64xf32, #tpu.memory_space<vmem>> -> memref<1x64xf32, #tpu.memory_space<vmem>>
    %dma_start3A_96 = arith.constant 0 : i32
    %dma_start3A_97 = tpu.memref_slice %arg6[%squeeze3A_92, %dma_start3A_96] : memref<1000000x64xf32, #tpu.memory_space<hbm>> -> memref<1x64xf32, #tpu.memory_space<hbm>>
    %dma_start3A_98 = arith.constant 3 : i32
    %dma_start3A_99 = arith.constant 0 : i32
    %dma_start3A_100 = tpu.memref_slice %arg14[%dma_start3A_98, %dma_start3A_99] : memref<16x64xf32, #tpu.memory_space<vmem>> -> memref<1x64xf32, #tpu.memory_space<vmem>>
    %dma_start3A_101 = arith.constant 0 : i32
    %dma_start3A_102 = tpu.memref_slice %arg6[%squeeze3A_92, %dma_start3A_101] : memref<1000000x64xf32, #tpu.memory_space<hbm>> -> memref<1x64xf32, #tpu.memory_space<hbm>>
    tpu.enqueue_dma source(%dma_start3A_102 : memref<1x64xf32, #tpu.memory_space<hbm>>) target(%dma_start3A_100 : memref<1x64xf32, #tpu.memory_space<vmem>>) target_semaphore(%arg22 : memref<!tpu.dma_semaphore, #tpu.memory_space<semaphore_mem>>)
    %slice3A_103 = vector.extract_strided_slice %get3A_7 {offsets = [4], sizes = [1], strides = [1]} : vector<16xi32> to vector<1xi32>
    %squeeze3A_104 = vector.extract %slice3A_103[0] : i32 from vector<1xi32>
    %dma_start3A_105 = arith.constant 4 : i32
    %dma_start3A_106 = arith.constant 0 : i32
    %dma_start3A_107 = tpu.memref_slice %arg13[%dma_start3A_105, %dma_start3A_106] : memref<16x64xf32, #tpu.memory_space<vmem>> -> memref<1x64xf32, #tpu.memory_space<vmem>>
    %dma_start3A_108 = arith.constant 0 : i32
    %dma_start3A_109 = tpu.memref_slice %arg5[%squeeze3A_104, %dma_start3A_108] : memref<1000000x64xf32, #tpu.memory_space<hbm>> -> memref<1x64xf32, #tpu.memory_space<hbm>>
    %dma_start3A_110 = arith.constant 4 : i32
    %dma_start3A_111 = arith.constant 0 : i32
    %dma_start3A_112 = tpu.memref_slice %arg13[%dma_start3A_110, %dma_start3A_111] : memref<16x64xf32, #tpu.memory_space<vmem>> -> memref<1x64xf32, #tpu.memory_space<vmem>>
    %dma_start3A_113 = arith.constant 0 : i32
    %dma_start3A_114 = tpu.memref_slice %arg5[%squeeze3A_104, %dma_start3A_113] : memref<1000000x64xf32, #tpu.memory_space<hbm>> -> memref<1x64xf32, #tpu.memory_space<hbm>>
    tpu.enqueue_dma source(%dma_start3A_114 : memref<1x64xf32, #tpu.memory_space<hbm>>) target(%dma_start3A_112 : memref<1x64xf32, #tpu.memory_space<vmem>>) target_semaphore(%arg22 : memref<!tpu.dma_semaphore, #tpu.memory_space<semaphore_mem>>)
    %slice3A_115 = vector.extract_strided_slice %get3A_9 {offsets = [4], sizes = [1], strides = [1]} : vector<16xi32> to vector<1xi32>
    %squeeze3A_116 = vector.extract %slice3A_115[0] : i32 from vector<1xi32>
    %dma_start3A_117 = arith.constant 4 : i32
    %dma_start3A_118 = arith.constant 0 : i32
    %dma_start3A_119 = tpu.memref_slice %arg14[%dma_start3A_117, %dma_start3A_118] : memref<16x64xf32, #tpu.memory_space<vmem>> -> memref<1x64xf32, #tpu.memory_space<vmem>>
    %dma_start3A_120 = arith.constant 0 : i32
    %dma_start3A_121 = tpu.memref_slice %arg6[%squeeze3A_116, %dma_start3A_120] : memref<1000000x64xf32, #tpu.memory_space<hbm>> -> memref<1x64xf32, #tpu.memory_space<hbm>>
    %dma_start3A_122 = arith.constant 4 : i32
    %dma_start3A_123 = arith.constant 0 : i32
    %dma_start3A_124 = tpu.memref_slice %arg14[%dma_start3A_122, %dma_start3A_123] : memref<16x64xf32, #tpu.memory_space<vmem>> -> memref<1x64xf32, #tpu.memory_space<vmem>>
    %dma_start3A_125 = arith.constant 0 : i32
    %dma_start3A_126 = tpu.memref_slice %arg6[%squeeze3A_116, %dma_start3A_125] : memref<1000000x64xf32, #tpu.memory_space<hbm>> -> memref<1x64xf32, #tpu.memory_space<hbm>>
    tpu.enqueue_dma source(%dma_start3A_126 : memref<1x64xf32, #tpu.memory_space<hbm>>) target(%dma_start3A_124 : memref<1x64xf32, #tpu.memory_space<vmem>>) target_semaphore(%arg22 : memref<!tpu.dma_semaphore, #tpu.memory_space<semaphore_mem>>)
    %slice3A_127 = vector.extract_strided_slice %get3A_7 {offsets = [5], sizes = [1], strides = [1]} : vector<16xi32> to vector<1xi32>
    %squeeze3A_128 = vector.extract %slice3A_127[0] : i32 from vector<1xi32>
    %dma_start3A_129 = arith.constant 5 : i32
    %dma_start3A_130 = arith.constant 0 : i32
    %dma_start3A_131 = tpu.memref_slice %arg13[%dma_start3A_129, %dma_start3A_130] : memref<16x64xf32, #tpu.memory_space<vmem>> -> memref<1x64xf32, #tpu.memory_space<vmem>>
    %dma_start3A_132 = arith.constant 0 : i32
    %dma_start3A_133 = tpu.memref_slice %arg5[%squeeze3A_128, %dma_start3A_132] : memref<1000000x64xf32, #tpu.memory_space<hbm>> -> memref<1x64xf32, #tpu.memory_space<hbm>>
    %dma_start3A_134 = arith.constant 5 : i32
    %dma_start3A_135 = arith.constant 0 : i32
    %dma_start3A_136 = tpu.memref_slice %arg13[%dma_start3A_134, %dma_start3A_135] : memref<16x64xf32, #tpu.memory_space<vmem>> -> memref<1x64xf32, #tpu.memory_space<vmem>>
    %dma_start3A_137 = arith.constant 0 : i32
    %dma_start3A_138 = tpu.memref_slice %arg5[%squeeze3A_128, %dma_start3A_137] : memref<1000000x64xf32, #tpu.memory_space<hbm>> -> memref<1x64xf32, #tpu.memory_space<hbm>>
    tpu.enqueue_dma source(%dma_start3A_138 : memref<1x64xf32, #tpu.memory_space<hbm>>) target(%dma_start3A_136 : memref<1x64xf32, #tpu.memory_space<vmem>>) target_semaphore(%arg22 : memref<!tpu.dma_semaphore, #tpu.memory_space<semaphore_mem>>)
    %slice3A_139 = vector.extract_strided_slice %get3A_9 {offsets = [5], sizes = [1], strides = [1]} : vector<16xi32> to vector<1xi32>
    %squeeze3A_140 = vector.extract %slice3A_139[0] : i32 from vector<1xi32>
    %dma_start3A_141 = arith.constant 5 : i32
    %dma_start3A_142 = arith.constant 0 : i32
    %dma_start3A_143 = tpu.memref_slice %arg14[%dma_start3A_141, %dma_start3A_142] : memref<16x64xf32, #tpu.memory_space<vmem>> -> memref<1x64xf32, #tpu.memory_space<vmem>>
    %dma_start3A_144 = arith.constant 0 : i32
    %dma_start3A_145 = tpu.memref_slice %arg6[%squeeze3A_140, %dma_start3A_144] : memref<1000000x64xf32, #tpu.memory_space<hbm>> -> memref<1x64xf32, #tpu.memory_space<hbm>>
    %dma_start3A_146 = arith.constant 5 : i32
    %dma_start3A_147 = arith.constant 0 : i32
    %dma_start3A_148 = tpu.memref_slice %arg14[%dma_start3A_146, %dma_start3A_147] : memref<16x64xf32, #tpu.memory_space<vmem>> -> memref<1x64xf32, #tpu.memory_space<vmem>>
    %dma_start3A_149 = arith.constant 0 : i32
    %dma_start3A_150 = tpu.memref_slice %arg6[%squeeze3A_140, %dma_start3A_149] : memref<1000000x64xf32, #tpu.memory_space<hbm>> -> memref<1x64xf32, #tpu.memory_space<hbm>>
    tpu.enqueue_dma source(%dma_start3A_150 : memref<1x64xf32, #tpu.memory_space<hbm>>) target(%dma_start3A_148 : memref<1x64xf32, #tpu.memory_space<vmem>>) target_semaphore(%arg22 : memref<!tpu.dma_semaphore, #tpu.memory_space<semaphore_mem>>)
    %slice3A_151 = vector.extract_strided_slice %get3A_7 {offsets = [6], sizes = [1], strides = [1]} : vector<16xi32> to vector<1xi32>
    %squeeze3A_152 = vector.extract %slice3A_151[0] : i32 from vector<1xi32>
    %dma_start3A_153 = arith.constant 6 : i32
    %dma_start3A_154 = arith.constant 0 : i32
    %dma_start3A_155 = tpu.memref_slice %arg13[%dma_start3A_153, %dma_start3A_154] : memref<16x64xf32, #tpu.memory_space<vmem>> -> memref<1x64xf32, #tpu.memory_space<vmem>>
    %dma_start3A_156 = arith.constant 0 : i32
    %dma_start3A_157 = tpu.memref_slice %arg5[%squeeze3A_152, %dma_start3A_156] : memref<1000000x64xf32, #tpu.memory_space<hbm>> -> memref<1x64xf32, #tpu.memory_space<hbm>>
    %dma_start3A_158 = arith.constant 6 : i32
    %dma_start3A_159 = arith.constant 0 : i32
    %dma_start3A_160 = tpu.memref_slice %arg13[%dma_start3A_158, %dma_start3A_159] : memref<16x64xf32, #tpu.memory_space<vmem>> -> memref<1x64xf32, #tpu.memory_space<vmem>>
    %dma_start3A_161 = arith.constant 0 : i32
    %dma_start3A_162 = tpu.memref_slice %arg5[%squeeze3A_152, %dma_start3A_161] : memref<1000000x64xf32, #tpu.memory_space<hbm>> -> memref<1x64xf32, #tpu.memory_space<hbm>>
    tpu.enqueue_dma source(%dma_start3A_162 : memref<1x64xf32, #tpu.memory_space<hbm>>) target(%dma_start3A_160 : memref<1x64xf32, #tpu.memory_space<vmem>>) target_semaphore(%arg22 : memref<!tpu.dma_semaphore, #tpu.memory_space<semaphore_mem>>)
    %slice3A_163 = vector.extract_strided_slice %get3A_9 {offsets = [6], sizes = [1], strides = [1]} : vector<16xi32> to vector<1xi32>
    %squeeze3A_164 = vector.extract %slice3A_163[0] : i32 from vector<1xi32>
    %dma_start3A_165 = arith.constant 6 : i32
    %dma_start3A_166 = arith.constant 0 : i32
    %dma_start3A_167 = tpu.memref_slice %arg14[%dma_start3A_165, %dma_start3A_166] : memref<16x64xf32, #tpu.memory_space<vmem>> -> memref<1x64xf32, #tpu.memory_space<vmem>>
    %dma_start3A_168 = arith.constant 0 : i32
    %dma_start3A_169 = tpu.memref_slice %arg6[%squeeze3A_164, %dma_start3A_168] : memref<1000000x64xf32, #tpu.memory_space<hbm>> -> memref<1x64xf32, #tpu.memory_space<hbm>>
    %dma_start3A_170 = arith.constant 6 : i32
    %dma_start3A_171 = arith.constant 0 : i32
    %dma_start3A_172 = tpu.memref_slice %arg14[%dma_start3A_170, %dma_start3A_171] : memref<16x64xf32, #tpu.memory_space<vmem>> -> memref<1x64xf32, #tpu.memory_space<vmem>>
    %dma_start3A_173 = arith.constant 0 : i32
    %dma_start3A_174 = tpu.memref_slice %arg6[%squeeze3A_164, %dma_start3A_173] : memref<1000000x64xf32, #tpu.memory_space<hbm>> -> memref<1x64xf32, #tpu.memory_space<hbm>>
    tpu.enqueue_dma source(%dma_start3A_174 : memref<1x64xf32, #tpu.memory_space<hbm>>) target(%dma_start3A_172 : memref<1x64xf32, #tpu.memory_space<vmem>>) target_semaphore(%arg22 : memref<!tpu.dma_semaphore, #tpu.memory_space<semaphore_mem>>)
    %slice3A_175 = vector.extract_strided_slice %get3A_7 {offsets = [7], sizes = [1], strides = [1]} : vector<16xi32> to vector<1xi32>
    %squeeze3A_176 = vector.extract %slice3A_175[0] : i32 from vector<1xi32>
    %dma_start3A_177 = arith.constant 7 : i32
    %dma_start3A_178 = arith.constant 0 : i32
    %dma_start3A_179 = tpu.memref_slice %arg13[%dma_start3A_177, %dma_start3A_178] : memref<16x64xf32, #tpu.memory_space<vmem>> -> memref<1x64xf32, #tpu.memory_space<vmem>>
    %dma_start3A_180 = arith.constant 0 : i32
    %dma_start3A_181 = tpu.memref_slice %arg5[%squeeze3A_176, %dma_start3A_180] : memref<1000000x64xf32, #tpu.memory_space<hbm>> -> memref<1x64xf32, #tpu.memory_space<hbm>>
    %dma_start3A_182 = arith.constant 7 : i32
    %dma_start3A_183 = arith.constant 0 : i32
    %dma_start3A_184 = tpu.memref_slice %arg13[%dma_start3A_182, %dma_start3A_183] : memref<16x64xf32, #tpu.memory_space<vmem>> -> memref<1x64xf32, #tpu.memory_space<vmem>>
    %dma_start3A_185 = arith.constant 0 : i32
    %dma_start3A_186 = tpu.memref_slice %arg5[%squeeze3A_176, %dma_start3A_185] : memref<1000000x64xf32, #tpu.memory_space<hbm>> -> memref<1x64xf32, #tpu.memory_space<hbm>>
    tpu.enqueue_dma source(%dma_start3A_186 : memref<1x64xf32, #tpu.memory_space<hbm>>) target(%dma_start3A_184 : memref<1x64xf32, #tpu.memory_space<vmem>>) target_semaphore(%arg22 : memref<!tpu.dma_semaphore, #tpu.memory_space<semaphore_mem>>)
    %slice3A_187 = vector.extract_strided_slice %get3A_9 {offsets = [7], sizes = [1], strides = [1]} : vector<16xi32> to vector<1xi32>
    %squeeze3A_188 = vector.extract %slice3A_187[0] : i32 from vector<1xi32>
    %dma_start3A_189 = arith.constant 7 : i32
    %dma_start3A_190 = arith.constant 0 : i32
    %dma_start3A_191 = tpu.memref_slice %arg14[%dma_start3A_189, %dma_start3A_190] : memref<16x64xf32, #tpu.memory_space<vmem>> -> memref<1x64xf32, #tpu.memory_space<vmem>>
    %dma_start3A_192 = arith.constant 0 : i32
    %dma_start3A_193 = tpu.memref_slice %arg6[%squeeze3A_188, %dma_start3A_192] : memref<1000000x64xf32, #tpu.memory_space<hbm>> -> memref<1x64xf32, #tpu.memory_space<hbm>>
    %dma_start3A_194 = arith.constant 7 : i32
    %dma_start3A_195 = arith.constant 0 : i32
    %dma_start3A_196 = tpu.memref_slice %arg14[%dma_start3A_194, %dma_start3A_195] : memref<16x64xf32, #tpu.memory_space<vmem>> -> memref<1x64xf32, #tpu.memory_space<vmem>>
    %dma_start3A_197 = arith.constant 0 : i32
    %dma_start3A_198 = tpu.memref_slice %arg6[%squeeze3A_188, %dma_start3A_197] : memref<1000000x64xf32, #tpu.memory_space<hbm>> -> memref<1x64xf32, #tpu.memory_space<hbm>>
    tpu.enqueue_dma source(%dma_start3A_198 : memref<1x64xf32, #tpu.memory_space<hbm>>) target(%dma_start3A_196 : memref<1x64xf32, #tpu.memory_space<vmem>>) target_semaphore(%arg22 : memref<!tpu.dma_semaphore, #tpu.memory_space<semaphore_mem>>)
    %slice3A_199 = vector.extract_strided_slice %get3A_7 {offsets = [8], sizes = [1], strides = [1]} : vector<16xi32> to vector<1xi32>
    %squeeze3A_200 = vector.extract %slice3A_199[0] : i32 from vector<1xi32>
    %dma_start3A_201 = arith.constant 8 : i32
    %dma_start3A_202 = arith.constant 0 : i32
    %dma_start3A_203 = tpu.memref_slice %arg13[%dma_start3A_201, %dma_start3A_202] : memref<16x64xf32, #tpu.memory_space<vmem>> -> memref<1x64xf32, #tpu.memory_space<vmem>>
    %dma_start3A_204 = arith.constant 0 : i32
    %dma_start3A_205 = tpu.memref_slice %arg5[%squeeze3A_200, %dma_start3A_204] : memref<1000000x64xf32, #tpu.memory_space<hbm>> -> memref<1x64xf32, #tpu.memory_space<hbm>>
    %dma_start3A_206 = arith.constant 8 : i32
    %dma_start3A_207 = arith.constant 0 : i32
    %dma_start3A_208 = tpu.memref_slice %arg13[%dma_start3A_206, %dma_start3A_207] : memref<16x64xf32, #tpu.memory_space<vmem>> -> memref<1x64xf32, #tpu.memory_space<vmem>>
    %dma_start3A_209 = arith.constant 0 : i32
    %dma_start3A_210 = tpu.memref_slice %arg5[%squeeze3A_200, %dma_start3A_209] : memref<1000000x64xf32, #tpu.memory_space<hbm>> -> memref<1x64xf32, #tpu.memory_space<hbm>>
    tpu.enqueue_dma source(%dma_start3A_210 : memref<1x64xf32, #tpu.memory_space<hbm>>) target(%dma_start3A_208 : memref<1x64xf32, #tpu.memory_space<vmem>>) target_semaphore(%arg22 : memref<!tpu.dma_semaphore, #tpu.memory_space<semaphore_mem>>)
    %slice3A_211 = vector.extract_strided_slice %get3A_9 {offsets = [8], sizes = [1], strides = [1]} : vector<16xi32> to vector<1xi32>
    %squeeze3A_212 = vector.extract %slice3A_211[0] : i32 from vector<1xi32>
    %dma_start3A_213 = arith.constant 8 : i32
    %dma_start3A_214 = arith.constant 0 : i32
    %dma_start3A_215 = tpu.memref_slice %arg14[%dma_start3A_213, %dma_start3A_214] : memref<16x64xf32, #tpu.memory_space<vmem>> -> memref<1x64xf32, #tpu.memory_space<vmem>>
    %dma_start3A_216 = arith.constant 0 : i32
    %dma_start3A_217 = tpu.memref_slice %arg6[%squeeze3A_212, %dma_start3A_216] : memref<1000000x64xf32, #tpu.memory_space<hbm>> -> memref<1x64xf32, #tpu.memory_space<hbm>>
    %dma_start3A_218 = arith.constant 8 : i32
    %dma_start3A_219 = arith.constant 0 : i32
    %dma_start3A_220 = tpu.memref_slice %arg14[%dma_start3A_218, %dma_start3A_219] : memref<16x64xf32, #tpu.memory_space<vmem>> -> memref<1x64xf32, #tpu.memory_space<vmem>>
    %dma_start3A_221 = arith.constant 0 : i32
    %dma_start3A_222 = tpu.memref_slice %arg6[%squeeze3A_212, %dma_start3A_221] : memref<1000000x64xf32, #tpu.memory_space<hbm>> -> memref<1x64xf32, #tpu.memory_space<hbm>>
    tpu.enqueue_dma source(%dma_start3A_222 : memref<1x64xf32, #tpu.memory_space<hbm>>) target(%dma_start3A_220 : memref<1x64xf32, #tpu.memory_space<vmem>>) target_semaphore(%arg22 : memref<!tpu.dma_semaphore, #tpu.memory_space<semaphore_mem>>)
    %slice3A_223 = vector.extract_strided_slice %get3A_7 {offsets = [9], sizes = [1], strides = [1]} : vector<16xi32> to vector<1xi32>
    %squeeze3A_224 = vector.extract %slice3A_223[0] : i32 from vector<1xi32>
    %dma_start3A_225 = arith.constant 9 : i32
    %dma_start3A_226 = arith.constant 0 : i32
    %dma_start3A_227 = tpu.memref_slice %arg13[%dma_start3A_225, %dma_start3A_226] : memref<16x64xf32, #tpu.memory_space<vmem>> -> memref<1x64xf32, #tpu.memory_space<vmem>>
    %dma_start3A_228 = arith.constant 0 : i32
    %dma_start3A_229 = tpu.memref_slice %arg5[%squeeze3A_224, %dma_start3A_228] : memref<1000000x64xf32, #tpu.memory_space<hbm>> -> memref<1x64xf32, #tpu.memory_space<hbm>>
    %dma_start3A_230 = arith.constant 9 : i32
    %dma_start3A_231 = arith.constant 0 : i32
    %dma_start3A_232 = tpu.memref_slice %arg13[%dma_start3A_230, %dma_start3A_231] : memref<16x64xf32, #tpu.memory_space<vmem>> -> memref<1x64xf32, #tpu.memory_space<vmem>>
    %dma_start3A_233 = arith.constant 0 : i32
    %dma_start3A_234 = tpu.memref_slice %arg5[%squeeze3A_224, %dma_start3A_233] : memref<1000000x64xf32, #tpu.memory_space<hbm>> -> memref<1x64xf32, #tpu.memory_space<hbm>>
    tpu.enqueue_dma source(%dma_start3A_234 : memref<1x64xf32, #tpu.memory_space<hbm>>) target(%dma_start3A_232 : memref<1x64xf32, #tpu.memory_space<vmem>>) target_semaphore(%arg22 : memref<!tpu.dma_semaphore, #tpu.memory_space<semaphore_mem>>)
    %slice3A_235 = vector.extract_strided_slice %get3A_9 {offsets = [9], sizes = [1], strides = [1]} : vector<16xi32> to vector<1xi32>
    %squeeze3A_236 = vector.extract %slice3A_235[0] : i32 from vector<1xi32>
    %dma_start3A_237 = arith.constant 9 : i32
    %dma_start3A_238 = arith.constant 0 : i32
    %dma_start3A_239 = tpu.memref_slice %arg14[%dma_start3A_237, %dma_start3A_238] : memref<16x64xf32, #tpu.memory_space<vmem>> -> memref<1x64xf32, #tpu.memory_space<vmem>>
    %dma_start3A_240 = arith.constant 0 : i32
    %dma_start3A_241 = tpu.memref_slice %arg6[%squeeze3A_236, %dma_start3A_240] : memref<1000000x64xf32, #tpu.memory_space<hbm>> -> memref<1x64xf32, #tpu.memory_space<hbm>>
    %dma_start3A_242 = arith.constant 9 : i32
    %dma_start3A_243 = arith.constant 0 : i32
    %dma_start3A_244 = tpu.memref_slice %arg14[%dma_start3A_242, %dma_start3A_243] : memref<16x64xf32, #tpu.memory_space<vmem>> -> memref<1x64xf32, #tpu.memory_space<vmem>>
    %dma_start3A_245 = arith.constant 0 : i32
    %dma_start3A_246 = tpu.memref_slice %arg6[%squeeze3A_236, %dma_start3A_245] : memref<1000000x64xf32, #tpu.memory_space<hbm>> -> memref<1x64xf32, #tpu.memory_space<hbm>>
    tpu.enqueue_dma source(%dma_start3A_246 : memref<1x64xf32, #tpu.memory_space<hbm>>) target(%dma_start3A_244 : memref<1x64xf32, #tpu.memory_space<vmem>>) target_semaphore(%arg22 : memref<!tpu.dma_semaphore, #tpu.memory_space<semaphore_mem>>)
    %slice3A_247 = vector.extract_strided_slice %get3A_7 {offsets = [10], sizes = [1], strides = [1]} : vector<16xi32> to vector<1xi32>
    %squeeze3A_248 = vector.extract %slice3A_247[0] : i32 from vector<1xi32>
    %dma_start3A_249 = arith.constant 10 : i32
    %dma_start3A_250 = arith.constant 0 : i32
    %dma_start3A_251 = tpu.memref_slice %arg13[%dma_start3A_249, %dma_start3A_250] : memref<16x64xf32, #tpu.memory_space<vmem>> -> memref<1x64xf32, #tpu.memory_space<vmem>>
    %dma_start3A_252 = arith.constant 0 : i32
    %dma_start3A_253 = tpu.memref_slice %arg5[%squeeze3A_248, %dma_start3A_252] : memref<1000000x64xf32, #tpu.memory_space<hbm>> -> memref<1x64xf32, #tpu.memory_space<hbm>>
    %dma_start3A_254 = arith.constant 10 : i32
    %dma_start3A_255 = arith.constant 0 : i32
    %dma_start3A_256 = tpu.memref_slice %arg13[%dma_start3A_254, %dma_start3A_255] : memref<16x64xf32, #tpu.memory_space<vmem>> -> memref<1x64xf32, #tpu.memory_space<vmem>>
    %dma_start3A_257 = arith.constant 0 : i32
    %dma_start3A_258 = tpu.memref_slice %arg5[%squeeze3A_248, %dma_start3A_257] : memref<1000000x64xf32, #tpu.memory_space<hbm>> -> memref<1x64xf32, #tpu.memory_space<hbm>>
    tpu.enqueue_dma source(%dma_start3A_258 : memref<1x64xf32, #tpu.memory_space<hbm>>) target(%dma_start3A_256 : memref<1x64xf32, #tpu.memory_space<vmem>>) target_semaphore(%arg22 : memref<!tpu.dma_semaphore, #tpu.memory_space<semaphore_mem>>)
    %slice3A_259 = vector.extract_strided_slice %get3A_9 {offsets = [10], sizes = [1], strides = [1]} : vector<16xi32> to vector<1xi32>
    %squeeze3A_260 = vector.extract %slice3A_259[0] : i32 from vector<1xi32>
    %dma_start3A_261 = arith.constant 10 : i32
    %dma_start3A_262 = arith.constant 0 : i32
    %dma_start3A_263 = tpu.memref_slice %arg14[%dma_start3A_261, %dma_start3A_262] : memref<16x64xf32, #tpu.memory_space<vmem>> -> memref<1x64xf32, #tpu.memory_space<vmem>>
    %dma_start3A_264 = arith.constant 0 : i32
    %dma_start3A_265 = tpu.memref_slice %arg6[%squeeze3A_260, %dma_start3A_264] : memref<1000000x64xf32, #tpu.memory_space<hbm>> -> memref<1x64xf32, #tpu.memory_space<hbm>>
    %dma_start3A_266 = arith.constant 10 : i32
    %dma_start3A_267 = arith.constant 0 : i32
    %dma_start3A_268 = tpu.memref_slice %arg14[%dma_start3A_266, %dma_start3A_267] : memref<16x64xf32, #tpu.memory_space<vmem>> -> memref<1x64xf32, #tpu.memory_space<vmem>>
    %dma_start3A_269 = arith.constant 0 : i32
    %dma_start3A_270 = tpu.memref_slice %arg6[%squeeze3A_260, %dma_start3A_269] : memref<1000000x64xf32, #tpu.memory_space<hbm>> -> memref<1x64xf32, #tpu.memory_space<hbm>>
    tpu.enqueue_dma source(%dma_start3A_270 : memref<1x64xf32, #tpu.memory_space<hbm>>) target(%dma_start3A_268 : memref<1x64xf32, #tpu.memory_space<vmem>>) target_semaphore(%arg22 : memref<!tpu.dma_semaphore, #tpu.memory_space<semaphore_mem>>)
    %slice3A_271 = vector.extract_strided_slice %get3A_7 {offsets = [11], sizes = [1], strides = [1]} : vector<16xi32> to vector<1xi32>
    %squeeze3A_272 = vector.extract %slice3A_271[0] : i32 from vector<1xi32>
    %dma_start3A_273 = arith.constant 11 : i32
    %dma_start3A_274 = arith.constant 0 : i32
    %dma_start3A_275 = tpu.memref_slice %arg13[%dma_start3A_273, %dma_start3A_274] : memref<16x64xf32, #tpu.memory_space<vmem>> -> memref<1x64xf32, #tpu.memory_space<vmem>>
    %dma_start3A_276 = arith.constant 0 : i32
    %dma_start3A_277 = tpu.memref_slice %arg5[%squeeze3A_272, %dma_start3A_276] : memref<1000000x64xf32, #tpu.memory_space<hbm>> -> memref<1x64xf32, #tpu.memory_space<hbm>>
    %dma_start3A_278 = arith.constant 11 : i32
    %dma_start3A_279 = arith.constant 0 : i32
    %dma_start3A_280 = tpu.memref_slice %arg13[%dma_start3A_278, %dma_start3A_279] : memref<16x64xf32, #tpu.memory_space<vmem>> -> memref<1x64xf32, #tpu.memory_space<vmem>>
    %dma_start3A_281 = arith.constant 0 : i32
    %dma_start3A_282 = tpu.memref_slice %arg5[%squeeze3A_272, %dma_start3A_281] : memref<1000000x64xf32, #tpu.memory_space<hbm>> -> memref<1x64xf32, #tpu.memory_space<hbm>>
    tpu.enqueue_dma source(%dma_start3A_282 : memref<1x64xf32, #tpu.memory_space<hbm>>) target(%dma_start3A_280 : memref<1x64xf32, #tpu.memory_space<vmem>>) target_semaphore(%arg22 : memref<!tpu.dma_semaphore, #tpu.memory_space<semaphore_mem>>)
    %slice3A_283 = vector.extract_strided_slice %get3A_9 {offsets = [11], sizes = [1], strides = [1]} : vector<16xi32> to vector<1xi32>
    %squeeze3A_284 = vector.extract %slice3A_283[0] : i32 from vector<1xi32>
    %dma_start3A_285 = arith.constant 11 : i32
    %dma_start3A_286 = arith.constant 0 : i32
    %dma_start3A_287 = tpu.memref_slice %arg14[%dma_start3A_285, %dma_start3A_286] : memref<16x64xf32, #tpu.memory_space<vmem>> -> memref<1x64xf32, #tpu.memory_space<vmem>>
    %dma_start3A_288 = arith.constant 0 : i32
    %dma_start3A_289 = tpu.memref_slice %arg6[%squeeze3A_284, %dma_start3A_288] : memref<1000000x64xf32, #tpu.memory_space<hbm>> -> memref<1x64xf32, #tpu.memory_space<hbm>>
    %dma_start3A_290 = arith.constant 11 : i32
    %dma_start3A_291 = arith.constant 0 : i32
    %dma_start3A_292 = tpu.memref_slice %arg14[%dma_start3A_290, %dma_start3A_291] : memref<16x64xf32, #tpu.memory_space<vmem>> -> memref<1x64xf32, #tpu.memory_space<vmem>>
    %dma_start3A_293 = arith.constant 0 : i32
    %dma_start3A_294 = tpu.memref_slice %arg6[%squeeze3A_284, %dma_start3A_293] : memref<1000000x64xf32, #tpu.memory_space<hbm>> -> memref<1x64xf32, #tpu.memory_space<hbm>>
    tpu.enqueue_dma source(%dma_start3A_294 : memref<1x64xf32, #tpu.memory_space<hbm>>) target(%dma_start3A_292 : memref<1x64xf32, #tpu.memory_space<vmem>>) target_semaphore(%arg22 : memref<!tpu.dma_semaphore, #tpu.memory_space<semaphore_mem>>)
    %slice3A_295 = vector.extract_strided_slice %get3A_7 {offsets = [12], sizes = [1], strides = [1]} : vector<16xi32> to vector<1xi32>
    %squeeze3A_296 = vector.extract %slice3A_295[0] : i32 from vector<1xi32>
    %dma_start3A_297 = arith.constant 12 : i32
    %dma_start3A_298 = arith.constant 0 : i32
    %dma_start3A_299 = tpu.memref_slice %arg13[%dma_start3A_297, %dma_start3A_298] : memref<16x64xf32, #tpu.memory_space<vmem>> -> memref<1x64xf32, #tpu.memory_space<vmem>>
    %dma_start3A_300 = arith.constant 0 : i32
    %dma_start3A_301 = tpu.memref_slice %arg5[%squeeze3A_296, %dma_start3A_300] : memref<1000000x64xf32, #tpu.memory_space<hbm>> -> memref<1x64xf32, #tpu.memory_space<hbm>>
    %dma_start3A_302 = arith.constant 12 : i32
    %dma_start3A_303 = arith.constant 0 : i32
    %dma_start3A_304 = tpu.memref_slice %arg13[%dma_start3A_302, %dma_start3A_303] : memref<16x64xf32, #tpu.memory_space<vmem>> -> memref<1x64xf32, #tpu.memory_space<vmem>>
    %dma_start3A_305 = arith.constant 0 : i32
    %dma_start3A_306 = tpu.memref_slice %arg5[%squeeze3A_296, %dma_start3A_305] : memref<1000000x64xf32, #tpu.memory_space<hbm>> -> memref<1x64xf32, #tpu.memory_space<hbm>>
    tpu.enqueue_dma source(%dma_start3A_306 : memref<1x64xf32, #tpu.memory_space<hbm>>) target(%dma_start3A_304 : memref<1x64xf32, #tpu.memory_space<vmem>>) target_semaphore(%arg22 : memref<!tpu.dma_semaphore, #tpu.memory_space<semaphore_mem>>)
    %slice3A_307 = vector.extract_strided_slice %get3A_9 {offsets = [12], sizes = [1], strides = [1]} : vector<16xi32> to vector<1xi32>
    %squeeze3A_308 = vector.extract %slice3A_307[0] : i32 from vector<1xi32>
    %dma_start3A_309 = arith.constant 12 : i32
    %dma_start3A_310 = arith.constant 0 : i32
    %dma_start3A_311 = tpu.memref_slice %arg14[%dma_start3A_309, %dma_start3A_310] : memref<16x64xf32, #tpu.memory_space<vmem>> -> memref<1x64xf32, #tpu.memory_space<vmem>>
    %dma_start3A_312 = arith.constant 0 : i32
    %dma_start3A_313 = tpu.memref_slice %arg6[%squeeze3A_308, %dma_start3A_312] : memref<1000000x64xf32, #tpu.memory_space<hbm>> -> memref<1x64xf32, #tpu.memory_space<hbm>>
    %dma_start3A_314 = arith.constant 12 : i32
    %dma_start3A_315 = arith.constant 0 : i32
    %dma_start3A_316 = tpu.memref_slice %arg14[%dma_start3A_314, %dma_start3A_315] : memref<16x64xf32, #tpu.memory_space<vmem>> -> memref<1x64xf32, #tpu.memory_space<vmem>>
    %dma_start3A_317 = arith.constant 0 : i32
    %dma_start3A_318 = tpu.memref_slice %arg6[%squeeze3A_308, %dma_start3A_317] : memref<1000000x64xf32, #tpu.memory_space<hbm>> -> memref<1x64xf32, #tpu.memory_space<hbm>>
    tpu.enqueue_dma source(%dma_start3A_318 : memref<1x64xf32, #tpu.memory_space<hbm>>) target(%dma_start3A_316 : memref<1x64xf32, #tpu.memory_space<vmem>>) target_semaphore(%arg22 : memref<!tpu.dma_semaphore, #tpu.memory_space<semaphore_mem>>)
    %slice3A_319 = vector.extract_strided_slice %get3A_7 {offsets = [13], sizes = [1], strides = [1]} : vector<16xi32> to vector<1xi32>
    %squeeze3A_320 = vector.extract %slice3A_319[0] : i32 from vector<1xi32>
    %dma_start3A_321 = arith.constant 13 : i32
    %dma_start3A_322 = arith.constant 0 : i32
    %dma_start3A_323 = tpu.memref_slice %arg13[%dma_start3A_321, %dma_start3A_322] : memref<16x64xf32, #tpu.memory_space<vmem>> -> memref<1x64xf32, #tpu.memory_space<vmem>>
    %dma_start3A_324 = arith.constant 0 : i32
    %dma_start3A_325 = tpu.memref_slice %arg5[%squeeze3A_320, %dma_start3A_324] : memref<1000000x64xf32, #tpu.memory_space<hbm>> -> memref<1x64xf32, #tpu.memory_space<hbm>>
    %dma_start3A_326 = arith.constant 13 : i32
    %dma_start3A_327 = arith.constant 0 : i32
    %dma_start3A_328 = tpu.memref_slice %arg13[%dma_start3A_326, %dma_start3A_327] : memref<16x64xf32, #tpu.memory_space<vmem>> -> memref<1x64xf32, #tpu.memory_space<vmem>>
    %dma_start3A_329 = arith.constant 0 : i32
    %dma_start3A_330 = tpu.memref_slice %arg5[%squeeze3A_320, %dma_start3A_329] : memref<1000000x64xf32, #tpu.memory_space<hbm>> -> memref<1x64xf32, #tpu.memory_space<hbm>>
    tpu.enqueue_dma source(%dma_start3A_330 : memref<1x64xf32, #tpu.memory_space<hbm>>) target(%dma_start3A_328 : memref<1x64xf32, #tpu.memory_space<vmem>>) target_semaphore(%arg22 : memref<!tpu.dma_semaphore, #tpu.memory_space<semaphore_mem>>)
    %slice3A_331 = vector.extract_strided_slice %get3A_9 {offsets = [13], sizes = [1], strides = [1]} : vector<16xi32> to vector<1xi32>
    %squeeze3A_332 = vector.extract %slice3A_331[0] : i32 from vector<1xi32>
    %dma_start3A_333 = arith.constant 13 : i32
    %dma_start3A_334 = arith.constant 0 : i32
    %dma_start3A_335 = tpu.memref_slice %arg14[%dma_start3A_333, %dma_start3A_334] : memref<16x64xf32, #tpu.memory_space<vmem>> -> memref<1x64xf32, #tpu.memory_space<vmem>>
    %dma_start3A_336 = arith.constant 0 : i32
    %dma_start3A_337 = tpu.memref_slice %arg6[%squeeze3A_332, %dma_start3A_336] : memref<1000000x64xf32, #tpu.memory_space<hbm>> -> memref<1x64xf32, #tpu.memory_space<hbm>>
    %dma_start3A_338 = arith.constant 13 : i32
    %dma_start3A_339 = arith.constant 0 : i32
    %dma_start3A_340 = tpu.memref_slice %arg14[%dma_start3A_338, %dma_start3A_339] : memref<16x64xf32, #tpu.memory_space<vmem>> -> memref<1x64xf32, #tpu.memory_space<vmem>>
    %dma_start3A_341 = arith.constant 0 : i32
    %dma_start3A_342 = tpu.memref_slice %arg6[%squeeze3A_332, %dma_start3A_341] : memref<1000000x64xf32, #tpu.memory_space<hbm>> -> memref<1x64xf32, #tpu.memory_space<hbm>>
    tpu.enqueue_dma source(%dma_start3A_342 : memref<1x64xf32, #tpu.memory_space<hbm>>) target(%dma_start3A_340 : memref<1x64xf32, #tpu.memory_space<vmem>>) target_semaphore(%arg22 : memref<!tpu.dma_semaphore, #tpu.memory_space<semaphore_mem>>)
    %slice3A_343 = vector.extract_strided_slice %get3A_7 {offsets = [14], sizes = [1], strides = [1]} : vector<16xi32> to vector<1xi32>
    %squeeze3A_344 = vector.extract %slice3A_343[0] : i32 from vector<1xi32>
    %dma_start3A_345 = arith.constant 14 : i32
    %dma_start3A_346 = arith.constant 0 : i32
    %dma_start3A_347 = tpu.memref_slice %arg13[%dma_start3A_345, %dma_start3A_346] : memref<16x64xf32, #tpu.memory_space<vmem>> -> memref<1x64xf32, #tpu.memory_space<vmem>>
    %dma_start3A_348 = arith.constant 0 : i32
    %dma_start3A_349 = tpu.memref_slice %arg5[%squeeze3A_344, %dma_start3A_348] : memref<1000000x64xf32, #tpu.memory_space<hbm>> -> memref<1x64xf32, #tpu.memory_space<hbm>>
    %dma_start3A_350 = arith.constant 14 : i32
    %dma_start3A_351 = arith.constant 0 : i32
    %dma_start3A_352 = tpu.memref_slice %arg13[%dma_start3A_350, %dma_start3A_351] : memref<16x64xf32, #tpu.memory_space<vmem>> -> memref<1x64xf32, #tpu.memory_space<vmem>>
    %dma_start3A_353 = arith.constant 0 : i32
    %dma_start3A_354 = tpu.memref_slice %arg5[%squeeze3A_344, %dma_start3A_353] : memref<1000000x64xf32, #tpu.memory_space<hbm>> -> memref<1x64xf32, #tpu.memory_space<hbm>>
    tpu.enqueue_dma source(%dma_start3A_354 : memref<1x64xf32, #tpu.memory_space<hbm>>) target(%dma_start3A_352 : memref<1x64xf32, #tpu.memory_space<vmem>>) target_semaphore(%arg22 : memref<!tpu.dma_semaphore, #tpu.memory_space<semaphore_mem>>)
    %slice3A_355 = vector.extract_strided_slice %get3A_9 {offsets = [14], sizes = [1], strides = [1]} : vector<16xi32> to vector<1xi32>
    %squeeze3A_356 = vector.extract %slice3A_355[0] : i32 from vector<1xi32>
    %dma_start3A_357 = arith.constant 14 : i32
    %dma_start3A_358 = arith.constant 0 : i32
    %dma_start3A_359 = tpu.memref_slice %arg14[%dma_start3A_357, %dma_start3A_358] : memref<16x64xf32, #tpu.memory_space<vmem>> -> memref<1x64xf32, #tpu.memory_space<vmem>>
    %dma_start3A_360 = arith.constant 0 : i32
    %dma_start3A_361 = tpu.memref_slice %arg6[%squeeze3A_356, %dma_start3A_360] : memref<1000000x64xf32, #tpu.memory_space<hbm>> -> memref<1x64xf32, #tpu.memory_space<hbm>>
    %dma_start3A_362 = arith.constant 14 : i32
    %dma_start3A_363 = arith.constant 0 : i32
    %dma_start3A_364 = tpu.memref_slice %arg14[%dma_start3A_362, %dma_start3A_363] : memref<16x64xf32, #tpu.memory_space<vmem>> -> memref<1x64xf32, #tpu.memory_space<vmem>>
    %dma_start3A_365 = arith.constant 0 : i32
    %dma_start3A_366 = tpu.memref_slice %arg6[%squeeze3A_356, %dma_start3A_365] : memref<1000000x64xf32, #tpu.memory_space<hbm>> -> memref<1x64xf32, #tpu.memory_space<hbm>>
    tpu.enqueue_dma source(%dma_start3A_366 : memref<1x64xf32, #tpu.memory_space<hbm>>) target(%dma_start3A_364 : memref<1x64xf32, #tpu.memory_space<vmem>>) target_semaphore(%arg22 : memref<!tpu.dma_semaphore, #tpu.memory_space<semaphore_mem>>)
    %slice3A_367 = vector.extract_strided_slice %get3A_7 {offsets = [15], sizes = [1], strides = [1]} : vector<16xi32> to vector<1xi32>
    %squeeze3A_368 = vector.extract %slice3A_367[0] : i32 from vector<1xi32>
    %dma_start3A_369 = arith.constant 15 : i32
    %dma_start3A_370 = arith.constant 0 : i32
    %dma_start3A_371 = tpu.memref_slice %arg13[%dma_start3A_369, %dma_start3A_370] : memref<16x64xf32, #tpu.memory_space<vmem>> -> memref<1x64xf32, #tpu.memory_space<vmem>>
    %dma_start3A_372 = arith.constant 0 : i32
    %dma_start3A_373 = tpu.memref_slice %arg5[%squeeze3A_368, %dma_start3A_372] : memref<1000000x64xf32, #tpu.memory_space<hbm>> -> memref<1x64xf32, #tpu.memory_space<hbm>>
    %dma_start3A_374 = arith.constant 15 : i32
    %dma_start3A_375 = arith.constant 0 : i32
    %dma_start3A_376 = tpu.memref_slice %arg13[%dma_start3A_374, %dma_start3A_375] : memref<16x64xf32, #tpu.memory_space<vmem>> -> memref<1x64xf32, #tpu.memory_space<vmem>>
    %dma_start3A_377 = arith.constant 0 : i32
    %dma_start3A_378 = tpu.memref_slice %arg5[%squeeze3A_368, %dma_start3A_377] : memref<1000000x64xf32, #tpu.memory_space<hbm>> -> memref<1x64xf32, #tpu.memory_space<hbm>>
    tpu.enqueue_dma source(%dma_start3A_378 : memref<1x64xf32, #tpu.memory_space<hbm>>) target(%dma_start3A_376 : memref<1x64xf32, #tpu.memory_space<vmem>>) target_semaphore(%arg22 : memref<!tpu.dma_semaphore, #tpu.memory_space<semaphore_mem>>)
    %slice3A_379 = vector.extract_strided_slice %get3A_9 {offsets = [15], sizes = [1], strides = [1]} : vector<16xi32> to vector<1xi32>
    %squeeze3A_380 = vector.extract %slice3A_379[0] : i32 from vector<1xi32>
    %dma_start3A_381 = arith.constant 15 : i32
    %dma_start3A_382 = arith.constant 0 : i32
    %dma_start3A_383 = tpu.memref_slice %arg14[%dma_start3A_381, %dma_start3A_382] : memref<16x64xf32, #tpu.memory_space<vmem>> -> memref<1x64xf32, #tpu.memory_space<vmem>>
    %dma_start3A_384 = arith.constant 0 : i32
    %dma_start3A_385 = tpu.memref_slice %arg6[%squeeze3A_380, %dma_start3A_384] : memref<1000000x64xf32, #tpu.memory_space<hbm>> -> memref<1x64xf32, #tpu.memory_space<hbm>>
    %dma_start3A_386 = arith.constant 15 : i32
    %dma_start3A_387 = arith.constant 0 : i32
    %dma_start3A_388 = tpu.memref_slice %arg14[%dma_start3A_386, %dma_start3A_387] : memref<16x64xf32, #tpu.memory_space<vmem>> -> memref<1x64xf32, #tpu.memory_space<vmem>>
    %dma_start3A_389 = arith.constant 0 : i32
    %dma_start3A_390 = tpu.memref_slice %arg6[%squeeze3A_380, %dma_start3A_389] : memref<1000000x64xf32, #tpu.memory_space<hbm>> -> memref<1x64xf32, #tpu.memory_space<hbm>>
    tpu.enqueue_dma source(%dma_start3A_390 : memref<1x64xf32, #tpu.memory_space<hbm>>) target(%dma_start3A_388 : memref<1x64xf32, #tpu.memory_space<vmem>>) target_semaphore(%arg22 : memref<!tpu.dma_semaphore, #tpu.memory_space<semaphore_mem>>)
    %scan3A = arith.constant 0 : i32
    %scan3A_391 = arith.constant 0 : i32
    %scan3A_392 = arith.constant 20 : i32
    %scan3A_393 = arith.addi %scan3A_391, %scan3A_392 : i32
    %scan3A_394 = arith.constant 1 : i32
    scf.for %scan3A_442 = %scan3A_391 to %scan3A_393 step %scan3A_394  : i32 {
      %mul3A_443 = arith.constant 16 : i32
      %mul3A_444 = arith.muli %scan3A_442, %mul3A_443 : i32
      %get3A_445 = arith.index_cast %mul3A_444 : i32 to index
      %get3A_446 = tpu.vector_load %arg11[%get3A_445] {strides = array<i32>} : memref<320xi32, #tpu.memory_space<vmem>>, vector<16xi32>,
      %slice3A_447 = vector.extract_strided_slice %get3A_446 {offsets = [0], sizes = [1], strides = [1]} : vector<16xi32> to vector<1xi32>
      %squeeze3A_448 = vector.extract %slice3A_447[0] : i32 from vector<1xi32>
      %mul3A_449 = arith.constant 16 : i32
      %mul3A_450 = arith.muli %scan3A_442, %mul3A_449 : i32
      %add3A_451 = arith.constant 0 : i32
      %add3A_452 = arith.addi %mul3A_450, %add3A_451 : i32
      %dma_start3A_453 = arith.constant 0 : i32
      %dma_start3A_454 = tpu.memref_slice %arg15[%add3A_452, %dma_start3A_453] : memref<320x64xf32, #tpu.memory_space<vmem>> -> memref<1x64xf32, #tpu.memory_space<vmem>>
      %dma_start3A_455 = arith.constant 0 : i32
      %dma_start3A_456 = tpu.memref_slice %arg6[%squeeze3A_448, %dma_start3A_455] : memref<1000000x64xf32, #tpu.memory_space<hbm>> -> memref<1x64xf32, #tpu.memory_space<hbm>>
      %dma_start3A_457 = arith.constant 0 : i32
      %dma_start3A_458 = tpu.memref_slice %arg15[%add3A_452, %dma_start3A_457] : memref<320x64xf32, #tpu.memory_space<vmem>> -> memref<1x64xf32, #tpu.memory_space<vmem>>
      %dma_start3A_459 = arith.constant 0 : i32
      %dma_start3A_460 = tpu.memref_slice %arg6[%squeeze3A_448, %dma_start3A_459] : memref<1000000x64xf32, #tpu.memory_space<hbm>> -> memref<1x64xf32, #tpu.memory_space<hbm>>
      tpu.enqueue_dma source(%dma_start3A_460 : memref<1x64xf32, #tpu.memory_space<hbm>>) target(%dma_start3A_458 : memref<1x64xf32, #tpu.memory_space<vmem>>) target_semaphore(%arg22 : memref<!tpu.dma_semaphore, #tpu.memory_space<semaphore_mem>>)
      %slice3A_461 = vector.extract_strided_slice %get3A_446 {offsets = [1], sizes = [1], strides = [1]} : vector<16xi32> to vector<1xi32>
      %squeeze3A_462 = vector.extract %slice3A_461[0] : i32 from vector<1xi32>
      %mul3A_463 = arith.constant 16 : i32
      %mul3A_464 = arith.muli %scan3A_442, %mul3A_463 : i32
      %add3A_465 = arith.constant 1 : i32
      %add3A_466 = arith.addi %mul3A_464, %add3A_465 : i32
      %dma_start3A_467 = arith.constant 0 : i32
      %dma_start3A_468 = tpu.memref_slice %arg15[%add3A_466, %dma_start3A_467] : memref<320x64xf32, #tpu.memory_space<vmem>> -> memref<1x64xf32, #tpu.memory_space<vmem>>
      %dma_start3A_469 = arith.constant 0 : i32
      %dma_start3A_470 = tpu.memref_slice %arg6[%squeeze3A_462, %dma_start3A_469] : memref<1000000x64xf32, #tpu.memory_space<hbm>> -> memref<1x64xf32, #tpu.memory_space<hbm>>
      %dma_start3A_471 = arith.constant 0 : i32
      %dma_start3A_472 = tpu.memref_slice %arg15[%add3A_466, %dma_start3A_471] : memref<320x64xf32, #tpu.memory_space<vmem>> -> memref<1x64xf32, #tpu.memory_space<vmem>>
      %dma_start3A_473 = arith.constant 0 : i32
      %dma_start3A_474 = tpu.memref_slice %arg6[%squeeze3A_462, %dma_start3A_473] : memref<1000000x64xf32, #tpu.memory_space<hbm>> -> memref<1x64xf32, #tpu.memory_space<hbm>>
      tpu.enqueue_dma source(%dma_start3A_474 : memref<1x64xf32, #tpu.memory_space<hbm>>) target(%dma_start3A_472 : memref<1x64xf32, #tpu.memory_space<vmem>>) target_semaphore(%arg22 : memref<!tpu.dma_semaphore, #tpu.memory_space<semaphore_mem>>)
      %slice3A_475 = vector.extract_strided_slice %get3A_446 {offsets = [2], sizes = [1], strides = [1]} : vector<16xi32> to vector<1xi32>
      %squeeze3A_476 = vector.extract %slice3A_475[0] : i32 from vector<1xi32>
      %mul3A_477 = arith.constant 16 : i32
      %mul3A_478 = arith.muli %scan3A_442, %mul3A_477 : i32
      %add3A_479 = arith.constant 2 : i32
      %add3A_480 = arith.addi %mul3A_478, %add3A_479 : i32
      %dma_start3A_481 = arith.constant 0 : i32
      %dma_start3A_482 = tpu.memref_slice %arg15[%add3A_480, %dma_start3A_481] : memref<320x64xf32, #tpu.memory_space<vmem>> -> memref<1x64xf32, #tpu.memory_space<vmem>>
      %dma_start3A_483 = arith.constant 0 : i32
      %dma_start3A_484 = tpu.memref_slice %arg6[%squeeze3A_476, %dma_start3A_483] : memref<1000000x64xf32, #tpu.memory_space<hbm>> -> memref<1x64xf32, #tpu.memory_space<hbm>>
      %dma_start3A_485 = arith.constant 0 : i32
      %dma_start3A_486 = tpu.memref_slice %arg15[%add3A_480, %dma_start3A_485] : memref<320x64xf32, #tpu.memory_space<vmem>> -> memref<1x64xf32, #tpu.memory_space<vmem>>
      %dma_start3A_487 = arith.constant 0 : i32
      %dma_start3A_488 = tpu.memref_slice %arg6[%squeeze3A_476, %dma_start3A_487] : memref<1000000x64xf32, #tpu.memory_space<hbm>> -> memref<1x64xf32, #tpu.memory_space<hbm>>
      tpu.enqueue_dma source(%dma_start3A_488 : memref<1x64xf32, #tpu.memory_space<hbm>>) target(%dma_start3A_486 : memref<1x64xf32, #tpu.memory_space<vmem>>) target_semaphore(%arg22 : memref<!tpu.dma_semaphore, #tpu.memory_space<semaphore_mem>>)
      %slice3A_489 = vector.extract_strided_slice %get3A_446 {offsets = [3], sizes = [1], strides = [1]} : vector<16xi32> to vector<1xi32>
      %squeeze3A_490 = vector.extract %slice3A_489[0] : i32 from vector<1xi32>
      %mul3A_491 = arith.constant 16 : i32
      %mul3A_492 = arith.muli %scan3A_442, %mul3A_491 : i32
      %add3A_493 = arith.constant 3 : i32
      %add3A_494 = arith.addi %mul3A_492, %add3A_493 : i32
      %dma_start3A_495 = arith.constant 0 : i32
      %dma_start3A_496 = tpu.memref_slice %arg15[%add3A_494, %dma_start3A_495] : memref<320x64xf32, #tpu.memory_space<vmem>> -> memref<1x64xf32, #tpu.memory_space<vmem>>
      %dma_start3A_497 = arith.constant 0 : i32
      %dma_start3A_498 = tpu.memref_slice %arg6[%squeeze3A_490, %dma_start3A_497] : memref<1000000x64xf32, #tpu.memory_space<hbm>> -> memref<1x64xf32, #tpu.memory_space<hbm>>
      %dma_start3A_499 = arith.constant 0 : i32
      %dma_start3A_500 = tpu.memref_slice %arg15[%add3A_494, %dma_start3A_499] : memref<320x64xf32, #tpu.memory_space<vmem>> -> memref<1x64xf32, #tpu.memory_space<vmem>>
      %dma_start3A_501 = arith.constant 0 : i32
      %dma_start3A_502 = tpu.memref_slice %arg6[%squeeze3A_490, %dma_start3A_501] : memref<1000000x64xf32, #tpu.memory_space<hbm>> -> memref<1x64xf32, #tpu.memory_space<hbm>>
      tpu.enqueue_dma source(%dma_start3A_502 : memref<1x64xf32, #tpu.memory_space<hbm>>) target(%dma_start3A_500 : memref<1x64xf32, #tpu.memory_space<vmem>>) target_semaphore(%arg22 : memref<!tpu.dma_semaphore, #tpu.memory_space<semaphore_mem>>)
      %slice3A_503 = vector.extract_strided_slice %get3A_446 {offsets = [4], sizes = [1], strides = [1]} : vector<16xi32> to vector<1xi32>
      %squeeze3A_504 = vector.extract %slice3A_503[0] : i32 from vector<1xi32>
      %mul3A_505 = arith.constant 16 : i32
      %mul3A_506 = arith.muli %scan3A_442, %mul3A_505 : i32
      %add3A_507 = arith.constant 4 : i32
      %add3A_508 = arith.addi %mul3A_506, %add3A_507 : i32
      %dma_start3A_509 = arith.constant 0 : i32
      %dma_start3A_510 = tpu.memref_slice %arg15[%add3A_508, %dma_start3A_509] : memref<320x64xf32, #tpu.memory_space<vmem>> -> memref<1x64xf32, #tpu.memory_space<vmem>>
      %dma_start3A_511 = arith.constant 0 : i32
      %dma_start3A_512 = tpu.memref_slice %arg6[%squeeze3A_504, %dma_start3A_511] : memref<1000000x64xf32, #tpu.memory_space<hbm>> -> memref<1x64xf32, #tpu.memory_space<hbm>>
      %dma_start3A_513 = arith.constant 0 : i32
      %dma_start3A_514 = tpu.memref_slice %arg15[%add3A_508, %dma_start3A_513] : memref<320x64xf32, #tpu.memory_space<vmem>> -> memref<1x64xf32, #tpu.memory_space<vmem>>
      %dma_start3A_515 = arith.constant 0 : i32
      %dma_start3A_516 = tpu.memref_slice %arg6[%squeeze3A_504, %dma_start3A_515] : memref<1000000x64xf32, #tpu.memory_space<hbm>> -> memref<1x64xf32, #tpu.memory_space<hbm>>
      tpu.enqueue_dma source(%dma_start3A_516 : memref<1x64xf32, #tpu.memory_space<hbm>>) target(%dma_start3A_514 : memref<1x64xf32, #tpu.memory_space<vmem>>) target_semaphore(%arg22 : memref<!tpu.dma_semaphore, #tpu.memory_space<semaphore_mem>>)
      %slice3A_517 = vector.extract_strided_slice %get3A_446 {offsets = [5], sizes = [1], strides = [1]} : vector<16xi32> to vector<1xi32>
      %squeeze3A_518 = vector.extract %slice3A_517[0] : i32 from vector<1xi32>
      %mul3A_519 = arith.constant 16 : i32
      %mul3A_520 = arith.muli %scan3A_442, %mul3A_519 : i32
      %add3A_521 = arith.constant 5 : i32
      %add3A_522 = arith.addi %mul3A_520, %add3A_521 : i32
      %dma_start3A_523 = arith.constant 0 : i32
      %dma_start3A_524 = tpu.memref_slice %arg15[%add3A_522, %dma_start3A_523] : memref<320x64xf32, #tpu.memory_space<vmem>> -> memref<1x64xf32, #tpu.memory_space<vmem>>
      %dma_start3A_525 = arith.constant 0 : i32
      %dma_start3A_526 = tpu.memref_slice %arg6[%squeeze3A_518, %dma_start3A_525] : memref<1000000x64xf32, #tpu.memory_space<hbm>> -> memref<1x64xf32, #tpu.memory_space<hbm>>
      %dma_start3A_527 = arith.constant 0 : i32
      %dma_start3A_528 = tpu.memref_slice %arg15[%add3A_522, %dma_start3A_527] : memref<320x64xf32, #tpu.memory_space<vmem>> -> memref<1x64xf32, #tpu.memory_space<vmem>>
      %dma_start3A_529 = arith.constant 0 : i32
      %dma_start3A_530 = tpu.memref_slice %arg6[%squeeze3A_518, %dma_start3A_529] : memref<1000000x64xf32, #tpu.memory_space<hbm>> -> memref<1x64xf32, #tpu.memory_space<hbm>>
      tpu.enqueue_dma source(%dma_start3A_530 : memref<1x64xf32, #tpu.memory_space<hbm>>) target(%dma_start3A_528 : memref<1x64xf32, #tpu.memory_space<vmem>>) target_semaphore(%arg22 : memref<!tpu.dma_semaphore, #tpu.memory_space<semaphore_mem>>)
      %slice3A_531 = vector.extract_strided_slice %get3A_446 {offsets = [6], sizes = [1], strides = [1]} : vector<16xi32> to vector<1xi32>
      %squeeze3A_532 = vector.extract %slice3A_531[0] : i32 from vector<1xi32>
      %mul3A_533 = arith.constant 16 : i32
      %mul3A_534 = arith.muli %scan3A_442, %mul3A_533 : i32
      %add3A_535 = arith.constant 6 : i32
      %add3A_536 = arith.addi %mul3A_534, %add3A_535 : i32
      %dma_start3A_537 = arith.constant 0 : i32
      %dma_start3A_538 = tpu.memref_slice %arg15[%add3A_536, %dma_start3A_537] : memref<320x64xf32, #tpu.memory_space<vmem>> -> memref<1x64xf32, #tpu.memory_space<vmem>>
      %dma_start3A_539 = arith.constant 0 : i32
      %dma_start3A_540 = tpu.memref_slice %arg6[%squeeze3A_532, %dma_start3A_539] : memref<1000000x64xf32, #tpu.memory_space<hbm>> -> memref<1x64xf32, #tpu.memory_space<hbm>>
      %dma_start3A_541 = arith.constant 0 : i32
      %dma_start3A_542 = tpu.memref_slice %arg15[%add3A_536, %dma_start3A_541] : memref<320x64xf32, #tpu.memory_space<vmem>> -> memref<1x64xf32, #tpu.memory_space<vmem>>
      %dma_start3A_543 = arith.constant 0 : i32
      %dma_start3A_544 = tpu.memref_slice %arg6[%squeeze3A_532, %dma_start3A_543] : memref<1000000x64xf32, #tpu.memory_space<hbm>> -> memref<1x64xf32, #tpu.memory_space<hbm>>
      tpu.enqueue_dma source(%dma_start3A_544 : memref<1x64xf32, #tpu.memory_space<hbm>>) target(%dma_start3A_542 : memref<1x64xf32, #tpu.memory_space<vmem>>) target_semaphore(%arg22 : memref<!tpu.dma_semaphore, #tpu.memory_space<semaphore_mem>>)
      %slice3A_545 = vector.extract_strided_slice %get3A_446 {offsets = [7], sizes = [1], strides = [1]} : vector<16xi32> to vector<1xi32>
      %squeeze3A_546 = vector.extract %slice3A_545[0] : i32 from vector<1xi32>
      %mul3A_547 = arith.constant 16 : i32
      %mul3A_548 = arith.muli %scan3A_442, %mul3A_547 : i32
      %add3A_549 = arith.constant 7 : i32
      %add3A_550 = arith.addi %mul3A_548, %add3A_549 : i32
      %dma_start3A_551 = arith.constant 0 : i32
      %dma_start3A_552 = tpu.memref_slice %arg15[%add3A_550, %dma_start3A_551] : memref<320x64xf32, #tpu.memory_space<vmem>> -> memref<1x64xf32, #tpu.memory_space<vmem>>
      %dma_start3A_553 = arith.constant 0 : i32
      %dma_start3A_554 = tpu.memref_slice %arg6[%squeeze3A_546, %dma_start3A_553] : memref<1000000x64xf32, #tpu.memory_space<hbm>> -> memref<1x64xf32, #tpu.memory_space<hbm>>
      %dma_start3A_555 = arith.constant 0 : i32
      %dma_start3A_556 = tpu.memref_slice %arg15[%add3A_550, %dma_start3A_555] : memref<320x64xf32, #tpu.memory_space<vmem>> -> memref<1x64xf32, #tpu.memory_space<vmem>>
      %dma_start3A_557 = arith.constant 0 : i32
      %dma_start3A_558 = tpu.memref_slice %arg6[%squeeze3A_546, %dma_start3A_557] : memref<1000000x64xf32, #tpu.memory_space<hbm>> -> memref<1x64xf32, #tpu.memory_space<hbm>>
      tpu.enqueue_dma source(%dma_start3A_558 : memref<1x64xf32, #tpu.memory_space<hbm>>) target(%dma_start3A_556 : memref<1x64xf32, #tpu.memory_space<vmem>>) target_semaphore(%arg22 : memref<!tpu.dma_semaphore, #tpu.memory_space<semaphore_mem>>)
      %slice3A_559 = vector.extract_strided_slice %get3A_446 {offsets = [8], sizes = [1], strides = [1]} : vector<16xi32> to vector<1xi32>
      %squeeze3A_560 = vector.extract %slice3A_559[0] : i32 from vector<1xi32>
      %mul3A_561 = arith.constant 16 : i32
      %mul3A_562 = arith.muli %scan3A_442, %mul3A_561 : i32
      %add3A_563 = arith.constant 8 : i32
      %add3A_564 = arith.addi %mul3A_562, %add3A_563 : i32
      %dma_start3A_565 = arith.constant 0 : i32
      %dma_start3A_566 = tpu.memref_slice %arg15[%add3A_564, %dma_start3A_565] : memref<320x64xf32, #tpu.memory_space<vmem>> -> memref<1x64xf32, #tpu.memory_space<vmem>>
      %dma_start3A_567 = arith.constant 0 : i32
      %dma_start3A_568 = tpu.memref_slice %arg6[%squeeze3A_560, %dma_start3A_567] : memref<1000000x64xf32, #tpu.memory_space<hbm>> -> memref<1x64xf32, #tpu.memory_space<hbm>>
      %dma_start3A_569 = arith.constant 0 : i32
      %dma_start3A_570 = tpu.memref_slice %arg15[%add3A_564, %dma_start3A_569] : memref<320x64xf32, #tpu.memory_space<vmem>> -> memref<1x64xf32, #tpu.memory_space<vmem>>
      %dma_start3A_571 = arith.constant 0 : i32
      %dma_start3A_572 = tpu.memref_slice %arg6[%squeeze3A_560, %dma_start3A_571] : memref<1000000x64xf32, #tpu.memory_space<hbm>> -> memref<1x64xf32, #tpu.memory_space<hbm>>
      tpu.enqueue_dma source(%dma_start3A_572 : memref<1x64xf32, #tpu.memory_space<hbm>>) target(%dma_start3A_570 : memref<1x64xf32, #tpu.memory_space<vmem>>) target_semaphore(%arg22 : memref<!tpu.dma_semaphore, #tpu.memory_space<semaphore_mem>>)
      %slice3A_573 = vector.extract_strided_slice %get3A_446 {offsets = [9], sizes = [1], strides = [1]} : vector<16xi32> to vector<1xi32>
      %squeeze3A_574 = vector.extract %slice3A_573[0] : i32 from vector<1xi32>
      %mul3A_575 = arith.constant 16 : i32
      %mul3A_576 = arith.muli %scan3A_442, %mul3A_575 : i32
      %add3A_577 = arith.constant 9 : i32
      %add3A_578 = arith.addi %mul3A_576, %add3A_577 : i32
      %dma_start3A_579 = arith.constant 0 : i32
      %dma_start3A_580 = tpu.memref_slice %arg15[%add3A_578, %dma_start3A_579] : memref<320x64xf32, #tpu.memory_space<vmem>> -> memref<1x64xf32, #tpu.memory_space<vmem>>
      %dma_start3A_581 = arith.constant 0 : i32
      %dma_start3A_582 = tpu.memref_slice %arg6[%squeeze3A_574, %dma_start3A_581] : memref<1000000x64xf32, #tpu.memory_space<hbm>> -> memref<1x64xf32, #tpu.memory_space<hbm>>
      %dma_start3A_583 = arith.constant 0 : i32
      %dma_start3A_584 = tpu.memref_slice %arg15[%add3A_578, %dma_start3A_583] : memref<320x64xf32, #tpu.memory_space<vmem>> -> memref<1x64xf32, #tpu.memory_space<vmem>>
      %dma_start3A_585 = arith.constant 0 : i32
      %dma_start3A_586 = tpu.memref_slice %arg6[%squeeze3A_574, %dma_start3A_585] : memref<1000000x64xf32, #tpu.memory_space<hbm>> -> memref<1x64xf32, #tpu.memory_space<hbm>>
      tpu.enqueue_dma source(%dma_start3A_586 : memref<1x64xf32, #tpu.memory_space<hbm>>) target(%dma_start3A_584 : memref<1x64xf32, #tpu.memory_space<vmem>>) target_semaphore(%arg22 : memref<!tpu.dma_semaphore, #tpu.memory_space<semaphore_mem>>)
      %slice3A_587 = vector.extract_strided_slice %get3A_446 {offsets = [10], sizes = [1], strides = [1]} : vector<16xi32> to vector<1xi32>
      %squeeze3A_588 = vector.extract %slice3A_587[0] : i32 from vector<1xi32>
      %mul3A_589 = arith.constant 16 : i32
      %mul3A_590 = arith.muli %scan3A_442, %mul3A_589 : i32
      %add3A_591 = arith.constant 10 : i32
      %add3A_592 = arith.addi %mul3A_590, %add3A_591 : i32
      %dma_start3A_593 = arith.constant 0 : i32
      %dma_start3A_594 = tpu.memref_slice %arg15[%add3A_592, %dma_start3A_593] : memref<320x64xf32, #tpu.memory_space<vmem>> -> memref<1x64xf32, #tpu.memory_space<vmem>>
      %dma_start3A_595 = arith.constant 0 : i32
      %dma_start3A_596 = tpu.memref_slice %arg6[%squeeze3A_588, %dma_start3A_595] : memref<1000000x64xf32, #tpu.memory_space<hbm>> -> memref<1x64xf32, #tpu.memory_space<hbm>>
      %dma_start3A_597 = arith.constant 0 : i32
      %dma_start3A_598 = tpu.memref_slice %arg15[%add3A_592, %dma_start3A_597] : memref<320x64xf32, #tpu.memory_space<vmem>> -> memref<1x64xf32, #tpu.memory_space<vmem>>
      %dma_start3A_599 = arith.constant 0 : i32
      %dma_start3A_600 = tpu.memref_slice %arg6[%squeeze3A_588, %dma_start3A_599] : memref<1000000x64xf32, #tpu.memory_space<hbm>> -> memref<1x64xf32, #tpu.memory_space<hbm>>
      tpu.enqueue_dma source(%dma_start3A_600 : memref<1x64xf32, #tpu.memory_space<hbm>>) target(%dma_start3A_598 : memref<1x64xf32, #tpu.memory_space<vmem>>) target_semaphore(%arg22 : memref<!tpu.dma_semaphore, #tpu.memory_space<semaphore_mem>>)
      %slice3A_601 = vector.extract_strided_slice %get3A_446 {offsets = [11], sizes = [1], strides = [1]} : vector<16xi32> to vector<1xi32>
      %squeeze3A_602 = vector.extract %slice3A_601[0] : i32 from vector<1xi32>
      %mul3A_603 = arith.constant 16 : i32
      %mul3A_604 = arith.muli %scan3A_442, %mul3A_603 : i32
      %add3A_605 = arith.constant 11 : i32
      %add3A_606 = arith.addi %mul3A_604, %add3A_605 : i32
      %dma_start3A_607 = arith.constant 0 : i32
      %dma_start3A_608 = tpu.memref_slice %arg15[%add3A_606, %dma_start3A_607] : memref<320x64xf32, #tpu.memory_space<vmem>> -> memref<1x64xf32, #tpu.memory_space<vmem>>
      %dma_start3A_609 = arith.constant 0 : i32
      %dma_start3A_610 = tpu.memref_slice %arg6[%squeeze3A_602, %dma_start3A_609] : memref<1000000x64xf32, #tpu.memory_space<hbm>> -> memref<1x64xf32, #tpu.memory_space<hbm>>
      %dma_start3A_611 = arith.constant 0 : i32
      %dma_start3A_612 = tpu.memref_slice %arg15[%add3A_606, %dma_start3A_611] : memref<320x64xf32, #tpu.memory_space<vmem>> -> memref<1x64xf32, #tpu.memory_space<vmem>>
      %dma_start3A_613 = arith.constant 0 : i32
      %dma_start3A_614 = tpu.memref_slice %arg6[%squeeze3A_602, %dma_start3A_613] : memref<1000000x64xf32, #tpu.memory_space<hbm>> -> memref<1x64xf32, #tpu.memory_space<hbm>>
      tpu.enqueue_dma source(%dma_start3A_614 : memref<1x64xf32, #tpu.memory_space<hbm>>) target(%dma_start3A_612 : memref<1x64xf32, #tpu.memory_space<vmem>>) target_semaphore(%arg22 : memref<!tpu.dma_semaphore, #tpu.memory_space<semaphore_mem>>)
      %slice3A_615 = vector.extract_strided_slice %get3A_446 {offsets = [12], sizes = [1], strides = [1]} : vector<16xi32> to vector<1xi32>
      %squeeze3A_616 = vector.extract %slice3A_615[0] : i32 from vector<1xi32>
      %mul3A_617 = arith.constant 16 : i32
      %mul3A_618 = arith.muli %scan3A_442, %mul3A_617 : i32
      %add3A_619 = arith.constant 12 : i32
      %add3A_620 = arith.addi %mul3A_618, %add3A_619 : i32
      %dma_start3A_621 = arith.constant 0 : i32
      %dma_start3A_622 = tpu.memref_slice %arg15[%add3A_620, %dma_start3A_621] : memref<320x64xf32, #tpu.memory_space<vmem>> -> memref<1x64xf32, #tpu.memory_space<vmem>>
      %dma_start3A_623 = arith.constant 0 : i32
      %dma_start3A_624 = tpu.memref_slice %arg6[%squeeze3A_616, %dma_start3A_623] : memref<1000000x64xf32, #tpu.memory_space<hbm>> -> memref<1x64xf32, #tpu.memory_space<hbm>>
      %dma_start3A_625 = arith.constant 0 : i32
      %dma_start3A_626 = tpu.memref_slice %arg15[%add3A_620, %dma_start3A_625] : memref<320x64xf32, #tpu.memory_space<vmem>> -> memref<1x64xf32, #tpu.memory_space<vmem>>
      %dma_start3A_627 = arith.constant 0 : i32
      %dma_start3A_628 = tpu.memref_slice %arg6[%squeeze3A_616, %dma_start3A_627] : memref<1000000x64xf32, #tpu.memory_space<hbm>> -> memref<1x64xf32, #tpu.memory_space<hbm>>
      tpu.enqueue_dma source(%dma_start3A_628 : memref<1x64xf32, #tpu.memory_space<hbm>>) target(%dma_start3A_626 : memref<1x64xf32, #tpu.memory_space<vmem>>) target_semaphore(%arg22 : memref<!tpu.dma_semaphore, #tpu.memory_space<semaphore_mem>>)
      %slice3A_629 = vector.extract_strided_slice %get3A_446 {offsets = [13], sizes = [1], strides = [1]} : vector<16xi32> to vector<1xi32>
      %squeeze3A_630 = vector.extract %slice3A_629[0] : i32 from vector<1xi32>
      %mul3A_631 = arith.constant 16 : i32
      %mul3A_632 = arith.muli %scan3A_442, %mul3A_631 : i32
      %add3A_633 = arith.constant 13 : i32
      %add3A_634 = arith.addi %mul3A_632, %add3A_633 : i32
      %dma_start3A_635 = arith.constant 0 : i32
      %dma_start3A_636 = tpu.memref_slice %arg15[%add3A_634, %dma_start3A_635] : memref<320x64xf32, #tpu.memory_space<vmem>> -> memref<1x64xf32, #tpu.memory_space<vmem>>
      %dma_start3A_637 = arith.constant 0 : i32
      %dma_start3A_638 = tpu.memref_slice %arg6[%squeeze3A_630, %dma_start3A_637] : memref<1000000x64xf32, #tpu.memory_space<hbm>> -> memref<1x64xf32, #tpu.memory_space<hbm>>
      %dma_start3A_639 = arith.constant 0 : i32
      %dma_start3A_640 = tpu.memref_slice %arg15[%add3A_634, %dma_start3A_639] : memref<320x64xf32, #tpu.memory_space<vmem>> -> memref<1x64xf32, #tpu.memory_space<vmem>>
      %dma_start3A_641 = arith.constant 0 : i32
      %dma_start3A_642 = tpu.memref_slice %arg6[%squeeze3A_630, %dma_start3A_641] : memref<1000000x64xf32, #tpu.memory_space<hbm>> -> memref<1x64xf32, #tpu.memory_space<hbm>>
      tpu.enqueue_dma source(%dma_start3A_642 : memref<1x64xf32, #tpu.memory_space<hbm>>) target(%dma_start3A_640 : memref<1x64xf32, #tpu.memory_space<vmem>>) target_semaphore(%arg22 : memref<!tpu.dma_semaphore, #tpu.memory_space<semaphore_mem>>)
      %slice3A_643 = vector.extract_strided_slice %get3A_446 {offsets = [14], sizes = [1], strides = [1]} : vector<16xi32> to vector<1xi32>
      %squeeze3A_644 = vector.extract %slice3A_643[0] : i32 from vector<1xi32>
      %mul3A_645 = arith.constant 16 : i32
      %mul3A_646 = arith.muli %scan3A_442, %mul3A_645 : i32
      %add3A_647 = arith.constant 14 : i32
      %add3A_648 = arith.addi %mul3A_646, %add3A_647 : i32
      %dma_start3A_649 = arith.constant 0 : i32
      %dma_start3A_650 = tpu.memref_slice %arg15[%add3A_648, %dma_start3A_649] : memref<320x64xf32, #tpu.memory_space<vmem>> -> memref<1x64xf32, #tpu.memory_space<vmem>>
      %dma_start3A_651 = arith.constant 0 : i32
      %dma_start3A_652 = tpu.memref_slice %arg6[%squeeze3A_644, %dma_start3A_651] : memref<1000000x64xf32, #tpu.memory_space<hbm>> -> memref<1x64xf32, #tpu.memory_space<hbm>>
      %dma_start3A_653 = arith.constant 0 : i32
      %dma_start3A_654 = tpu.memref_slice %arg15[%add3A_648, %dma_start3A_653] : memref<320x64xf32, #tpu.memory_space<vmem>> -> memref<1x64xf32, #tpu.memory_space<vmem>>
      %dma_start3A_655 = arith.constant 0 : i32
      %dma_start3A_656 = tpu.memref_slice %arg6[%squeeze3A_644, %dma_start3A_655] : memref<1000000x64xf32, #tpu.memory_space<hbm>> -> memref<1x64xf32, #tpu.memory_space<hbm>>
      tpu.enqueue_dma source(%dma_start3A_656 : memref<1x64xf32, #tpu.memory_space<hbm>>) target(%dma_start3A_654 : memref<1x64xf32, #tpu.memory_space<vmem>>) target_semaphore(%arg22 : memref<!tpu.dma_semaphore, #tpu.memory_space<semaphore_mem>>)
      %slice3A_657 = vector.extract_strided_slice %get3A_446 {offsets = [15], sizes = [1], strides = [1]} : vector<16xi32> to vector<1xi32>
      %squeeze3A_658 = vector.extract %slice3A_657[0] : i32 from vector<1xi32>
      %mul3A_659 = arith.constant 16 : i32
      %mul3A_660 = arith.muli %scan3A_442, %mul3A_659 : i32
      %add3A_661 = arith.constant 15 : i32
      %add3A_662 = arith.addi %mul3A_660, %add3A_661 : i32
      %dma_start3A_663 = arith.constant 0 : i32
      %dma_start3A_664 = tpu.memref_slice %arg15[%add3A_662, %dma_start3A_663] : memref<320x64xf32, #tpu.memory_space<vmem>> -> memref<1x64xf32, #tpu.memory_space<vmem>>
      %dma_start3A_665 = arith.constant 0 : i32
      %dma_start3A_666 = tpu.memref_slice %arg6[%squeeze3A_658, %dma_start3A_665] : memref<1000000x64xf32, #tpu.memory_space<hbm>> -> memref<1x64xf32, #tpu.memory_space<hbm>>
      %dma_start3A_667 = arith.constant 0 : i32
      %dma_start3A_668 = tpu.memref_slice %arg15[%add3A_662, %dma_start3A_667] : memref<320x64xf32, #tpu.memory_space<vmem>> -> memref<1x64xf32, #tpu.memory_space<vmem>>
      %dma_start3A_669 = arith.constant 0 : i32
      %dma_start3A_670 = tpu.memref_slice %arg6[%squeeze3A_658, %dma_start3A_669] : memref<1000000x64xf32, #tpu.memory_space<hbm>> -> memref<1x64xf32, #tpu.memory_space<hbm>>
      tpu.enqueue_dma source(%dma_start3A_670 : memref<1x64xf32, #tpu.memory_space<hbm>>) target(%dma_start3A_668 : memref<1x64xf32, #tpu.memory_space<vmem>>) target_semaphore(%arg22 : memref<!tpu.dma_semaphore, #tpu.memory_space<semaphore_mem>>)
    }
    %scan3A_395 = arith.constant 20 : i32
    %scan3A_396 = arith.constant 0 : i32
    %scan3A_397 = arith.constant 0 : i32
    %scan3A_398 = arith.constant 16 : i32
    %scan3A_399 = arith.addi %scan3A_397, %scan3A_398 : i32
    %scan3A_400 = arith.constant 1 : i32
    scf.for %scan3A_442 = %scan3A_397 to %scan3A_399 step %scan3A_400  : i32 {
      %mul3A_443 = arith.constant 2 : i32
      %mul3A_444 = arith.muli %mul3A_443, %scan3A_442 : i32
      %add3A_445 = arith.constant 1 : i32
      %add3A_446 = arith.addi %mul3A_444, %add3A_445 : i32
      %mul3A_447 = arith.constant 16 : i32
      %mul3A_448 = arith.muli %add3A_446, %mul3A_447 : i32
      %add3A_449 = arith.addi %mul3A_2, %mul3A_448 : i32
      %mul3A_450 = arith.constant 20 : i32
      %mul3A_451 = arith.muli %add3A_449, %mul3A_450 : i32
      "tpu.region"() ({
        %run_scoped3A = tpu.sem_alloc : memref<!tpu.dma_semaphore, #tpu.memory_space<semaphore_mem>>
        %dma_start3A_903 = tpu.memref_slice %arg4[%mul3A_451] : memref<327680xi32, #tpu.memory_space<hbm>> -> memref<320xi32, #tpu.memory_space<hbm>>
        %dma_start3A_904 = tpu.memref_slice %arg4[%mul3A_451] : memref<327680xi32, #tpu.memory_space<hbm>> -> memref<320xi32, #tpu.memory_space<hbm>>
        tpu.enqueue_dma source(%dma_start3A_904 : memref<320xi32, #tpu.memory_space<hbm>>) target(%arg12 : memref<320xi32, #tpu.memory_space<vmem>>) target_semaphore(%run_scoped3A : memref<!tpu.dma_semaphore, #tpu.memory_space<semaphore_mem>>)
        %dma_wait3A_905 = tpu.memref_slice %arg4[%mul3A_451] : memref<327680xi32, #tpu.memory_space<hbm>> -> memref<320xi32, #tpu.memory_space<hbm>>
        %dma_wait3A_906 = tpu.memref_slice %arg4[%mul3A_451] : memref<327680xi32, #tpu.memory_space<hbm>> -> memref<320xi32, #tpu.memory_space<hbm>>
        tpu.wait_dma2 semaphore(%run_scoped3A : memref<!tpu.dma_semaphore, #tpu.memory_space<semaphore_mem>>) src(%dma_wait3A_906 : memref<320xi32, #tpu.memory_space<hbm>>) dst(%arg12 : memref<320xi32, #tpu.memory_space<vmem>>)
        tpu.yield
      }) : () -> ()
      %get3A_452 = arith.index_cast %mul3A_448 : i32 to index
      %get3A_453 = tpu.vector_load %arg9[%get3A_452] {strides = array<i32>} : memref<512xi32, #tpu.memory_space<vmem>>, vector<16xi32>,
      %get3A_454 = arith.index_cast %mul3A_448 : i32 to index
      %get3A_455 = tpu.vector_load %arg10[%get3A_454] {strides = array<i32>} : memref<512xi32, #tpu.memory_space<vmem>>, vector<16xi32>,
      %slice3A_456 = vector.extract_strided_slice %get3A_453 {offsets = [0], sizes = [1], strides = [1]} : vector<16xi32> to vector<1xi32>
      %squeeze3A_457 = vector.extract %slice3A_456[0] : i32 from vector<1xi32>
      %dma_start3A_458 = arith.constant 0 : i32
      %dma_start3A_459 = arith.constant 0 : i32
      %dma_start3A_460 = tpu.memref_slice %arg16[%dma_start3A_458, %dma_start3A_459] : memref<16x64xf32, #tpu.memory_space<vmem>> -> memref<1x64xf32, #tpu.memory_space<vmem>>
      %dma_start3A_461 = arith.constant 0 : i32
      %dma_start3A_462 = tpu.memref_slice %arg5[%squeeze3A_457, %dma_start3A_461] : memref<1000000x64xf32, #tpu.memory_space<hbm>> -> memref<1x64xf32, #tpu.memory_space<hbm>>
      %dma_start3A_463 = arith.constant 0 : i32
      %dma_start3A_464 = arith.constant 0 : i32
      %dma_start3A_465 = tpu.memref_slice %arg16[%dma_start3A_463, %dma_start3A_464] : memref<16x64xf32, #tpu.memory_space<vmem>> -> memref<1x64xf32, #tpu.memory_space<vmem>>
      %dma_start3A_466 = arith.constant 0 : i32
      %dma_start3A_467 = tpu.memref_slice %arg5[%squeeze3A_457, %dma_start3A_466] : memref<1000000x64xf32, #tpu.memory_space<hbm>> -> memref<1x64xf32, #tpu.memory_space<hbm>>
      tpu.enqueue_dma source(%dma_start3A_467 : memref<1x64xf32, #tpu.memory_space<hbm>>) target(%dma_start3A_465 : memref<1x64xf32, #tpu.memory_space<vmem>>) target_semaphore(%arg23 : memref<!tpu.dma_semaphore, #tpu.memory_space<semaphore_mem>>)
      %slice3A_468 = vector.extract_strided_slice %get3A_455 {offsets = [0], sizes = [1], strides = [1]} : vector<16xi32> to vector<1xi32>
      %squeeze3A_469 = vector.extract %slice3A_468[0] : i32 from vector<1xi32>
      %dma_start3A_470 = arith.constant 0 : i32
      %dma_start3A_471 = arith.constant 0 : i32
      %dma_start3A_472 = tpu.memref_slice %arg17[%dma_start3A_470, %dma_start3A_471] : memref<16x64xf32, #tpu.memory_space<vmem>> -> memref<1x64xf32, #tpu.memory_space<vmem>>
      %dma_start3A_473 = arith.constant 0 : i32
      %dma_start3A_474 = tpu.memref_slice %arg6[%squeeze3A_469, %dma_start3A_473] : memref<1000000x64xf32, #tpu.memory_space<hbm>> -> memref<1x64xf32, #tpu.memory_space<hbm>>
      %dma_start3A_475 = arith.constant 0 : i32
      %dma_start3A_476 = arith.constant 0 : i32
      %dma_start3A_477 = tpu.memref_slice %arg17[%dma_start3A_475, %dma_start3A_476] : memref<16x64xf32, #tpu.memory_space<vmem>> -> memref<1x64xf32, #tpu.memory_space<vmem>>
      %dma_start3A_478 = arith.constant 0 : i32
      %dma_start3A_479 = tpu.memref_slice %arg6[%squeeze3A_469, %dma_start3A_478] : memref<1000000x64xf32, #tpu.memory_space<hbm>> -> memref<1x64xf32, #tpu.memory_space<hbm>>
      tpu.enqueue_dma source(%dma_start3A_479 : memref<1x64xf32, #tpu.memory_space<hbm>>) target(%dma_start3A_477 : memref<1x64xf32, #tpu.memory_space<vmem>>) target_semaphore(%arg23 : memref<!tpu.dma_semaphore, #tpu.memory_space<semaphore_mem>>)
      %slice3A_480 = vector.extract_strided_slice %get3A_453 {offsets = [1], sizes = [1], strides = [1]} : vector<16xi32> to vector<1xi32>
      %squeeze3A_481 = vector.extract %slice3A_480[0] : i32 from vector<1xi32>
      %dma_start3A_482 = arith.constant 1 : i32
      %dma_start3A_483 = arith.constant 0 : i32
      %dma_start3A_484 = tpu.memref_slice %arg16[%dma_start3A_482, %dma_start3A_483] : memref<16x64xf32, #tpu.memory_space<vmem>> -> memref<1x64xf32, #tpu.memory_space<vmem>>
      %dma_start3A_485 = arith.constant 0 : i32
      %dma_start3A_486 = tpu.memref_slice %arg5[%squeeze3A_481, %dma_start3A_485] : memref<1000000x64xf32, #tpu.memory_space<hbm>> -> memref<1x64xf32, #tpu.memory_space<hbm>>
      %dma_start3A_487 = arith.constant 1 : i32
      %dma_start3A_488 = arith.constant 0 : i32
      %dma_start3A_489 = tpu.memref_slice %arg16[%dma_start3A_487, %dma_start3A_488] : memref<16x64xf32, #tpu.memory_space<vmem>> -> memref<1x64xf32, #tpu.memory_space<vmem>>
      %dma_start3A_490 = arith.constant 0 : i32
      %dma_start3A_491 = tpu.memref_slice %arg5[%squeeze3A_481, %dma_start3A_490] : memref<1000000x64xf32, #tpu.memory_space<hbm>> -> memref<1x64xf32, #tpu.memory_space<hbm>>
      tpu.enqueue_dma source(%dma_start3A_491 : memref<1x64xf32, #tpu.memory_space<hbm>>) target(%dma_start3A_489 : memref<1x64xf32, #tpu.memory_space<vmem>>) target_semaphore(%arg23 : memref<!tpu.dma_semaphore, #tpu.memory_space<semaphore_mem>>)
      %slice3A_492 = vector.extract_strided_slice %get3A_455 {offsets = [1], sizes = [1], strides = [1]} : vector<16xi32> to vector<1xi32>
      %squeeze3A_493 = vector.extract %slice3A_492[0] : i32 from vector<1xi32>
      %dma_start3A_494 = arith.constant 1 : i32
      %dma_start3A_495 = arith.constant 0 : i32
      %dma_start3A_496 = tpu.memref_slice %arg17[%dma_start3A_494, %dma_start3A_495] : memref<16x64xf32, #tpu.memory_space<vmem>> -> memref<1x64xf32, #tpu.memory_space<vmem>>
      %dma_start3A_497 = arith.constant 0 : i32
      %dma_start3A_498 = tpu.memref_slice %arg6[%squeeze3A_493, %dma_start3A_497] : memref<1000000x64xf32, #tpu.memory_space<hbm>> -> memref<1x64xf32, #tpu.memory_space<hbm>>
      %dma_start3A_499 = arith.constant 1 : i32
      %dma_start3A_500 = arith.constant 0 : i32
      %dma_start3A_501 = tpu.memref_slice %arg17[%dma_start3A_499, %dma_start3A_500] : memref<16x64xf32, #tpu.memory_space<vmem>> -> memref<1x64xf32, #tpu.memory_space<vmem>>
      %dma_start3A_502 = arith.constant 0 : i32
      %dma_start3A_503 = tpu.memref_slice %arg6[%squeeze3A_493, %dma_start3A_502] : memref<1000000x64xf32, #tpu.memory_space<hbm>> -> memref<1x64xf32, #tpu.memory_space<hbm>>
      tpu.enqueue_dma source(%dma_start3A_503 : memref<1x64xf32, #tpu.memory_space<hbm>>) target(%dma_start3A_501 : memref<1x64xf32, #tpu.memory_space<vmem>>) target_semaphore(%arg23 : memref<!tpu.dma_semaphore, #tpu.memory_space<semaphore_mem>>)
      %slice3A_504 = vector.extract_strided_slice %get3A_453 {offsets = [2], sizes = [1], strides = [1]} : vector<16xi32> to vector<1xi32>
      %squeeze3A_505 = vector.extract %slice3A_504[0] : i32 from vector<1xi32>
      %dma_start3A_506 = arith.constant 2 : i32
      %dma_start3A_507 = arith.constant 0 : i32
      %dma_start3A_508 = tpu.memref_slice %arg16[%dma_start3A_506, %dma_start3A_507] : memref<16x64xf32, #tpu.memory_space<vmem>> -> memref<1x64xf32, #tpu.memory_space<vmem>>
      %dma_start3A_509 = arith.constant 0 : i32
      %dma_start3A_510 = tpu.memref_slice %arg5[%squeeze3A_505, %dma_start3A_509] : memref<1000000x64xf32, #tpu.memory_space<hbm>> -> memref<1x64xf32, #tpu.memory_space<hbm>>
      %dma_start3A_511 = arith.constant 2 : i32
      %dma_start3A_512 = arith.constant 0 : i32
      %dma_start3A_513 = tpu.memref_slice %arg16[%dma_start3A_511, %dma_start3A_512] : memref<16x64xf32, #tpu.memory_space<vmem>> -> memref<1x64xf32, #tpu.memory_space<vmem>>
      %dma_start3A_514 = arith.constant 0 : i32
      %dma_start3A_515 = tpu.memref_slice %arg5[%squeeze3A_505, %dma_start3A_514] : memref<1000000x64xf32, #tpu.memory_space<hbm>> -> memref<1x64xf32, #tpu.memory_space<hbm>>
      tpu.enqueue_dma source(%dma_start3A_515 : memref<1x64xf32, #tpu.memory_space<hbm>>) target(%dma_start3A_513 : memref<1x64xf32, #tpu.memory_space<vmem>>) target_semaphore(%arg23 : memref<!tpu.dma_semaphore, #tpu.memory_space<semaphore_mem>>)
      %slice3A_516 = vector.extract_strided_slice %get3A_455 {offsets = [2], sizes = [1], strides = [1]} : vector<16xi32> to vector<1xi32>
      %squeeze3A_517 = vector.extract %slice3A_516[0] : i32 from vector<1xi32>
      %dma_start3A_518 = arith.constant 2 : i32
      %dma_start3A_519 = arith.constant 0 : i32
      %dma_start3A_520 = tpu.memref_slice %arg17[%dma_start3A_518, %dma_start3A_519] : memref<16x64xf32, #tpu.memory_space<vmem>> -> memref<1x64xf32, #tpu.memory_space<vmem>>
      %dma_start3A_521 = arith.constant 0 : i32
      %dma_start3A_522 = tpu.memref_slice %arg6[%squeeze3A_517, %dma_start3A_521] : memref<1000000x64xf32, #tpu.memory_space<hbm>> -> memref<1x64xf32, #tpu.memory_space<hbm>>
      %dma_start3A_523 = arith.constant 2 : i32
      %dma_start3A_524 = arith.constant 0 : i32
      %dma_start3A_525 = tpu.memref_slice %arg17[%dma_start3A_523, %dma_start3A_524] : memref<16x64xf32, #tpu.memory_space<vmem>> -> memref<1x64xf32, #tpu.memory_space<vmem>>
      %dma_start3A_526 = arith.constant 0 : i32
      %dma_start3A_527 = tpu.memref_slice %arg6[%squeeze3A_517, %dma_start3A_526] : memref<1000000x64xf32, #tpu.memory_space<hbm>> -> memref<1x64xf32, #tpu.memory_space<hbm>>
      tpu.enqueue_dma source(%dma_start3A_527 : memref<1x64xf32, #tpu.memory_space<hbm>>) target(%dma_start3A_525 : memref<1x64xf32, #tpu.memory_space<vmem>>) target_semaphore(%arg23 : memref<!tpu.dma_semaphore, #tpu.memory_space<semaphore_mem>>)
      %slice3A_528 = vector.extract_strided_slice %get3A_453 {offsets = [3], sizes = [1], strides = [1]} : vector<16xi32> to vector<1xi32>
      %squeeze3A_529 = vector.extract %slice3A_528[0] : i32 from vector<1xi32>
      %dma_start3A_530 = arith.constant 3 : i32
      %dma_start3A_531 = arith.constant 0 : i32
      %dma_start3A_532 = tpu.memref_slice %arg16[%dma_start3A_530, %dma_start3A_531] : memref<16x64xf32, #tpu.memory_space<vmem>> -> memref<1x64xf32, #tpu.memory_space<vmem>>
      %dma_start3A_533 = arith.constant 0 : i32
      %dma_start3A_534 = tpu.memref_slice %arg5[%squeeze3A_529, %dma_start3A_533] : memref<1000000x64xf32, #tpu.memory_space<hbm>> -> memref<1x64xf32, #tpu.memory_space<hbm>>
      %dma_start3A_535 = arith.constant 3 : i32
      %dma_start3A_536 = arith.constant 0 : i32
      %dma_start3A_537 = tpu.memref_slice %arg16[%dma_start3A_535, %dma_start3A_536] : memref<16x64xf32, #tpu.memory_space<vmem>> -> memref<1x64xf32, #tpu.memory_space<vmem>>
      %dma_start3A_538 = arith.constant 0 : i32
      %dma_start3A_539 = tpu.memref_slice %arg5[%squeeze3A_529, %dma_start3A_538] : memref<1000000x64xf32, #tpu.memory_space<hbm>> -> memref<1x64xf32, #tpu.memory_space<hbm>>
      tpu.enqueue_dma source(%dma_start3A_539 : memref<1x64xf32, #tpu.memory_space<hbm>>) target(%dma_start3A_537 : memref<1x64xf32, #tpu.memory_space<vmem>>) target_semaphore(%arg23 : memref<!tpu.dma_semaphore, #tpu.memory_space<semaphore_mem>>)
      %slice3A_540 = vector.extract_strided_slice %get3A_455 {offsets = [3], sizes = [1], strides = [1]} : vector<16xi32> to vector<1xi32>
      %squeeze3A_541 = vector.extract %slice3A_540[0] : i32 from vector<1xi32>
      %dma_start3A_542 = arith.constant 3 : i32
      %dma_start3A_543 = arith.constant 0 : i32
      %dma_start3A_544 = tpu.memref_slice %arg17[%dma_start3A_542, %dma_start3A_543] : memref<16x64xf32, #tpu.memory_space<vmem>> -> memref<1x64xf32, #tpu.memory_space<vmem>>
      %dma_start3A_545 = arith.constant 0 : i32
      %dma_start3A_546 = tpu.memref_slice %arg6[%squeeze3A_541, %dma_start3A_545] : memref<1000000x64xf32, #tpu.memory_space<hbm>> -> memref<1x64xf32, #tpu.memory_space<hbm>>
      %dma_start3A_547 = arith.constant 3 : i32
      %dma_start3A_548 = arith.constant 0 : i32
      %dma_start3A_549 = tpu.memref_slice %arg17[%dma_start3A_547, %dma_start3A_548] : memref<16x64xf32, #tpu.memory_space<vmem>> -> memref<1x64xf32, #tpu.memory_space<vmem>>
      %dma_start3A_550 = arith.constant 0 : i32
      %dma_start3A_551 = tpu.memref_slice %arg6[%squeeze3A_541, %dma_start3A_550] : memref<1000000x64xf32, #tpu.memory_space<hbm>> -> memref<1x64xf32, #tpu.memory_space<hbm>>
      tpu.enqueue_dma source(%dma_start3A_551 : memref<1x64xf32, #tpu.memory_space<hbm>>) target(%dma_start3A_549 : memref<1x64xf32, #tpu.memory_space<vmem>>) target_semaphore(%arg23 : memref<!tpu.dma_semaphore, #tpu.memory_space<semaphore_mem>>)
      %slice3A_552 = vector.extract_strided_slice %get3A_453 {offsets = [4], sizes = [1], strides = [1]} : vector<16xi32> to vector<1xi32>
      %squeeze3A_553 = vector.extract %slice3A_552[0] : i32 from vector<1xi32>
      %dma_start3A_554 = arith.constant 4 : i32
      %dma_start3A_555 = arith.constant 0 : i32
      %dma_start3A_556 = tpu.memref_slice %arg16[%dma_start3A_554, %dma_start3A_555] : memref<16x64xf32, #tpu.memory_space<vmem>> -> memref<1x64xf32, #tpu.memory_space<vmem>>
      %dma_start3A_557 = arith.constant 0 : i32
      %dma_start3A_558 = tpu.memref_slice %arg5[%squeeze3A_553, %dma_start3A_557] : memref<1000000x64xf32, #tpu.memory_space<hbm>> -> memref<1x64xf32, #tpu.memory_space<hbm>>
      %dma_start3A_559 = arith.constant 4 : i32
      %dma_start3A_560 = arith.constant 0 : i32
      %dma_start3A_561 = tpu.memref_slice %arg16[%dma_start3A_559, %dma_start3A_560] : memref<16x64xf32, #tpu.memory_space<vmem>> -> memref<1x64xf32, #tpu.memory_space<vmem>>
      %dma_start3A_562 = arith.constant 0 : i32
      %dma_start3A_563 = tpu.memref_slice %arg5[%squeeze3A_553, %dma_start3A_562] : memref<1000000x64xf32, #tpu.memory_space<hbm>> -> memref<1x64xf32, #tpu.memory_space<hbm>>
      tpu.enqueue_dma source(%dma_start3A_563 : memref<1x64xf32, #tpu.memory_space<hbm>>) target(%dma_start3A_561 : memref<1x64xf32, #tpu.memory_space<vmem>>) target_semaphore(%arg23 : memref<!tpu.dma_semaphore, #tpu.memory_space<semaphore_mem>>)
      %slice3A_564 = vector.extract_strided_slice %get3A_455 {offsets = [4], sizes = [1], strides = [1]} : vector<16xi32> to vector<1xi32>
      %squeeze3A_565 = vector.extract %slice3A_564[0] : i32 from vector<1xi32>
      %dma_start3A_566 = arith.constant 4 : i32
      %dma_start3A_567 = arith.constant 0 : i32
      %dma_start3A_568 = tpu.memref_slice %arg17[%dma_start3A_566, %dma_start3A_567] : memref<16x64xf32, #tpu.memory_space<vmem>> -> memref<1x64xf32, #tpu.memory_space<vmem>>
      %dma_start3A_569 = arith.constant 0 : i32
      %dma_start3A_570 = tpu.memref_slice %arg6[%squeeze3A_565, %dma_start3A_569] : memref<1000000x64xf32, #tpu.memory_space<hbm>> -> memref<1x64xf32, #tpu.memory_space<hbm>>
      %dma_start3A_571 = arith.constant 4 : i32
      %dma_start3A_572 = arith.constant 0 : i32
      %dma_start3A_573 = tpu.memref_slice %arg17[%dma_start3A_571, %dma_start3A_572] : memref<16x64xf32, #tpu.memory_space<vmem>> -> memref<1x64xf32, #tpu.memory_space<vmem>>
      %dma_start3A_574 = arith.constant 0 : i32
      %dma_start3A_575 = tpu.memref_slice %arg6[%squeeze3A_565, %dma_start3A_574] : memref<1000000x64xf32, #tpu.memory_space<hbm>> -> memref<1x64xf32, #tpu.memory_space<hbm>>
      tpu.enqueue_dma source(%dma_start3A_575 : memref<1x64xf32, #tpu.memory_space<hbm>>) target(%dma_start3A_573 : memref<1x64xf32, #tpu.memory_space<vmem>>) target_semaphore(%arg23 : memref<!tpu.dma_semaphore, #tpu.memory_space<semaphore_mem>>)
      %slice3A_576 = vector.extract_strided_slice %get3A_453 {offsets = [5], sizes = [1], strides = [1]} : vector<16xi32> to vector<1xi32>
      %squeeze3A_577 = vector.extract %slice3A_576[0] : i32 from vector<1xi32>
      %dma_start3A_578 = arith.constant 5 : i32
      %dma_start3A_579 = arith.constant 0 : i32
      %dma_start3A_580 = tpu.memref_slice %arg16[%dma_start3A_578, %dma_start3A_579] : memref<16x64xf32, #tpu.memory_space<vmem>> -> memref<1x64xf32, #tpu.memory_space<vmem>>
      %dma_start3A_581 = arith.constant 0 : i32
      %dma_start3A_582 = tpu.memref_slice %arg5[%squeeze3A_577, %dma_start3A_581] : memref<1000000x64xf32, #tpu.memory_space<hbm>> -> memref<1x64xf32, #tpu.memory_space<hbm>>
      %dma_start3A_583 = arith.constant 5 : i32
      %dma_start3A_584 = arith.constant 0 : i32
      %dma_start3A_585 = tpu.memref_slice %arg16[%dma_start3A_583, %dma_start3A_584] : memref<16x64xf32, #tpu.memory_space<vmem>> -> memref<1x64xf32, #tpu.memory_space<vmem>>
      %dma_start3A_586 = arith.constant 0 : i32
      %dma_start3A_587 = tpu.memref_slice %arg5[%squeeze3A_577, %dma_start3A_586] : memref<1000000x64xf32, #tpu.memory_space<hbm>> -> memref<1x64xf32, #tpu.memory_space<hbm>>
      tpu.enqueue_dma source(%dma_start3A_587 : memref<1x64xf32, #tpu.memory_space<hbm>>) target(%dma_start3A_585 : memref<1x64xf32, #tpu.memory_space<vmem>>) target_semaphore(%arg23 : memref<!tpu.dma_semaphore, #tpu.memory_space<semaphore_mem>>)
      %slice3A_588 = vector.extract_strided_slice %get3A_455 {offsets = [5], sizes = [1], strides = [1]} : vector<16xi32> to vector<1xi32>
      %squeeze3A_589 = vector.extract %slice3A_588[0] : i32 from vector<1xi32>
      %dma_start3A_590 = arith.constant 5 : i32
      %dma_start3A_591 = arith.constant 0 : i32
      %dma_start3A_592 = tpu.memref_slice %arg17[%dma_start3A_590, %dma_start3A_591] : memref<16x64xf32, #tpu.memory_space<vmem>> -> memref<1x64xf32, #tpu.memory_space<vmem>>
      %dma_start3A_593 = arith.constant 0 : i32
      %dma_start3A_594 = tpu.memref_slice %arg6[%squeeze3A_589, %dma_start3A_593] : memref<1000000x64xf32, #tpu.memory_space<hbm>> -> memref<1x64xf32, #tpu.memory_space<hbm>>
      %dma_start3A_595 = arith.constant 5 : i32
      %dma_start3A_596 = arith.constant 0 : i32
      %dma_start3A_597 = tpu.memref_slice %arg17[%dma_start3A_595, %dma_start3A_596] : memref<16x64xf32, #tpu.memory_space<vmem>> -> memref<1x64xf32, #tpu.memory_space<vmem>>
      %dma_start3A_598 = arith.constant 0 : i32
      %dma_start3A_599 = tpu.memref_slice %arg6[%squeeze3A_589, %dma_start3A_598] : memref<1000000x64xf32, #tpu.memory_space<hbm>> -> memref<1x64xf32, #tpu.memory_space<hbm>>
      tpu.enqueue_dma source(%dma_start3A_599 : memref<1x64xf32, #tpu.memory_space<hbm>>) target(%dma_start3A_597 : memref<1x64xf32, #tpu.memory_space<vmem>>) target_semaphore(%arg23 : memref<!tpu.dma_semaphore, #tpu.memory_space<semaphore_mem>>)
      %slice3A_600 = vector.extract_strided_slice %get3A_453 {offsets = [6], sizes = [1], strides = [1]} : vector<16xi32> to vector<1xi32>
      %squeeze3A_601 = vector.extract %slice3A_600[0] : i32 from vector<1xi32>
      %dma_start3A_602 = arith.constant 6 : i32
      %dma_start3A_603 = arith.constant 0 : i32
      %dma_start3A_604 = tpu.memref_slice %arg16[%dma_start3A_602, %dma_start3A_603] : memref<16x64xf32, #tpu.memory_space<vmem>> -> memref<1x64xf32, #tpu.memory_space<vmem>>
      %dma_start3A_605 = arith.constant 0 : i32
      %dma_start3A_606 = tpu.memref_slice %arg5[%squeeze3A_601, %dma_start3A_605] : memref<1000000x64xf32, #tpu.memory_space<hbm>> -> memref<1x64xf32, #tpu.memory_space<hbm>>
      %dma_start3A_607 = arith.constant 6 : i32
      %dma_start3A_608 = arith.constant 0 : i32
      %dma_start3A_609 = tpu.memref_slice %arg16[%dma_start3A_607, %dma_start3A_608] : memref<16x64xf32, #tpu.memory_space<vmem>> -> memref<1x64xf32, #tpu.memory_space<vmem>>
      %dma_start3A_610 = arith.constant 0 : i32
      %dma_start3A_611 = tpu.memref_slice %arg5[%squeeze3A_601, %dma_start3A_610] : memref<1000000x64xf32, #tpu.memory_space<hbm>> -> memref<1x64xf32, #tpu.memory_space<hbm>>
      tpu.enqueue_dma source(%dma_start3A_611 : memref<1x64xf32, #tpu.memory_space<hbm>>) target(%dma_start3A_609 : memref<1x64xf32, #tpu.memory_space<vmem>>) target_semaphore(%arg23 : memref<!tpu.dma_semaphore, #tpu.memory_space<semaphore_mem>>)
      %slice3A_612 = vector.extract_strided_slice %get3A_455 {offsets = [6], sizes = [1], strides = [1]} : vector<16xi32> to vector<1xi32>
      %squeeze3A_613 = vector.extract %slice3A_612[0] : i32 from vector<1xi32>
      %dma_start3A_614 = arith.constant 6 : i32
      %dma_start3A_615 = arith.constant 0 : i32
      %dma_start3A_616 = tpu.memref_slice %arg17[%dma_start3A_614, %dma_start3A_615] : memref<16x64xf32, #tpu.memory_space<vmem>> -> memref<1x64xf32, #tpu.memory_space<vmem>>
      %dma_start3A_617 = arith.constant 0 : i32
      %dma_start3A_618 = tpu.memref_slice %arg6[%squeeze3A_613, %dma_start3A_617] : memref<1000000x64xf32, #tpu.memory_space<hbm>> -> memref<1x64xf32, #tpu.memory_space<hbm>>
      %dma_start3A_619 = arith.constant 6 : i32
      %dma_start3A_620 = arith.constant 0 : i32
      %dma_start3A_621 = tpu.memref_slice %arg17[%dma_start3A_619, %dma_start3A_620] : memref<16x64xf32, #tpu.memory_space<vmem>> -> memref<1x64xf32, #tpu.memory_space<vmem>>
      %dma_start3A_622 = arith.constant 0 : i32
      %dma_start3A_623 = tpu.memref_slice %arg6[%squeeze3A_613, %dma_start3A_622] : memref<1000000x64xf32, #tpu.memory_space<hbm>> -> memref<1x64xf32, #tpu.memory_space<hbm>>
      tpu.enqueue_dma source(%dma_start3A_623 : memref<1x64xf32, #tpu.memory_space<hbm>>) target(%dma_start3A_621 : memref<1x64xf32, #tpu.memory_space<vmem>>) target_semaphore(%arg23 : memref<!tpu.dma_semaphore, #tpu.memory_space<semaphore_mem>>)
      %slice3A_624 = vector.extract_strided_slice %get3A_453 {offsets = [7], sizes = [1], strides = [1]} : vector<16xi32> to vector<1xi32>
      %squeeze3A_625 = vector.extract %slice3A_624[0] : i32 from vector<1xi32>
      %dma_start3A_626 = arith.constant 7 : i32
      %dma_start3A_627 = arith.constant 0 : i32
      %dma_start3A_628 = tpu.memref_slice %arg16[%dma_start3A_626, %dma_start3A_627] : memref<16x64xf32, #tpu.memory_space<vmem>> -> memref<1x64xf32, #tpu.memory_space<vmem>>
      %dma_start3A_629 = arith.constant 0 : i32
      %dma_start3A_630 = tpu.memref_slice %arg5[%squeeze3A_625, %dma_start3A_629] : memref<1000000x64xf32, #tpu.memory_space<hbm>> -> memref<1x64xf32, #tpu.memory_space<hbm>>
      %dma_start3A_631 = arith.constant 7 : i32
      %dma_start3A_632 = arith.constant 0 : i32
      %dma_start3A_633 = tpu.memref_slice %arg16[%dma_start3A_631, %dma_start3A_632] : memref<16x64xf32, #tpu.memory_space<vmem>> -> memref<1x64xf32, #tpu.memory_space<vmem>>
      %dma_start3A_634 = arith.constant 0 : i32
      %dma_start3A_635 = tpu.memref_slice %arg5[%squeeze3A_625, %dma_start3A_634] : memref<1000000x64xf32, #tpu.memory_space<hbm>> -> memref<1x64xf32, #tpu.memory_space<hbm>>
      tpu.enqueue_dma source(%dma_start3A_635 : memref<1x64xf32, #tpu.memory_space<hbm>>) target(%dma_start3A_633 : memref<1x64xf32, #tpu.memory_space<vmem>>) target_semaphore(%arg23 : memref<!tpu.dma_semaphore, #tpu.memory_space<semaphore_mem>>)
      %slice3A_636 = vector.extract_strided_slice %get3A_455 {offsets = [7], sizes = [1], strides = [1]} : vector<16xi32> to vector<1xi32>
      %squeeze3A_637 = vector.extract %slice3A_636[0] : i32 from vector<1xi32>
      %dma_start3A_638 = arith.constant 7 : i32
      %dma_start3A_639 = arith.constant 0 : i32
      %dma_start3A_640 = tpu.memref_slice %arg17[%dma_start3A_638, %dma_start3A_639] : memref<16x64xf32, #tpu.memory_space<vmem>> -> memref<1x64xf32, #tpu.memory_space<vmem>>
      %dma_start3A_641 = arith.constant 0 : i32
      %dma_start3A_642 = tpu.memref_slice %arg6[%squeeze3A_637, %dma_start3A_641] : memref<1000000x64xf32, #tpu.memory_space<hbm>> -> memref<1x64xf32, #tpu.memory_space<hbm>>
      %dma_start3A_643 = arith.constant 7 : i32
      %dma_start3A_644 = arith.constant 0 : i32
      %dma_start3A_645 = tpu.memref_slice %arg17[%dma_start3A_643, %dma_start3A_644] : memref<16x64xf32, #tpu.memory_space<vmem>> -> memref<1x64xf32, #tpu.memory_space<vmem>>
      %dma_start3A_646 = arith.constant 0 : i32
      %dma_start3A_647 = tpu.memref_slice %arg6[%squeeze3A_637, %dma_start3A_646] : memref<1000000x64xf32, #tpu.memory_space<hbm>> -> memref<1x64xf32, #tpu.memory_space<hbm>>
      tpu.enqueue_dma source(%dma_start3A_647 : memref<1x64xf32, #tpu.memory_space<hbm>>) target(%dma_start3A_645 : memref<1x64xf32, #tpu.memory_space<vmem>>) target_semaphore(%arg23 : memref<!tpu.dma_semaphore, #tpu.memory_space<semaphore_mem>>)
      %slice3A_648 = vector.extract_strided_slice %get3A_453 {offsets = [8], sizes = [1], strides = [1]} : vector<16xi32> to vector<1xi32>
      %squeeze3A_649 = vector.extract %slice3A_648[0] : i32 from vector<1xi32>
      %dma_start3A_650 = arith.constant 8 : i32
      %dma_start3A_651 = arith.constant 0 : i32
      %dma_start3A_652 = tpu.memref_slice %arg16[%dma_start3A_650, %dma_start3A_651] : memref<16x64xf32, #tpu.memory_space<vmem>> -> memref<1x64xf32, #tpu.memory_space<vmem>>
      %dma_start3A_653 = arith.constant 0 : i32
      %dma_start3A_654 = tpu.memref_slice %arg5[%squeeze3A_649, %dma_start3A_653] : memref<1000000x64xf32, #tpu.memory_space<hbm>> -> memref<1x64xf32, #tpu.memory_space<hbm>>
      %dma_start3A_655 = arith.constant 8 : i32
      %dma_start3A_656 = arith.constant 0 : i32
      %dma_start3A_657 = tpu.memref_slice %arg16[%dma_start3A_655, %dma_start3A_656] : memref<16x64xf32, #tpu.memory_space<vmem>> -> memref<1x64xf32, #tpu.memory_space<vmem>>
      %dma_start3A_658 = arith.constant 0 : i32
      %dma_start3A_659 = tpu.memref_slice %arg5[%squeeze3A_649, %dma_start3A_658] : memref<1000000x64xf32, #tpu.memory_space<hbm>> -> memref<1x64xf32, #tpu.memory_space<hbm>>
      tpu.enqueue_dma source(%dma_start3A_659 : memref<1x64xf32, #tpu.memory_space<hbm>>) target(%dma_start3A_657 : memref<1x64xf32, #tpu.memory_space<vmem>>) target_semaphore(%arg23 : memref<!tpu.dma_semaphore, #tpu.memory_space<semaphore_mem>>)
      %slice3A_660 = vector.extract_strided_slice %get3A_455 {offsets = [8], sizes = [1], strides = [1]} : vector<16xi32> to vector<1xi32>
      %squeeze3A_661 = vector.extract %slice3A_660[0] : i32 from vector<1xi32>
      %dma_start3A_662 = arith.constant 8 : i32
      %dma_start3A_663 = arith.constant 0 : i32
      %dma_start3A_664 = tpu.memref_slice %arg17[%dma_start3A_662, %dma_start3A_663] : memref<16x64xf32, #tpu.memory_space<vmem>> -> memref<1x64xf32, #tpu.memory_space<vmem>>
      %dma_start3A_665 = arith.constant 0 : i32
      %dma_start3A_666 = tpu.memref_slice %arg6[%squeeze3A_661, %dma_start3A_665] : memref<1000000x64xf32, #tpu.memory_space<hbm>> -> memref<1x64xf32, #tpu.memory_space<hbm>>
      %dma_start3A_667 = arith.constant 8 : i32
      %dma_start3A_668 = arith.constant 0 : i32
      %dma_start3A_669 = tpu.memref_slice %arg17[%dma_start3A_667, %dma_start3A_668] : memref<16x64xf32, #tpu.memory_space<vmem>> -> memref<1x64xf32, #tpu.memory_space<vmem>>
      %dma_start3A_670 = arith.constant 0 : i32
      %dma_start3A_671 = tpu.memref_slice %arg6[%squeeze3A_661, %dma_start3A_670] : memref<1000000x64xf32, #tpu.memory_space<hbm>> -> memref<1x64xf32, #tpu.memory_space<hbm>>
      tpu.enqueue_dma source(%dma_start3A_671 : memref<1x64xf32, #tpu.memory_space<hbm>>) target(%dma_start3A_669 : memref<1x64xf32, #tpu.memory_space<vmem>>) target_semaphore(%arg23 : memref<!tpu.dma_semaphore, #tpu.memory_space<semaphore_mem>>)
      %slice3A_672 = vector.extract_strided_slice %get3A_453 {offsets = [9], sizes = [1], strides = [1]} : vector<16xi32> to vector<1xi32>
      %squeeze3A_673 = vector.extract %slice3A_672[0] : i32 from vector<1xi32>
      %dma_start3A_674 = arith.constant 9 : i32
      %dma_start3A_675 = arith.constant 0 : i32
      %dma_start3A_676 = tpu.memref_slice %arg16[%dma_start3A_674, %dma_start3A_675] : memref<16x64xf32, #tpu.memory_space<vmem>> -> memref<1x64xf32, #tpu.memory_space<vmem>>
      %dma_start3A_677 = arith.constant 0 : i32
      %dma_start3A_678 = tpu.memref_slice %arg5[%squeeze3A_673, %dma_start3A_677] : memref<1000000x64xf32, #tpu.memory_space<hbm>> -> memref<1x64xf32, #tpu.memory_space<hbm>>
      %dma_start3A_679 = arith.constant 9 : i32
      %dma_start3A_680 = arith.constant 0 : i32
      %dma_start3A_681 = tpu.memref_slice %arg16[%dma_start3A_679, %dma_start3A_680] : memref<16x64xf32, #tpu.memory_space<vmem>> -> memref<1x64xf32, #tpu.memory_space<vmem>>
      %dma_start3A_682 = arith.constant 0 : i32
      %dma_start3A_683 = tpu.memref_slice %arg5[%squeeze3A_673, %dma_start3A_682] : memref<1000000x64xf32, #tpu.memory_space<hbm>> -> memref<1x64xf32, #tpu.memory_space<hbm>>
      tpu.enqueue_dma source(%dma_start3A_683 : memref<1x64xf32, #tpu.memory_space<hbm>>) target(%dma_start3A_681 : memref<1x64xf32, #tpu.memory_space<vmem>>) target_semaphore(%arg23 : memref<!tpu.dma_semaphore, #tpu.memory_space<semaphore_mem>>)
      %slice3A_684 = vector.extract_strided_slice %get3A_455 {offsets = [9], sizes = [1], strides = [1]} : vector<16xi32> to vector<1xi32>
      %squeeze3A_685 = vector.extract %slice3A_684[0] : i32 from vector<1xi32>
      %dma_start3A_686 = arith.constant 9 : i32
      %dma_start3A_687 = arith.constant 0 : i32
      %dma_start3A_688 = tpu.memref_slice %arg17[%dma_start3A_686, %dma_start3A_687] : memref<16x64xf32, #tpu.memory_space<vmem>> -> memref<1x64xf32, #tpu.memory_space<vmem>>
      %dma_start3A_689 = arith.constant 0 : i32
      %dma_start3A_690 = tpu.memref_slice %arg6[%squeeze3A_685, %dma_start3A_689] : memref<1000000x64xf32, #tpu.memory_space<hbm>> -> memref<1x64xf32, #tpu.memory_space<hbm>>
      %dma_start3A_691 = arith.constant 9 : i32
      %dma_start3A_692 = arith.constant 0 : i32
      %dma_start3A_693 = tpu.memref_slice %arg17[%dma_start3A_691, %dma_start3A_692] : memref<16x64xf32, #tpu.memory_space<vmem>> -> memref<1x64xf32, #tpu.memory_space<vmem>>
      %dma_start3A_694 = arith.constant 0 : i32
      %dma_start3A_695 = tpu.memref_slice %arg6[%squeeze3A_685, %dma_start3A_694] : memref<1000000x64xf32, #tpu.memory_space<hbm>> -> memref<1x64xf32, #tpu.memory_space<hbm>>
      tpu.enqueue_dma source(%dma_start3A_695 : memref<1x64xf32, #tpu.memory_space<hbm>>) target(%dma_start3A_693 : memref<1x64xf32, #tpu.memory_space<vmem>>) target_semaphore(%arg23 : memref<!tpu.dma_semaphore, #tpu.memory_space<semaphore_mem>>)
      %slice3A_696 = vector.extract_strided_slice %get3A_453 {offsets = [10], sizes = [1], strides = [1]} : vector<16xi32> to vector<1xi32>
      %squeeze3A_697 = vector.extract %slice3A_696[0] : i32 from vector<1xi32>
      %dma_start3A_698 = arith.constant 10 : i32
      %dma_start3A_699 = arith.constant 0 : i32
      %dma_start3A_700 = tpu.memref_slice %arg16[%dma_start3A_698, %dma_start3A_699] : memref<16x64xf32, #tpu.memory_space<vmem>> -> memref<1x64xf32, #tpu.memory_space<vmem>>
      %dma_start3A_701 = arith.constant 0 : i32
      %dma_start3A_702 = tpu.memref_slice %arg5[%squeeze3A_697, %dma_start3A_701] : memref<1000000x64xf32, #tpu.memory_space<hbm>> -> memref<1x64xf32, #tpu.memory_space<hbm>>
      %dma_start3A_703 = arith.constant 10 : i32
      %dma_start3A_704 = arith.constant 0 : i32
      %dma_start3A_705 = tpu.memref_slice %arg16[%dma_start3A_703, %dma_start3A_704] : memref<16x64xf32, #tpu.memory_space<vmem>> -> memref<1x64xf32, #tpu.memory_space<vmem>>
      %dma_start3A_706 = arith.constant 0 : i32
      %dma_start3A_707 = tpu.memref_slice %arg5[%squeeze3A_697, %dma_start3A_706] : memref<1000000x64xf32, #tpu.memory_space<hbm>> -> memref<1x64xf32, #tpu.memory_space<hbm>>
      tpu.enqueue_dma source(%dma_start3A_707 : memref<1x64xf32, #tpu.memory_space<hbm>>) target(%dma_start3A_705 : memref<1x64xf32, #tpu.memory_space<vmem>>) target_semaphore(%arg23 : memref<!tpu.dma_semaphore, #tpu.memory_space<semaphore_mem>>)
      %slice3A_708 = vector.extract_strided_slice %get3A_455 {offsets = [10], sizes = [1], strides = [1]} : vector<16xi32> to vector<1xi32>
      %squeeze3A_709 = vector.extract %slice3A_708[0] : i32 from vector<1xi32>
      %dma_start3A_710 = arith.constant 10 : i32
      %dma_start3A_711 = arith.constant 0 : i32
      %dma_start3A_712 = tpu.memref_slice %arg17[%dma_start3A_710, %dma_start3A_711] : memref<16x64xf32, #tpu.memory_space<vmem>> -> memref<1x64xf32, #tpu.memory_space<vmem>>
      %dma_start3A_713 = arith.constant 0 : i32
      %dma_start3A_714 = tpu.memref_slice %arg6[%squeeze3A_709, %dma_start3A_713] : memref<1000000x64xf32, #tpu.memory_space<hbm>> -> memref<1x64xf32, #tpu.memory_space<hbm>>
      %dma_start3A_715 = arith.constant 10 : i32
      %dma_start3A_716 = arith.constant 0 : i32
      %dma_start3A_717 = tpu.memref_slice %arg17[%dma_start3A_715, %dma_start3A_716] : memref<16x64xf32, #tpu.memory_space<vmem>> -> memref<1x64xf32, #tpu.memory_space<vmem>>
      %dma_start3A_718 = arith.constant 0 : i32
      %dma_start3A_719 = tpu.memref_slice %arg6[%squeeze3A_709, %dma_start3A_718] : memref<1000000x64xf32, #tpu.memory_space<hbm>> -> memref<1x64xf32, #tpu.memory_space<hbm>>
      tpu.enqueue_dma source(%dma_start3A_719 : memref<1x64xf32, #tpu.memory_space<hbm>>) target(%dma_start3A_717 : memref<1x64xf32, #tpu.memory_space<vmem>>) target_semaphore(%arg23 : memref<!tpu.dma_semaphore, #tpu.memory_space<semaphore_mem>>)
      %slice3A_720 = vector.extract_strided_slice %get3A_453 {offsets = [11], sizes = [1], strides = [1]} : vector<16xi32> to vector<1xi32>
      %squeeze3A_721 = vector.extract %slice3A_720[0] : i32 from vector<1xi32>
      %dma_start3A_722 = arith.constant 11 : i32
      %dma_start3A_723 = arith.constant 0 : i32
      %dma_start3A_724 = tpu.memref_slice %arg16[%dma_start3A_722, %dma_start3A_723] : memref<16x64xf32, #tpu.memory_space<vmem>> -> memref<1x64xf32, #tpu.memory_space<vmem>>
      %dma_start3A_725 = arith.constant 0 : i32
      %dma_start3A_726 = tpu.memref_slice %arg5[%squeeze3A_721, %dma_start3A_725] : memref<1000000x64xf32, #tpu.memory_space<hbm>> -> memref<1x64xf32, #tpu.memory_space<hbm>>
      %dma_start3A_727 = arith.constant 11 : i32
      %dma_start3A_728 = arith.constant 0 : i32
      %dma_start3A_729 = tpu.memref_slice %arg16[%dma_start3A_727, %dma_start3A_728] : memref<16x64xf32, #tpu.memory_space<vmem>> -> memref<1x64xf32, #tpu.memory_space<vmem>>
      %dma_start3A_730 = arith.constant 0 : i32
      %dma_start3A_731 = tpu.memref_slice %arg5[%squeeze3A_721, %dma_start3A_730] : memref<1000000x64xf32, #tpu.memory_space<hbm>> -> memref<1x64xf32, #tpu.memory_space<hbm>>
      tpu.enqueue_dma source(%dma_start3A_731 : memref<1x64xf32, #tpu.memory_space<hbm>>) target(%dma_start3A_729 : memref<1x64xf32, #tpu.memory_space<vmem>>) target_semaphore(%arg23 : memref<!tpu.dma_semaphore, #tpu.memory_space<semaphore_mem>>)
      %slice3A_732 = vector.extract_strided_slice %get3A_455 {offsets = [11], sizes = [1], strides = [1]} : vector<16xi32> to vector<1xi32>
      %squeeze3A_733 = vector.extract %slice3A_732[0] : i32 from vector<1xi32>
      %dma_start3A_734 = arith.constant 11 : i32
      %dma_start3A_735 = arith.constant 0 : i32
      %dma_start3A_736 = tpu.memref_slice %arg17[%dma_start3A_734, %dma_start3A_735] : memref<16x64xf32, #tpu.memory_space<vmem>> -> memref<1x64xf32, #tpu.memory_space<vmem>>
      %dma_start3A_737 = arith.constant 0 : i32
      %dma_start3A_738 = tpu.memref_slice %arg6[%squeeze3A_733, %dma_start3A_737] : memref<1000000x64xf32, #tpu.memory_space<hbm>> -> memref<1x64xf32, #tpu.memory_space<hbm>>
      %dma_start3A_739 = arith.constant 11 : i32
      %dma_start3A_740 = arith.constant 0 : i32
      %dma_start3A_741 = tpu.memref_slice %arg17[%dma_start3A_739, %dma_start3A_740] : memref<16x64xf32, #tpu.memory_space<vmem>> -> memref<1x64xf32, #tpu.memory_space<vmem>>
      %dma_start3A_742 = arith.constant 0 : i32
      %dma_start3A_743 = tpu.memref_slice %arg6[%squeeze3A_733, %dma_start3A_742] : memref<1000000x64xf32, #tpu.memory_space<hbm>> -> memref<1x64xf32, #tpu.memory_space<hbm>>
      tpu.enqueue_dma source(%dma_start3A_743 : memref<1x64xf32, #tpu.memory_space<hbm>>) target(%dma_start3A_741 : memref<1x64xf32, #tpu.memory_space<vmem>>) target_semaphore(%arg23 : memref<!tpu.dma_semaphore, #tpu.memory_space<semaphore_mem>>)
      %slice3A_744 = vector.extract_strided_slice %get3A_453 {offsets = [12], sizes = [1], strides = [1]} : vector<16xi32> to vector<1xi32>
      %squeeze3A_745 = vector.extract %slice3A_744[0] : i32 from vector<1xi32>
      %dma_start3A_746 = arith.constant 12 : i32
      %dma_start3A_747 = arith.constant 0 : i32
      %dma_start3A_748 = tpu.memref_slice %arg16[%dma_start3A_746, %dma_start3A_747] : memref<16x64xf32, #tpu.memory_space<vmem>> -> memref<1x64xf32, #tpu.memory_space<vmem>>
      %dma_start3A_749 = arith.constant 0 : i32
      %dma_start3A_750 = tpu.memref_slice %arg5[%squeeze3A_745, %dma_start3A_749] : memref<1000000x64xf32, #tpu.memory_space<hbm>> -> memref<1x64xf32, #tpu.memory_space<hbm>>
      %dma_start3A_751 = arith.constant 12 : i32
      %dma_start3A_752 = arith.constant 0 : i32
      %dma_start3A_753 = tpu.memref_slice %arg16[%dma_start3A_751, %dma_start3A_752] : memref<16x64xf32, #tpu.memory_space<vmem>> -> memref<1x64xf32, #tpu.memory_space<vmem>>
      %dma_start3A_754 = arith.constant 0 : i32
      %dma_start3A_755 = tpu.memref_slice %arg5[%squeeze3A_745, %dma_start3A_754] : memref<1000000x64xf32, #tpu.memory_space<hbm>> -> memref<1x64xf32, #tpu.memory_space<hbm>>
      tpu.enqueue_dma source(%dma_start3A_755 : memref<1x64xf32, #tpu.memory_space<hbm>>) target(%dma_start3A_753 : memref<1x64xf32, #tpu.memory_space<vmem>>) target_semaphore(%arg23 : memref<!tpu.dma_semaphore, #tpu.memory_space<semaphore_mem>>)
      %slice3A_756 = vector.extract_strided_slice %get3A_455 {offsets = [12], sizes = [1], strides = [1]} : vector<16xi32> to vector<1xi32>
      %squeeze3A_757 = vector.extract %slice3A_756[0] : i32 from vector<1xi32>
      %dma_start3A_758 = arith.constant 12 : i32
      %dma_start3A_759 = arith.constant 0 : i32
      %dma_start3A_760 = tpu.memref_slice %arg17[%dma_start3A_758, %dma_start3A_759] : memref<16x64xf32, #tpu.memory_space<vmem>> -> memref<1x64xf32, #tpu.memory_space<vmem>>
      %dma_start3A_761 = arith.constant 0 : i32
      %dma_start3A_762 = tpu.memref_slice %arg6[%squeeze3A_757, %dma_start3A_761] : memref<1000000x64xf32, #tpu.memory_space<hbm>> -> memref<1x64xf32, #tpu.memory_space<hbm>>
      %dma_start3A_763 = arith.constant 12 : i32
      %dma_start3A_764 = arith.constant 0 : i32
      %dma_start3A_765 = tpu.memref_slice %arg17[%dma_start3A_763, %dma_start3A_764] : memref<16x64xf32, #tpu.memory_space<vmem>> -> memref<1x64xf32, #tpu.memory_space<vmem>>
      %dma_start3A_766 = arith.constant 0 : i32
      %dma_start3A_767 = tpu.memref_slice %arg6[%squeeze3A_757, %dma_start3A_766] : memref<1000000x64xf32, #tpu.memory_space<hbm>> -> memref<1x64xf32, #tpu.memory_space<hbm>>
      tpu.enqueue_dma source(%dma_start3A_767 : memref<1x64xf32, #tpu.memory_space<hbm>>) target(%dma_start3A_765 : memref<1x64xf32, #tpu.memory_space<vmem>>) target_semaphore(%arg23 : memref<!tpu.dma_semaphore, #tpu.memory_space<semaphore_mem>>)
      %slice3A_768 = vector.extract_strided_slice %get3A_453 {offsets = [13], sizes = [1], strides = [1]} : vector<16xi32> to vector<1xi32>
      %squeeze3A_769 = vector.extract %slice3A_768[0] : i32 from vector<1xi32>
      %dma_start3A_770 = arith.constant 13 : i32
      %dma_start3A_771 = arith.constant 0 : i32
      %dma_start3A_772 = tpu.memref_slice %arg16[%dma_start3A_770, %dma_start3A_771] : memref<16x64xf32, #tpu.memory_space<vmem>> -> memref<1x64xf32, #tpu.memory_space<vmem>>
      %dma_start3A_773 = arith.constant 0 : i32
      %dma_start3A_774 = tpu.memref_slice %arg5[%squeeze3A_769, %dma_start3A_773] : memref<1000000x64xf32, #tpu.memory_space<hbm>> -> memref<1x64xf32, #tpu.memory_space<hbm>>
      %dma_start3A_775 = arith.constant 13 : i32
      %dma_start3A_776 = arith.constant 0 : i32
      %dma_start3A_777 = tpu.memref_slice %arg16[%dma_start3A_775, %dma_start3A_776] : memref<16x64xf32, #tpu.memory_space<vmem>> -> memref<1x64xf32, #tpu.memory_space<vmem>>
      %dma_start3A_778 = arith.constant 0 : i32
      %dma_start3A_779 = tpu.memref_slice %arg5[%squeeze3A_769, %dma_start3A_778] : memref<1000000x64xf32, #tpu.memory_space<hbm>> -> memref<1x64xf32, #tpu.memory_space<hbm>>
      tpu.enqueue_dma source(%dma_start3A_779 : memref<1x64xf32, #tpu.memory_space<hbm>>) target(%dma_start3A_777 : memref<1x64xf32, #tpu.memory_space<vmem>>) target_semaphore(%arg23 : memref<!tpu.dma_semaphore, #tpu.memory_space<semaphore_mem>>)
      %slice3A_780 = vector.extract_strided_slice %get3A_455 {offsets = [13], sizes = [1], strides = [1]} : vector<16xi32> to vector<1xi32>
      %squeeze3A_781 = vector.extract %slice3A_780[0] : i32 from vector<1xi32>
      %dma_start3A_782 = arith.constant 13 : i32
      %dma_start3A_783 = arith.constant 0 : i32
      %dma_start3A_784 = tpu.memref_slice %arg17[%dma_start3A_782, %dma_start3A_783] : memref<16x64xf32, #tpu.memory_space<vmem>> -> memref<1x64xf32, #tpu.memory_space<vmem>>
      %dma_start3A_785 = arith.constant 0 : i32
      %dma_start3A_786 = tpu.memref_slice %arg6[%squeeze3A_781, %dma_start3A_785] : memref<1000000x64xf32, #tpu.memory_space<hbm>> -> memref<1x64xf32, #tpu.memory_space<hbm>>
      %dma_start3A_787 = arith.constant 13 : i32
      %dma_start3A_788 = arith.constant 0 : i32
      %dma_start3A_789 = tpu.memref_slice %arg17[%dma_start3A_787, %dma_start3A_788] : memref<16x64xf32, #tpu.memory_space<vmem>> -> memref<1x64xf32, #tpu.memory_space<vmem>>
      %dma_start3A_790 = arith.constant 0 : i32
      %dma_start3A_791 = tpu.memref_slice %arg6[%squeeze3A_781, %dma_start3A_790] : memref<1000000x64xf32, #tpu.memory_space<hbm>> -> memref<1x64xf32, #tpu.memory_space<hbm>>
      tpu.enqueue_dma source(%dma_start3A_791 : memref<1x64xf32, #tpu.memory_space<hbm>>) target(%dma_start3A_789 : memref<1x64xf32, #tpu.memory_space<vmem>>) target_semaphore(%arg23 : memref<!tpu.dma_semaphore, #tpu.memory_space<semaphore_mem>>)
      %slice3A_792 = vector.extract_strided_slice %get3A_453 {offsets = [14], sizes = [1], strides = [1]} : vector<16xi32> to vector<1xi32>
      %squeeze3A_793 = vector.extract %slice3A_792[0] : i32 from vector<1xi32>
      %dma_start3A_794 = arith.constant 14 : i32
      %dma_start3A_795 = arith.constant 0 : i32
      %dma_start3A_796 = tpu.memref_slice %arg16[%dma_start3A_794, %dma_start3A_795] : memref<16x64xf32, #tpu.memory_space<vmem>> -> memref<1x64xf32, #tpu.memory_space<vmem>>
      %dma_start3A_797 = arith.constant 0 : i32
      %dma_start3A_798 = tpu.memref_slice %arg5[%squeeze3A_793, %dma_start3A_797] : memref<1000000x64xf32, #tpu.memory_space<hbm>> -> memref<1x64xf32, #tpu.memory_space<hbm>>
      %dma_start3A_799 = arith.constant 14 : i32
      %dma_start3A_800 = arith.constant 0 : i32
      %dma_start3A_801 = tpu.memref_slice %arg16[%dma_start3A_799, %dma_start3A_800] : memref<16x64xf32, #tpu.memory_space<vmem>> -> memref<1x64xf32, #tpu.memory_space<vmem>>
      %dma_start3A_802 = arith.constant 0 : i32
      %dma_start3A_803 = tpu.memref_slice %arg5[%squeeze3A_793, %dma_start3A_802] : memref<1000000x64xf32, #tpu.memory_space<hbm>> -> memref<1x64xf32, #tpu.memory_space<hbm>>
      tpu.enqueue_dma source(%dma_start3A_803 : memref<1x64xf32, #tpu.memory_space<hbm>>) target(%dma_start3A_801 : memref<1x64xf32, #tpu.memory_space<vmem>>) target_semaphore(%arg23 : memref<!tpu.dma_semaphore, #tpu.memory_space<semaphore_mem>>)
      %slice3A_804 = vector.extract_strided_slice %get3A_455 {offsets = [14], sizes = [1], strides = [1]} : vector<16xi32> to vector<1xi32>
      %squeeze3A_805 = vector.extract %slice3A_804[0] : i32 from vector<1xi32>
      %dma_start3A_806 = arith.constant 14 : i32
      %dma_start3A_807 = arith.constant 0 : i32
      %dma_start3A_808 = tpu.memref_slice %arg17[%dma_start3A_806, %dma_start3A_807] : memref<16x64xf32, #tpu.memory_space<vmem>> -> memref<1x64xf32, #tpu.memory_space<vmem>>
      %dma_start3A_809 = arith.constant 0 : i32
      %dma_start3A_810 = tpu.memref_slice %arg6[%squeeze3A_805, %dma_start3A_809] : memref<1000000x64xf32, #tpu.memory_space<hbm>> -> memref<1x64xf32, #tpu.memory_space<hbm>>
      %dma_start3A_811 = arith.constant 14 : i32
      %dma_start3A_812 = arith.constant 0 : i32
      %dma_start3A_813 = tpu.memref_slice %arg17[%dma_start3A_811, %dma_start3A_812] : memref<16x64xf32, #tpu.memory_space<vmem>> -> memref<1x64xf32, #tpu.memory_space<vmem>>
      %dma_start3A_814 = arith.constant 0 : i32
      %dma_start3A_815 = tpu.memref_slice %arg6[%squeeze3A_805, %dma_start3A_814] : memref<1000000x64xf32, #tpu.memory_space<hbm>> -> memref<1x64xf32, #tpu.memory_space<hbm>>
      tpu.enqueue_dma source(%dma_start3A_815 : memref<1x64xf32, #tpu.memory_space<hbm>>) target(%dma_start3A_813 : memref<1x64xf32, #tpu.memory_space<vmem>>) target_semaphore(%arg23 : memref<!tpu.dma_semaphore, #tpu.memory_space<semaphore_mem>>)
      %slice3A_816 = vector.extract_strided_slice %get3A_453 {offsets = [15], sizes = [1], strides = [1]} : vector<16xi32> to vector<1xi32>
      %squeeze3A_817 = vector.extract %slice3A_816[0] : i32 from vector<1xi32>
      %dma_start3A_818 = arith.constant 15 : i32
      %dma_start3A_819 = arith.constant 0 : i32
      %dma_start3A_820 = tpu.memref_slice %arg16[%dma_start3A_818, %dma_start3A_819] : memref<16x64xf32, #tpu.memory_space<vmem>> -> memref<1x64xf32, #tpu.memory_space<vmem>>
      %dma_start3A_821 = arith.constant 0 : i32
      %dma_start3A_822 = tpu.memref_slice %arg5[%squeeze3A_817, %dma_start3A_821] : memref<1000000x64xf32, #tpu.memory_space<hbm>> -> memref<1x64xf32, #tpu.memory_space<hbm>>
      %dma_start3A_823 = arith.constant 15 : i32
      %dma_start3A_824 = arith.constant 0 : i32
      %dma_start3A_825 = tpu.memref_slice %arg16[%dma_start3A_823, %dma_start3A_824] : memref<16x64xf32, #tpu.memory_space<vmem>> -> memref<1x64xf32, #tpu.memory_space<vmem>>
      %dma_start3A_826 = arith.constant 0 : i32
      %dma_start3A_827 = tpu.memref_slice %arg5[%squeeze3A_817, %dma_start3A_826] : memref<1000000x64xf32, #tpu.memory_space<hbm>> -> memref<1x64xf32, #tpu.memory_space<hbm>>
      tpu.enqueue_dma source(%dma_start3A_827 : memref<1x64xf32, #tpu.memory_space<hbm>>) target(%dma_start3A_825 : memref<1x64xf32, #tpu.memory_space<vmem>>) target_semaphore(%arg23 : memref<!tpu.dma_semaphore, #tpu.memory_space<semaphore_mem>>)
      %slice3A_828 = vector.extract_strided_slice %get3A_455 {offsets = [15], sizes = [1], strides = [1]} : vector<16xi32> to vector<1xi32>
      %squeeze3A_829 = vector.extract %slice3A_828[0] : i32 from vector<1xi32>
      %dma_start3A_830 = arith.constant 15 : i32
      %dma_start3A_831 = arith.constant 0 : i32
      %dma_start3A_832 = tpu.memref_slice %arg17[%dma_start3A_830, %dma_start3A_831] : memref<16x64xf32, #tpu.memory_space<vmem>> -> memref<1x64xf32, #tpu.memory_space<vmem>>
      %dma_start3A_833 = arith.constant 0 : i32
      %dma_start3A_834 = tpu.memref_slice %arg6[%squeeze3A_829, %dma_start3A_833] : memref<1000000x64xf32, #tpu.memory_space<hbm>> -> memref<1x64xf32, #tpu.memory_space<hbm>>
      %dma_start3A_835 = arith.constant 15 : i32
      %dma_start3A_836 = arith.constant 0 : i32
      %dma_start3A_837 = tpu.memref_slice %arg17[%dma_start3A_835, %dma_start3A_836] : memref<16x64xf32, #tpu.memory_space<vmem>> -> memref<1x64xf32, #tpu.memory_space<vmem>>
      %dma_start3A_838 = arith.constant 0 : i32
      %dma_start3A_839 = tpu.memref_slice %arg6[%squeeze3A_829, %dma_start3A_838] : memref<1000000x64xf32, #tpu.memory_space<hbm>> -> memref<1x64xf32, #tpu.memory_space<hbm>>
      tpu.enqueue_dma source(%dma_start3A_839 : memref<1x64xf32, #tpu.memory_space<hbm>>) target(%dma_start3A_837 : memref<1x64xf32, #tpu.memory_space<vmem>>) target_semaphore(%arg23 : memref<!tpu.dma_semaphore, #tpu.memory_space<semaphore_mem>>)
      %scan3A_840 = arith.constant 0 : i32
      %scan3A_841 = arith.constant 0 : i32
      %scan3A_842 = arith.constant 20 : i32
      %scan3A_843 = arith.addi %scan3A_841, %scan3A_842 : i32
      %scan3A_844 = arith.constant 1 : i32
      scf.for %scan3A_903 = %scan3A_841 to %scan3A_843 step %scan3A_844  : i32 {
        %mul3A_904 = arith.constant 16 : i32
        %mul3A_905 = arith.muli %scan3A_903, %mul3A_904 : i32
        %get3A_906 = arith.index_cast %mul3A_905 : i32 to index
        %get3A_907 = tpu.vector_load %arg12[%get3A_906] {strides = array<i32>} : memref<320xi32, #tpu.memory_space<vmem>>, vector<16xi32>,
        %slice3A_908 = vector.extract_strided_slice %get3A_907 {offsets = [0], sizes = [1], strides = [1]} : vector<16xi32> to vector<1xi32>
        %squeeze3A_909 = vector.extract %slice3A_908[0] : i32 from vector<1xi32>
        %mul3A_910 = arith.constant 16 : i32
        %mul3A_911 = arith.muli %scan3A_903, %mul3A_910 : i32
        %add3A_912 = arith.constant 0 : i32
        %add3A_913 = arith.addi %mul3A_911, %add3A_912 : i32
        %dma_start3A_914 = arith.constant 0 : i32
        %dma_start3A_915 = tpu.memref_slice %arg18[%add3A_913, %dma_start3A_914] : memref<320x64xf32, #tpu.memory_space<vmem>> -> memref<1x64xf32, #tpu.memory_space<vmem>>
        %dma_start3A_916 = arith.constant 0 : i32
        %dma_start3A_917 = tpu.memref_slice %arg6[%squeeze3A_909, %dma_start3A_916] : memref<1000000x64xf32, #tpu.memory_space<hbm>> -> memref<1x64xf32, #tpu.memory_space<hbm>>
        %dma_start3A_918 = arith.constant 0 : i32
        %dma_start3A_919 = tpu.memref_slice %arg18[%add3A_913, %dma_start3A_918] : memref<320x64xf32, #tpu.memory_space<vmem>> -> memref<1x64xf32, #tpu.memory_space<vmem>>
        %dma_start3A_920 = arith.constant 0 : i32
        %dma_start3A_921 = tpu.memref_slice %arg6[%squeeze3A_909, %dma_start3A_920] : memref<1000000x64xf32, #tpu.memory_space<hbm>> -> memref<1x64xf32, #tpu.memory_space<hbm>>
        tpu.enqueue_dma source(%dma_start3A_921 : memref<1x64xf32, #tpu.memory_space<hbm>>) target(%dma_start3A_919 : memref<1x64xf32, #tpu.memory_space<vmem>>) target_semaphore(%arg23 : memref<!tpu.dma_semaphore, #tpu.memory_space<semaphore_mem>>)
        %slice3A_922 = vector.extract_strided_slice %get3A_907 {offsets = [1], sizes = [1], strides = [1]} : vector<16xi32> to vector<1xi32>
        %squeeze3A_923 = vector.extract %slice3A_922[0] : i32 from vector<1xi32>
        %mul3A_924 = arith.constant 16 : i32
        %mul3A_925 = arith.muli %scan3A_903, %mul3A_924 : i32
        %add3A_926 = arith.constant 1 : i32
        %add3A_927 = arith.addi %mul3A_925, %add3A_926 : i32
        %dma_start3A_928 = arith.constant 0 : i32
        %dma_start3A_929 = tpu.memref_slice %arg18[%add3A_927, %dma_start3A_928] : memref<320x64xf32, #tpu.memory_space<vmem>> -> memref<1x64xf32, #tpu.memory_space<vmem>>
        %dma_start3A_930 = arith.constant 0 : i32
        %dma_start3A_931 = tpu.memref_slice %arg6[%squeeze3A_923, %dma_start3A_930] : memref<1000000x64xf32, #tpu.memory_space<hbm>> -> memref<1x64xf32, #tpu.memory_space<hbm>>
        %dma_start3A_932 = arith.constant 0 : i32
        %dma_start3A_933 = tpu.memref_slice %arg18[%add3A_927, %dma_start3A_932] : memref<320x64xf32, #tpu.memory_space<vmem>> -> memref<1x64xf32, #tpu.memory_space<vmem>>
        %dma_start3A_934 = arith.constant 0 : i32
        %dma_start3A_935 = tpu.memref_slice %arg6[%squeeze3A_923, %dma_start3A_934] : memref<1000000x64xf32, #tpu.memory_space<hbm>> -> memref<1x64xf32, #tpu.memory_space<hbm>>
        tpu.enqueue_dma source(%dma_start3A_935 : memref<1x64xf32, #tpu.memory_space<hbm>>) target(%dma_start3A_933 : memref<1x64xf32, #tpu.memory_space<vmem>>) target_semaphore(%arg23 : memref<!tpu.dma_semaphore, #tpu.memory_space<semaphore_mem>>)
        %slice3A_936 = vector.extract_strided_slice %get3A_907 {offsets = [2], sizes = [1], strides = [1]} : vector<16xi32> to vector<1xi32>
        %squeeze3A_937 = vector.extract %slice3A_936[0] : i32 from vector<1xi32>
        %mul3A_938 = arith.constant 16 : i32
        %mul3A_939 = arith.muli %scan3A_903, %mul3A_938 : i32
        %add3A_940 = arith.constant 2 : i32
        %add3A_941 = arith.addi %mul3A_939, %add3A_940 : i32
        %dma_start3A_942 = arith.constant 0 : i32
        %dma_start3A_943 = tpu.memref_slice %arg18[%add3A_941, %dma_start3A_942] : memref<320x64xf32, #tpu.memory_space<vmem>> -> memref<1x64xf32, #tpu.memory_space<vmem>>
        %dma_start3A_944 = arith.constant 0 : i32
        %dma_start3A_945 = tpu.memref_slice %arg6[%squeeze3A_937, %dma_start3A_944] : memref<1000000x64xf32, #tpu.memory_space<hbm>> -> memref<1x64xf32, #tpu.memory_space<hbm>>
        %dma_start3A_946 = arith.constant 0 : i32
        %dma_start3A_947 = tpu.memref_slice %arg18[%add3A_941, %dma_start3A_946] : memref<320x64xf32, #tpu.memory_space<vmem>> -> memref<1x64xf32, #tpu.memory_space<vmem>>
        %dma_start3A_948 = arith.constant 0 : i32
        %dma_start3A_949 = tpu.memref_slice %arg6[%squeeze3A_937, %dma_start3A_948] : memref<1000000x64xf32, #tpu.memory_space<hbm>> -> memref<1x64xf32, #tpu.memory_space<hbm>>
        tpu.enqueue_dma source(%dma_start3A_949 : memref<1x64xf32, #tpu.memory_space<hbm>>) target(%dma_start3A_947 : memref<1x64xf32, #tpu.memory_space<vmem>>) target_semaphore(%arg23 : memref<!tpu.dma_semaphore, #tpu.memory_space<semaphore_mem>>)
        %slice3A_950 = vector.extract_strided_slice %get3A_907 {offsets = [3], sizes = [1], strides = [1]} : vector<16xi32> to vector<1xi32>
        %squeeze3A_951 = vector.extract %slice3A_950[0] : i32 from vector<1xi32>
        %mul3A_952 = arith.constant 16 : i32
        %mul3A_953 = arith.muli %scan3A_903, %mul3A_952 : i32
        %add3A_954 = arith.constant 3 : i32
        %add3A_955 = arith.addi %mul3A_953, %add3A_954 : i32
        %dma_start3A_956 = arith.constant 0 : i32
        %dma_start3A_957 = tpu.memref_slice %arg18[%add3A_955, %dma_start3A_956] : memref<320x64xf32, #tpu.memory_space<vmem>> -> memref<1x64xf32, #tpu.memory_space<vmem>>
        %dma_start3A_958 = arith.constant 0 : i32
        %dma_start3A_959 = tpu.memref_slice %arg6[%squeeze3A_951, %dma_start3A_958] : memref<1000000x64xf32, #tpu.memory_space<hbm>> -> memref<1x64xf32, #tpu.memory_space<hbm>>
        %dma_start3A_960 = arith.constant 0 : i32
        %dma_start3A_961 = tpu.memref_slice %arg18[%add3A_955, %dma_start3A_960] : memref<320x64xf32, #tpu.memory_space<vmem>> -> memref<1x64xf32, #tpu.memory_space<vmem>>
        %dma_start3A_962 = arith.constant 0 : i32
        %dma_start3A_963 = tpu.memref_slice %arg6[%squeeze3A_951, %dma_start3A_962] : memref<1000000x64xf32, #tpu.memory_space<hbm>> -> memref<1x64xf32, #tpu.memory_space<hbm>>
        tpu.enqueue_dma source(%dma_start3A_963 : memref<1x64xf32, #tpu.memory_space<hbm>>) target(%dma_start3A_961 : memref<1x64xf32, #tpu.memory_space<vmem>>) target_semaphore(%arg23 : memref<!tpu.dma_semaphore, #tpu.memory_space<semaphore_mem>>)
        %slice3A_964 = vector.extract_strided_slice %get3A_907 {offsets = [4], sizes = [1], strides = [1]} : vector<16xi32> to vector<1xi32>
        %squeeze3A_965 = vector.extract %slice3A_964[0] : i32 from vector<1xi32>
        %mul3A_966 = arith.constant 16 : i32
        %mul3A_967 = arith.muli %scan3A_903, %mul3A_966 : i32
        %add3A_968 = arith.constant 4 : i32
        %add3A_969 = arith.addi %mul3A_967, %add3A_968 : i32
        %dma_start3A_970 = arith.constant 0 : i32
        %dma_start3A_971 = tpu.memref_slice %arg18[%add3A_969, %dma_start3A_970] : memref<320x64xf32, #tpu.memory_space<vmem>> -> memref<1x64xf32, #tpu.memory_space<vmem>>
        %dma_start3A_972 = arith.constant 0 : i32
        %dma_start3A_973 = tpu.memref_slice %arg6[%squeeze3A_965, %dma_start3A_972] : memref<1000000x64xf32, #tpu.memory_space<hbm>> -> memref<1x64xf32, #tpu.memory_space<hbm>>
        %dma_start3A_974 = arith.constant 0 : i32
        %dma_start3A_975 = tpu.memref_slice %arg18[%add3A_969, %dma_start3A_974] : memref<320x64xf32, #tpu.memory_space<vmem>> -> memref<1x64xf32, #tpu.memory_space<vmem>>
        %dma_start3A_976 = arith.constant 0 : i32
        %dma_start3A_977 = tpu.memref_slice %arg6[%squeeze3A_965, %dma_start3A_976] : memref<1000000x64xf32, #tpu.memory_space<hbm>> -> memref<1x64xf32, #tpu.memory_space<hbm>>
        tpu.enqueue_dma source(%dma_start3A_977 : memref<1x64xf32, #tpu.memory_space<hbm>>) target(%dma_start3A_975 : memref<1x64xf32, #tpu.memory_space<vmem>>) target_semaphore(%arg23 : memref<!tpu.dma_semaphore, #tpu.memory_space<semaphore_mem>>)
        %slice3A_978 = vector.extract_strided_slice %get3A_907 {offsets = [5], sizes = [1], strides = [1]} : vector<16xi32> to vector<1xi32>
        %squeeze3A_979 = vector.extract %slice3A_978[0] : i32 from vector<1xi32>
        %mul3A_980 = arith.constant 16 : i32
        %mul3A_981 = arith.muli %scan3A_903, %mul3A_980 : i32
        %add3A_982 = arith.constant 5 : i32
        %add3A_983 = arith.addi %mul3A_981, %add3A_982 : i32
        %dma_start3A_984 = arith.constant 0 : i32
        %dma_start3A_985 = tpu.memref_slice %arg18[%add3A_983, %dma_start3A_984] : memref<320x64xf32, #tpu.memory_space<vmem>> -> memref<1x64xf32, #tpu.memory_space<vmem>>
        %dma_start3A_986 = arith.constant 0 : i32
        %dma_start3A_987 = tpu.memref_slice %arg6[%squeeze3A_979, %dma_start3A_986] : memref<1000000x64xf32, #tpu.memory_space<hbm>> -> memref<1x64xf32, #tpu.memory_space<hbm>>
        %dma_start3A_988 = arith.constant 0 : i32
        %dma_start3A_989 = tpu.memref_slice %arg18[%add3A_983, %dma_start3A_988] : memref<320x64xf32, #tpu.memory_space<vmem>> -> memref<1x64xf32, #tpu.memory_space<vmem>>
        %dma_start3A_990 = arith.constant 0 : i32
        %dma_start3A_991 = tpu.memref_slice %arg6[%squeeze3A_979, %dma_start3A_990] : memref<1000000x64xf32, #tpu.memory_space<hbm>> -> memref<1x64xf32, #tpu.memory_space<hbm>>
        tpu.enqueue_dma source(%dma_start3A_991 : memref<1x64xf32, #tpu.memory_space<hbm>>) target(%dma_start3A_989 : memref<1x64xf32, #tpu.memory_space<vmem>>) target_semaphore(%arg23 : memref<!tpu.dma_semaphore, #tpu.memory_space<semaphore_mem>>)
        %slice3A_992 = vector.extract_strided_slice %get3A_907 {offsets = [6], sizes = [1], strides = [1]} : vector<16xi32> to vector<1xi32>
        %squeeze3A_993 = vector.extract %slice3A_992[0] : i32 from vector<1xi32>
        %mul3A_994 = arith.constant 16 : i32
        %mul3A_995 = arith.muli %scan3A_903, %mul3A_994 : i32
        %add3A_996 = arith.constant 6 : i32
        %add3A_997 = arith.addi %mul3A_995, %add3A_996 : i32
        %dma_start3A_998 = arith.constant 0 : i32
        %dma_start3A_999 = tpu.memref_slice %arg18[%add3A_997, %dma_start3A_998] : memref<320x64xf32, #tpu.memory_space<vmem>> -> memref<1x64xf32, #tpu.memory_space<vmem>>
        %dma_start3A_1000 = arith.constant 0 : i32
        %dma_start3A_1001 = tpu.memref_slice %arg6[%squeeze3A_993, %dma_start3A_1000] : memref<1000000x64xf32, #tpu.memory_space<hbm>> -> memref<1x64xf32, #tpu.memory_space<hbm>>
        %dma_start3A_1002 = arith.constant 0 : i32
        %dma_start3A_1003 = tpu.memref_slice %arg18[%add3A_997, %dma_start3A_1002] : memref<320x64xf32, #tpu.memory_space<vmem>> -> memref<1x64xf32, #tpu.memory_space<vmem>>
        %dma_start3A_1004 = arith.constant 0 : i32
        %dma_start3A_1005 = tpu.memref_slice %arg6[%squeeze3A_993, %dma_start3A_1004] : memref<1000000x64xf32, #tpu.memory_space<hbm>> -> memref<1x64xf32, #tpu.memory_space<hbm>>
        tpu.enqueue_dma source(%dma_start3A_1005 : memref<1x64xf32, #tpu.memory_space<hbm>>) target(%dma_start3A_1003 : memref<1x64xf32, #tpu.memory_space<vmem>>) target_semaphore(%arg23 : memref<!tpu.dma_semaphore, #tpu.memory_space<semaphore_mem>>)
        %slice3A_1006 = vector.extract_strided_slice %get3A_907 {offsets = [7], sizes = [1], strides = [1]} : vector<16xi32> to vector<1xi32>
        %squeeze3A_1007 = vector.extract %slice3A_1006[0] : i32 from vector<1xi32>
        %mul3A_1008 = arith.constant 16 : i32
        %mul3A_1009 = arith.muli %scan3A_903, %mul3A_1008 : i32
        %add3A_1010 = arith.constant 7 : i32
        %add3A_1011 = arith.addi %mul3A_1009, %add3A_1010 : i32
        %dma_start3A_1012 = arith.constant 0 : i32
        %dma_start3A_1013 = tpu.memref_slice %arg18[%add3A_1011, %dma_start3A_1012] : memref<320x64xf32, #tpu.memory_space<vmem>> -> memref<1x64xf32, #tpu.memory_space<vmem>>
        %dma_start3A_1014 = arith.constant 0 : i32
        %dma_start3A_1015 = tpu.memref_slice %arg6[%squeeze3A_1007, %dma_start3A_1014] : memref<1000000x64xf32, #tpu.memory_space<hbm>> -> memref<1x64xf32, #tpu.memory_space<hbm>>
        %dma_start3A_1016 = arith.constant 0 : i32
        %dma_start3A_1017 = tpu.memref_slice %arg18[%add3A_1011, %dma_start3A_1016] : memref<320x64xf32, #tpu.memory_space<vmem>> -> memref<1x64xf32, #tpu.memory_space<vmem>>
        %dma_start3A_1018 = arith.constant 0 : i32
        %dma_start3A_1019 = tpu.memref_slice %arg6[%squeeze3A_1007, %dma_start3A_1018] : memref<1000000x64xf32, #tpu.memory_space<hbm>> -> memref<1x64xf32, #tpu.memory_space<hbm>>
        tpu.enqueue_dma source(%dma_start3A_1019 : memref<1x64xf32, #tpu.memory_space<hbm>>) target(%dma_start3A_1017 : memref<1x64xf32, #tpu.memory_space<vmem>>) target_semaphore(%arg23 : memref<!tpu.dma_semaphore, #tpu.memory_space<semaphore_mem>>)
        %slice3A_1020 = vector.extract_strided_slice %get3A_907 {offsets = [8], sizes = [1], strides = [1]} : vector<16xi32> to vector<1xi32>
        %squeeze3A_1021 = vector.extract %slice3A_1020[0] : i32 from vector<1xi32>
        %mul3A_1022 = arith.constant 16 : i32
        %mul3A_1023 = arith.muli %scan3A_903, %mul3A_1022 : i32
        %add3A_1024 = arith.constant 8 : i32
        %add3A_1025 = arith.addi %mul3A_1023, %add3A_1024 : i32
        %dma_start3A_1026 = arith.constant 0 : i32
        %dma_start3A_1027 = tpu.memref_slice %arg18[%add3A_1025, %dma_start3A_1026] : memref<320x64xf32, #tpu.memory_space<vmem>> -> memref<1x64xf32, #tpu.memory_space<vmem>>
        %dma_start3A_1028 = arith.constant 0 : i32
        %dma_start3A_1029 = tpu.memref_slice %arg6[%squeeze3A_1021, %dma_start3A_1028] : memref<1000000x64xf32, #tpu.memory_space<hbm>> -> memref<1x64xf32, #tpu.memory_space<hbm>>
        %dma_start3A_1030 = arith.constant 0 : i32
        %dma_start3A_1031 = tpu.memref_slice %arg18[%add3A_1025, %dma_start3A_1030] : memref<320x64xf32, #tpu.memory_space<vmem>> -> memref<1x64xf32, #tpu.memory_space<vmem>>
        %dma_start3A_1032 = arith.constant 0 : i32
        %dma_start3A_1033 = tpu.memref_slice %arg6[%squeeze3A_1021, %dma_start3A_1032] : memref<1000000x64xf32, #tpu.memory_space<hbm>> -> memref<1x64xf32, #tpu.memory_space<hbm>>
        tpu.enqueue_dma source(%dma_start3A_1033 : memref<1x64xf32, #tpu.memory_space<hbm>>) target(%dma_start3A_1031 : memref<1x64xf32, #tpu.memory_space<vmem>>) target_semaphore(%arg23 : memref<!tpu.dma_semaphore, #tpu.memory_space<semaphore_mem>>)
        %slice3A_1034 = vector.extract_strided_slice %get3A_907 {offsets = [9], sizes = [1], strides = [1]} : vector<16xi32> to vector<1xi32>
        %squeeze3A_1035 = vector.extract %slice3A_1034[0] : i32 from vector<1xi32>
        %mul3A_1036 = arith.constant 16 : i32
        %mul3A_1037 = arith.muli %scan3A_903, %mul3A_1036 : i32
        %add3A_1038 = arith.constant 9 : i32
        %add3A_1039 = arith.addi %mul3A_1037, %add3A_1038 : i32
        %dma_start3A_1040 = arith.constant 0 : i32
        %dma_start3A_1041 = tpu.memref_slice %arg18[%add3A_1039, %dma_start3A_1040] : memref<320x64xf32, #tpu.memory_space<vmem>> -> memref<1x64xf32, #tpu.memory_space<vmem>>
        %dma_start3A_1042 = arith.constant 0 : i32
        %dma_start3A_1043 = tpu.memref_slice %arg6[%squeeze3A_1035, %dma_start3A_1042] : memref<1000000x64xf32, #tpu.memory_space<hbm>> -> memref<1x64xf32, #tpu.memory_space<hbm>>
        %dma_start3A_1044 = arith.constant 0 : i32
        %dma_start3A_1045 = tpu.memref_slice %arg18[%add3A_1039, %dma_start3A_1044] : memref<320x64xf32, #tpu.memory_space<vmem>> -> memref<1x64xf32, #tpu.memory_space<vmem>>
        %dma_start3A_1046 = arith.constant 0 : i32
        %dma_start3A_1047 = tpu.memref_slice %arg6[%squeeze3A_1035, %dma_start3A_1046] : memref<1000000x64xf32, #tpu.memory_space<hbm>> -> memref<1x64xf32, #tpu.memory_space<hbm>>
        tpu.enqueue_dma source(%dma_start3A_1047 : memref<1x64xf32, #tpu.memory_space<hbm>>) target(%dma_start3A_1045 : memref<1x64xf32, #tpu.memory_space<vmem>>) target_semaphore(%arg23 : memref<!tpu.dma_semaphore, #tpu.memory_space<semaphore_mem>>)
        %slice3A_1048 = vector.extract_strided_slice %get3A_907 {offsets = [10], sizes = [1], strides = [1]} : vector<16xi32> to vector<1xi32>
        %squeeze3A_1049 = vector.extract %slice3A_1048[0] : i32 from vector<1xi32>
        %mul3A_1050 = arith.constant 16 : i32
        %mul3A_1051 = arith.muli %scan3A_903, %mul3A_1050 : i32
        %add3A_1052 = arith.constant 10 : i32
        %add3A_1053 = arith.addi %mul3A_1051, %add3A_1052 : i32
        %dma_start3A_1054 = arith.constant 0 : i32
        %dma_start3A_1055 = tpu.memref_slice %arg18[%add3A_1053, %dma_start3A_1054] : memref<320x64xf32, #tpu.memory_space<vmem>> -> memref<1x64xf32, #tpu.memory_space<vmem>>
        %dma_start3A_1056 = arith.constant 0 : i32
        %dma_start3A_1057 = tpu.memref_slice %arg6[%squeeze3A_1049, %dma_start3A_1056] : memref<1000000x64xf32, #tpu.memory_space<hbm>> -> memref<1x64xf32, #tpu.memory_space<hbm>>
        %dma_start3A_1058 = arith.constant 0 : i32
        %dma_start3A_1059 = tpu.memref_slice %arg18[%add3A_1053, %dma_start3A_1058] : memref<320x64xf32, #tpu.memory_space<vmem>> -> memref<1x64xf32, #tpu.memory_space<vmem>>
        %dma_start3A_1060 = arith.constant 0 : i32
        %dma_start3A_1061 = tpu.memref_slice %arg6[%squeeze3A_1049, %dma_start3A_1060] : memref<1000000x64xf32, #tpu.memory_space<hbm>> -> memref<1x64xf32, #tpu.memory_space<hbm>>
        tpu.enqueue_dma source(%dma_start3A_1061 : memref<1x64xf32, #tpu.memory_space<hbm>>) target(%dma_start3A_1059 : memref<1x64xf32, #tpu.memory_space<vmem>>) target_semaphore(%arg23 : memref<!tpu.dma_semaphore, #tpu.memory_space<semaphore_mem>>)
        %slice3A_1062 = vector.extract_strided_slice %get3A_907 {offsets = [11], sizes = [1], strides = [1]} : vector<16xi32> to vector<1xi32>
        %squeeze3A_1063 = vector.extract %slice3A_1062[0] : i32 from vector<1xi32>
        %mul3A_1064 = arith.constant 16 : i32
        %mul3A_1065 = arith.muli %scan3A_903, %mul3A_1064 : i32
        %add3A_1066 = arith.constant 11 : i32
        %add3A_1067 = arith.addi %mul3A_1065, %add3A_1066 : i32
        %dma_start3A_1068 = arith.constant 0 : i32
        %dma_start3A_1069 = tpu.memref_slice %arg18[%add3A_1067, %dma_start3A_1068] : memref<320x64xf32, #tpu.memory_space<vmem>> -> memref<1x64xf32, #tpu.memory_space<vmem>>
        %dma_start3A_1070 = arith.constant 0 : i32
        %dma_start3A_1071 = tpu.memref_slice %arg6[%squeeze3A_1063, %dma_start3A_1070] : memref<1000000x64xf32, #tpu.memory_space<hbm>> -> memref<1x64xf32, #tpu.memory_space<hbm>>
        %dma_start3A_1072 = arith.constant 0 : i32
        %dma_start3A_1073 = tpu.memref_slice %arg18[%add3A_1067, %dma_start3A_1072] : memref<320x64xf32, #tpu.memory_space<vmem>> -> memref<1x64xf32, #tpu.memory_space<vmem>>
        %dma_start3A_1074 = arith.constant 0 : i32
        %dma_start3A_1075 = tpu.memref_slice %arg6[%squeeze3A_1063, %dma_start3A_1074] : memref<1000000x64xf32, #tpu.memory_space<hbm>> -> memref<1x64xf32, #tpu.memory_space<hbm>>
        tpu.enqueue_dma source(%dma_start3A_1075 : memref<1x64xf32, #tpu.memory_space<hbm>>) target(%dma_start3A_1073 : memref<1x64xf32, #tpu.memory_space<vmem>>) target_semaphore(%arg23 : memref<!tpu.dma_semaphore, #tpu.memory_space<semaphore_mem>>)
        %slice3A_1076 = vector.extract_strided_slice %get3A_907 {offsets = [12], sizes = [1], strides = [1]} : vector<16xi32> to vector<1xi32>
        %squeeze3A_1077 = vector.extract %slice3A_1076[0] : i32 from vector<1xi32>
        %mul3A_1078 = arith.constant 16 : i32
        %mul3A_1079 = arith.muli %scan3A_903, %mul3A_1078 : i32
        %add3A_1080 = arith.constant 12 : i32
        %add3A_1081 = arith.addi %mul3A_1079, %add3A_1080 : i32
        %dma_start3A_1082 = arith.constant 0 : i32
        %dma_start3A_1083 = tpu.memref_slice %arg18[%add3A_1081, %dma_start3A_1082] : memref<320x64xf32, #tpu.memory_space<vmem>> -> memref<1x64xf32, #tpu.memory_space<vmem>>
        %dma_start3A_1084 = arith.constant 0 : i32
        %dma_start3A_1085 = tpu.memref_slice %arg6[%squeeze3A_1077, %dma_start3A_1084] : memref<1000000x64xf32, #tpu.memory_space<hbm>> -> memref<1x64xf32, #tpu.memory_space<hbm>>
        %dma_start3A_1086 = arith.constant 0 : i32
        %dma_start3A_1087 = tpu.memref_slice %arg18[%add3A_1081, %dma_start3A_1086] : memref<320x64xf32, #tpu.memory_space<vmem>> -> memref<1x64xf32, #tpu.memory_space<vmem>>
        %dma_start3A_1088 = arith.constant 0 : i32
        %dma_start3A_1089 = tpu.memref_slice %arg6[%squeeze3A_1077, %dma_start3A_1088] : memref<1000000x64xf32, #tpu.memory_space<hbm>> -> memref<1x64xf32, #tpu.memory_space<hbm>>
        tpu.enqueue_dma source(%dma_start3A_1089 : memref<1x64xf32, #tpu.memory_space<hbm>>) target(%dma_start3A_1087 : memref<1x64xf32, #tpu.memory_space<vmem>>) target_semaphore(%arg23 : memref<!tpu.dma_semaphore, #tpu.memory_space<semaphore_mem>>)
        %slice3A_1090 = vector.extract_strided_slice %get3A_907 {offsets = [13], sizes = [1], strides = [1]} : vector<16xi32> to vector<1xi32>
        %squeeze3A_1091 = vector.extract %slice3A_1090[0] : i32 from vector<1xi32>
        %mul3A_1092 = arith.constant 16 : i32
        %mul3A_1093 = arith.muli %scan3A_903, %mul3A_1092 : i32
        %add3A_1094 = arith.constant 13 : i32
        %add3A_1095 = arith.addi %mul3A_1093, %add3A_1094 : i32
        %dma_start3A_1096 = arith.constant 0 : i32
        %dma_start3A_1097 = tpu.memref_slice %arg18[%add3A_1095, %dma_start3A_1096] : memref<320x64xf32, #tpu.memory_space<vmem>> -> memref<1x64xf32, #tpu.memory_space<vmem>>
        %dma_start3A_1098 = arith.constant 0 : i32
        %dma_start3A_1099 = tpu.memref_slice %arg6[%squeeze3A_1091, %dma_start3A_1098] : memref<1000000x64xf32, #tpu.memory_space<hbm>> -> memref<1x64xf32, #tpu.memory_space<hbm>>
        %dma_start3A_1100 = arith.constant 0 : i32
        %dma_start3A_1101 = tpu.memref_slice %arg18[%add3A_1095, %dma_start3A_1100] : memref<320x64xf32, #tpu.memory_space<vmem>> -> memref<1x64xf32, #tpu.memory_space<vmem>>
        %dma_start3A_1102 = arith.constant 0 : i32
        %dma_start3A_1103 = tpu.memref_slice %arg6[%squeeze3A_1091, %dma_start3A_1102] : memref<1000000x64xf32, #tpu.memory_space<hbm>> -> memref<1x64xf32, #tpu.memory_space<hbm>>
        tpu.enqueue_dma source(%dma_start3A_1103 : memref<1x64xf32, #tpu.memory_space<hbm>>) target(%dma_start3A_1101 : memref<1x64xf32, #tpu.memory_space<vmem>>) target_semaphore(%arg23 : memref<!tpu.dma_semaphore, #tpu.memory_space<semaphore_mem>>)
        %slice3A_1104 = vector.extract_strided_slice %get3A_907 {offsets = [14], sizes = [1], strides = [1]} : vector<16xi32> to vector<1xi32>
        %squeeze3A_1105 = vector.extract %slice3A_1104[0] : i32 from vector<1xi32>
        %mul3A_1106 = arith.constant 16 : i32
        %mul3A_1107 = arith.muli %scan3A_903, %mul3A_1106 : i32
        %add3A_1108 = arith.constant 14 : i32
        %add3A_1109 = arith.addi %mul3A_1107, %add3A_1108 : i32
        %dma_start3A_1110 = arith.constant 0 : i32
        %dma_start3A_1111 = tpu.memref_slice %arg18[%add3A_1109, %dma_start3A_1110] : memref<320x64xf32, #tpu.memory_space<vmem>> -> memref<1x64xf32, #tpu.memory_space<vmem>>
        %dma_start3A_1112 = arith.constant 0 : i32
        %dma_start3A_1113 = tpu.memref_slice %arg6[%squeeze3A_1105, %dma_start3A_1112] : memref<1000000x64xf32, #tpu.memory_space<hbm>> -> memref<1x64xf32, #tpu.memory_space<hbm>>
        %dma_start3A_1114 = arith.constant 0 : i32
        %dma_start3A_1115 = tpu.memref_slice %arg18[%add3A_1109, %dma_start3A_1114] : memref<320x64xf32, #tpu.memory_space<vmem>> -> memref<1x64xf32, #tpu.memory_space<vmem>>
        %dma_start3A_1116 = arith.constant 0 : i32
        %dma_start3A_1117 = tpu.memref_slice %arg6[%squeeze3A_1105, %dma_start3A_1116] : memref<1000000x64xf32, #tpu.memory_space<hbm>> -> memref<1x64xf32, #tpu.memory_space<hbm>>
        tpu.enqueue_dma source(%dma_start3A_1117 : memref<1x64xf32, #tpu.memory_space<hbm>>) target(%dma_start3A_1115 : memref<1x64xf32, #tpu.memory_space<vmem>>) target_semaphore(%arg23 : memref<!tpu.dma_semaphore, #tpu.memory_space<semaphore_mem>>)
        %slice3A_1118 = vector.extract_strided_slice %get3A_907 {offsets = [15], sizes = [1], strides = [1]} : vector<16xi32> to vector<1xi32>
        %squeeze3A_1119 = vector.extract %slice3A_1118[0] : i32 from vector<1xi32>
        %mul3A_1120 = arith.constant 16 : i32
        %mul3A_1121 = arith.muli %scan3A_903, %mul3A_1120 : i32
        %add3A_1122 = arith.constant 15 : i32
        %add3A_1123 = arith.addi %mul3A_1121, %add3A_1122 : i32
        %dma_start3A_1124 = arith.constant 0 : i32
        %dma_start3A_1125 = tpu.memref_slice %arg18[%add3A_1123, %dma_start3A_1124] : memref<320x64xf32, #tpu.memory_space<vmem>> -> memref<1x64xf32, #tpu.memory_space<vmem>>
        %dma_start3A_1126 = arith.constant 0 : i32
        %dma_start3A_1127 = tpu.memref_slice %arg6[%squeeze3A_1119, %dma_start3A_1126] : memref<1000000x64xf32, #tpu.memory_space<hbm>> -> memref<1x64xf32, #tpu.memory_space<hbm>>
        %dma_start3A_1128 = arith.constant 0 : i32
        %dma_start3A_1129 = tpu.memref_slice %arg18[%add3A_1123, %dma_start3A_1128] : memref<320x64xf32, #tpu.memory_space<vmem>> -> memref<1x64xf32, #tpu.memory_space<vmem>>
        %dma_start3A_1130 = arith.constant 0 : i32
        %dma_start3A_1131 = tpu.memref_slice %arg6[%squeeze3A_1119, %dma_start3A_1130] : memref<1000000x64xf32, #tpu.memory_space<hbm>> -> memref<1x64xf32, #tpu.memory_space<hbm>>
        tpu.enqueue_dma source(%dma_start3A_1131 : memref<1x64xf32, #tpu.memory_space<hbm>>) target(%dma_start3A_1129 : memref<1x64xf32, #tpu.memory_space<vmem>>) target_semaphore(%arg23 : memref<!tpu.dma_semaphore, #tpu.memory_space<semaphore_mem>>)
      }
      %scan3A_845 = arith.constant 20 : i32
      %dma_wait3A = arith.constant 0 : i32
      %dma_wait3A_846 = arith.constant 0 : i32
      %dma_wait3A_847 = tpu.memref_slice %arg5[%dma_wait3A, %dma_wait3A_846] : memref<1000000x64xf32, #tpu.memory_space<hbm>> -> memref<16x64xf32, #tpu.memory_space<hbm>>
      %dma_wait3A_848 = arith.constant 0 : i32
      %dma_wait3A_849 = arith.constant 0 : i32
      %dma_wait3A_850 = tpu.memref_slice %arg5[%dma_wait3A_848, %dma_wait3A_849] : memref<1000000x64xf32, #tpu.memory_space<hbm>> -> memref<16x64xf32, #tpu.memory_space<hbm>>
      tpu.wait_dma2 semaphore(%arg22 : memref<!tpu.dma_semaphore, #tpu.memory_space<semaphore_mem>>) src(%dma_wait3A_850 : memref<16x64xf32, #tpu.memory_space<hbm>>) dst(%arg13 : memref<16x64xf32, #tpu.memory_space<vmem>>)
      %dma_wait3A_851 = arith.constant 0 : i32
      %dma_wait3A_852 = arith.constant 0 : i32
      %dma_wait3A_853 = tpu.memref_slice %arg6[%dma_wait3A_851, %dma_wait3A_852] : memref<1000000x64xf32, #tpu.memory_space<hbm>> -> memref<16x64xf32, #tpu.memory_space<hbm>>
      %dma_wait3A_854 = arith.constant 0 : i32
      %dma_wait3A_855 = arith.constant 0 : i32
      %dma_wait3A_856 = tpu.memref_slice %arg6[%dma_wait3A_854, %dma_wait3A_855] : memref<1000000x64xf32, #tpu.memory_space<hbm>> -> memref<16x64xf32, #tpu.memory_space<hbm>>
      tpu.wait_dma2 semaphore(%arg22 : memref<!tpu.dma_semaphore, #tpu.memory_space<semaphore_mem>>) src(%dma_wait3A_856 : memref<16x64xf32, #tpu.memory_space<hbm>>) dst(%arg14 : memref<16x64xf32, #tpu.memory_space<vmem>>)
      %dma_wait3A_857 = arith.constant 0 : i32
      %dma_wait3A_858 = arith.constant 0 : i32
      %dma_wait3A_859 = tpu.memref_slice %arg6[%dma_wait3A_857, %dma_wait3A_858] : memref<1000000x64xf32, #tpu.memory_space<hbm>> -> memref<320x64xf32, #tpu.memory_space<hbm>>
      %dma_wait3A_860 = arith.constant 0 : i32
      %dma_wait3A_861 = arith.constant 0 : i32
      %dma_wait3A_862 = tpu.memref_slice %arg6[%dma_wait3A_860, %dma_wait3A_861] : memref<1000000x64xf32, #tpu.memory_space<hbm>> -> memref<320x64xf32, #tpu.memory_space<hbm>>
      tpu.wait_dma2 semaphore(%arg22 : memref<!tpu.dma_semaphore, #tpu.memory_space<semaphore_mem>>) src(%dma_wait3A_862 : memref<320x64xf32, #tpu.memory_space<hbm>>) dst(%arg15 : memref<320x64xf32, #tpu.memory_space<vmem>>)
      %mul3A_863 = arith.constant 16 : i32
      %mul3A_864 = arith.muli %mul3A_444, %mul3A_863 : i32
      %scan3A_865 = arith.constant 0 : i32
      %scan3A_866 = arith.constant 0 : i32
      %scan3A_867 = arith.constant 16 : i32
      %scan3A_868 = arith.addi %scan3A_866, %scan3A_867 : i32
      %scan3A_869 = arith.constant 1 : i32
      scf.for %scan3A_903 = %scan3A_866 to %scan3A_868 step %scan3A_869  : i32 {
        %add3A_904 = arith.addi %mul3A_864, %scan3A_903 : i32
        %get3A_905 = arith.index_cast %scan3A_903 : i32 to index
        %get3A_906 = arith.constant 0 : index
        %get3A_907 = tpu.vector_load %arg13[%get3A_905, %get3A_906] {strides = array<i32>} : memref<16x64xf32, #tpu.memory_space<vmem>>, vector<16xf32>,
        %get3A_908 = arith.index_cast %scan3A_903 : i32 to index
        %get3A_909 = arith.constant 16 : index
        %get3A_910 = tpu.vector_load %arg13[%get3A_908, %get3A_909] {strides = array<i32>} : memref<16x64xf32, #tpu.memory_space<vmem>>, vector<16xf32>,
        %get3A_911 = arith.index_cast %scan3A_903 : i32 to index
        %get3A_912 = arith.constant 32 : index
        %get3A_913 = tpu.vector_load %arg13[%get3A_911, %get3A_912] {strides = array<i32>} : memref<16x64xf32, #tpu.memory_space<vmem>>, vector<16xf32>,
        %get3A_914 = arith.index_cast %scan3A_903 : i32 to index
        %get3A_915 = arith.constant 48 : index
        %get3A_916 = tpu.vector_load %arg13[%get3A_914, %get3A_915] {strides = array<i32>} : memref<16x64xf32, #tpu.memory_space<vmem>>, vector<16xf32>,
        %get3A_917 = arith.index_cast %scan3A_903 : i32 to index
        %get3A_918 = arith.constant 0 : index
        %get3A_919 = tpu.vector_load %arg14[%get3A_917, %get3A_918] {strides = array<i32>} : memref<16x64xf32, #tpu.memory_space<vmem>>, vector<16xf32>,
        %get3A_920 = arith.index_cast %scan3A_903 : i32 to index
        %get3A_921 = arith.constant 16 : index
        %get3A_922 = tpu.vector_load %arg14[%get3A_920, %get3A_921] {strides = array<i32>} : memref<16x64xf32, #tpu.memory_space<vmem>>, vector<16xf32>,
        %get3A_923 = arith.index_cast %scan3A_903 : i32 to index
        %get3A_924 = arith.constant 32 : index
        %get3A_925 = tpu.vector_load %arg14[%get3A_923, %get3A_924] {strides = array<i32>} : memref<16x64xf32, #tpu.memory_space<vmem>>, vector<16xf32>,
        %get3A_926 = arith.index_cast %scan3A_903 : i32 to index
        %get3A_927 = arith.constant 48 : index
        %get3A_928 = tpu.vector_load %arg14[%get3A_926, %get3A_927] {strides = array<i32>} : memref<16x64xf32, #tpu.memory_space<vmem>>, vector<16xf32>,
        %mul3A_929 = arith.mulf %get3A_907, %get3A_919 : vector<16xf32>
        %mul3A_930 = arith.mulf %get3A_910, %get3A_922 : vector<16xf32>
        %add3A_931 = arith.addf %mul3A_929, %mul3A_930 : vector<16xf32>
        %mul3A_932 = arith.mulf %get3A_913, %get3A_925 : vector<16xf32>
        %mul3A_933 = arith.mulf %get3A_916, %get3A_928 : vector<16xf32>
        %add3A_934 = arith.addf %mul3A_932, %mul3A_933 : vector<16xf32>
        %add3A_935 = arith.addf %add3A_931, %add3A_934 : vector<16xf32>
        %broadcast_in_dim3A = arith.constant true
        %broadcast_in_dim3A_936 = vector.broadcast %broadcast_in_dim3A : i1 to vector<16xi1>
        %masked_cumsum3A = tpu.scan <sum>, %add3A_935 masked %broadcast_in_dim3A_936 : vector<16xf32>, vector<16xi1> -> vector<16xf32>
        %swap3A = arith.constant 320 : index
        %swap3A_937 = tpu.vector_load %arg21[%swap3A] {strides = array<i32>} : memref<640xf32, #tpu.memory_space<vmem>>, vector<16xf32>,
        tpu.vector_store %arg21[%swap3A], %masked_cumsum3A {strides = array<i32>} : memref<640xf32, #tpu.memory_space<vmem>>, vector<16xf32>,
        %mul3A_938 = arith.constant 20 : i32
        %mul3A_939 = arith.muli %scan3A_903, %mul3A_938 : i32
        %add3A_940 = arith.constant 0 : i32
        %add3A_941 = arith.addi %mul3A_939, %add3A_940 : i32
        %get3A_942 = arith.index_cast %add3A_941 : i32 to index
        %get3A_943 = arith.constant 0 : index
        %get3A_944 = tpu.vector_load %arg15[%get3A_942, %get3A_943] {strides = array<i32>} : memref<320x64xf32, #tpu.memory_space<vmem>>, vector<16xf32>,
        %add3A_945 = arith.constant 0 : i32
        %add3A_946 = arith.addi %mul3A_939, %add3A_945 : i32
        %get3A_947 = arith.index_cast %add3A_946 : i32 to index
        %get3A_948 = arith.constant 16 : index
        %get3A_949 = tpu.vector_load %arg15[%get3A_947, %get3A_948] {strides = array<i32>} : memref<320x64xf32, #tpu.memory_space<vmem>>, vector<16xf32>,
        %add3A_950 = arith.constant 0 : i32
        %add3A_951 = arith.addi %mul3A_939, %add3A_950 : i32
        %get3A_952 = arith.index_cast %add3A_951 : i32 to index
        %get3A_953 = arith.constant 32 : index
        %get3A_954 = tpu.vector_load %arg15[%get3A_952, %get3A_953] {strides = array<i32>} : memref<320x64xf32, #tpu.memory_space<vmem>>, vector<16xf32>,
        %add3A_955 = arith.constant 0 : i32
        %add3A_956 = arith.addi %mul3A_939, %add3A_955 : i32
        %get3A_957 = arith.index_cast %add3A_956 : i32 to index
        %get3A_958 = arith.constant 48 : index
        %get3A_959 = tpu.vector_load %arg15[%get3A_957, %get3A_958] {strides = array<i32>} : memref<320x64xf32, #tpu.memory_space<vmem>>, vector<16xf32>,
        %mul3A_960 = arith.mulf %get3A_907, %get3A_944 : vector<16xf32>
        %mul3A_961 = arith.mulf %get3A_910, %get3A_949 : vector<16xf32>
        %add3A_962 = arith.addf %mul3A_960, %mul3A_961 : vector<16xf32>
        %mul3A_963 = arith.mulf %get3A_913, %get3A_954 : vector<16xf32>
        %mul3A_964 = arith.mulf %get3A_916, %get3A_959 : vector<16xf32>
        %add3A_965 = arith.addf %mul3A_963, %mul3A_964 : vector<16xf32>
        %add3A_966 = arith.addf %add3A_962, %add3A_965 : vector<16xf32>
        %broadcast_in_dim3A_967 = arith.constant true
        %broadcast_in_dim3A_968 = vector.broadcast %broadcast_in_dim3A_967 : i1 to vector<16xi1>
        %masked_cumsum3A_969 = tpu.scan <sum>, %add3A_966 masked %broadcast_in_dim3A_968 : vector<16xf32>, vector<16xi1> -> vector<16xf32>
        %swap3A_970 = arith.constant 0 : index
        %swap3A_971 = tpu.vector_load %arg21[%swap3A_970] {strides = array<i32>} : memref<640xf32, #tpu.memory_space<vmem>>, vector<16xf32>,
        tpu.vector_store %arg21[%swap3A_970], %masked_cumsum3A_969 {strides = array<i32>} : memref<640xf32, #tpu.memory_space<vmem>>, vector<16xf32>,
        %add3A_972 = arith.constant 1 : i32
        %add3A_973 = arith.addi %mul3A_939, %add3A_972 : i32
        %get3A_974 = arith.index_cast %add3A_973 : i32 to index
        %get3A_975 = arith.constant 0 : index
        %get3A_976 = tpu.vector_load %arg15[%get3A_974, %get3A_975] {strides = array<i32>} : memref<320x64xf32, #tpu.memory_space<vmem>>, vector<16xf32>,
        %add3A_977 = arith.constant 1 : i32
        %add3A_978 = arith.addi %mul3A_939, %add3A_977 : i32
        %get3A_979 = arith.index_cast %add3A_978 : i32 to index
        %get3A_980 = arith.constant 16 : index
        %get3A_981 = tpu.vector_load %arg15[%get3A_979, %get3A_980] {strides = array<i32>} : memref<320x64xf32, #tpu.memory_space<vmem>>, vector<16xf32>,
        %add3A_982 = arith.constant 1 : i32
        %add3A_983 = arith.addi %mul3A_939, %add3A_982 : i32
        %get3A_984 = arith.index_cast %add3A_983 : i32 to index
        %get3A_985 = arith.constant 32 : index
        %get3A_986 = tpu.vector_load %arg15[%get3A_984, %get3A_985] {strides = array<i32>} : memref<320x64xf32, #tpu.memory_space<vmem>>, vector<16xf32>,
        %add3A_987 = arith.constant 1 : i32
        %add3A_988 = arith.addi %mul3A_939, %add3A_987 : i32
        %get3A_989 = arith.index_cast %add3A_988 : i32 to index
        %get3A_990 = arith.constant 48 : index
        %get3A_991 = tpu.vector_load %arg15[%get3A_989, %get3A_990] {strides = array<i32>} : memref<320x64xf32, #tpu.memory_space<vmem>>, vector<16xf32>,
        %mul3A_992 = arith.mulf %get3A_907, %get3A_976 : vector<16xf32>
        %mul3A_993 = arith.mulf %get3A_910, %get3A_981 : vector<16xf32>
        %add3A_994 = arith.addf %mul3A_992, %mul3A_993 : vector<16xf32>
        %mul3A_995 = arith.mulf %get3A_913, %get3A_986 : vector<16xf32>
        %mul3A_996 = arith.mulf %get3A_916, %get3A_991 : vector<16xf32>
        %add3A_997 = arith.addf %mul3A_995, %mul3A_996 : vector<16xf32>
        %add3A_998 = arith.addf %add3A_994, %add3A_997 : vector<16xf32>
        %broadcast_in_dim3A_999 = arith.constant true
        %broadcast_in_dim3A_1000 = vector.broadcast %broadcast_in_dim3A_999 : i1 to vector<16xi1>
        %masked_cumsum3A_1001 = tpu.scan <sum>, %add3A_998 masked %broadcast_in_dim3A_1000 : vector<16xf32>, vector<16xi1> -> vector<16xf32>
        %swap3A_1002 = arith.constant 16 : index
        %swap3A_1003 = tpu.vector_load %arg21[%swap3A_1002] {strides = array<i32>} : memref<640xf32, #tpu.memory_space<vmem>>, vector<16xf32>,
        tpu.vector_store %arg21[%swap3A_1002], %masked_cumsum3A_1001 {strides = array<i32>} : memref<640xf32, #tpu.memory_space<vmem>>, vector<16xf32>,
        %add3A_1004 = arith.constant 2 : i32
        %add3A_1005 = arith.addi %mul3A_939, %add3A_1004 : i32
        %get3A_1006 = arith.index_cast %add3A_1005 : i32 to index
        %get3A_1007 = arith.constant 0 : index
        %get3A_1008 = tpu.vector_load %arg15[%get3A_1006, %get3A_1007] {strides = array<i32>} : memref<320x64xf32, #tpu.memory_space<vmem>>, vector<16xf32>,
        %add3A_1009 = arith.constant 2 : i32
        %add3A_1010 = arith.addi %mul3A_939, %add3A_1009 : i32
        %get3A_1011 = arith.index_cast %add3A_1010 : i32 to index
        %get3A_1012 = arith.constant 16 : index
        %get3A_1013 = tpu.vector_load %arg15[%get3A_1011, %get3A_1012] {strides = array<i32>} : memref<320x64xf32, #tpu.memory_space<vmem>>, vector<16xf32>,
        %add3A_1014 = arith.constant 2 : i32
        %add3A_1015 = arith.addi %mul3A_939, %add3A_1014 : i32
        %get3A_1016 = arith.index_cast %add3A_1015 : i32 to index
        %get3A_1017 = arith.constant 32 : index
        %get3A_1018 = tpu.vector_load %arg15[%get3A_1016, %get3A_1017] {strides = array<i32>} : memref<320x64xf32, #tpu.memory_space<vmem>>, vector<16xf32>,
        %add3A_1019 = arith.constant 2 : i32
        %add3A_1020 = arith.addi %mul3A_939, %add3A_1019 : i32
        %get3A_1021 = arith.index_cast %add3A_1020 : i32 to index
        %get3A_1022 = arith.constant 48 : index
        %get3A_1023 = tpu.vector_load %arg15[%get3A_1021, %get3A_1022] {strides = array<i32>} : memref<320x64xf32, #tpu.memory_space<vmem>>, vector<16xf32>,
        %mul3A_1024 = arith.mulf %get3A_907, %get3A_1008 : vector<16xf32>
        %mul3A_1025 = arith.mulf %get3A_910, %get3A_1013 : vector<16xf32>
        %add3A_1026 = arith.addf %mul3A_1024, %mul3A_1025 : vector<16xf32>
        %mul3A_1027 = arith.mulf %get3A_913, %get3A_1018 : vector<16xf32>
        %mul3A_1028 = arith.mulf %get3A_916, %get3A_1023 : vector<16xf32>
        %add3A_1029 = arith.addf %mul3A_1027, %mul3A_1028 : vector<16xf32>
        %add3A_1030 = arith.addf %add3A_1026, %add3A_1029 : vector<16xf32>
        %broadcast_in_dim3A_1031 = arith.constant true
        %broadcast_in_dim3A_1032 = vector.broadcast %broadcast_in_dim3A_1031 : i1 to vector<16xi1>
        %masked_cumsum3A_1033 = tpu.scan <sum>, %add3A_1030 masked %broadcast_in_dim3A_1032 : vector<16xf32>, vector<16xi1> -> vector<16xf32>
        %swap3A_1034 = arith.constant 32 : index
        %swap3A_1035 = tpu.vector_load %arg21[%swap3A_1034] {strides = array<i32>} : memref<640xf32, #tpu.memory_space<vmem>>, vector<16xf32>,
        tpu.vector_store %arg21[%swap3A_1034], %masked_cumsum3A_1033 {strides = array<i32>} : memref<640xf32, #tpu.memory_space<vmem>>, vector<16xf32>,
        %add3A_1036 = arith.constant 3 : i32
        %add3A_1037 = arith.addi %mul3A_939, %add3A_1036 : i32
        %get3A_1038 = arith.index_cast %add3A_1037 : i32 to index
        %get3A_1039 = arith.constant 0 : index
        %get3A_1040 = tpu.vector_load %arg15[%get3A_1038, %get3A_1039] {strides = array<i32>} : memref<320x64xf32, #tpu.memory_space<vmem>>, vector<16xf32>,
        %add3A_1041 = arith.constant 3 : i32
        %add3A_1042 = arith.addi %mul3A_939, %add3A_1041 : i32
        %get3A_1043 = arith.index_cast %add3A_1042 : i32 to index
        %get3A_1044 = arith.constant 16 : index
        %get3A_1045 = tpu.vector_load %arg15[%get3A_1043, %get3A_1044] {strides = array<i32>} : memref<320x64xf32, #tpu.memory_space<vmem>>, vector<16xf32>,
        %add3A_1046 = arith.constant 3 : i32
        %add3A_1047 = arith.addi %mul3A_939, %add3A_1046 : i32
        %get3A_1048 = arith.index_cast %add3A_1047 : i32 to index
        %get3A_1049 = arith.constant 32 : index
        %get3A_1050 = tpu.vector_load %arg15[%get3A_1048, %get3A_1049] {strides = array<i32>} : memref<320x64xf32, #tpu.memory_space<vmem>>, vector<16xf32>,
        %add3A_1051 = arith.constant 3 : i32
        %add3A_1052 = arith.addi %mul3A_939, %add3A_1051 : i32
        %get3A_1053 = arith.index_cast %add3A_1052 : i32 to index
        %get3A_1054 = arith.constant 48 : index
        %get3A_1055 = tpu.vector_load %arg15[%get3A_1053, %get3A_1054] {strides = array<i32>} : memref<320x64xf32, #tpu.memory_space<vmem>>, vector<16xf32>,
        %mul3A_1056 = arith.mulf %get3A_907, %get3A_1040 : vector<16xf32>
        %mul3A_1057 = arith.mulf %get3A_910, %get3A_1045 : vector<16xf32>
        %add3A_1058 = arith.addf %mul3A_1056, %mul3A_1057 : vector<16xf32>
        %mul3A_1059 = arith.mulf %get3A_913, %get3A_1050 : vector<16xf32>
        %mul3A_1060 = arith.mulf %get3A_916, %get3A_1055 : vector<16xf32>
        %add3A_1061 = arith.addf %mul3A_1059, %mul3A_1060 : vector<16xf32>
        %add3A_1062 = arith.addf %add3A_1058, %add3A_1061 : vector<16xf32>
        %broadcast_in_dim3A_1063 = arith.constant true
        %broadcast_in_dim3A_1064 = vector.broadcast %broadcast_in_dim3A_1063 : i1 to vector<16xi1>
        %masked_cumsum3A_1065 = tpu.scan <sum>, %add3A_1062 masked %broadcast_in_dim3A_1064 : vector<16xf32>, vector<16xi1> -> vector<16xf32>
        %swap3A_1066 = arith.constant 48 : index
        %swap3A_1067 = tpu.vector_load %arg21[%swap3A_1066] {strides = array<i32>} : memref<640xf32, #tpu.memory_space<vmem>>, vector<16xf32>,
        tpu.vector_store %arg21[%swap3A_1066], %masked_cumsum3A_1065 {strides = array<i32>} : memref<640xf32, #tpu.memory_space<vmem>>, vector<16xf32>,
        %add3A_1068 = arith.constant 4 : i32
        %add3A_1069 = arith.addi %mul3A_939, %add3A_1068 : i32
        %get3A_1070 = arith.index_cast %add3A_1069 : i32 to index
        %get3A_1071 = arith.constant 0 : index
        %get3A_1072 = tpu.vector_load %arg15[%get3A_1070, %get3A_1071] {strides = array<i32>} : memref<320x64xf32, #tpu.memory_space<vmem>>, vector<16xf32>,
        %add3A_1073 = arith.constant 4 : i32
        %add3A_1074 = arith.addi %mul3A_939, %add3A_1073 : i32
        %get3A_1075 = arith.index_cast %add3A_1074 : i32 to index
        %get3A_1076 = arith.constant 16 : index
        %get3A_1077 = tpu.vector_load %arg15[%get3A_1075, %get3A_1076] {strides = array<i32>} : memref<320x64xf32, #tpu.memory_space<vmem>>, vector<16xf32>,
        %add3A_1078 = arith.constant 4 : i32
        %add3A_1079 = arith.addi %mul3A_939, %add3A_1078 : i32
        %get3A_1080 = arith.index_cast %add3A_1079 : i32 to index
        %get3A_1081 = arith.constant 32 : index
        %get3A_1082 = tpu.vector_load %arg15[%get3A_1080, %get3A_1081] {strides = array<i32>} : memref<320x64xf32, #tpu.memory_space<vmem>>, vector<16xf32>,
        %add3A_1083 = arith.constant 4 : i32
        %add3A_1084 = arith.addi %mul3A_939, %add3A_1083 : i32
        %get3A_1085 = arith.index_cast %add3A_1084 : i32 to index
        %get3A_1086 = arith.constant 48 : index
        %get3A_1087 = tpu.vector_load %arg15[%get3A_1085, %get3A_1086] {strides = array<i32>} : memref<320x64xf32, #tpu.memory_space<vmem>>, vector<16xf32>,
        %mul3A_1088 = arith.mulf %get3A_907, %get3A_1072 : vector<16xf32>
        %mul3A_1089 = arith.mulf %get3A_910, %get3A_1077 : vector<16xf32>
        %add3A_1090 = arith.addf %mul3A_1088, %mul3A_1089 : vector<16xf32>
        %mul3A_1091 = arith.mulf %get3A_913, %get3A_1082 : vector<16xf32>
        %mul3A_1092 = arith.mulf %get3A_916, %get3A_1087 : vector<16xf32>
        %add3A_1093 = arith.addf %mul3A_1091, %mul3A_1092 : vector<16xf32>
        %add3A_1094 = arith.addf %add3A_1090, %add3A_1093 : vector<16xf32>
        %broadcast_in_dim3A_1095 = arith.constant true
        %broadcast_in_dim3A_1096 = vector.broadcast %broadcast_in_dim3A_1095 : i1 to vector<16xi1>
        %masked_cumsum3A_1097 = tpu.scan <sum>, %add3A_1094 masked %broadcast_in_dim3A_1096 : vector<16xf32>, vector<16xi1> -> vector<16xf32>
        %swap3A_1098 = arith.constant 64 : index
        %swap3A_1099 = tpu.vector_load %arg21[%swap3A_1098] {strides = array<i32>} : memref<640xf32, #tpu.memory_space<vmem>>, vector<16xf32>,
        tpu.vector_store %arg21[%swap3A_1098], %masked_cumsum3A_1097 {strides = array<i32>} : memref<640xf32, #tpu.memory_space<vmem>>, vector<16xf32>,
        %add3A_1100 = arith.constant 5 : i32
        %add3A_1101 = arith.addi %mul3A_939, %add3A_1100 : i32
        %get3A_1102 = arith.index_cast %add3A_1101 : i32 to index
        %get3A_1103 = arith.constant 0 : index
        %get3A_1104 = tpu.vector_load %arg15[%get3A_1102, %get3A_1103] {strides = array<i32>} : memref<320x64xf32, #tpu.memory_space<vmem>>, vector<16xf32>,
        %add3A_1105 = arith.constant 5 : i32
        %add3A_1106 = arith.addi %mul3A_939, %add3A_1105 : i32
        %get3A_1107 = arith.index_cast %add3A_1106 : i32 to index
        %get3A_1108 = arith.constant 16 : index
        %get3A_1109 = tpu.vector_load %arg15[%get3A_1107, %get3A_1108] {strides = array<i32>} : memref<320x64xf32, #tpu.memory_space<vmem>>, vector<16xf32>,
        %add3A_1110 = arith.constant 5 : i32
        %add3A_1111 = arith.addi %mul3A_939, %add3A_1110 : i32
        %get3A_1112 = arith.index_cast %add3A_1111 : i32 to index
        %get3A_1113 = arith.constant 32 : index
        %get3A_1114 = tpu.vector_load %arg15[%get3A_1112, %get3A_1113] {strides = array<i32>} : memref<320x64xf32, #tpu.memory_space<vmem>>, vector<16xf32>,
        %add3A_1115 = arith.constant 5 : i32
        %add3A_1116 = arith.addi %mul3A_939, %add3A_1115 : i32
        %get3A_1117 = arith.index_cast %add3A_1116 : i32 to index
        %get3A_1118 = arith.constant 48 : index
        %get3A_1119 = tpu.vector_load %arg15[%get3A_1117, %get3A_1118] {strides = array<i32>} : memref<320x64xf32, #tpu.memory_space<vmem>>, vector<16xf32>,
        %mul3A_1120 = arith.mulf %get3A_907, %get3A_1104 : vector<16xf32>
        %mul3A_1121 = arith.mulf %get3A_910, %get3A_1109 : vector<16xf32>
        %add3A_1122 = arith.addf %mul3A_1120, %mul3A_1121 : vector<16xf32>
        %mul3A_1123 = arith.mulf %get3A_913, %get3A_1114 : vector<16xf32>
        %mul3A_1124 = arith.mulf %get3A_916, %get3A_1119 : vector<16xf32>
        %add3A_1125 = arith.addf %mul3A_1123, %mul3A_1124 : vector<16xf32>
        %add3A_1126 = arith.addf %add3A_1122, %add3A_1125 : vector<16xf32>
        %broadcast_in_dim3A_1127 = arith.constant true
        %broadcast_in_dim3A_1128 = vector.broadcast %broadcast_in_dim3A_1127 : i1 to vector<16xi1>
        %masked_cumsum3A_1129 = tpu.scan <sum>, %add3A_1126 masked %broadcast_in_dim3A_1128 : vector<16xf32>, vector<16xi1> -> vector<16xf32>
        %swap3A_1130 = arith.constant 80 : index
        %swap3A_1131 = tpu.vector_load %arg21[%swap3A_1130] {strides = array<i32>} : memref<640xf32, #tpu.memory_space<vmem>>, vector<16xf32>,
        tpu.vector_store %arg21[%swap3A_1130], %masked_cumsum3A_1129 {strides = array<i32>} : memref<640xf32, #tpu.memory_space<vmem>>, vector<16xf32>,
        %add3A_1132 = arith.constant 6 : i32
        %add3A_1133 = arith.addi %mul3A_939, %add3A_1132 : i32
        %get3A_1134 = arith.index_cast %add3A_1133 : i32 to index
        %get3A_1135 = arith.constant 0 : index
        %get3A_1136 = tpu.vector_load %arg15[%get3A_1134, %get3A_1135] {strides = array<i32>} : memref<320x64xf32, #tpu.memory_space<vmem>>, vector<16xf32>,
        %add3A_1137 = arith.constant 6 : i32
        %add3A_1138 = arith.addi %mul3A_939, %add3A_1137 : i32
        %get3A_1139 = arith.index_cast %add3A_1138 : i32 to index
        %get3A_1140 = arith.constant 16 : index
        %get3A_1141 = tpu.vector_load %arg15[%get3A_1139, %get3A_1140] {strides = array<i32>} : memref<320x64xf32, #tpu.memory_space<vmem>>, vector<16xf32>,
        %add3A_1142 = arith.constant 6 : i32
        %add3A_1143 = arith.addi %mul3A_939, %add3A_1142 : i32
        %get3A_1144 = arith.index_cast %add3A_1143 : i32 to index
        %get3A_1145 = arith.constant 32 : index
        %get3A_1146 = tpu.vector_load %arg15[%get3A_1144, %get3A_1145] {strides = array<i32>} : memref<320x64xf32, #tpu.memory_space<vmem>>, vector<16xf32>,
        %add3A_1147 = arith.constant 6 : i32
        %add3A_1148 = arith.addi %mul3A_939, %add3A_1147 : i32
        %get3A_1149 = arith.index_cast %add3A_1148 : i32 to index
        %get3A_1150 = arith.constant 48 : index
        %get3A_1151 = tpu.vector_load %arg15[%get3A_1149, %get3A_1150] {strides = array<i32>} : memref<320x64xf32, #tpu.memory_space<vmem>>, vector<16xf32>,
        %mul3A_1152 = arith.mulf %get3A_907, %get3A_1136 : vector<16xf32>
        %mul3A_1153 = arith.mulf %get3A_910, %get3A_1141 : vector<16xf32>
        %add3A_1154 = arith.addf %mul3A_1152, %mul3A_1153 : vector<16xf32>
        %mul3A_1155 = arith.mulf %get3A_913, %get3A_1146 : vector<16xf32>
        %mul3A_1156 = arith.mulf %get3A_916, %get3A_1151 : vector<16xf32>
        %add3A_1157 = arith.addf %mul3A_1155, %mul3A_1156 : vector<16xf32>
        %add3A_1158 = arith.addf %add3A_1154, %add3A_1157 : vector<16xf32>
        %broadcast_in_dim3A_1159 = arith.constant true
        %broadcast_in_dim3A_1160 = vector.broadcast %broadcast_in_dim3A_1159 : i1 to vector<16xi1>
        %masked_cumsum3A_1161 = tpu.scan <sum>, %add3A_1158 masked %broadcast_in_dim3A_1160 : vector<16xf32>, vector<16xi1> -> vector<16xf32>
        %swap3A_1162 = arith.constant 96 : index
        %swap3A_1163 = tpu.vector_load %arg21[%swap3A_1162] {strides = array<i32>} : memref<640xf32, #tpu.memory_space<vmem>>, vector<16xf32>,
        tpu.vector_store %arg21[%swap3A_1162], %masked_cumsum3A_1161 {strides = array<i32>} : memref<640xf32, #tpu.memory_space<vmem>>, vector<16xf32>,
        %add3A_1164 = arith.constant 7 : i32
        %add3A_1165 = arith.addi %mul3A_939, %add3A_1164 : i32
        %get3A_1166 = arith.index_cast %add3A_1165 : i32 to index
        %get3A_1167 = arith.constant 0 : index
        %get3A_1168 = tpu.vector_load %arg15[%get3A_1166, %get3A_1167] {strides = array<i32>} : memref<320x64xf32, #tpu.memory_space<vmem>>, vector<16xf32>,
        %add3A_1169 = arith.constant 7 : i32
        %add3A_1170 = arith.addi %mul3A_939, %add3A_1169 : i32
        %get3A_1171 = arith.index_cast %add3A_1170 : i32 to index
        %get3A_1172 = arith.constant 16 : index
        %get3A_1173 = tpu.vector_load %arg15[%get3A_1171, %get3A_1172] {strides = array<i32>} : memref<320x64xf32, #tpu.memory_space<vmem>>, vector<16xf32>,
        %add3A_1174 = arith.constant 7 : i32
        %add3A_1175 = arith.addi %mul3A_939, %add3A_1174 : i32
        %get3A_1176 = arith.index_cast %add3A_1175 : i32 to index
        %get3A_1177 = arith.constant 32 : index
        %get3A_1178 = tpu.vector_load %arg15[%get3A_1176, %get3A_1177] {strides = array<i32>} : memref<320x64xf32, #tpu.memory_space<vmem>>, vector<16xf32>,
        %add3A_1179 = arith.constant 7 : i32
        %add3A_1180 = arith.addi %mul3A_939, %add3A_1179 : i32
        %get3A_1181 = arith.index_cast %add3A_1180 : i32 to index
        %get3A_1182 = arith.constant 48 : index
        %get3A_1183 = tpu.vector_load %arg15[%get3A_1181, %get3A_1182] {strides = array<i32>} : memref<320x64xf32, #tpu.memory_space<vmem>>, vector<16xf32>,
        %mul3A_1184 = arith.mulf %get3A_907, %get3A_1168 : vector<16xf32>
        %mul3A_1185 = arith.mulf %get3A_910, %get3A_1173 : vector<16xf32>
        %add3A_1186 = arith.addf %mul3A_1184, %mul3A_1185 : vector<16xf32>
        %mul3A_1187 = arith.mulf %get3A_913, %get3A_1178 : vector<16xf32>
        %mul3A_1188 = arith.mulf %get3A_916, %get3A_1183 : vector<16xf32>
        %add3A_1189 = arith.addf %mul3A_1187, %mul3A_1188 : vector<16xf32>
        %add3A_1190 = arith.addf %add3A_1186, %add3A_1189 : vector<16xf32>
        %broadcast_in_dim3A_1191 = arith.constant true
        %broadcast_in_dim3A_1192 = vector.broadcast %broadcast_in_dim3A_1191 : i1 to vector<16xi1>
        %masked_cumsum3A_1193 = tpu.scan <sum>, %add3A_1190 masked %broadcast_in_dim3A_1192 : vector<16xf32>, vector<16xi1> -> vector<16xf32>
        %swap3A_1194 = arith.constant 112 : index
        %swap3A_1195 = tpu.vector_load %arg21[%swap3A_1194] {strides = array<i32>} : memref<640xf32, #tpu.memory_space<vmem>>, vector<16xf32>,
        tpu.vector_store %arg21[%swap3A_1194], %masked_cumsum3A_1193 {strides = array<i32>} : memref<640xf32, #tpu.memory_space<vmem>>, vector<16xf32>,
        %add3A_1196 = arith.constant 8 : i32
        %add3A_1197 = arith.addi %mul3A_939, %add3A_1196 : i32
        %get3A_1198 = arith.index_cast %add3A_1197 : i32 to index
        %get3A_1199 = arith.constant 0 : index
        %get3A_1200 = tpu.vector_load %arg15[%get3A_1198, %get3A_1199] {strides = array<i32>} : memref<320x64xf32, #tpu.memory_space<vmem>>, vector<16xf32>,
        %add3A_1201 = arith.constant 8 : i32
        %add3A_1202 = arith.addi %mul3A_939, %add3A_1201 : i32
        %get3A_1203 = arith.index_cast %add3A_1202 : i32 to index
        %get3A_1204 = arith.constant 16 : index
        %get3A_1205 = tpu.vector_load %arg15[%get3A_1203, %get3A_1204] {strides = array<i32>} : memref<320x64xf32, #tpu.memory_space<vmem>>, vector<16xf32>,
        %add3A_1206 = arith.constant 8 : i32
        %add3A_1207 = arith.addi %mul3A_939, %add3A_1206 : i32
        %get3A_1208 = arith.index_cast %add3A_1207 : i32 to index
        %get3A_1209 = arith.constant 32 : index
        %get3A_1210 = tpu.vector_load %arg15[%get3A_1208, %get3A_1209] {strides = array<i32>} : memref<320x64xf32, #tpu.memory_space<vmem>>, vector<16xf32>,
        %add3A_1211 = arith.constant 8 : i32
        %add3A_1212 = arith.addi %mul3A_939, %add3A_1211 : i32
        %get3A_1213 = arith.index_cast %add3A_1212 : i32 to index
        %get3A_1214 = arith.constant 48 : index
        %get3A_1215 = tpu.vector_load %arg15[%get3A_1213, %get3A_1214] {strides = array<i32>} : memref<320x64xf32, #tpu.memory_space<vmem>>, vector<16xf32>,
        %mul3A_1216 = arith.mulf %get3A_907, %get3A_1200 : vector<16xf32>
        %mul3A_1217 = arith.mulf %get3A_910, %get3A_1205 : vector<16xf32>
        %add3A_1218 = arith.addf %mul3A_1216, %mul3A_1217 : vector<16xf32>
        %mul3A_1219 = arith.mulf %get3A_913, %get3A_1210 : vector<16xf32>
        %mul3A_1220 = arith.mulf %get3A_916, %get3A_1215 : vector<16xf32>
        %add3A_1221 = arith.addf %mul3A_1219, %mul3A_1220 : vector<16xf32>
        %add3A_1222 = arith.addf %add3A_1218, %add3A_1221 : vector<16xf32>
        %broadcast_in_dim3A_1223 = arith.constant true
        %broadcast_in_dim3A_1224 = vector.broadcast %broadcast_in_dim3A_1223 : i1 to vector<16xi1>
        %masked_cumsum3A_1225 = tpu.scan <sum>, %add3A_1222 masked %broadcast_in_dim3A_1224 : vector<16xf32>, vector<16xi1> -> vector<16xf32>
        %swap3A_1226 = arith.constant 128 : index
        %swap3A_1227 = tpu.vector_load %arg21[%swap3A_1226] {strides = array<i32>} : memref<640xf32, #tpu.memory_space<vmem>>, vector<16xf32>,
        tpu.vector_store %arg21[%swap3A_1226], %masked_cumsum3A_1225 {strides = array<i32>} : memref<640xf32, #tpu.memory_space<vmem>>, vector<16xf32>,
        %add3A_1228 = arith.constant 9 : i32
        %add3A_1229 = arith.addi %mul3A_939, %add3A_1228 : i32
        %get3A_1230 = arith.index_cast %add3A_1229 : i32 to index
        %get3A_1231 = arith.constant 0 : index
        %get3A_1232 = tpu.vector_load %arg15[%get3A_1230, %get3A_1231] {strides = array<i32>} : memref<320x64xf32, #tpu.memory_space<vmem>>, vector<16xf32>,
        %add3A_1233 = arith.constant 9 : i32
        %add3A_1234 = arith.addi %mul3A_939, %add3A_1233 : i32
        %get3A_1235 = arith.index_cast %add3A_1234 : i32 to index
        %get3A_1236 = arith.constant 16 : index
        %get3A_1237 = tpu.vector_load %arg15[%get3A_1235, %get3A_1236] {strides = array<i32>} : memref<320x64xf32, #tpu.memory_space<vmem>>, vector<16xf32>,
        %add3A_1238 = arith.constant 9 : i32
        %add3A_1239 = arith.addi %mul3A_939, %add3A_1238 : i32
        %get3A_1240 = arith.index_cast %add3A_1239 : i32 to index
        %get3A_1241 = arith.constant 32 : index
        %get3A_1242 = tpu.vector_load %arg15[%get3A_1240, %get3A_1241] {strides = array<i32>} : memref<320x64xf32, #tpu.memory_space<vmem>>, vector<16xf32>,
        %add3A_1243 = arith.constant 9 : i32
        %add3A_1244 = arith.addi %mul3A_939, %add3A_1243 : i32
        %get3A_1245 = arith.index_cast %add3A_1244 : i32 to index
        %get3A_1246 = arith.constant 48 : index
        %get3A_1247 = tpu.vector_load %arg15[%get3A_1245, %get3A_1246] {strides = array<i32>} : memref<320x64xf32, #tpu.memory_space<vmem>>, vector<16xf32>,
        %mul3A_1248 = arith.mulf %get3A_907, %get3A_1232 : vector<16xf32>
        %mul3A_1249 = arith.mulf %get3A_910, %get3A_1237 : vector<16xf32>
        %add3A_1250 = arith.addf %mul3A_1248, %mul3A_1249 : vector<16xf32>
        %mul3A_1251 = arith.mulf %get3A_913, %get3A_1242 : vector<16xf32>
        %mul3A_1252 = arith.mulf %get3A_916, %get3A_1247 : vector<16xf32>
        %add3A_1253 = arith.addf %mul3A_1251, %mul3A_1252 : vector<16xf32>
        %add3A_1254 = arith.addf %add3A_1250, %add3A_1253 : vector<16xf32>
        %broadcast_in_dim3A_1255 = arith.constant true
        %broadcast_in_dim3A_1256 = vector.broadcast %broadcast_in_dim3A_1255 : i1 to vector<16xi1>
        %masked_cumsum3A_1257 = tpu.scan <sum>, %add3A_1254 masked %broadcast_in_dim3A_1256 : vector<16xf32>, vector<16xi1> -> vector<16xf32>
        %swap3A_1258 = arith.constant 144 : index
        %swap3A_1259 = tpu.vector_load %arg21[%swap3A_1258] {strides = array<i32>} : memref<640xf32, #tpu.memory_space<vmem>>, vector<16xf32>,
        tpu.vector_store %arg21[%swap3A_1258], %masked_cumsum3A_1257 {strides = array<i32>} : memref<640xf32, #tpu.memory_space<vmem>>, vector<16xf32>,
        %add3A_1260 = arith.constant 10 : i32
        %add3A_1261 = arith.addi %mul3A_939, %add3A_1260 : i32
        %get3A_1262 = arith.index_cast %add3A_1261 : i32 to index
        %get3A_1263 = arith.constant 0 : index
        %get3A_1264 = tpu.vector_load %arg15[%get3A_1262, %get3A_1263] {strides = array<i32>} : memref<320x64xf32, #tpu.memory_space<vmem>>, vector<16xf32>,
        %add3A_1265 = arith.constant 10 : i32
        %add3A_1266 = arith.addi %mul3A_939, %add3A_1265 : i32
        %get3A_1267 = arith.index_cast %add3A_1266 : i32 to index
        %get3A_1268 = arith.constant 16 : index
        %get3A_1269 = tpu.vector_load %arg15[%get3A_1267, %get3A_1268] {strides = array<i32>} : memref<320x64xf32, #tpu.memory_space<vmem>>, vector<16xf32>,
        %add3A_1270 = arith.constant 10 : i32
        %add3A_1271 = arith.addi %mul3A_939, %add3A_1270 : i32
        %get3A_1272 = arith.index_cast %add3A_1271 : i32 to index
        %get3A_1273 = arith.constant 32 : index
        %get3A_1274 = tpu.vector_load %arg15[%get3A_1272, %get3A_1273] {strides = array<i32>} : memref<320x64xf32, #tpu.memory_space<vmem>>, vector<16xf32>,
        %add3A_1275 = arith.constant 10 : i32
        %add3A_1276 = arith.addi %mul3A_939, %add3A_1275 : i32
        %get3A_1277 = arith.index_cast %add3A_1276 : i32 to index
        %get3A_1278 = arith.constant 48 : index
        %get3A_1279 = tpu.vector_load %arg15[%get3A_1277, %get3A_1278] {strides = array<i32>} : memref<320x64xf32, #tpu.memory_space<vmem>>, vector<16xf32>,
        %mul3A_1280 = arith.mulf %get3A_907, %get3A_1264 : vector<16xf32>
        %mul3A_1281 = arith.mulf %get3A_910, %get3A_1269 : vector<16xf32>
        %add3A_1282 = arith.addf %mul3A_1280, %mul3A_1281 : vector<16xf32>
        %mul3A_1283 = arith.mulf %get3A_913, %get3A_1274 : vector<16xf32>
        %mul3A_1284 = arith.mulf %get3A_916, %get3A_1279 : vector<16xf32>
        %add3A_1285 = arith.addf %mul3A_1283, %mul3A_1284 : vector<16xf32>
        %add3A_1286 = arith.addf %add3A_1282, %add3A_1285 : vector<16xf32>
        %broadcast_in_dim3A_1287 = arith.constant true
        %broadcast_in_dim3A_1288 = vector.broadcast %broadcast_in_dim3A_1287 : i1 to vector<16xi1>
        %masked_cumsum3A_1289 = tpu.scan <sum>, %add3A_1286 masked %broadcast_in_dim3A_1288 : vector<16xf32>, vector<16xi1> -> vector<16xf32>
        %swap3A_1290 = arith.constant 160 : index
        %swap3A_1291 = tpu.vector_load %arg21[%swap3A_1290] {strides = array<i32>} : memref<640xf32, #tpu.memory_space<vmem>>, vector<16xf32>,
        tpu.vector_store %arg21[%swap3A_1290], %masked_cumsum3A_1289 {strides = array<i32>} : memref<640xf32, #tpu.memory_space<vmem>>, vector<16xf32>,
        %add3A_1292 = arith.constant 11 : i32
        %add3A_1293 = arith.addi %mul3A_939, %add3A_1292 : i32
        %get3A_1294 = arith.index_cast %add3A_1293 : i32 to index
        %get3A_1295 = arith.constant 0 : index
        %get3A_1296 = tpu.vector_load %arg15[%get3A_1294, %get3A_1295] {strides = array<i32>} : memref<320x64xf32, #tpu.memory_space<vmem>>, vector<16xf32>,
        %add3A_1297 = arith.constant 11 : i32
        %add3A_1298 = arith.addi %mul3A_939, %add3A_1297 : i32
        %get3A_1299 = arith.index_cast %add3A_1298 : i32 to index
        %get3A_1300 = arith.constant 16 : index
        %get3A_1301 = tpu.vector_load %arg15[%get3A_1299, %get3A_1300] {strides = array<i32>} : memref<320x64xf32, #tpu.memory_space<vmem>>, vector<16xf32>,
        %add3A_1302 = arith.constant 11 : i32
        %add3A_1303 = arith.addi %mul3A_939, %add3A_1302 : i32
        %get3A_1304 = arith.index_cast %add3A_1303 : i32 to index
        %get3A_1305 = arith.constant 32 : index
        %get3A_1306 = tpu.vector_load %arg15[%get3A_1304, %get3A_1305] {strides = array<i32>} : memref<320x64xf32, #tpu.memory_space<vmem>>, vector<16xf32>,
        %add3A_1307 = arith.constant 11 : i32
        %add3A_1308 = arith.addi %mul3A_939, %add3A_1307 : i32
        %get3A_1309 = arith.index_cast %add3A_1308 : i32 to index
        %get3A_1310 = arith.constant 48 : index
        %get3A_1311 = tpu.vector_load %arg15[%get3A_1309, %get3A_1310] {strides = array<i32>} : memref<320x64xf32, #tpu.memory_space<vmem>>, vector<16xf32>,
        %mul3A_1312 = arith.mulf %get3A_907, %get3A_1296 : vector<16xf32>
        %mul3A_1313 = arith.mulf %get3A_910, %get3A_1301 : vector<16xf32>
        %add3A_1314 = arith.addf %mul3A_1312, %mul3A_1313 : vector<16xf32>
        %mul3A_1315 = arith.mulf %get3A_913, %get3A_1306 : vector<16xf32>
        %mul3A_1316 = arith.mulf %get3A_916, %get3A_1311 : vector<16xf32>
        %add3A_1317 = arith.addf %mul3A_1315, %mul3A_1316 : vector<16xf32>
        %add3A_1318 = arith.addf %add3A_1314, %add3A_1317 : vector<16xf32>
        %broadcast_in_dim3A_1319 = arith.constant true
        %broadcast_in_dim3A_1320 = vector.broadcast %broadcast_in_dim3A_1319 : i1 to vector<16xi1>
        %masked_cumsum3A_1321 = tpu.scan <sum>, %add3A_1318 masked %broadcast_in_dim3A_1320 : vector<16xf32>, vector<16xi1> -> vector<16xf32>
        %swap3A_1322 = arith.constant 176 : index
        %swap3A_1323 = tpu.vector_load %arg21[%swap3A_1322] {strides = array<i32>} : memref<640xf32, #tpu.memory_space<vmem>>, vector<16xf32>,
        tpu.vector_store %arg21[%swap3A_1322], %masked_cumsum3A_1321 {strides = array<i32>} : memref<640xf32, #tpu.memory_space<vmem>>, vector<16xf32>,
        %add3A_1324 = arith.constant 12 : i32
        %add3A_1325 = arith.addi %mul3A_939, %add3A_1324 : i32
        %get3A_1326 = arith.index_cast %add3A_1325 : i32 to index
        %get3A_1327 = arith.constant 0 : index
        %get3A_1328 = tpu.vector_load %arg15[%get3A_1326, %get3A_1327] {strides = array<i32>} : memref<320x64xf32, #tpu.memory_space<vmem>>, vector<16xf32>,
        %add3A_1329 = arith.constant 12 : i32
        %add3A_1330 = arith.addi %mul3A_939, %add3A_1329 : i32
        %get3A_1331 = arith.index_cast %add3A_1330 : i32 to index
        %get3A_1332 = arith.constant 16 : index
        %get3A_1333 = tpu.vector_load %arg15[%get3A_1331, %get3A_1332] {strides = array<i32>} : memref<320x64xf32, #tpu.memory_space<vmem>>, vector<16xf32>,
        %add3A_1334 = arith.constant 12 : i32
        %add3A_1335 = arith.addi %mul3A_939, %add3A_1334 : i32
        %get3A_1336 = arith.index_cast %add3A_1335 : i32 to index
        %get3A_1337 = arith.constant 32 : index
        %get3A_1338 = tpu.vector_load %arg15[%get3A_1336, %get3A_1337] {strides = array<i32>} : memref<320x64xf32, #tpu.memory_space<vmem>>, vector<16xf32>,
        %add3A_1339 = arith.constant 12 : i32
        %add3A_1340 = arith.addi %mul3A_939, %add3A_1339 : i32
        %get3A_1341 = arith.index_cast %add3A_1340 : i32 to index
        %get3A_1342 = arith.constant 48 : index
        %get3A_1343 = tpu.vector_load %arg15[%get3A_1341, %get3A_1342] {strides = array<i32>} : memref<320x64xf32, #tpu.memory_space<vmem>>, vector<16xf32>,
        %mul3A_1344 = arith.mulf %get3A_907, %get3A_1328 : vector<16xf32>
        %mul3A_1345 = arith.mulf %get3A_910, %get3A_1333 : vector<16xf32>
        %add3A_1346 = arith.addf %mul3A_1344, %mul3A_1345 : vector<16xf32>
        %mul3A_1347 = arith.mulf %get3A_913, %get3A_1338 : vector<16xf32>
        %mul3A_1348 = arith.mulf %get3A_916, %get3A_1343 : vector<16xf32>
        %add3A_1349 = arith.addf %mul3A_1347, %mul3A_1348 : vector<16xf32>
        %add3A_1350 = arith.addf %add3A_1346, %add3A_1349 : vector<16xf32>
        %broadcast_in_dim3A_1351 = arith.constant true
        %broadcast_in_dim3A_1352 = vector.broadcast %broadcast_in_dim3A_1351 : i1 to vector<16xi1>
        %masked_cumsum3A_1353 = tpu.scan <sum>, %add3A_1350 masked %broadcast_in_dim3A_1352 : vector<16xf32>, vector<16xi1> -> vector<16xf32>
        %swap3A_1354 = arith.constant 192 : index
        %swap3A_1355 = tpu.vector_load %arg21[%swap3A_1354] {strides = array<i32>} : memref<640xf32, #tpu.memory_space<vmem>>, vector<16xf32>,
        tpu.vector_store %arg21[%swap3A_1354], %masked_cumsum3A_1353 {strides = array<i32>} : memref<640xf32, #tpu.memory_space<vmem>>, vector<16xf32>,
        %add3A_1356 = arith.constant 13 : i32
        %add3A_1357 = arith.addi %mul3A_939, %add3A_1356 : i32
        %get3A_1358 = arith.index_cast %add3A_1357 : i32 to index
        %get3A_1359 = arith.constant 0 : index
        %get3A_1360 = tpu.vector_load %arg15[%get3A_1358, %get3A_1359] {strides = array<i32>} : memref<320x64xf32, #tpu.memory_space<vmem>>, vector<16xf32>,
        %add3A_1361 = arith.constant 13 : i32
        %add3A_1362 = arith.addi %mul3A_939, %add3A_1361 : i32
        %get3A_1363 = arith.index_cast %add3A_1362 : i32 to index
        %get3A_1364 = arith.constant 16 : index
        %get3A_1365 = tpu.vector_load %arg15[%get3A_1363, %get3A_1364] {strides = array<i32>} : memref<320x64xf32, #tpu.memory_space<vmem>>, vector<16xf32>,
        %add3A_1366 = arith.constant 13 : i32
        %add3A_1367 = arith.addi %mul3A_939, %add3A_1366 : i32
        %get3A_1368 = arith.index_cast %add3A_1367 : i32 to index
        %get3A_1369 = arith.constant 32 : index
        %get3A_1370 = tpu.vector_load %arg15[%get3A_1368, %get3A_1369] {strides = array<i32>} : memref<320x64xf32, #tpu.memory_space<vmem>>, vector<16xf32>,
        %add3A_1371 = arith.constant 13 : i32
        %add3A_1372 = arith.addi %mul3A_939, %add3A_1371 : i32
        %get3A_1373 = arith.index_cast %add3A_1372 : i32 to index
        %get3A_1374 = arith.constant 48 : index
        %get3A_1375 = tpu.vector_load %arg15[%get3A_1373, %get3A_1374] {strides = array<i32>} : memref<320x64xf32, #tpu.memory_space<vmem>>, vector<16xf32>,
        %mul3A_1376 = arith.mulf %get3A_907, %get3A_1360 : vector<16xf32>
        %mul3A_1377 = arith.mulf %get3A_910, %get3A_1365 : vector<16xf32>
        %add3A_1378 = arith.addf %mul3A_1376, %mul3A_1377 : vector<16xf32>
        %mul3A_1379 = arith.mulf %get3A_913, %get3A_1370 : vector<16xf32>
        %mul3A_1380 = arith.mulf %get3A_916, %get3A_1375 : vector<16xf32>
        %add3A_1381 = arith.addf %mul3A_1379, %mul3A_1380 : vector<16xf32>
        %add3A_1382 = arith.addf %add3A_1378, %add3A_1381 : vector<16xf32>
        %broadcast_in_dim3A_1383 = arith.constant true
        %broadcast_in_dim3A_1384 = vector.broadcast %broadcast_in_dim3A_1383 : i1 to vector<16xi1>
        %masked_cumsum3A_1385 = tpu.scan <sum>, %add3A_1382 masked %broadcast_in_dim3A_1384 : vector<16xf32>, vector<16xi1> -> vector<16xf32>
        %swap3A_1386 = arith.constant 208 : index
        %swap3A_1387 = tpu.vector_load %arg21[%swap3A_1386] {strides = array<i32>} : memref<640xf32, #tpu.memory_space<vmem>>, vector<16xf32>,
        tpu.vector_store %arg21[%swap3A_1386], %masked_cumsum3A_1385 {strides = array<i32>} : memref<640xf32, #tpu.memory_space<vmem>>, vector<16xf32>,
        %add3A_1388 = arith.constant 14 : i32
        %add3A_1389 = arith.addi %mul3A_939, %add3A_1388 : i32
        %get3A_1390 = arith.index_cast %add3A_1389 : i32 to index
        %get3A_1391 = arith.constant 0 : index
        %get3A_1392 = tpu.vector_load %arg15[%get3A_1390, %get3A_1391] {strides = array<i32>} : memref<320x64xf32, #tpu.memory_space<vmem>>, vector<16xf32>,
        %add3A_1393 = arith.constant 14 : i32
        %add3A_1394 = arith.addi %mul3A_939, %add3A_1393 : i32
        %get3A_1395 = arith.index_cast %add3A_1394 : i32 to index
        %get3A_1396 = arith.constant 16 : index
        %get3A_1397 = tpu.vector_load %arg15[%get3A_1395, %get3A_1396] {strides = array<i32>} : memref<320x64xf32, #tpu.memory_space<vmem>>, vector<16xf32>,
        %add3A_1398 = arith.constant 14 : i32
        %add3A_1399 = arith.addi %mul3A_939, %add3A_1398 : i32
        %get3A_1400 = arith.index_cast %add3A_1399 : i32 to index
        %get3A_1401 = arith.constant 32 : index
        %get3A_1402 = tpu.vector_load %arg15[%get3A_1400, %get3A_1401] {strides = array<i32>} : memref<320x64xf32, #tpu.memory_space<vmem>>, vector<16xf32>,
        %add3A_1403 = arith.constant 14 : i32
        %add3A_1404 = arith.addi %mul3A_939, %add3A_1403 : i32
        %get3A_1405 = arith.index_cast %add3A_1404 : i32 to index
        %get3A_1406 = arith.constant 48 : index
        %get3A_1407 = tpu.vector_load %arg15[%get3A_1405, %get3A_1406] {strides = array<i32>} : memref<320x64xf32, #tpu.memory_space<vmem>>, vector<16xf32>,
        %mul3A_1408 = arith.mulf %get3A_907, %get3A_1392 : vector<16xf32>
        %mul3A_1409 = arith.mulf %get3A_910, %get3A_1397 : vector<16xf32>
        %add3A_1410 = arith.addf %mul3A_1408, %mul3A_1409 : vector<16xf32>
        %mul3A_1411 = arith.mulf %get3A_913, %get3A_1402 : vector<16xf32>
        %mul3A_1412 = arith.mulf %get3A_916, %get3A_1407 : vector<16xf32>
        %add3A_1413 = arith.addf %mul3A_1411, %mul3A_1412 : vector<16xf32>
        %add3A_1414 = arith.addf %add3A_1410, %add3A_1413 : vector<16xf32>
        %broadcast_in_dim3A_1415 = arith.constant true
        %broadcast_in_dim3A_1416 = vector.broadcast %broadcast_in_dim3A_1415 : i1 to vector<16xi1>
        %masked_cumsum3A_1417 = tpu.scan <sum>, %add3A_1414 masked %broadcast_in_dim3A_1416 : vector<16xf32>, vector<16xi1> -> vector<16xf32>
        %swap3A_1418 = arith.constant 224 : index
        %swap3A_1419 = tpu.vector_load %arg21[%swap3A_1418] {strides = array<i32>} : memref<640xf32, #tpu.memory_space<vmem>>, vector<16xf32>,
        tpu.vector_store %arg21[%swap3A_1418], %masked_cumsum3A_1417 {strides = array<i32>} : memref<640xf32, #tpu.memory_space<vmem>>, vector<16xf32>,
        %add3A_1420 = arith.constant 15 : i32
        %add3A_1421 = arith.addi %mul3A_939, %add3A_1420 : i32
        %get3A_1422 = arith.index_cast %add3A_1421 : i32 to index
        %get3A_1423 = arith.constant 0 : index
        %get3A_1424 = tpu.vector_load %arg15[%get3A_1422, %get3A_1423] {strides = array<i32>} : memref<320x64xf32, #tpu.memory_space<vmem>>, vector<16xf32>,
        %add3A_1425 = arith.constant 15 : i32
        %add3A_1426 = arith.addi %mul3A_939, %add3A_1425 : i32
        %get3A_1427 = arith.index_cast %add3A_1426 : i32 to index
        %get3A_1428 = arith.constant 16 : index
        %get3A_1429 = tpu.vector_load %arg15[%get3A_1427, %get3A_1428] {strides = array<i32>} : memref<320x64xf32, #tpu.memory_space<vmem>>, vector<16xf32>,
        %add3A_1430 = arith.constant 15 : i32
        %add3A_1431 = arith.addi %mul3A_939, %add3A_1430 : i32
        %get3A_1432 = arith.index_cast %add3A_1431 : i32 to index
        %get3A_1433 = arith.constant 32 : index
        %get3A_1434 = tpu.vector_load %arg15[%get3A_1432, %get3A_1433] {strides = array<i32>} : memref<320x64xf32, #tpu.memory_space<vmem>>, vector<16xf32>,
        %add3A_1435 = arith.constant 15 : i32
        %add3A_1436 = arith.addi %mul3A_939, %add3A_1435 : i32
        %get3A_1437 = arith.index_cast %add3A_1436 : i32 to index
        %get3A_1438 = arith.constant 48 : index
        %get3A_1439 = tpu.vector_load %arg15[%get3A_1437, %get3A_1438] {strides = array<i32>} : memref<320x64xf32, #tpu.memory_space<vmem>>, vector<16xf32>,
        %mul3A_1440 = arith.mulf %get3A_907, %get3A_1424 : vector<16xf32>
        %mul3A_1441 = arith.mulf %get3A_910, %get3A_1429 : vector<16xf32>
        %add3A_1442 = arith.addf %mul3A_1440, %mul3A_1441 : vector<16xf32>
        %mul3A_1443 = arith.mulf %get3A_913, %get3A_1434 : vector<16xf32>
        %mul3A_1444 = arith.mulf %get3A_916, %get3A_1439 : vector<16xf32>
        %add3A_1445 = arith.addf %mul3A_1443, %mul3A_1444 : vector<16xf32>
        %add3A_1446 = arith.addf %add3A_1442, %add3A_1445 : vector<16xf32>
        %broadcast_in_dim3A_1447 = arith.constant true
        %broadcast_in_dim3A_1448 = vector.broadcast %broadcast_in_dim3A_1447 : i1 to vector<16xi1>
        %masked_cumsum3A_1449 = tpu.scan <sum>, %add3A_1446 masked %broadcast_in_dim3A_1448 : vector<16xf32>, vector<16xi1> -> vector<16xf32>
        %swap3A_1450 = arith.constant 240 : index
        %swap3A_1451 = tpu.vector_load %arg21[%swap3A_1450] {strides = array<i32>} : memref<640xf32, #tpu.memory_space<vmem>>, vector<16xf32>,
        tpu.vector_store %arg21[%swap3A_1450], %masked_cumsum3A_1449 {strides = array<i32>} : memref<640xf32, #tpu.memory_space<vmem>>, vector<16xf32>,
        %add3A_1452 = arith.constant 16 : i32
        %add3A_1453 = arith.addi %mul3A_939, %add3A_1452 : i32
        %get3A_1454 = arith.index_cast %add3A_1453 : i32 to index
        %get3A_1455 = arith.constant 0 : index
        %get3A_1456 = tpu.vector_load %arg15[%get3A_1454, %get3A_1455] {strides = array<i32>} : memref<320x64xf32, #tpu.memory_space<vmem>>, vector<16xf32>,
        %add3A_1457 = arith.constant 16 : i32
        %add3A_1458 = arith.addi %mul3A_939, %add3A_1457 : i32
        %get3A_1459 = arith.index_cast %add3A_1458 : i32 to index
        %get3A_1460 = arith.constant 16 : index
        %get3A_1461 = tpu.vector_load %arg15[%get3A_1459, %get3A_1460] {strides = array<i32>} : memref<320x64xf32, #tpu.memory_space<vmem>>, vector<16xf32>,
        %add3A_1462 = arith.constant 16 : i32
        %add3A_1463 = arith.addi %mul3A_939, %add3A_1462 : i32
        %get3A_1464 = arith.index_cast %add3A_1463 : i32 to index
        %get3A_1465 = arith.constant 32 : index
        %get3A_1466 = tpu.vector_load %arg15[%get3A_1464, %get3A_1465] {strides = array<i32>} : memref<320x64xf32, #tpu.memory_space<vmem>>, vector<16xf32>,
        %add3A_1467 = arith.constant 16 : i32
        %add3A_1468 = arith.addi %mul3A_939, %add3A_1467 : i32
        %get3A_1469 = arith.index_cast %add3A_1468 : i32 to index
        %get3A_1470 = arith.constant 48 : index
        %get3A_1471 = tpu.vector_load %arg15[%get3A_1469, %get3A_1470] {strides = array<i32>} : memref<320x64xf32, #tpu.memory_space<vmem>>, vector<16xf32>,
        %mul3A_1472 = arith.mulf %get3A_907, %get3A_1456 : vector<16xf32>
        %mul3A_1473 = arith.mulf %get3A_910, %get3A_1461 : vector<16xf32>
        %add3A_1474 = arith.addf %mul3A_1472, %mul3A_1473 : vector<16xf32>
        %mul3A_1475 = arith.mulf %get3A_913, %get3A_1466 : vector<16xf32>
        %mul3A_1476 = arith.mulf %get3A_916, %get3A_1471 : vector<16xf32>
        %add3A_1477 = arith.addf %mul3A_1475, %mul3A_1476 : vector<16xf32>
        %add3A_1478 = arith.addf %add3A_1474, %add3A_1477 : vector<16xf32>
        %broadcast_in_dim3A_1479 = arith.constant true
        %broadcast_in_dim3A_1480 = vector.broadcast %broadcast_in_dim3A_1479 : i1 to vector<16xi1>
        %masked_cumsum3A_1481 = tpu.scan <sum>, %add3A_1478 masked %broadcast_in_dim3A_1480 : vector<16xf32>, vector<16xi1> -> vector<16xf32>
        %swap3A_1482 = arith.constant 256 : index
        %swap3A_1483 = tpu.vector_load %arg21[%swap3A_1482] {strides = array<i32>} : memref<640xf32, #tpu.memory_space<vmem>>, vector<16xf32>,
        tpu.vector_store %arg21[%swap3A_1482], %masked_cumsum3A_1481 {strides = array<i32>} : memref<640xf32, #tpu.memory_space<vmem>>, vector<16xf32>,
        %add3A_1484 = arith.constant 17 : i32
        %add3A_1485 = arith.addi %mul3A_939, %add3A_1484 : i32
        %get3A_1486 = arith.index_cast %add3A_1485 : i32 to index
        %get3A_1487 = arith.constant 0 : index
        %get3A_1488 = tpu.vector_load %arg15[%get3A_1486, %get3A_1487] {strides = array<i32>} : memref<320x64xf32, #tpu.memory_space<vmem>>, vector<16xf32>,
        %add3A_1489 = arith.constant 17 : i32
        %add3A_1490 = arith.addi %mul3A_939, %add3A_1489 : i32
        %get3A_1491 = arith.index_cast %add3A_1490 : i32 to index
        %get3A_1492 = arith.constant 16 : index
        %get3A_1493 = tpu.vector_load %arg15[%get3A_1491, %get3A_1492] {strides = array<i32>} : memref<320x64xf32, #tpu.memory_space<vmem>>, vector<16xf32>,
        %add3A_1494 = arith.constant 17 : i32
        %add3A_1495 = arith.addi %mul3A_939, %add3A_1494 : i32
        %get3A_1496 = arith.index_cast %add3A_1495 : i32 to index
        %get3A_1497 = arith.constant 32 : index
        %get3A_1498 = tpu.vector_load %arg15[%get3A_1496, %get3A_1497] {strides = array<i32>} : memref<320x64xf32, #tpu.memory_space<vmem>>, vector<16xf32>,
        %add3A_1499 = arith.constant 17 : i32
        %add3A_1500 = arith.addi %mul3A_939, %add3A_1499 : i32
        %get3A_1501 = arith.index_cast %add3A_1500 : i32 to index
        %get3A_1502 = arith.constant 48 : index
        %get3A_1503 = tpu.vector_load %arg15[%get3A_1501, %get3A_1502] {strides = array<i32>} : memref<320x64xf32, #tpu.memory_space<vmem>>, vector<16xf32>,
        %mul3A_1504 = arith.mulf %get3A_907, %get3A_1488 : vector<16xf32>
        %mul3A_1505 = arith.mulf %get3A_910, %get3A_1493 : vector<16xf32>
        %add3A_1506 = arith.addf %mul3A_1504, %mul3A_1505 : vector<16xf32>
        %mul3A_1507 = arith.mulf %get3A_913, %get3A_1498 : vector<16xf32>
        %mul3A_1508 = arith.mulf %get3A_916, %get3A_1503 : vector<16xf32>
        %add3A_1509 = arith.addf %mul3A_1507, %mul3A_1508 : vector<16xf32>
        %add3A_1510 = arith.addf %add3A_1506, %add3A_1509 : vector<16xf32>
        %broadcast_in_dim3A_1511 = arith.constant true
        %broadcast_in_dim3A_1512 = vector.broadcast %broadcast_in_dim3A_1511 : i1 to vector<16xi1>
        %masked_cumsum3A_1513 = tpu.scan <sum>, %add3A_1510 masked %broadcast_in_dim3A_1512 : vector<16xf32>, vector<16xi1> -> vector<16xf32>
        %swap3A_1514 = arith.constant 272 : index
        %swap3A_1515 = tpu.vector_load %arg21[%swap3A_1514] {strides = array<i32>} : memref<640xf32, #tpu.memory_space<vmem>>, vector<16xf32>,
        tpu.vector_store %arg21[%swap3A_1514], %masked_cumsum3A_1513 {strides = array<i32>} : memref<640xf32, #tpu.memory_space<vmem>>, vector<16xf32>,
        %add3A_1516 = arith.constant 18 : i32
        %add3A_1517 = arith.addi %mul3A_939, %add3A_1516 : i32
        %get3A_1518 = arith.index_cast %add3A_1517 : i32 to index
        %get3A_1519 = arith.constant 0 : index
        %get3A_1520 = tpu.vector_load %arg15[%get3A_1518, %get3A_1519] {strides = array<i32>} : memref<320x64xf32, #tpu.memory_space<vmem>>, vector<16xf32>,
        %add3A_1521 = arith.constant 18 : i32
        %add3A_1522 = arith.addi %mul3A_939, %add3A_1521 : i32
        %get3A_1523 = arith.index_cast %add3A_1522 : i32 to index
        %get3A_1524 = arith.constant 16 : index
        %get3A_1525 = tpu.vector_load %arg15[%get3A_1523, %get3A_1524] {strides = array<i32>} : memref<320x64xf32, #tpu.memory_space<vmem>>, vector<16xf32>,
        %add3A_1526 = arith.constant 18 : i32
        %add3A_1527 = arith.addi %mul3A_939, %add3A_1526 : i32
        %get3A_1528 = arith.index_cast %add3A_1527 : i32 to index
        %get3A_1529 = arith.constant 32 : index
        %get3A_1530 = tpu.vector_load %arg15[%get3A_1528, %get3A_1529] {strides = array<i32>} : memref<320x64xf32, #tpu.memory_space<vmem>>, vector<16xf32>,
        %add3A_1531 = arith.constant 18 : i32
        %add3A_1532 = arith.addi %mul3A_939, %add3A_1531 : i32
        %get3A_1533 = arith.index_cast %add3A_1532 : i32 to index
        %get3A_1534 = arith.constant 48 : index
        %get3A_1535 = tpu.vector_load %arg15[%get3A_1533, %get3A_1534] {strides = array<i32>} : memref<320x64xf32, #tpu.memory_space<vmem>>, vector<16xf32>,
        %mul3A_1536 = arith.mulf %get3A_907, %get3A_1520 : vector<16xf32>
        %mul3A_1537 = arith.mulf %get3A_910, %get3A_1525 : vector<16xf32>
        %add3A_1538 = arith.addf %mul3A_1536, %mul3A_1537 : vector<16xf32>
        %mul3A_1539 = arith.mulf %get3A_913, %get3A_1530 : vector<16xf32>
        %mul3A_1540 = arith.mulf %get3A_916, %get3A_1535 : vector<16xf32>
        %add3A_1541 = arith.addf %mul3A_1539, %mul3A_1540 : vector<16xf32>
        %add3A_1542 = arith.addf %add3A_1538, %add3A_1541 : vector<16xf32>
        %broadcast_in_dim3A_1543 = arith.constant true
        %broadcast_in_dim3A_1544 = vector.broadcast %broadcast_in_dim3A_1543 : i1 to vector<16xi1>
        %masked_cumsum3A_1545 = tpu.scan <sum>, %add3A_1542 masked %broadcast_in_dim3A_1544 : vector<16xf32>, vector<16xi1> -> vector<16xf32>
        %swap3A_1546 = arith.constant 288 : index
        %swap3A_1547 = tpu.vector_load %arg21[%swap3A_1546] {strides = array<i32>} : memref<640xf32, #tpu.memory_space<vmem>>, vector<16xf32>,
        tpu.vector_store %arg21[%swap3A_1546], %masked_cumsum3A_1545 {strides = array<i32>} : memref<640xf32, #tpu.memory_space<vmem>>, vector<16xf32>,
        %add3A_1548 = arith.constant 19 : i32
        %add3A_1549 = arith.addi %mul3A_939, %add3A_1548 : i32
        %get3A_1550 = arith.index_cast %add3A_1549 : i32 to index
        %get3A_1551 = arith.constant 0 : index
        %get3A_1552 = tpu.vector_load %arg15[%get3A_1550, %get3A_1551] {strides = array<i32>} : memref<320x64xf32, #tpu.memory_space<vmem>>, vector<16xf32>,
        %add3A_1553 = arith.constant 19 : i32
        %add3A_1554 = arith.addi %mul3A_939, %add3A_1553 : i32
        %get3A_1555 = arith.index_cast %add3A_1554 : i32 to index
        %get3A_1556 = arith.constant 16 : index
        %get3A_1557 = tpu.vector_load %arg15[%get3A_1555, %get3A_1556] {strides = array<i32>} : memref<320x64xf32, #tpu.memory_space<vmem>>, vector<16xf32>,
        %add3A_1558 = arith.constant 19 : i32
        %add3A_1559 = arith.addi %mul3A_939, %add3A_1558 : i32
        %get3A_1560 = arith.index_cast %add3A_1559 : i32 to index
        %get3A_1561 = arith.constant 32 : index
        %get3A_1562 = tpu.vector_load %arg15[%get3A_1560, %get3A_1561] {strides = array<i32>} : memref<320x64xf32, #tpu.memory_space<vmem>>, vector<16xf32>,
        %add3A_1563 = arith.constant 19 : i32
        %add3A_1564 = arith.addi %mul3A_939, %add3A_1563 : i32
        %get3A_1565 = arith.index_cast %add3A_1564 : i32 to index
        %get3A_1566 = arith.constant 48 : index
        %get3A_1567 = tpu.vector_load %arg15[%get3A_1565, %get3A_1566] {strides = array<i32>} : memref<320x64xf32, #tpu.memory_space<vmem>>, vector<16xf32>,
        %mul3A_1568 = arith.mulf %get3A_907, %get3A_1552 : vector<16xf32>
        %mul3A_1569 = arith.mulf %get3A_910, %get3A_1557 : vector<16xf32>
        %add3A_1570 = arith.addf %mul3A_1568, %mul3A_1569 : vector<16xf32>
        %mul3A_1571 = arith.mulf %get3A_913, %get3A_1562 : vector<16xf32>
        %mul3A_1572 = arith.mulf %get3A_916, %get3A_1567 : vector<16xf32>
        %add3A_1573 = arith.addf %mul3A_1571, %mul3A_1572 : vector<16xf32>
        %add3A_1574 = arith.addf %add3A_1570, %add3A_1573 : vector<16xf32>
        %broadcast_in_dim3A_1575 = arith.constant true
        %broadcast_in_dim3A_1576 = vector.broadcast %broadcast_in_dim3A_1575 : i1 to vector<16xi1>
        %masked_cumsum3A_1577 = tpu.scan <sum>, %add3A_1574 masked %broadcast_in_dim3A_1576 : vector<16xf32>, vector<16xi1> -> vector<16xf32>
        %swap3A_1578 = arith.constant 304 : index
        %swap3A_1579 = tpu.vector_load %arg21[%swap3A_1578] {strides = array<i32>} : memref<640xf32, #tpu.memory_space<vmem>>, vector<16xf32>,
        tpu.vector_store %arg21[%swap3A_1578], %masked_cumsum3A_1577 {strides = array<i32>} : memref<640xf32, #tpu.memory_space<vmem>>, vector<16xf32>,
        %broadcast_in_dim3A_1580 = vector.broadcast %add3A_904 : i32 to vector<16xi32>
        %mul3A_1581 = arith.constant 16 : i32
        %mul3A_1582 = vector.broadcast %mul3A_1581 : i32 to vector<16xi32>
        %mul3A_1583 = arith.muli %iota3A, %mul3A_1582 : vector<16xi32>
        %add3A_1584 = arith.constant 15 : i32
        %add3A_1585 = vector.broadcast %add3A_1584 : i32 to vector<16xi32>
        %add3A_1586 = arith.addi %mul3A_1583, %add3A_1585 : vector<16xi32>
        %gather3A = tpu.vector_load_idx %arg21[%add3A_1586] : memref<640xf32, #tpu.memory_space<vmem>>[vector<16xi32>], vector<16xf32>,
        %mul3A_1587 = arith.constant 512 : i32
        %mul3A_1588 = vector.broadcast %mul3A_1587 : i32 to vector<16xi32>
        %mul3A_1589 = arith.muli %iota3A, %mul3A_1588 : vector<16xi32>
        %add3A_1590 = arith.addi %mul3A_1589, %broadcast_in_dim3A_1580 : vector<16xi32>
        tpu.vector_store_idx %arg20[%add3A_1590], %gather3A : memref<10240xf32, #tpu.memory_space<vmem>>[vector<16xi32>], vector<16xf32>,
        %add3A_1591 = arith.constant 16 : i32
        %add3A_1592 = vector.broadcast %add3A_1591 : i32 to vector<16xi32>
        %add3A_1593 = arith.addi %iota3A, %add3A_1592 : vector<16xi32>
        %mul3A_1594 = arith.constant 16 : i32
        %mul3A_1595 = vector.broadcast %mul3A_1594 : i32 to vector<16xi32>
        %mul3A_1596 = arith.muli %add3A_1593, %mul3A_1595 : vector<16xi32>
        %add3A_1597 = arith.constant 15 : i32
        %add3A_1598 = vector.broadcast %add3A_1597 : i32 to vector<16xi32>
        %add3A_1599 = arith.addi %mul3A_1596, %add3A_1598 : vector<16xi32>
        %gather3A_1600 = tpu.vector_load_idx %arg21[%add3A_1599] : memref<640xf32, #tpu.memory_space<vmem>>[vector<16xi32>], vector<16xf32>,
        %add3A_1601 = arith.constant 16 : i32
        %add3A_1602 = vector.broadcast %add3A_1601 : i32 to vector<16xi32>
        %add3A_1603 = arith.addi %iota3A, %add3A_1602 : vector<16xi32>
        %mul3A_1604 = arith.constant 512 : i32
        %mul3A_1605 = vector.broadcast %mul3A_1604 : i32 to vector<16xi32>
        %mul3A_1606 = arith.muli %add3A_1603, %mul3A_1605 : vector<16xi32>
        %add3A_1607 = arith.addi %mul3A_1606, %broadcast_in_dim3A_1580 : vector<16xi32>
        %lt3A_1608 = arith.constant 4 : i32
        %lt3A_1609 = vector.broadcast %lt3A_1608 : i32 to vector<16xi32>
        %lt3A_1610 = arith.cmpi slt, %iota3A, %lt3A_1609 : vector<16xi32>
        tpu.vector_store_idx %arg20[%add3A_1607], %gather3A_1600 masked %lt3A_1610 : memref<10240xf32, #tpu.memory_space<vmem>>[vector<16xi32>], vector<16xf32>, vector<16xi1>
        %eq3A = arith.constant 4 : i32
        %eq3A_1611 = vector.broadcast %eq3A : i32 to vector<16xi32>
        %eq3A_1612 = arith.cmpi eq, %iota3A, %eq3A_1611 : vector<16xi32>
        tpu.vector_store_idx %arg19[%broadcast_in_dim3A_1580], %gather3A_1600 masked %eq3A_1612 : memref<512xf32, #tpu.memory_space<vmem>>[vector<16xi32>], vector<16xf32>, vector<16xi1>
      }
      %scan3A_870 = arith.constant 16 : i32
      %add3A_871 = arith.constant 2 : i32
      %add3A_872 = arith.addi %mul3A_444, %add3A_871 : i32
      %lt3A = arith.constant 32 : i32
      %lt3A_873 = arith.cmpi slt, %add3A_872, %lt3A : i32
      %convert_element_type3A = arith.extui %lt3A_873 : i1 to i32
      %cond3A = arith.constant 0 : i32
      %cond3A_874 = arith.cmpi ne, %convert_element_type3A, %cond3A : i32
      scf.if %cond3A_874 {
        %add3A_903 = arith.constant 2 : i32
        %add3A_904 = arith.addi %mul3A_444, %add3A_903 : i32
        %mul3A_905 = arith.constant 16 : i32
        %mul3A_906 = arith.muli %add3A_904, %mul3A_905 : i32
        %add3A_907 = arith.addi %mul3A_2, %mul3A_906 : i32
        %mul3A_908 = arith.constant 20 : i32
        %mul3A_909 = arith.muli %add3A_907, %mul3A_908 : i32
        "tpu.region"() ({
          %run_scoped3A = tpu.sem_alloc : memref<!tpu.dma_semaphore, #tpu.memory_space<semaphore_mem>>
          %dma_start3A_1304 = tpu.memref_slice %arg4[%mul3A_909] : memref<327680xi32, #tpu.memory_space<hbm>> -> memref<320xi32, #tpu.memory_space<hbm>>
          %dma_start3A_1305 = tpu.memref_slice %arg4[%mul3A_909] : memref<327680xi32, #tpu.memory_space<hbm>> -> memref<320xi32, #tpu.memory_space<hbm>>
          tpu.enqueue_dma source(%dma_start3A_1305 : memref<320xi32, #tpu.memory_space<hbm>>) target(%arg11 : memref<320xi32, #tpu.memory_space<vmem>>) target_semaphore(%run_scoped3A : memref<!tpu.dma_semaphore, #tpu.memory_space<semaphore_mem>>)
          %dma_wait3A_1306 = tpu.memref_slice %arg4[%mul3A_909] : memref<327680xi32, #tpu.memory_space<hbm>> -> memref<320xi32, #tpu.memory_space<hbm>>
          %dma_wait3A_1307 = tpu.memref_slice %arg4[%mul3A_909] : memref<327680xi32, #tpu.memory_space<hbm>> -> memref<320xi32, #tpu.memory_space<hbm>>
          tpu.wait_dma2 semaphore(%run_scoped3A : memref<!tpu.dma_semaphore, #tpu.memory_space<semaphore_mem>>) src(%dma_wait3A_1307 : memref<320xi32, #tpu.memory_space<hbm>>) dst(%arg11 : memref<320xi32, #tpu.memory_space<vmem>>)
          tpu.yield
        }) : () -> ()
        %get3A_910 = arith.index_cast %mul3A_906 : i32 to index
        %get3A_911 = tpu.vector_load %arg9[%get3A_910] {strides = array<i32>} : memref<512xi32, #tpu.memory_space<vmem>>, vector<16xi32>,
        %get3A_912 = arith.index_cast %mul3A_906 : i32 to index
        %get3A_913 = tpu.vector_load %arg10[%get3A_912] {strides = array<i32>} : memref<512xi32, #tpu.memory_space<vmem>>, vector<16xi32>,
        %slice3A_914 = vector.extract_strided_slice %get3A_911 {offsets = [0], sizes = [1], strides = [1]} : vector<16xi32> to vector<1xi32>
        %squeeze3A_915 = vector.extract %slice3A_914[0] : i32 from vector<1xi32>
        %dma_start3A_916 = arith.constant 0 : i32
        %dma_start3A_917 = arith.constant 0 : i32
        %dma_start3A_918 = tpu.memref_slice %arg13[%dma_start3A_916, %dma_start3A_917] : memref<16x64xf32, #tpu.memory_space<vmem>> -> memref<1x64xf32, #tpu.memory_space<vmem>>
        %dma_start3A_919 = arith.constant 0 : i32
        %dma_start3A_920 = tpu.memref_slice %arg5[%squeeze3A_915, %dma_start3A_919] : memref<1000000x64xf32, #tpu.memory_space<hbm>> -> memref<1x64xf32, #tpu.memory_space<hbm>>
        %dma_start3A_921 = arith.constant 0 : i32
        %dma_start3A_922 = arith.constant 0 : i32
        %dma_start3A_923 = tpu.memref_slice %arg13[%dma_start3A_921, %dma_start3A_922] : memref<16x64xf32, #tpu.memory_space<vmem>> -> memref<1x64xf32, #tpu.memory_space<vmem>>
        %dma_start3A_924 = arith.constant 0 : i32
        %dma_start3A_925 = tpu.memref_slice %arg5[%squeeze3A_915, %dma_start3A_924] : memref<1000000x64xf32, #tpu.memory_space<hbm>> -> memref<1x64xf32, #tpu.memory_space<hbm>>
        tpu.enqueue_dma source(%dma_start3A_925 : memref<1x64xf32, #tpu.memory_space<hbm>>) target(%dma_start3A_923 : memref<1x64xf32, #tpu.memory_space<vmem>>) target_semaphore(%arg22 : memref<!tpu.dma_semaphore, #tpu.memory_space<semaphore_mem>>)
        %slice3A_926 = vector.extract_strided_slice %get3A_913 {offsets = [0], sizes = [1], strides = [1]} : vector<16xi32> to vector<1xi32>
        %squeeze3A_927 = vector.extract %slice3A_926[0] : i32 from vector<1xi32>
        %dma_start3A_928 = arith.constant 0 : i32
        %dma_start3A_929 = arith.constant 0 : i32
        %dma_start3A_930 = tpu.memref_slice %arg14[%dma_start3A_928, %dma_start3A_929] : memref<16x64xf32, #tpu.memory_space<vmem>> -> memref<1x64xf32, #tpu.memory_space<vmem>>
        %dma_start3A_931 = arith.constant 0 : i32
        %dma_start3A_932 = tpu.memref_slice %arg6[%squeeze3A_927, %dma_start3A_931] : memref<1000000x64xf32, #tpu.memory_space<hbm>> -> memref<1x64xf32, #tpu.memory_space<hbm>>
        %dma_start3A_933 = arith.constant 0 : i32
        %dma_start3A_934 = arith.constant 0 : i32
        %dma_start3A_935 = tpu.memref_slice %arg14[%dma_start3A_933, %dma_start3A_934] : memref<16x64xf32, #tpu.memory_space<vmem>> -> memref<1x64xf32, #tpu.memory_space<vmem>>
        %dma_start3A_936 = arith.constant 0 : i32
        %dma_start3A_937 = tpu.memref_slice %arg6[%squeeze3A_927, %dma_start3A_936] : memref<1000000x64xf32, #tpu.memory_space<hbm>> -> memref<1x64xf32, #tpu.memory_space<hbm>>
        tpu.enqueue_dma source(%dma_start3A_937 : memref<1x64xf32, #tpu.memory_space<hbm>>) target(%dma_start3A_935 : memref<1x64xf32, #tpu.memory_space<vmem>>) target_semaphore(%arg22 : memref<!tpu.dma_semaphore, #tpu.memory_space<semaphore_mem>>)
        %slice3A_938 = vector.extract_strided_slice %get3A_911 {offsets = [1], sizes = [1], strides = [1]} : vector<16xi32> to vector<1xi32>
        %squeeze3A_939 = vector.extract %slice3A_938[0] : i32 from vector<1xi32>
        %dma_start3A_940 = arith.constant 1 : i32
        %dma_start3A_941 = arith.constant 0 : i32
        %dma_start3A_942 = tpu.memref_slice %arg13[%dma_start3A_940, %dma_start3A_941] : memref<16x64xf32, #tpu.memory_space<vmem>> -> memref<1x64xf32, #tpu.memory_space<vmem>>
        %dma_start3A_943 = arith.constant 0 : i32
        %dma_start3A_944 = tpu.memref_slice %arg5[%squeeze3A_939, %dma_start3A_943] : memref<1000000x64xf32, #tpu.memory_space<hbm>> -> memref<1x64xf32, #tpu.memory_space<hbm>>
        %dma_start3A_945 = arith.constant 1 : i32
        %dma_start3A_946 = arith.constant 0 : i32
        %dma_start3A_947 = tpu.memref_slice %arg13[%dma_start3A_945, %dma_start3A_946] : memref<16x64xf32, #tpu.memory_space<vmem>> -> memref<1x64xf32, #tpu.memory_space<vmem>>
        %dma_start3A_948 = arith.constant 0 : i32
        %dma_start3A_949 = tpu.memref_slice %arg5[%squeeze3A_939, %dma_start3A_948] : memref<1000000x64xf32, #tpu.memory_space<hbm>> -> memref<1x64xf32, #tpu.memory_space<hbm>>
        tpu.enqueue_dma source(%dma_start3A_949 : memref<1x64xf32, #tpu.memory_space<hbm>>) target(%dma_start3A_947 : memref<1x64xf32, #tpu.memory_space<vmem>>) target_semaphore(%arg22 : memref<!tpu.dma_semaphore, #tpu.memory_space<semaphore_mem>>)
        %slice3A_950 = vector.extract_strided_slice %get3A_913 {offsets = [1], sizes = [1], strides = [1]} : vector<16xi32> to vector<1xi32>
        %squeeze3A_951 = vector.extract %slice3A_950[0] : i32 from vector<1xi32>
        %dma_start3A_952 = arith.constant 1 : i32
        %dma_start3A_953 = arith.constant 0 : i32
        %dma_start3A_954 = tpu.memref_slice %arg14[%dma_start3A_952, %dma_start3A_953] : memref<16x64xf32, #tpu.memory_space<vmem>> -> memref<1x64xf32, #tpu.memory_space<vmem>>
        %dma_start3A_955 = arith.constant 0 : i32
        %dma_start3A_956 = tpu.memref_slice %arg6[%squeeze3A_951, %dma_start3A_955] : memref<1000000x64xf32, #tpu.memory_space<hbm>> -> memref<1x64xf32, #tpu.memory_space<hbm>>
        %dma_start3A_957 = arith.constant 1 : i32
        %dma_start3A_958 = arith.constant 0 : i32
        %dma_start3A_959 = tpu.memref_slice %arg14[%dma_start3A_957, %dma_start3A_958] : memref<16x64xf32, #tpu.memory_space<vmem>> -> memref<1x64xf32, #tpu.memory_space<vmem>>
        %dma_start3A_960 = arith.constant 0 : i32
        %dma_start3A_961 = tpu.memref_slice %arg6[%squeeze3A_951, %dma_start3A_960] : memref<1000000x64xf32, #tpu.memory_space<hbm>> -> memref<1x64xf32, #tpu.memory_space<hbm>>
        tpu.enqueue_dma source(%dma_start3A_961 : memref<1x64xf32, #tpu.memory_space<hbm>>) target(%dma_start3A_959 : memref<1x64xf32, #tpu.memory_space<vmem>>) target_semaphore(%arg22 : memref<!tpu.dma_semaphore, #tpu.memory_space<semaphore_mem>>)
        %slice3A_962 = vector.extract_strided_slice %get3A_911 {offsets = [2], sizes = [1], strides = [1]} : vector<16xi32> to vector<1xi32>
        %squeeze3A_963 = vector.extract %slice3A_962[0] : i32 from vector<1xi32>
        %dma_start3A_964 = arith.constant 2 : i32
        %dma_start3A_965 = arith.constant 0 : i32
        %dma_start3A_966 = tpu.memref_slice %arg13[%dma_start3A_964, %dma_start3A_965] : memref<16x64xf32, #tpu.memory_space<vmem>> -> memref<1x64xf32, #tpu.memory_space<vmem>>
        %dma_start3A_967 = arith.constant 0 : i32
        %dma_start3A_968 = tpu.memref_slice %arg5[%squeeze3A_963, %dma_start3A_967] : memref<1000000x64xf32, #tpu.memory_space<hbm>> -> memref<1x64xf32, #tpu.memory_space<hbm>>
        %dma_start3A_969 = arith.constant 2 : i32
        %dma_start3A_970 = arith.constant 0 : i32
        %dma_start3A_971 = tpu.memref_slice %arg13[%dma_start3A_969, %dma_start3A_970] : memref<16x64xf32, #tpu.memory_space<vmem>> -> memref<1x64xf32, #tpu.memory_space<vmem>>
        %dma_start3A_972 = arith.constant 0 : i32
        %dma_start3A_973 = tpu.memref_slice %arg5[%squeeze3A_963, %dma_start3A_972] : memref<1000000x64xf32, #tpu.memory_space<hbm>> -> memref<1x64xf32, #tpu.memory_space<hbm>>
        tpu.enqueue_dma source(%dma_start3A_973 : memref<1x64xf32, #tpu.memory_space<hbm>>) target(%dma_start3A_971 : memref<1x64xf32, #tpu.memory_space<vmem>>) target_semaphore(%arg22 : memref<!tpu.dma_semaphore, #tpu.memory_space<semaphore_mem>>)
        %slice3A_974 = vector.extract_strided_slice %get3A_913 {offsets = [2], sizes = [1], strides = [1]} : vector<16xi32> to vector<1xi32>
        %squeeze3A_975 = vector.extract %slice3A_974[0] : i32 from vector<1xi32>
        %dma_start3A_976 = arith.constant 2 : i32
        %dma_start3A_977 = arith.constant 0 : i32
        %dma_start3A_978 = tpu.memref_slice %arg14[%dma_start3A_976, %dma_start3A_977] : memref<16x64xf32, #tpu.memory_space<vmem>> -> memref<1x64xf32, #tpu.memory_space<vmem>>
        %dma_start3A_979 = arith.constant 0 : i32
        %dma_start3A_980 = tpu.memref_slice %arg6[%squeeze3A_975, %dma_start3A_979] : memref<1000000x64xf32, #tpu.memory_space<hbm>> -> memref<1x64xf32, #tpu.memory_space<hbm>>
        %dma_start3A_981 = arith.constant 2 : i32
        %dma_start3A_982 = arith.constant 0 : i32
        %dma_start3A_983 = tpu.memref_slice %arg14[%dma_start3A_981, %dma_start3A_982] : memref<16x64xf32, #tpu.memory_space<vmem>> -> memref<1x64xf32, #tpu.memory_space<vmem>>
        %dma_start3A_984 = arith.constant 0 : i32
        %dma_start3A_985 = tpu.memref_slice %arg6[%squeeze3A_975, %dma_start3A_984] : memref<1000000x64xf32, #tpu.memory_space<hbm>> -> memref<1x64xf32, #tpu.memory_space<hbm>>
        tpu.enqueue_dma source(%dma_start3A_985 : memref<1x64xf32, #tpu.memory_space<hbm>>) target(%dma_start3A_983 : memref<1x64xf32, #tpu.memory_space<vmem>>) target_semaphore(%arg22 : memref<!tpu.dma_semaphore, #tpu.memory_space<semaphore_mem>>)
        %slice3A_986 = vector.extract_strided_slice %get3A_911 {offsets = [3], sizes = [1], strides = [1]} : vector<16xi32> to vector<1xi32>
        %squeeze3A_987 = vector.extract %slice3A_986[0] : i32 from vector<1xi32>
        %dma_start3A_988 = arith.constant 3 : i32
        %dma_start3A_989 = arith.constant 0 : i32
        %dma_start3A_990 = tpu.memref_slice %arg13[%dma_start3A_988, %dma_start3A_989] : memref<16x64xf32, #tpu.memory_space<vmem>> -> memref<1x64xf32, #tpu.memory_space<vmem>>
        %dma_start3A_991 = arith.constant 0 : i32
        %dma_start3A_992 = tpu.memref_slice %arg5[%squeeze3A_987, %dma_start3A_991] : memref<1000000x64xf32, #tpu.memory_space<hbm>> -> memref<1x64xf32, #tpu.memory_space<hbm>>
        %dma_start3A_993 = arith.constant 3 : i32
        %dma_start3A_994 = arith.constant 0 : i32
        %dma_start3A_995 = tpu.memref_slice %arg13[%dma_start3A_993, %dma_start3A_994] : memref<16x64xf32, #tpu.memory_space<vmem>> -> memref<1x64xf32, #tpu.memory_space<vmem>>
        %dma_start3A_996 = arith.constant 0 : i32
        %dma_start3A_997 = tpu.memref_slice %arg5[%squeeze3A_987, %dma_start3A_996] : memref<1000000x64xf32, #tpu.memory_space<hbm>> -> memref<1x64xf32, #tpu.memory_space<hbm>>
        tpu.enqueue_dma source(%dma_start3A_997 : memref<1x64xf32, #tpu.memory_space<hbm>>) target(%dma_start3A_995 : memref<1x64xf32, #tpu.memory_space<vmem>>) target_semaphore(%arg22 : memref<!tpu.dma_semaphore, #tpu.memory_space<semaphore_mem>>)
        %slice3A_998 = vector.extract_strided_slice %get3A_913 {offsets = [3], sizes = [1], strides = [1]} : vector<16xi32> to vector<1xi32>
        %squeeze3A_999 = vector.extract %slice3A_998[0] : i32 from vector<1xi32>
        %dma_start3A_1000 = arith.constant 3 : i32
        %dma_start3A_1001 = arith.constant 0 : i32
        %dma_start3A_1002 = tpu.memref_slice %arg14[%dma_start3A_1000, %dma_start3A_1001] : memref<16x64xf32, #tpu.memory_space<vmem>> -> memref<1x64xf32, #tpu.memory_space<vmem>>
        %dma_start3A_1003 = arith.constant 0 : i32
        %dma_start3A_1004 = tpu.memref_slice %arg6[%squeeze3A_999, %dma_start3A_1003] : memref<1000000x64xf32, #tpu.memory_space<hbm>> -> memref<1x64xf32, #tpu.memory_space<hbm>>
        %dma_start3A_1005 = arith.constant 3 : i32
        %dma_start3A_1006 = arith.constant 0 : i32
        %dma_start3A_1007 = tpu.memref_slice %arg14[%dma_start3A_1005, %dma_start3A_1006] : memref<16x64xf32, #tpu.memory_space<vmem>> -> memref<1x64xf32, #tpu.memory_space<vmem>>
        %dma_start3A_1008 = arith.constant 0 : i32
        %dma_start3A_1009 = tpu.memref_slice %arg6[%squeeze3A_999, %dma_start3A_1008] : memref<1000000x64xf32, #tpu.memory_space<hbm>> -> memref<1x64xf32, #tpu.memory_space<hbm>>
        tpu.enqueue_dma source(%dma_start3A_1009 : memref<1x64xf32, #tpu.memory_space<hbm>>) target(%dma_start3A_1007 : memref<1x64xf32, #tpu.memory_space<vmem>>) target_semaphore(%arg22 : memref<!tpu.dma_semaphore, #tpu.memory_space<semaphore_mem>>)
        %slice3A_1010 = vector.extract_strided_slice %get3A_911 {offsets = [4], sizes = [1], strides = [1]} : vector<16xi32> to vector<1xi32>
        %squeeze3A_1011 = vector.extract %slice3A_1010[0] : i32 from vector<1xi32>
        %dma_start3A_1012 = arith.constant 4 : i32
        %dma_start3A_1013 = arith.constant 0 : i32
        %dma_start3A_1014 = tpu.memref_slice %arg13[%dma_start3A_1012, %dma_start3A_1013] : memref<16x64xf32, #tpu.memory_space<vmem>> -> memref<1x64xf32, #tpu.memory_space<vmem>>
        %dma_start3A_1015 = arith.constant 0 : i32
        %dma_start3A_1016 = tpu.memref_slice %arg5[%squeeze3A_1011, %dma_start3A_1015] : memref<1000000x64xf32, #tpu.memory_space<hbm>> -> memref<1x64xf32, #tpu.memory_space<hbm>>
        %dma_start3A_1017 = arith.constant 4 : i32
        %dma_start3A_1018 = arith.constant 0 : i32
        %dma_start3A_1019 = tpu.memref_slice %arg13[%dma_start3A_1017, %dma_start3A_1018] : memref<16x64xf32, #tpu.memory_space<vmem>> -> memref<1x64xf32, #tpu.memory_space<vmem>>
        %dma_start3A_1020 = arith.constant 0 : i32
        %dma_start3A_1021 = tpu.memref_slice %arg5[%squeeze3A_1011, %dma_start3A_1020] : memref<1000000x64xf32, #tpu.memory_space<hbm>> -> memref<1x64xf32, #tpu.memory_space<hbm>>
        tpu.enqueue_dma source(%dma_start3A_1021 : memref<1x64xf32, #tpu.memory_space<hbm>>) target(%dma_start3A_1019 : memref<1x64xf32, #tpu.memory_space<vmem>>) target_semaphore(%arg22 : memref<!tpu.dma_semaphore, #tpu.memory_space<semaphore_mem>>)
        %slice3A_1022 = vector.extract_strided_slice %get3A_913 {offsets = [4], sizes = [1], strides = [1]} : vector<16xi32> to vector<1xi32>
        %squeeze3A_1023 = vector.extract %slice3A_1022[0] : i32 from vector<1xi32>
        %dma_start3A_1024 = arith.constant 4 : i32
        %dma_start3A_1025 = arith.constant 0 : i32
        %dma_start3A_1026 = tpu.memref_slice %arg14[%dma_start3A_1024, %dma_start3A_1025] : memref<16x64xf32, #tpu.memory_space<vmem>> -> memref<1x64xf32, #tpu.memory_space<vmem>>
        %dma_start3A_1027 = arith.constant 0 : i32
        %dma_start3A_1028 = tpu.memref_slice %arg6[%squeeze3A_1023, %dma_start3A_1027] : memref<1000000x64xf32, #tpu.memory_space<hbm>> -> memref<1x64xf32, #tpu.memory_space<hbm>>
        %dma_start3A_1029 = arith.constant 4 : i32
        %dma_start3A_1030 = arith.constant 0 : i32
        %dma_start3A_1031 = tpu.memref_slice %arg14[%dma_start3A_1029, %dma_start3A_1030] : memref<16x64xf32, #tpu.memory_space<vmem>> -> memref<1x64xf32, #tpu.memory_space<vmem>>
        %dma_start3A_1032 = arith.constant 0 : i32
        %dma_start3A_1033 = tpu.memref_slice %arg6[%squeeze3A_1023, %dma_start3A_1032] : memref<1000000x64xf32, #tpu.memory_space<hbm>> -> memref<1x64xf32, #tpu.memory_space<hbm>>
        tpu.enqueue_dma source(%dma_start3A_1033 : memref<1x64xf32, #tpu.memory_space<hbm>>) target(%dma_start3A_1031 : memref<1x64xf32, #tpu.memory_space<vmem>>) target_semaphore(%arg22 : memref<!tpu.dma_semaphore, #tpu.memory_space<semaphore_mem>>)
        %slice3A_1034 = vector.extract_strided_slice %get3A_911 {offsets = [5], sizes = [1], strides = [1]} : vector<16xi32> to vector<1xi32>
        %squeeze3A_1035 = vector.extract %slice3A_1034[0] : i32 from vector<1xi32>
        %dma_start3A_1036 = arith.constant 5 : i32
        %dma_start3A_1037 = arith.constant 0 : i32
        %dma_start3A_1038 = tpu.memref_slice %arg13[%dma_start3A_1036, %dma_start3A_1037] : memref<16x64xf32, #tpu.memory_space<vmem>> -> memref<1x64xf32, #tpu.memory_space<vmem>>
        %dma_start3A_1039 = arith.constant 0 : i32
        %dma_start3A_1040 = tpu.memref_slice %arg5[%squeeze3A_1035, %dma_start3A_1039] : memref<1000000x64xf32, #tpu.memory_space<hbm>> -> memref<1x64xf32, #tpu.memory_space<hbm>>
        %dma_start3A_1041 = arith.constant 5 : i32
        %dma_start3A_1042 = arith.constant 0 : i32
        %dma_start3A_1043 = tpu.memref_slice %arg13[%dma_start3A_1041, %dma_start3A_1042] : memref<16x64xf32, #tpu.memory_space<vmem>> -> memref<1x64xf32, #tpu.memory_space<vmem>>
        %dma_start3A_1044 = arith.constant 0 : i32
        %dma_start3A_1045 = tpu.memref_slice %arg5[%squeeze3A_1035, %dma_start3A_1044] : memref<1000000x64xf32, #tpu.memory_space<hbm>> -> memref<1x64xf32, #tpu.memory_space<hbm>>
        tpu.enqueue_dma source(%dma_start3A_1045 : memref<1x64xf32, #tpu.memory_space<hbm>>) target(%dma_start3A_1043 : memref<1x64xf32, #tpu.memory_space<vmem>>) target_semaphore(%arg22 : memref<!tpu.dma_semaphore, #tpu.memory_space<semaphore_mem>>)
        %slice3A_1046 = vector.extract_strided_slice %get3A_913 {offsets = [5], sizes = [1], strides = [1]} : vector<16xi32> to vector<1xi32>
        %squeeze3A_1047 = vector.extract %slice3A_1046[0] : i32 from vector<1xi32>
        %dma_start3A_1048 = arith.constant 5 : i32
        %dma_start3A_1049 = arith.constant 0 : i32
        %dma_start3A_1050 = tpu.memref_slice %arg14[%dma_start3A_1048, %dma_start3A_1049] : memref<16x64xf32, #tpu.memory_space<vmem>> -> memref<1x64xf32, #tpu.memory_space<vmem>>
        %dma_start3A_1051 = arith.constant 0 : i32
        %dma_start3A_1052 = tpu.memref_slice %arg6[%squeeze3A_1047, %dma_start3A_1051] : memref<1000000x64xf32, #tpu.memory_space<hbm>> -> memref<1x64xf32, #tpu.memory_space<hbm>>
        %dma_start3A_1053 = arith.constant 5 : i32
        %dma_start3A_1054 = arith.constant 0 : i32
        %dma_start3A_1055 = tpu.memref_slice %arg14[%dma_start3A_1053, %dma_start3A_1054] : memref<16x64xf32, #tpu.memory_space<vmem>> -> memref<1x64xf32, #tpu.memory_space<vmem>>
        %dma_start3A_1056 = arith.constant 0 : i32
        %dma_start3A_1057 = tpu.memref_slice %arg6[%squeeze3A_1047, %dma_start3A_1056] : memref<1000000x64xf32, #tpu.memory_space<hbm>> -> memref<1x64xf32, #tpu.memory_space<hbm>>
        tpu.enqueue_dma source(%dma_start3A_1057 : memref<1x64xf32, #tpu.memory_space<hbm>>) target(%dma_start3A_1055 : memref<1x64xf32, #tpu.memory_space<vmem>>) target_semaphore(%arg22 : memref<!tpu.dma_semaphore, #tpu.memory_space<semaphore_mem>>)
        %slice3A_1058 = vector.extract_strided_slice %get3A_911 {offsets = [6], sizes = [1], strides = [1]} : vector<16xi32> to vector<1xi32>
        %squeeze3A_1059 = vector.extract %slice3A_1058[0] : i32 from vector<1xi32>
        %dma_start3A_1060 = arith.constant 6 : i32
        %dma_start3A_1061 = arith.constant 0 : i32
        %dma_start3A_1062 = tpu.memref_slice %arg13[%dma_start3A_1060, %dma_start3A_1061] : memref<16x64xf32, #tpu.memory_space<vmem>> -> memref<1x64xf32, #tpu.memory_space<vmem>>
        %dma_start3A_1063 = arith.constant 0 : i32
        %dma_start3A_1064 = tpu.memref_slice %arg5[%squeeze3A_1059, %dma_start3A_1063] : memref<1000000x64xf32, #tpu.memory_space<hbm>> -> memref<1x64xf32, #tpu.memory_space<hbm>>
        %dma_start3A_1065 = arith.constant 6 : i32
        %dma_start3A_1066 = arith.constant 0 : i32
        %dma_start3A_1067 = tpu.memref_slice %arg13[%dma_start3A_1065, %dma_start3A_1066] : memref<16x64xf32, #tpu.memory_space<vmem>> -> memref<1x64xf32, #tpu.memory_space<vmem>>
        %dma_start3A_1068 = arith.constant 0 : i32
        %dma_start3A_1069 = tpu.memref_slice %arg5[%squeeze3A_1059, %dma_start3A_1068] : memref<1000000x64xf32, #tpu.memory_space<hbm>> -> memref<1x64xf32, #tpu.memory_space<hbm>>
        tpu.enqueue_dma source(%dma_start3A_1069 : memref<1x64xf32, #tpu.memory_space<hbm>>) target(%dma_start3A_1067 : memref<1x64xf32, #tpu.memory_space<vmem>>) target_semaphore(%arg22 : memref<!tpu.dma_semaphore, #tpu.memory_space<semaphore_mem>>)
        %slice3A_1070 = vector.extract_strided_slice %get3A_913 {offsets = [6], sizes = [1], strides = [1]} : vector<16xi32> to vector<1xi32>
        %squeeze3A_1071 = vector.extract %slice3A_1070[0] : i32 from vector<1xi32>
        %dma_start3A_1072 = arith.constant 6 : i32
        %dma_start3A_1073 = arith.constant 0 : i32
        %dma_start3A_1074 = tpu.memref_slice %arg14[%dma_start3A_1072, %dma_start3A_1073] : memref<16x64xf32, #tpu.memory_space<vmem>> -> memref<1x64xf32, #tpu.memory_space<vmem>>
        %dma_start3A_1075 = arith.constant 0 : i32
        %dma_start3A_1076 = tpu.memref_slice %arg6[%squeeze3A_1071, %dma_start3A_1075] : memref<1000000x64xf32, #tpu.memory_space<hbm>> -> memref<1x64xf32, #tpu.memory_space<hbm>>
        %dma_start3A_1077 = arith.constant 6 : i32
        %dma_start3A_1078 = arith.constant 0 : i32
        %dma_start3A_1079 = tpu.memref_slice %arg14[%dma_start3A_1077, %dma_start3A_1078] : memref<16x64xf32, #tpu.memory_space<vmem>> -> memref<1x64xf32, #tpu.memory_space<vmem>>
        %dma_start3A_1080 = arith.constant 0 : i32
        %dma_start3A_1081 = tpu.memref_slice %arg6[%squeeze3A_1071, %dma_start3A_1080] : memref<1000000x64xf32, #tpu.memory_space<hbm>> -> memref<1x64xf32, #tpu.memory_space<hbm>>
        tpu.enqueue_dma source(%dma_start3A_1081 : memref<1x64xf32, #tpu.memory_space<hbm>>) target(%dma_start3A_1079 : memref<1x64xf32, #tpu.memory_space<vmem>>) target_semaphore(%arg22 : memref<!tpu.dma_semaphore, #tpu.memory_space<semaphore_mem>>)
        %slice3A_1082 = vector.extract_strided_slice %get3A_911 {offsets = [7], sizes = [1], strides = [1]} : vector<16xi32> to vector<1xi32>
        %squeeze3A_1083 = vector.extract %slice3A_1082[0] : i32 from vector<1xi32>
        %dma_start3A_1084 = arith.constant 7 : i32
        %dma_start3A_1085 = arith.constant 0 : i32
        %dma_start3A_1086 = tpu.memref_slice %arg13[%dma_start3A_1084, %dma_start3A_1085] : memref<16x64xf32, #tpu.memory_space<vmem>> -> memref<1x64xf32, #tpu.memory_space<vmem>>
        %dma_start3A_1087 = arith.constant 0 : i32
        %dma_start3A_1088 = tpu.memref_slice %arg5[%squeeze3A_1083, %dma_start3A_1087] : memref<1000000x64xf32, #tpu.memory_space<hbm>> -> memref<1x64xf32, #tpu.memory_space<hbm>>
        %dma_start3A_1089 = arith.constant 7 : i32
        %dma_start3A_1090 = arith.constant 0 : i32
        %dma_start3A_1091 = tpu.memref_slice %arg13[%dma_start3A_1089, %dma_start3A_1090] : memref<16x64xf32, #tpu.memory_space<vmem>> -> memref<1x64xf32, #tpu.memory_space<vmem>>
        %dma_start3A_1092 = arith.constant 0 : i32
        %dma_start3A_1093 = tpu.memref_slice %arg5[%squeeze3A_1083, %dma_start3A_1092] : memref<1000000x64xf32, #tpu.memory_space<hbm>> -> memref<1x64xf32, #tpu.memory_space<hbm>>
        tpu.enqueue_dma source(%dma_start3A_1093 : memref<1x64xf32, #tpu.memory_space<hbm>>) target(%dma_start3A_1091 : memref<1x64xf32, #tpu.memory_space<vmem>>) target_semaphore(%arg22 : memref<!tpu.dma_semaphore, #tpu.memory_space<semaphore_mem>>)
        %slice3A_1094 = vector.extract_strided_slice %get3A_913 {offsets = [7], sizes = [1], strides = [1]} : vector<16xi32> to vector<1xi32>
        %squeeze3A_1095 = vector.extract %slice3A_1094[0] : i32 from vector<1xi32>
        %dma_start3A_1096 = arith.constant 7 : i32
        %dma_start3A_1097 = arith.constant 0 : i32
        %dma_start3A_1098 = tpu.memref_slice %arg14[%dma_start3A_1096, %dma_start3A_1097] : memref<16x64xf32, #tpu.memory_space<vmem>> -> memref<1x64xf32, #tpu.memory_space<vmem>>
        %dma_start3A_1099 = arith.constant 0 : i32
        %dma_start3A_1100 = tpu.memref_slice %arg6[%squeeze3A_1095, %dma_start3A_1099] : memref<1000000x64xf32, #tpu.memory_space<hbm>> -> memref<1x64xf32, #tpu.memory_space<hbm>>
        %dma_start3A_1101 = arith.constant 7 : i32
        %dma_start3A_1102 = arith.constant 0 : i32
        %dma_start3A_1103 = tpu.memref_slice %arg14[%dma_start3A_1101, %dma_start3A_1102] : memref<16x64xf32, #tpu.memory_space<vmem>> -> memref<1x64xf32, #tpu.memory_space<vmem>>
        %dma_start3A_1104 = arith.constant 0 : i32
        %dma_start3A_1105 = tpu.memref_slice %arg6[%squeeze3A_1095, %dma_start3A_1104] : memref<1000000x64xf32, #tpu.memory_space<hbm>> -> memref<1x64xf32, #tpu.memory_space<hbm>>
        tpu.enqueue_dma source(%dma_start3A_1105 : memref<1x64xf32, #tpu.memory_space<hbm>>) target(%dma_start3A_1103 : memref<1x64xf32, #tpu.memory_space<vmem>>) target_semaphore(%arg22 : memref<!tpu.dma_semaphore, #tpu.memory_space<semaphore_mem>>)
        %slice3A_1106 = vector.extract_strided_slice %get3A_911 {offsets = [8], sizes = [1], strides = [1]} : vector<16xi32> to vector<1xi32>
        %squeeze3A_1107 = vector.extract %slice3A_1106[0] : i32 from vector<1xi32>
        %dma_start3A_1108 = arith.constant 8 : i32
        %dma_start3A_1109 = arith.constant 0 : i32
        %dma_start3A_1110 = tpu.memref_slice %arg13[%dma_start3A_1108, %dma_start3A_1109] : memref<16x64xf32, #tpu.memory_space<vmem>> -> memref<1x64xf32, #tpu.memory_space<vmem>>
        %dma_start3A_1111 = arith.constant 0 : i32
        %dma_start3A_1112 = tpu.memref_slice %arg5[%squeeze3A_1107, %dma_start3A_1111] : memref<1000000x64xf32, #tpu.memory_space<hbm>> -> memref<1x64xf32, #tpu.memory_space<hbm>>
        %dma_start3A_1113 = arith.constant 8 : i32
        %dma_start3A_1114 = arith.constant 0 : i32
        %dma_start3A_1115 = tpu.memref_slice %arg13[%dma_start3A_1113, %dma_start3A_1114] : memref<16x64xf32, #tpu.memory_space<vmem>> -> memref<1x64xf32, #tpu.memory_space<vmem>>
        %dma_start3A_1116 = arith.constant 0 : i32
        %dma_start3A_1117 = tpu.memref_slice %arg5[%squeeze3A_1107, %dma_start3A_1116] : memref<1000000x64xf32, #tpu.memory_space<hbm>> -> memref<1x64xf32, #tpu.memory_space<hbm>>
        tpu.enqueue_dma source(%dma_start3A_1117 : memref<1x64xf32, #tpu.memory_space<hbm>>) target(%dma_start3A_1115 : memref<1x64xf32, #tpu.memory_space<vmem>>) target_semaphore(%arg22 : memref<!tpu.dma_semaphore, #tpu.memory_space<semaphore_mem>>)
        %slice3A_1118 = vector.extract_strided_slice %get3A_913 {offsets = [8], sizes = [1], strides = [1]} : vector<16xi32> to vector<1xi32>
        %squeeze3A_1119 = vector.extract %slice3A_1118[0] : i32 from vector<1xi32>
        %dma_start3A_1120 = arith.constant 8 : i32
        %dma_start3A_1121 = arith.constant 0 : i32
        %dma_start3A_1122 = tpu.memref_slice %arg14[%dma_start3A_1120, %dma_start3A_1121] : memref<16x64xf32, #tpu.memory_space<vmem>> -> memref<1x64xf32, #tpu.memory_space<vmem>>
        %dma_start3A_1123 = arith.constant 0 : i32
        %dma_start3A_1124 = tpu.memref_slice %arg6[%squeeze3A_1119, %dma_start3A_1123] : memref<1000000x64xf32, #tpu.memory_space<hbm>> -> memref<1x64xf32, #tpu.memory_space<hbm>>
        %dma_start3A_1125 = arith.constant 8 : i32
        %dma_start3A_1126 = arith.constant 0 : i32
        %dma_start3A_1127 = tpu.memref_slice %arg14[%dma_start3A_1125, %dma_start3A_1126] : memref<16x64xf32, #tpu.memory_space<vmem>> -> memref<1x64xf32, #tpu.memory_space<vmem>>
        %dma_start3A_1128 = arith.constant 0 : i32
        %dma_start3A_1129 = tpu.memref_slice %arg6[%squeeze3A_1119, %dma_start3A_1128] : memref<1000000x64xf32, #tpu.memory_space<hbm>> -> memref<1x64xf32, #tpu.memory_space<hbm>>
        tpu.enqueue_dma source(%dma_start3A_1129 : memref<1x64xf32, #tpu.memory_space<hbm>>) target(%dma_start3A_1127 : memref<1x64xf32, #tpu.memory_space<vmem>>) target_semaphore(%arg22 : memref<!tpu.dma_semaphore, #tpu.memory_space<semaphore_mem>>)
        %slice3A_1130 = vector.extract_strided_slice %get3A_911 {offsets = [9], sizes = [1], strides = [1]} : vector<16xi32> to vector<1xi32>
        %squeeze3A_1131 = vector.extract %slice3A_1130[0] : i32 from vector<1xi32>
        %dma_start3A_1132 = arith.constant 9 : i32
        %dma_start3A_1133 = arith.constant 0 : i32
        %dma_start3A_1134 = tpu.memref_slice %arg13[%dma_start3A_1132, %dma_start3A_1133] : memref<16x64xf32, #tpu.memory_space<vmem>> -> memref<1x64xf32, #tpu.memory_space<vmem>>
        %dma_start3A_1135 = arith.constant 0 : i32
        %dma_start3A_1136 = tpu.memref_slice %arg5[%squeeze3A_1131, %dma_start3A_1135] : memref<1000000x64xf32, #tpu.memory_space<hbm>> -> memref<1x64xf32, #tpu.memory_space<hbm>>
        %dma_start3A_1137 = arith.constant 9 : i32
        %dma_start3A_1138 = arith.constant 0 : i32
        %dma_start3A_1139 = tpu.memref_slice %arg13[%dma_start3A_1137, %dma_start3A_1138] : memref<16x64xf32, #tpu.memory_space<vmem>> -> memref<1x64xf32, #tpu.memory_space<vmem>>
        %dma_start3A_1140 = arith.constant 0 : i32
        %dma_start3A_1141 = tpu.memref_slice %arg5[%squeeze3A_1131, %dma_start3A_1140] : memref<1000000x64xf32, #tpu.memory_space<hbm>> -> memref<1x64xf32, #tpu.memory_space<hbm>>
        tpu.enqueue_dma source(%dma_start3A_1141 : memref<1x64xf32, #tpu.memory_space<hbm>>) target(%dma_start3A_1139 : memref<1x64xf32, #tpu.memory_space<vmem>>) target_semaphore(%arg22 : memref<!tpu.dma_semaphore, #tpu.memory_space<semaphore_mem>>)
        %slice3A_1142 = vector.extract_strided_slice %get3A_913 {offsets = [9], sizes = [1], strides = [1]} : vector<16xi32> to vector<1xi32>
        %squeeze3A_1143 = vector.extract %slice3A_1142[0] : i32 from vector<1xi32>
        %dma_start3A_1144 = arith.constant 9 : i32
        %dma_start3A_1145 = arith.constant 0 : i32
        %dma_start3A_1146 = tpu.memref_slice %arg14[%dma_start3A_1144, %dma_start3A_1145] : memref<16x64xf32, #tpu.memory_space<vmem>> -> memref<1x64xf32, #tpu.memory_space<vmem>>
        %dma_start3A_1147 = arith.constant 0 : i32
        %dma_start3A_1148 = tpu.memref_slice %arg6[%squeeze3A_1143, %dma_start3A_1147] : memref<1000000x64xf32, #tpu.memory_space<hbm>> -> memref<1x64xf32, #tpu.memory_space<hbm>>
        %dma_start3A_1149 = arith.constant 9 : i32
        %dma_start3A_1150 = arith.constant 0 : i32
        %dma_start3A_1151 = tpu.memref_slice %arg14[%dma_start3A_1149, %dma_start3A_1150] : memref<16x64xf32, #tpu.memory_space<vmem>> -> memref<1x64xf32, #tpu.memory_space<vmem>>
        %dma_start3A_1152 = arith.constant 0 : i32
        %dma_start3A_1153 = tpu.memref_slice %arg6[%squeeze3A_1143, %dma_start3A_1152] : memref<1000000x64xf32, #tpu.memory_space<hbm>> -> memref<1x64xf32, #tpu.memory_space<hbm>>
        tpu.enqueue_dma source(%dma_start3A_1153 : memref<1x64xf32, #tpu.memory_space<hbm>>) target(%dma_start3A_1151 : memref<1x64xf32, #tpu.memory_space<vmem>>) target_semaphore(%arg22 : memref<!tpu.dma_semaphore, #tpu.memory_space<semaphore_mem>>)
        %slice3A_1154 = vector.extract_strided_slice %get3A_911 {offsets = [10], sizes = [1], strides = [1]} : vector<16xi32> to vector<1xi32>
        %squeeze3A_1155 = vector.extract %slice3A_1154[0] : i32 from vector<1xi32>
        %dma_start3A_1156 = arith.constant 10 : i32
        %dma_start3A_1157 = arith.constant 0 : i32
        %dma_start3A_1158 = tpu.memref_slice %arg13[%dma_start3A_1156, %dma_start3A_1157] : memref<16x64xf32, #tpu.memory_space<vmem>> -> memref<1x64xf32, #tpu.memory_space<vmem>>
        %dma_start3A_1159 = arith.constant 0 : i32
        %dma_start3A_1160 = tpu.memref_slice %arg5[%squeeze3A_1155, %dma_start3A_1159] : memref<1000000x64xf32, #tpu.memory_space<hbm>> -> memref<1x64xf32, #tpu.memory_space<hbm>>
        %dma_start3A_1161 = arith.constant 10 : i32
        %dma_start3A_1162 = arith.constant 0 : i32
        %dma_start3A_1163 = tpu.memref_slice %arg13[%dma_start3A_1161, %dma_start3A_1162] : memref<16x64xf32, #tpu.memory_space<vmem>> -> memref<1x64xf32, #tpu.memory_space<vmem>>
        %dma_start3A_1164 = arith.constant 0 : i32
        %dma_start3A_1165 = tpu.memref_slice %arg5[%squeeze3A_1155, %dma_start3A_1164] : memref<1000000x64xf32, #tpu.memory_space<hbm>> -> memref<1x64xf32, #tpu.memory_space<hbm>>
        tpu.enqueue_dma source(%dma_start3A_1165 : memref<1x64xf32, #tpu.memory_space<hbm>>) target(%dma_start3A_1163 : memref<1x64xf32, #tpu.memory_space<vmem>>) target_semaphore(%arg22 : memref<!tpu.dma_semaphore, #tpu.memory_space<semaphore_mem>>)
        %slice3A_1166 = vector.extract_strided_slice %get3A_913 {offsets = [10], sizes = [1], strides = [1]} : vector<16xi32> to vector<1xi32>
        %squeeze3A_1167 = vector.extract %slice3A_1166[0] : i32 from vector<1xi32>
        %dma_start3A_1168 = arith.constant 10 : i32
        %dma_start3A_1169 = arith.constant 0 : i32
        %dma_start3A_1170 = tpu.memref_slice %arg14[%dma_start3A_1168, %dma_start3A_1169] : memref<16x64xf32, #tpu.memory_space<vmem>> -> memref<1x64xf32, #tpu.memory_space<vmem>>
        %dma_start3A_1171 = arith.constant 0 : i32
        %dma_start3A_1172 = tpu.memref_slice %arg6[%squeeze3A_1167, %dma_start3A_1171] : memref<1000000x64xf32, #tpu.memory_space<hbm>> -> memref<1x64xf32, #tpu.memory_space<hbm>>
        %dma_start3A_1173 = arith.constant 10 : i32
        %dma_start3A_1174 = arith.constant 0 : i32
        %dma_start3A_1175 = tpu.memref_slice %arg14[%dma_start3A_1173, %dma_start3A_1174] : memref<16x64xf32, #tpu.memory_space<vmem>> -> memref<1x64xf32, #tpu.memory_space<vmem>>
        %dma_start3A_1176 = arith.constant 0 : i32
        %dma_start3A_1177 = tpu.memref_slice %arg6[%squeeze3A_1167, %dma_start3A_1176] : memref<1000000x64xf32, #tpu.memory_space<hbm>> -> memref<1x64xf32, #tpu.memory_space<hbm>>
        tpu.enqueue_dma source(%dma_start3A_1177 : memref<1x64xf32, #tpu.memory_space<hbm>>) target(%dma_start3A_1175 : memref<1x64xf32, #tpu.memory_space<vmem>>) target_semaphore(%arg22 : memref<!tpu.dma_semaphore, #tpu.memory_space<semaphore_mem>>)
        %slice3A_1178 = vector.extract_strided_slice %get3A_911 {offsets = [11], sizes = [1], strides = [1]} : vector<16xi32> to vector<1xi32>
        %squeeze3A_1179 = vector.extract %slice3A_1178[0] : i32 from vector<1xi32>
        %dma_start3A_1180 = arith.constant 11 : i32
        %dma_start3A_1181 = arith.constant 0 : i32
        %dma_start3A_1182 = tpu.memref_slice %arg13[%dma_start3A_1180, %dma_start3A_1181] : memref<16x64xf32, #tpu.memory_space<vmem>> -> memref<1x64xf32, #tpu.memory_space<vmem>>
        %dma_start3A_1183 = arith.constant 0 : i32
        %dma_start3A_1184 = tpu.memref_slice %arg5[%squeeze3A_1179, %dma_start3A_1183] : memref<1000000x64xf32, #tpu.memory_space<hbm>> -> memref<1x64xf32, #tpu.memory_space<hbm>>
        %dma_start3A_1185 = arith.constant 11 : i32
        %dma_start3A_1186 = arith.constant 0 : i32
        %dma_start3A_1187 = tpu.memref_slice %arg13[%dma_start3A_1185, %dma_start3A_1186] : memref<16x64xf32, #tpu.memory_space<vmem>> -> memref<1x64xf32, #tpu.memory_space<vmem>>
        %dma_start3A_1188 = arith.constant 0 : i32
        %dma_start3A_1189 = tpu.memref_slice %arg5[%squeeze3A_1179, %dma_start3A_1188] : memref<1000000x64xf32, #tpu.memory_space<hbm>> -> memref<1x64xf32, #tpu.memory_space<hbm>>
        tpu.enqueue_dma source(%dma_start3A_1189 : memref<1x64xf32, #tpu.memory_space<hbm>>) target(%dma_start3A_1187 : memref<1x64xf32, #tpu.memory_space<vmem>>) target_semaphore(%arg22 : memref<!tpu.dma_semaphore, #tpu.memory_space<semaphore_mem>>)
        %slice3A_1190 = vector.extract_strided_slice %get3A_913 {offsets = [11], sizes = [1], strides = [1]} : vector<16xi32> to vector<1xi32>
        %squeeze3A_1191 = vector.extract %slice3A_1190[0] : i32 from vector<1xi32>
        %dma_start3A_1192 = arith.constant 11 : i32
        %dma_start3A_1193 = arith.constant 0 : i32
        %dma_start3A_1194 = tpu.memref_slice %arg14[%dma_start3A_1192, %dma_start3A_1193] : memref<16x64xf32, #tpu.memory_space<vmem>> -> memref<1x64xf32, #tpu.memory_space<vmem>>
        %dma_start3A_1195 = arith.constant 0 : i32
        %dma_start3A_1196 = tpu.memref_slice %arg6[%squeeze3A_1191, %dma_start3A_1195] : memref<1000000x64xf32, #tpu.memory_space<hbm>> -> memref<1x64xf32, #tpu.memory_space<hbm>>
        %dma_start3A_1197 = arith.constant 11 : i32
        %dma_start3A_1198 = arith.constant 0 : i32
        %dma_start3A_1199 = tpu.memref_slice %arg14[%dma_start3A_1197, %dma_start3A_1198] : memref<16x64xf32, #tpu.memory_space<vmem>> -> memref<1x64xf32, #tpu.memory_space<vmem>>
        %dma_start3A_1200 = arith.constant 0 : i32
        %dma_start3A_1201 = tpu.memref_slice %arg6[%squeeze3A_1191, %dma_start3A_1200] : memref<1000000x64xf32, #tpu.memory_space<hbm>> -> memref<1x64xf32, #tpu.memory_space<hbm>>
        tpu.enqueue_dma source(%dma_start3A_1201 : memref<1x64xf32, #tpu.memory_space<hbm>>) target(%dma_start3A_1199 : memref<1x64xf32, #tpu.memory_space<vmem>>) target_semaphore(%arg22 : memref<!tpu.dma_semaphore, #tpu.memory_space<semaphore_mem>>)
        %slice3A_1202 = vector.extract_strided_slice %get3A_911 {offsets = [12], sizes = [1], strides = [1]} : vector<16xi32> to vector<1xi32>
        %squeeze3A_1203 = vector.extract %slice3A_1202[0] : i32 from vector<1xi32>
        %dma_start3A_1204 = arith.constant 12 : i32
        %dma_start3A_1205 = arith.constant 0 : i32
        %dma_start3A_1206 = tpu.memref_slice %arg13[%dma_start3A_1204, %dma_start3A_1205] : memref<16x64xf32, #tpu.memory_space<vmem>> -> memref<1x64xf32, #tpu.memory_space<vmem>>
        %dma_start3A_1207 = arith.constant 0 : i32
        %dma_start3A_1208 = tpu.memref_slice %arg5[%squeeze3A_1203, %dma_start3A_1207] : memref<1000000x64xf32, #tpu.memory_space<hbm>> -> memref<1x64xf32, #tpu.memory_space<hbm>>
        %dma_start3A_1209 = arith.constant 12 : i32
        %dma_start3A_1210 = arith.constant 0 : i32
        %dma_start3A_1211 = tpu.memref_slice %arg13[%dma_start3A_1209, %dma_start3A_1210] : memref<16x64xf32, #tpu.memory_space<vmem>> -> memref<1x64xf32, #tpu.memory_space<vmem>>
        %dma_start3A_1212 = arith.constant 0 : i32
        %dma_start3A_1213 = tpu.memref_slice %arg5[%squeeze3A_1203, %dma_start3A_1212] : memref<1000000x64xf32, #tpu.memory_space<hbm>> -> memref<1x64xf32, #tpu.memory_space<hbm>>
        tpu.enqueue_dma source(%dma_start3A_1213 : memref<1x64xf32, #tpu.memory_space<hbm>>) target(%dma_start3A_1211 : memref<1x64xf32, #tpu.memory_space<vmem>>) target_semaphore(%arg22 : memref<!tpu.dma_semaphore, #tpu.memory_space<semaphore_mem>>)
        %slice3A_1214 = vector.extract_strided_slice %get3A_913 {offsets = [12], sizes = [1], strides = [1]} : vector<16xi32> to vector<1xi32>
        %squeeze3A_1215 = vector.extract %slice3A_1214[0] : i32 from vector<1xi32>
        %dma_start3A_1216 = arith.constant 12 : i32
        %dma_start3A_1217 = arith.constant 0 : i32
        %dma_start3A_1218 = tpu.memref_slice %arg14[%dma_start3A_1216, %dma_start3A_1217] : memref<16x64xf32, #tpu.memory_space<vmem>> -> memref<1x64xf32, #tpu.memory_space<vmem>>
        %dma_start3A_1219 = arith.constant 0 : i32
        %dma_start3A_1220 = tpu.memref_slice %arg6[%squeeze3A_1215, %dma_start3A_1219] : memref<1000000x64xf32, #tpu.memory_space<hbm>> -> memref<1x64xf32, #tpu.memory_space<hbm>>
        %dma_start3A_1221 = arith.constant 12 : i32
        %dma_start3A_1222 = arith.constant 0 : i32
        %dma_start3A_1223 = tpu.memref_slice %arg14[%dma_start3A_1221, %dma_start3A_1222] : memref<16x64xf32, #tpu.memory_space<vmem>> -> memref<1x64xf32, #tpu.memory_space<vmem>>
        %dma_start3A_1224 = arith.constant 0 : i32
        %dma_start3A_1225 = tpu.memref_slice %arg6[%squeeze3A_1215, %dma_start3A_1224] : memref<1000000x64xf32, #tpu.memory_space<hbm>> -> memref<1x64xf32, #tpu.memory_space<hbm>>
        tpu.enqueue_dma source(%dma_start3A_1225 : memref<1x64xf32, #tpu.memory_space<hbm>>) target(%dma_start3A_1223 : memref<1x64xf32, #tpu.memory_space<vmem>>) target_semaphore(%arg22 : memref<!tpu.dma_semaphore, #tpu.memory_space<semaphore_mem>>)
        %slice3A_1226 = vector.extract_strided_slice %get3A_911 {offsets = [13], sizes = [1], strides = [1]} : vector<16xi32> to vector<1xi32>
        %squeeze3A_1227 = vector.extract %slice3A_1226[0] : i32 from vector<1xi32>
        %dma_start3A_1228 = arith.constant 13 : i32
        %dma_start3A_1229 = arith.constant 0 : i32
        %dma_start3A_1230 = tpu.memref_slice %arg13[%dma_start3A_1228, %dma_start3A_1229] : memref<16x64xf32, #tpu.memory_space<vmem>> -> memref<1x64xf32, #tpu.memory_space<vmem>>
        %dma_start3A_1231 = arith.constant 0 : i32
        %dma_start3A_1232 = tpu.memref_slice %arg5[%squeeze3A_1227, %dma_start3A_1231] : memref<1000000x64xf32, #tpu.memory_space<hbm>> -> memref<1x64xf32, #tpu.memory_space<hbm>>
        %dma_start3A_1233 = arith.constant 13 : i32
        %dma_start3A_1234 = arith.constant 0 : i32
        %dma_start3A_1235 = tpu.memref_slice %arg13[%dma_start3A_1233, %dma_start3A_1234] : memref<16x64xf32, #tpu.memory_space<vmem>> -> memref<1x64xf32, #tpu.memory_space<vmem>>
        %dma_start3A_1236 = arith.constant 0 : i32
        %dma_start3A_1237 = tpu.memref_slice %arg5[%squeeze3A_1227, %dma_start3A_1236] : memref<1000000x64xf32, #tpu.memory_space<hbm>> -> memref<1x64xf32, #tpu.memory_space<hbm>>
        tpu.enqueue_dma source(%dma_start3A_1237 : memref<1x64xf32, #tpu.memory_space<hbm>>) target(%dma_start3A_1235 : memref<1x64xf32, #tpu.memory_space<vmem>>) target_semaphore(%arg22 : memref<!tpu.dma_semaphore, #tpu.memory_space<semaphore_mem>>)
        %slice3A_1238 = vector.extract_strided_slice %get3A_913 {offsets = [13], sizes = [1], strides = [1]} : vector<16xi32> to vector<1xi32>
        %squeeze3A_1239 = vector.extract %slice3A_1238[0] : i32 from vector<1xi32>
        %dma_start3A_1240 = arith.constant 13 : i32
        %dma_start3A_1241 = arith.constant 0 : i32
        %dma_start3A_1242 = tpu.memref_slice %arg14[%dma_start3A_1240, %dma_start3A_1241] : memref<16x64xf32, #tpu.memory_space<vmem>> -> memref<1x64xf32, #tpu.memory_space<vmem>>
        %dma_start3A_1243 = arith.constant 0 : i32
        %dma_start3A_1244 = tpu.memref_slice %arg6[%squeeze3A_1239, %dma_start3A_1243] : memref<1000000x64xf32, #tpu.memory_space<hbm>> -> memref<1x64xf32, #tpu.memory_space<hbm>>
        %dma_start3A_1245 = arith.constant 13 : i32
        %dma_start3A_1246 = arith.constant 0 : i32
        %dma_start3A_1247 = tpu.memref_slice %arg14[%dma_start3A_1245, %dma_start3A_1246] : memref<16x64xf32, #tpu.memory_space<vmem>> -> memref<1x64xf32, #tpu.memory_space<vmem>>
        %dma_start3A_1248 = arith.constant 0 : i32
        %dma_start3A_1249 = tpu.memref_slice %arg6[%squeeze3A_1239, %dma_start3A_1248] : memref<1000000x64xf32, #tpu.memory_space<hbm>> -> memref<1x64xf32, #tpu.memory_space<hbm>>
        tpu.enqueue_dma source(%dma_start3A_1249 : memref<1x64xf32, #tpu.memory_space<hbm>>) target(%dma_start3A_1247 : memref<1x64xf32, #tpu.memory_space<vmem>>) target_semaphore(%arg22 : memref<!tpu.dma_semaphore, #tpu.memory_space<semaphore_mem>>)
        %slice3A_1250 = vector.extract_strided_slice %get3A_911 {offsets = [14], sizes = [1], strides = [1]} : vector<16xi32> to vector<1xi32>
        %squeeze3A_1251 = vector.extract %slice3A_1250[0] : i32 from vector<1xi32>
        %dma_start3A_1252 = arith.constant 14 : i32
        %dma_start3A_1253 = arith.constant 0 : i32
        %dma_start3A_1254 = tpu.memref_slice %arg13[%dma_start3A_1252, %dma_start3A_1253] : memref<16x64xf32, #tpu.memory_space<vmem>> -> memref<1x64xf32, #tpu.memory_space<vmem>>
        %dma_start3A_1255 = arith.constant 0 : i32
        %dma_start3A_1256 = tpu.memref_slice %arg5[%squeeze3A_1251, %dma_start3A_1255] : memref<1000000x64xf32, #tpu.memory_space<hbm>> -> memref<1x64xf32, #tpu.memory_space<hbm>>
        %dma_start3A_1257 = arith.constant 14 : i32
        %dma_start3A_1258 = arith.constant 0 : i32
        %dma_start3A_1259 = tpu.memref_slice %arg13[%dma_start3A_1257, %dma_start3A_1258] : memref<16x64xf32, #tpu.memory_space<vmem>> -> memref<1x64xf32, #tpu.memory_space<vmem>>
        %dma_start3A_1260 = arith.constant 0 : i32
        %dma_start3A_1261 = tpu.memref_slice %arg5[%squeeze3A_1251, %dma_start3A_1260] : memref<1000000x64xf32, #tpu.memory_space<hbm>> -> memref<1x64xf32, #tpu.memory_space<hbm>>
        tpu.enqueue_dma source(%dma_start3A_1261 : memref<1x64xf32, #tpu.memory_space<hbm>>) target(%dma_start3A_1259 : memref<1x64xf32, #tpu.memory_space<vmem>>) target_semaphore(%arg22 : memref<!tpu.dma_semaphore, #tpu.memory_space<semaphore_mem>>)
        %slice3A_1262 = vector.extract_strided_slice %get3A_913 {offsets = [14], sizes = [1], strides = [1]} : vector<16xi32> to vector<1xi32>
        %squeeze3A_1263 = vector.extract %slice3A_1262[0] : i32 from vector<1xi32>
        %dma_start3A_1264 = arith.constant 14 : i32
        %dma_start3A_1265 = arith.constant 0 : i32
        %dma_start3A_1266 = tpu.memref_slice %arg14[%dma_start3A_1264, %dma_start3A_1265] : memref<16x64xf32, #tpu.memory_space<vmem>> -> memref<1x64xf32, #tpu.memory_space<vmem>>
        %dma_start3A_1267 = arith.constant 0 : i32
        %dma_start3A_1268 = tpu.memref_slice %arg6[%squeeze3A_1263, %dma_start3A_1267] : memref<1000000x64xf32, #tpu.memory_space<hbm>> -> memref<1x64xf32, #tpu.memory_space<hbm>>
        %dma_start3A_1269 = arith.constant 14 : i32
        %dma_start3A_1270 = arith.constant 0 : i32
        %dma_start3A_1271 = tpu.memref_slice %arg14[%dma_start3A_1269, %dma_start3A_1270] : memref<16x64xf32, #tpu.memory_space<vmem>> -> memref<1x64xf32, #tpu.memory_space<vmem>>
        %dma_start3A_1272 = arith.constant 0 : i32
        %dma_start3A_1273 = tpu.memref_slice %arg6[%squeeze3A_1263, %dma_start3A_1272] : memref<1000000x64xf32, #tpu.memory_space<hbm>> -> memref<1x64xf32, #tpu.memory_space<hbm>>
        tpu.enqueue_dma source(%dma_start3A_1273 : memref<1x64xf32, #tpu.memory_space<hbm>>) target(%dma_start3A_1271 : memref<1x64xf32, #tpu.memory_space<vmem>>) target_semaphore(%arg22 : memref<!tpu.dma_semaphore, #tpu.memory_space<semaphore_mem>>)
        %slice3A_1274 = vector.extract_strided_slice %get3A_911 {offsets = [15], sizes = [1], strides = [1]} : vector<16xi32> to vector<1xi32>
        %squeeze3A_1275 = vector.extract %slice3A_1274[0] : i32 from vector<1xi32>
        %dma_start3A_1276 = arith.constant 15 : i32
        %dma_start3A_1277 = arith.constant 0 : i32
        %dma_start3A_1278 = tpu.memref_slice %arg13[%dma_start3A_1276, %dma_start3A_1277] : memref<16x64xf32, #tpu.memory_space<vmem>> -> memref<1x64xf32, #tpu.memory_space<vmem>>
        %dma_start3A_1279 = arith.constant 0 : i32
        %dma_start3A_1280 = tpu.memref_slice %arg5[%squeeze3A_1275, %dma_start3A_1279] : memref<1000000x64xf32, #tpu.memory_space<hbm>> -> memref<1x64xf32, #tpu.memory_space<hbm>>
        %dma_start3A_1281 = arith.constant 15 : i32
        %dma_start3A_1282 = arith.constant 0 : i32
        %dma_start3A_1283 = tpu.memref_slice %arg13[%dma_start3A_1281, %dma_start3A_1282] : memref<16x64xf32, #tpu.memory_space<vmem>> -> memref<1x64xf32, #tpu.memory_space<vmem>>
        %dma_start3A_1284 = arith.constant 0 : i32
        %dma_start3A_1285 = tpu.memref_slice %arg5[%squeeze3A_1275, %dma_start3A_1284] : memref<1000000x64xf32, #tpu.memory_space<hbm>> -> memref<1x64xf32, #tpu.memory_space<hbm>>
        tpu.enqueue_dma source(%dma_start3A_1285 : memref<1x64xf32, #tpu.memory_space<hbm>>) target(%dma_start3A_1283 : memref<1x64xf32, #tpu.memory_space<vmem>>) target_semaphore(%arg22 : memref<!tpu.dma_semaphore, #tpu.memory_space<semaphore_mem>>)
        %slice3A_1286 = vector.extract_strided_slice %get3A_913 {offsets = [15], sizes = [1], strides = [1]} : vector<16xi32> to vector<1xi32>
        %squeeze3A_1287 = vector.extract %slice3A_1286[0] : i32 from vector<1xi32>
        %dma_start3A_1288 = arith.constant 15 : i32
        %dma_start3A_1289 = arith.constant 0 : i32
        %dma_start3A_1290 = tpu.memref_slice %arg14[%dma_start3A_1288, %dma_start3A_1289] : memref<16x64xf32, #tpu.memory_space<vmem>> -> memref<1x64xf32, #tpu.memory_space<vmem>>
        %dma_start3A_1291 = arith.constant 0 : i32
        %dma_start3A_1292 = tpu.memref_slice %arg6[%squeeze3A_1287, %dma_start3A_1291] : memref<1000000x64xf32, #tpu.memory_space<hbm>> -> memref<1x64xf32, #tpu.memory_space<hbm>>
        %dma_start3A_1293 = arith.constant 15 : i32
        %dma_start3A_1294 = arith.constant 0 : i32
        %dma_start3A_1295 = tpu.memref_slice %arg14[%dma_start3A_1293, %dma_start3A_1294] : memref<16x64xf32, #tpu.memory_space<vmem>> -> memref<1x64xf32, #tpu.memory_space<vmem>>
        %dma_start3A_1296 = arith.constant 0 : i32
        %dma_start3A_1297 = tpu.memref_slice %arg6[%squeeze3A_1287, %dma_start3A_1296] : memref<1000000x64xf32, #tpu.memory_space<hbm>> -> memref<1x64xf32, #tpu.memory_space<hbm>>
        tpu.enqueue_dma source(%dma_start3A_1297 : memref<1x64xf32, #tpu.memory_space<hbm>>) target(%dma_start3A_1295 : memref<1x64xf32, #tpu.memory_space<vmem>>) target_semaphore(%arg22 : memref<!tpu.dma_semaphore, #tpu.memory_space<semaphore_mem>>)
        %scan3A_1298 = arith.constant 0 : i32
        %scan3A_1299 = arith.constant 0 : i32
        %scan3A_1300 = arith.constant 20 : i32
        %scan3A_1301 = arith.addi %scan3A_1299, %scan3A_1300 : i32
        %scan3A_1302 = arith.constant 1 : i32
        scf.for %scan3A_1304 = %scan3A_1299 to %scan3A_1301 step %scan3A_1302  : i32 {
          %mul3A_1305 = arith.constant 16 : i32
          %mul3A_1306 = arith.muli %scan3A_1304, %mul3A_1305 : i32
          %get3A_1307 = arith.index_cast %mul3A_1306 : i32 to index
          %get3A_1308 = tpu.vector_load %arg11[%get3A_1307] {strides = array<i32>} : memref<320xi32, #tpu.memory_space<vmem>>, vector<16xi32>,
          %slice3A_1309 = vector.extract_strided_slice %get3A_1308 {offsets = [0], sizes = [1], strides = [1]} : vector<16xi32> to vector<1xi32>
          %squeeze3A_1310 = vector.extract %slice3A_1309[0] : i32 from vector<1xi32>
          %mul3A_1311 = arith.constant 16 : i32
          %mul3A_1312 = arith.muli %scan3A_1304, %mul3A_1311 : i32
          %add3A_1313 = arith.constant 0 : i32
          %add3A_1314 = arith.addi %mul3A_1312, %add3A_1313 : i32
          %dma_start3A_1315 = arith.constant 0 : i32
          %dma_start3A_1316 = tpu.memref_slice %arg15[%add3A_1314, %dma_start3A_1315] : memref<320x64xf32, #tpu.memory_space<vmem>> -> memref<1x64xf32, #tpu.memory_space<vmem>>
          %dma_start3A_1317 = arith.constant 0 : i32
          %dma_start3A_1318 = tpu.memref_slice %arg6[%squeeze3A_1310, %dma_start3A_1317] : memref<1000000x64xf32, #tpu.memory_space<hbm>> -> memref<1x64xf32, #tpu.memory_space<hbm>>
          %dma_start3A_1319 = arith.constant 0 : i32
          %dma_start3A_1320 = tpu.memref_slice %arg15[%add3A_1314, %dma_start3A_1319] : memref<320x64xf32, #tpu.memory_space<vmem>> -> memref<1x64xf32, #tpu.memory_space<vmem>>
          %dma_start3A_1321 = arith.constant 0 : i32
          %dma_start3A_1322 = tpu.memref_slice %arg6[%squeeze3A_1310, %dma_start3A_1321] : memref<1000000x64xf32, #tpu.memory_space<hbm>> -> memref<1x64xf32, #tpu.memory_space<hbm>>
          tpu.enqueue_dma source(%dma_start3A_1322 : memref<1x64xf32, #tpu.memory_space<hbm>>) target(%dma_start3A_1320 : memref<1x64xf32, #tpu.memory_space<vmem>>) target_semaphore(%arg22 : memref<!tpu.dma_semaphore, #tpu.memory_space<semaphore_mem>>)
          %slice3A_1323 = vector.extract_strided_slice %get3A_1308 {offsets = [1], sizes = [1], strides = [1]} : vector<16xi32> to vector<1xi32>
          %squeeze3A_1324 = vector.extract %slice3A_1323[0] : i32 from vector<1xi32>
          %mul3A_1325 = arith.constant 16 : i32
          %mul3A_1326 = arith.muli %scan3A_1304, %mul3A_1325 : i32
          %add3A_1327 = arith.constant 1 : i32
          %add3A_1328 = arith.addi %mul3A_1326, %add3A_1327 : i32
          %dma_start3A_1329 = arith.constant 0 : i32
          %dma_start3A_1330 = tpu.memref_slice %arg15[%add3A_1328, %dma_start3A_1329] : memref<320x64xf32, #tpu.memory_space<vmem>> -> memref<1x64xf32, #tpu.memory_space<vmem>>
          %dma_start3A_1331 = arith.constant 0 : i32
          %dma_start3A_1332 = tpu.memref_slice %arg6[%squeeze3A_1324, %dma_start3A_1331] : memref<1000000x64xf32, #tpu.memory_space<hbm>> -> memref<1x64xf32, #tpu.memory_space<hbm>>
          %dma_start3A_1333 = arith.constant 0 : i32
          %dma_start3A_1334 = tpu.memref_slice %arg15[%add3A_1328, %dma_start3A_1333] : memref<320x64xf32, #tpu.memory_space<vmem>> -> memref<1x64xf32, #tpu.memory_space<vmem>>
          %dma_start3A_1335 = arith.constant 0 : i32
          %dma_start3A_1336 = tpu.memref_slice %arg6[%squeeze3A_1324, %dma_start3A_1335] : memref<1000000x64xf32, #tpu.memory_space<hbm>> -> memref<1x64xf32, #tpu.memory_space<hbm>>
          tpu.enqueue_dma source(%dma_start3A_1336 : memref<1x64xf32, #tpu.memory_space<hbm>>) target(%dma_start3A_1334 : memref<1x64xf32, #tpu.memory_space<vmem>>) target_semaphore(%arg22 : memref<!tpu.dma_semaphore, #tpu.memory_space<semaphore_mem>>)
          %slice3A_1337 = vector.extract_strided_slice %get3A_1308 {offsets = [2], sizes = [1], strides = [1]} : vector<16xi32> to vector<1xi32>
          %squeeze3A_1338 = vector.extract %slice3A_1337[0] : i32 from vector<1xi32>
          %mul3A_1339 = arith.constant 16 : i32
          %mul3A_1340 = arith.muli %scan3A_1304, %mul3A_1339 : i32
          %add3A_1341 = arith.constant 2 : i32
          %add3A_1342 = arith.addi %mul3A_1340, %add3A_1341 : i32
          %dma_start3A_1343 = arith.constant 0 : i32
          %dma_start3A_1344 = tpu.memref_slice %arg15[%add3A_1342, %dma_start3A_1343] : memref<320x64xf32, #tpu.memory_space<vmem>> -> memref<1x64xf32, #tpu.memory_space<vmem>>
          %dma_start3A_1345 = arith.constant 0 : i32
          %dma_start3A_1346 = tpu.memref_slice %arg6[%squeeze3A_1338, %dma_start3A_1345] : memref<1000000x64xf32, #tpu.memory_space<hbm>> -> memref<1x64xf32, #tpu.memory_space<hbm>>
          %dma_start3A_1347 = arith.constant 0 : i32
          %dma_start3A_1348 = tpu.memref_slice %arg15[%add3A_1342, %dma_start3A_1347] : memref<320x64xf32, #tpu.memory_space<vmem>> -> memref<1x64xf32, #tpu.memory_space<vmem>>
          %dma_start3A_1349 = arith.constant 0 : i32
          %dma_start3A_1350 = tpu.memref_slice %arg6[%squeeze3A_1338, %dma_start3A_1349] : memref<1000000x64xf32, #tpu.memory_space<hbm>> -> memref<1x64xf32, #tpu.memory_space<hbm>>
          tpu.enqueue_dma source(%dma_start3A_1350 : memref<1x64xf32, #tpu.memory_space<hbm>>) target(%dma_start3A_1348 : memref<1x64xf32, #tpu.memory_space<vmem>>) target_semaphore(%arg22 : memref<!tpu.dma_semaphore, #tpu.memory_space<semaphore_mem>>)
          %slice3A_1351 = vector.extract_strided_slice %get3A_1308 {offsets = [3], sizes = [1], strides = [1]} : vector<16xi32> to vector<1xi32>
          %squeeze3A_1352 = vector.extract %slice3A_1351[0] : i32 from vector<1xi32>
          %mul3A_1353 = arith.constant 16 : i32
          %mul3A_1354 = arith.muli %scan3A_1304, %mul3A_1353 : i32
          %add3A_1355 = arith.constant 3 : i32
          %add3A_1356 = arith.addi %mul3A_1354, %add3A_1355 : i32
          %dma_start3A_1357 = arith.constant 0 : i32
          %dma_start3A_1358 = tpu.memref_slice %arg15[%add3A_1356, %dma_start3A_1357] : memref<320x64xf32, #tpu.memory_space<vmem>> -> memref<1x64xf32, #tpu.memory_space<vmem>>
          %dma_start3A_1359 = arith.constant 0 : i32
          %dma_start3A_1360 = tpu.memref_slice %arg6[%squeeze3A_1352, %dma_start3A_1359] : memref<1000000x64xf32, #tpu.memory_space<hbm>> -> memref<1x64xf32, #tpu.memory_space<hbm>>
          %dma_start3A_1361 = arith.constant 0 : i32
          %dma_start3A_1362 = tpu.memref_slice %arg15[%add3A_1356, %dma_start3A_1361] : memref<320x64xf32, #tpu.memory_space<vmem>> -> memref<1x64xf32, #tpu.memory_space<vmem>>
          %dma_start3A_1363 = arith.constant 0 : i32
          %dma_start3A_1364 = tpu.memref_slice %arg6[%squeeze3A_1352, %dma_start3A_1363] : memref<1000000x64xf32, #tpu.memory_space<hbm>> -> memref<1x64xf32, #tpu.memory_space<hbm>>
          tpu.enqueue_dma source(%dma_start3A_1364 : memref<1x64xf32, #tpu.memory_space<hbm>>) target(%dma_start3A_1362 : memref<1x64xf32, #tpu.memory_space<vmem>>) target_semaphore(%arg22 : memref<!tpu.dma_semaphore, #tpu.memory_space<semaphore_mem>>)
          %slice3A_1365 = vector.extract_strided_slice %get3A_1308 {offsets = [4], sizes = [1], strides = [1]} : vector<16xi32> to vector<1xi32>
          %squeeze3A_1366 = vector.extract %slice3A_1365[0] : i32 from vector<1xi32>
          %mul3A_1367 = arith.constant 16 : i32
          %mul3A_1368 = arith.muli %scan3A_1304, %mul3A_1367 : i32
          %add3A_1369 = arith.constant 4 : i32
          %add3A_1370 = arith.addi %mul3A_1368, %add3A_1369 : i32
          %dma_start3A_1371 = arith.constant 0 : i32
          %dma_start3A_1372 = tpu.memref_slice %arg15[%add3A_1370, %dma_start3A_1371] : memref<320x64xf32, #tpu.memory_space<vmem>> -> memref<1x64xf32, #tpu.memory_space<vmem>>
          %dma_start3A_1373 = arith.constant 0 : i32
          %dma_start3A_1374 = tpu.memref_slice %arg6[%squeeze3A_1366, %dma_start3A_1373] : memref<1000000x64xf32, #tpu.memory_space<hbm>> -> memref<1x64xf32, #tpu.memory_space<hbm>>
          %dma_start3A_1375 = arith.constant 0 : i32
          %dma_start3A_1376 = tpu.memref_slice %arg15[%add3A_1370, %dma_start3A_1375] : memref<320x64xf32, #tpu.memory_space<vmem>> -> memref<1x64xf32, #tpu.memory_space<vmem>>
          %dma_start3A_1377 = arith.constant 0 : i32
          %dma_start3A_1378 = tpu.memref_slice %arg6[%squeeze3A_1366, %dma_start3A_1377] : memref<1000000x64xf32, #tpu.memory_space<hbm>> -> memref<1x64xf32, #tpu.memory_space<hbm>>
          tpu.enqueue_dma source(%dma_start3A_1378 : memref<1x64xf32, #tpu.memory_space<hbm>>) target(%dma_start3A_1376 : memref<1x64xf32, #tpu.memory_space<vmem>>) target_semaphore(%arg22 : memref<!tpu.dma_semaphore, #tpu.memory_space<semaphore_mem>>)
          %slice3A_1379 = vector.extract_strided_slice %get3A_1308 {offsets = [5], sizes = [1], strides = [1]} : vector<16xi32> to vector<1xi32>
          %squeeze3A_1380 = vector.extract %slice3A_1379[0] : i32 from vector<1xi32>
          %mul3A_1381 = arith.constant 16 : i32
          %mul3A_1382 = arith.muli %scan3A_1304, %mul3A_1381 : i32
          %add3A_1383 = arith.constant 5 : i32
          %add3A_1384 = arith.addi %mul3A_1382, %add3A_1383 : i32
          %dma_start3A_1385 = arith.constant 0 : i32
          %dma_start3A_1386 = tpu.memref_slice %arg15[%add3A_1384, %dma_start3A_1385] : memref<320x64xf32, #tpu.memory_space<vmem>> -> memref<1x64xf32, #tpu.memory_space<vmem>>
          %dma_start3A_1387 = arith.constant 0 : i32
          %dma_start3A_1388 = tpu.memref_slice %arg6[%squeeze3A_1380, %dma_start3A_1387] : memref<1000000x64xf32, #tpu.memory_space<hbm>> -> memref<1x64xf32, #tpu.memory_space<hbm>>
          %dma_start3A_1389 = arith.constant 0 : i32
          %dma_start3A_1390 = tpu.memref_slice %arg15[%add3A_1384, %dma_start3A_1389] : memref<320x64xf32, #tpu.memory_space<vmem>> -> memref<1x64xf32, #tpu.memory_space<vmem>>
          %dma_start3A_1391 = arith.constant 0 : i32
          %dma_start3A_1392 = tpu.memref_slice %arg6[%squeeze3A_1380, %dma_start3A_1391] : memref<1000000x64xf32, #tpu.memory_space<hbm>> -> memref<1x64xf32, #tpu.memory_space<hbm>>
          tpu.enqueue_dma source(%dma_start3A_1392 : memref<1x64xf32, #tpu.memory_space<hbm>>) target(%dma_start3A_1390 : memref<1x64xf32, #tpu.memory_space<vmem>>) target_semaphore(%arg22 : memref<!tpu.dma_semaphore, #tpu.memory_space<semaphore_mem>>)
          %slice3A_1393 = vector.extract_strided_slice %get3A_1308 {offsets = [6], sizes = [1], strides = [1]} : vector<16xi32> to vector<1xi32>
          %squeeze3A_1394 = vector.extract %slice3A_1393[0] : i32 from vector<1xi32>
          %mul3A_1395 = arith.constant 16 : i32
          %mul3A_1396 = arith.muli %scan3A_1304, %mul3A_1395 : i32
          %add3A_1397 = arith.constant 6 : i32
          %add3A_1398 = arith.addi %mul3A_1396, %add3A_1397 : i32
          %dma_start3A_1399 = arith.constant 0 : i32
          %dma_start3A_1400 = tpu.memref_slice %arg15[%add3A_1398, %dma_start3A_1399] : memref<320x64xf32, #tpu.memory_space<vmem>> -> memref<1x64xf32, #tpu.memory_space<vmem>>
          %dma_start3A_1401 = arith.constant 0 : i32
          %dma_start3A_1402 = tpu.memref_slice %arg6[%squeeze3A_1394, %dma_start3A_1401] : memref<1000000x64xf32, #tpu.memory_space<hbm>> -> memref<1x64xf32, #tpu.memory_space<hbm>>
          %dma_start3A_1403 = arith.constant 0 : i32
          %dma_start3A_1404 = tpu.memref_slice %arg15[%add3A_1398, %dma_start3A_1403] : memref<320x64xf32, #tpu.memory_space<vmem>> -> memref<1x64xf32, #tpu.memory_space<vmem>>
          %dma_start3A_1405 = arith.constant 0 : i32
          %dma_start3A_1406 = tpu.memref_slice %arg6[%squeeze3A_1394, %dma_start3A_1405] : memref<1000000x64xf32, #tpu.memory_space<hbm>> -> memref<1x64xf32, #tpu.memory_space<hbm>>
          tpu.enqueue_dma source(%dma_start3A_1406 : memref<1x64xf32, #tpu.memory_space<hbm>>) target(%dma_start3A_1404 : memref<1x64xf32, #tpu.memory_space<vmem>>) target_semaphore(%arg22 : memref<!tpu.dma_semaphore, #tpu.memory_space<semaphore_mem>>)
          %slice3A_1407 = vector.extract_strided_slice %get3A_1308 {offsets = [7], sizes = [1], strides = [1]} : vector<16xi32> to vector<1xi32>
          %squeeze3A_1408 = vector.extract %slice3A_1407[0] : i32 from vector<1xi32>
          %mul3A_1409 = arith.constant 16 : i32
          %mul3A_1410 = arith.muli %scan3A_1304, %mul3A_1409 : i32
          %add3A_1411 = arith.constant 7 : i32
          %add3A_1412 = arith.addi %mul3A_1410, %add3A_1411 : i32
          %dma_start3A_1413 = arith.constant 0 : i32
          %dma_start3A_1414 = tpu.memref_slice %arg15[%add3A_1412, %dma_start3A_1413] : memref<320x64xf32, #tpu.memory_space<vmem>> -> memref<1x64xf32, #tpu.memory_space<vmem>>
          %dma_start3A_1415 = arith.constant 0 : i32
          %dma_start3A_1416 = tpu.memref_slice %arg6[%squeeze3A_1408, %dma_start3A_1415] : memref<1000000x64xf32, #tpu.memory_space<hbm>> -> memref<1x64xf32, #tpu.memory_space<hbm>>
          %dma_start3A_1417 = arith.constant 0 : i32
          %dma_start3A_1418 = tpu.memref_slice %arg15[%add3A_1412, %dma_start3A_1417] : memref<320x64xf32, #tpu.memory_space<vmem>> -> memref<1x64xf32, #tpu.memory_space<vmem>>
          %dma_start3A_1419 = arith.constant 0 : i32
          %dma_start3A_1420 = tpu.memref_slice %arg6[%squeeze3A_1408, %dma_start3A_1419] : memref<1000000x64xf32, #tpu.memory_space<hbm>> -> memref<1x64xf32, #tpu.memory_space<hbm>>
          tpu.enqueue_dma source(%dma_start3A_1420 : memref<1x64xf32, #tpu.memory_space<hbm>>) target(%dma_start3A_1418 : memref<1x64xf32, #tpu.memory_space<vmem>>) target_semaphore(%arg22 : memref<!tpu.dma_semaphore, #tpu.memory_space<semaphore_mem>>)
          %slice3A_1421 = vector.extract_strided_slice %get3A_1308 {offsets = [8], sizes = [1], strides = [1]} : vector<16xi32> to vector<1xi32>
          %squeeze3A_1422 = vector.extract %slice3A_1421[0] : i32 from vector<1xi32>
          %mul3A_1423 = arith.constant 16 : i32
          %mul3A_1424 = arith.muli %scan3A_1304, %mul3A_1423 : i32
          %add3A_1425 = arith.constant 8 : i32
          %add3A_1426 = arith.addi %mul3A_1424, %add3A_1425 : i32
          %dma_start3A_1427 = arith.constant 0 : i32
          %dma_start3A_1428 = tpu.memref_slice %arg15[%add3A_1426, %dma_start3A_1427] : memref<320x64xf32, #tpu.memory_space<vmem>> -> memref<1x64xf32, #tpu.memory_space<vmem>>
          %dma_start3A_1429 = arith.constant 0 : i32
          %dma_start3A_1430 = tpu.memref_slice %arg6[%squeeze3A_1422, %dma_start3A_1429] : memref<1000000x64xf32, #tpu.memory_space<hbm>> -> memref<1x64xf32, #tpu.memory_space<hbm>>
          %dma_start3A_1431 = arith.constant 0 : i32
          %dma_start3A_1432 = tpu.memref_slice %arg15[%add3A_1426, %dma_start3A_1431] : memref<320x64xf32, #tpu.memory_space<vmem>> -> memref<1x64xf32, #tpu.memory_space<vmem>>
          %dma_start3A_1433 = arith.constant 0 : i32
          %dma_start3A_1434 = tpu.memref_slice %arg6[%squeeze3A_1422, %dma_start3A_1433] : memref<1000000x64xf32, #tpu.memory_space<hbm>> -> memref<1x64xf32, #tpu.memory_space<hbm>>
          tpu.enqueue_dma source(%dma_start3A_1434 : memref<1x64xf32, #tpu.memory_space<hbm>>) target(%dma_start3A_1432 : memref<1x64xf32, #tpu.memory_space<vmem>>) target_semaphore(%arg22 : memref<!tpu.dma_semaphore, #tpu.memory_space<semaphore_mem>>)
          %slice3A_1435 = vector.extract_strided_slice %get3A_1308 {offsets = [9], sizes = [1], strides = [1]} : vector<16xi32> to vector<1xi32>
          %squeeze3A_1436 = vector.extract %slice3A_1435[0] : i32 from vector<1xi32>
          %mul3A_1437 = arith.constant 16 : i32
          %mul3A_1438 = arith.muli %scan3A_1304, %mul3A_1437 : i32
          %add3A_1439 = arith.constant 9 : i32
          %add3A_1440 = arith.addi %mul3A_1438, %add3A_1439 : i32
          %dma_start3A_1441 = arith.constant 0 : i32
          %dma_start3A_1442 = tpu.memref_slice %arg15[%add3A_1440, %dma_start3A_1441] : memref<320x64xf32, #tpu.memory_space<vmem>> -> memref<1x64xf32, #tpu.memory_space<vmem>>
          %dma_start3A_1443 = arith.constant 0 : i32
          %dma_start3A_1444 = tpu.memref_slice %arg6[%squeeze3A_1436, %dma_start3A_1443] : memref<1000000x64xf32, #tpu.memory_space<hbm>> -> memref<1x64xf32, #tpu.memory_space<hbm>>
          %dma_start3A_1445 = arith.constant 0 : i32
          %dma_start3A_1446 = tpu.memref_slice %arg15[%add3A_1440, %dma_start3A_1445] : memref<320x64xf32, #tpu.memory_space<vmem>> -> memref<1x64xf32, #tpu.memory_space<vmem>>
          %dma_start3A_1447 = arith.constant 0 : i32
          %dma_start3A_1448 = tpu.memref_slice %arg6[%squeeze3A_1436, %dma_start3A_1447] : memref<1000000x64xf32, #tpu.memory_space<hbm>> -> memref<1x64xf32, #tpu.memory_space<hbm>>
          tpu.enqueue_dma source(%dma_start3A_1448 : memref<1x64xf32, #tpu.memory_space<hbm>>) target(%dma_start3A_1446 : memref<1x64xf32, #tpu.memory_space<vmem>>) target_semaphore(%arg22 : memref<!tpu.dma_semaphore, #tpu.memory_space<semaphore_mem>>)
          %slice3A_1449 = vector.extract_strided_slice %get3A_1308 {offsets = [10], sizes = [1], strides = [1]} : vector<16xi32> to vector<1xi32>
          %squeeze3A_1450 = vector.extract %slice3A_1449[0] : i32 from vector<1xi32>
          %mul3A_1451 = arith.constant 16 : i32
          %mul3A_1452 = arith.muli %scan3A_1304, %mul3A_1451 : i32
          %add3A_1453 = arith.constant 10 : i32
          %add3A_1454 = arith.addi %mul3A_1452, %add3A_1453 : i32
          %dma_start3A_1455 = arith.constant 0 : i32
          %dma_start3A_1456 = tpu.memref_slice %arg15[%add3A_1454, %dma_start3A_1455] : memref<320x64xf32, #tpu.memory_space<vmem>> -> memref<1x64xf32, #tpu.memory_space<vmem>>
          %dma_start3A_1457 = arith.constant 0 : i32
          %dma_start3A_1458 = tpu.memref_slice %arg6[%squeeze3A_1450, %dma_start3A_1457] : memref<1000000x64xf32, #tpu.memory_space<hbm>> -> memref<1x64xf32, #tpu.memory_space<hbm>>
          %dma_start3A_1459 = arith.constant 0 : i32
          %dma_start3A_1460 = tpu.memref_slice %arg15[%add3A_1454, %dma_start3A_1459] : memref<320x64xf32, #tpu.memory_space<vmem>> -> memref<1x64xf32, #tpu.memory_space<vmem>>
          %dma_start3A_1461 = arith.constant 0 : i32
          %dma_start3A_1462 = tpu.memref_slice %arg6[%squeeze3A_1450, %dma_start3A_1461] : memref<1000000x64xf32, #tpu.memory_space<hbm>> -> memref<1x64xf32, #tpu.memory_space<hbm>>
          tpu.enqueue_dma source(%dma_start3A_1462 : memref<1x64xf32, #tpu.memory_space<hbm>>) target(%dma_start3A_1460 : memref<1x64xf32, #tpu.memory_space<vmem>>) target_semaphore(%arg22 : memref<!tpu.dma_semaphore, #tpu.memory_space<semaphore_mem>>)
          %slice3A_1463 = vector.extract_strided_slice %get3A_1308 {offsets = [11], sizes = [1], strides = [1]} : vector<16xi32> to vector<1xi32>
          %squeeze3A_1464 = vector.extract %slice3A_1463[0] : i32 from vector<1xi32>
          %mul3A_1465 = arith.constant 16 : i32
          %mul3A_1466 = arith.muli %scan3A_1304, %mul3A_1465 : i32
          %add3A_1467 = arith.constant 11 : i32
          %add3A_1468 = arith.addi %mul3A_1466, %add3A_1467 : i32
          %dma_start3A_1469 = arith.constant 0 : i32
          %dma_start3A_1470 = tpu.memref_slice %arg15[%add3A_1468, %dma_start3A_1469] : memref<320x64xf32, #tpu.memory_space<vmem>> -> memref<1x64xf32, #tpu.memory_space<vmem>>
          %dma_start3A_1471 = arith.constant 0 : i32
          %dma_start3A_1472 = tpu.memref_slice %arg6[%squeeze3A_1464, %dma_start3A_1471] : memref<1000000x64xf32, #tpu.memory_space<hbm>> -> memref<1x64xf32, #tpu.memory_space<hbm>>
          %dma_start3A_1473 = arith.constant 0 : i32
          %dma_start3A_1474 = tpu.memref_slice %arg15[%add3A_1468, %dma_start3A_1473] : memref<320x64xf32, #tpu.memory_space<vmem>> -> memref<1x64xf32, #tpu.memory_space<vmem>>
          %dma_start3A_1475 = arith.constant 0 : i32
          %dma_start3A_1476 = tpu.memref_slice %arg6[%squeeze3A_1464, %dma_start3A_1475] : memref<1000000x64xf32, #tpu.memory_space<hbm>> -> memref<1x64xf32, #tpu.memory_space<hbm>>
          tpu.enqueue_dma source(%dma_start3A_1476 : memref<1x64xf32, #tpu.memory_space<hbm>>) target(%dma_start3A_1474 : memref<1x64xf32, #tpu.memory_space<vmem>>) target_semaphore(%arg22 : memref<!tpu.dma_semaphore, #tpu.memory_space<semaphore_mem>>)
          %slice3A_1477 = vector.extract_strided_slice %get3A_1308 {offsets = [12], sizes = [1], strides = [1]} : vector<16xi32> to vector<1xi32>
          %squeeze3A_1478 = vector.extract %slice3A_1477[0] : i32 from vector<1xi32>
          %mul3A_1479 = arith.constant 16 : i32
          %mul3A_1480 = arith.muli %scan3A_1304, %mul3A_1479 : i32
          %add3A_1481 = arith.constant 12 : i32
          %add3A_1482 = arith.addi %mul3A_1480, %add3A_1481 : i32
          %dma_start3A_1483 = arith.constant 0 : i32
          %dma_start3A_1484 = tpu.memref_slice %arg15[%add3A_1482, %dma_start3A_1483] : memref<320x64xf32, #tpu.memory_space<vmem>> -> memref<1x64xf32, #tpu.memory_space<vmem>>
          %dma_start3A_1485 = arith.constant 0 : i32
          %dma_start3A_1486 = tpu.memref_slice %arg6[%squeeze3A_1478, %dma_start3A_1485] : memref<1000000x64xf32, #tpu.memory_space<hbm>> -> memref<1x64xf32, #tpu.memory_space<hbm>>
          %dma_start3A_1487 = arith.constant 0 : i32
          %dma_start3A_1488 = tpu.memref_slice %arg15[%add3A_1482, %dma_start3A_1487] : memref<320x64xf32, #tpu.memory_space<vmem>> -> memref<1x64xf32, #tpu.memory_space<vmem>>
          %dma_start3A_1489 = arith.constant 0 : i32
          %dma_start3A_1490 = tpu.memref_slice %arg6[%squeeze3A_1478, %dma_start3A_1489] : memref<1000000x64xf32, #tpu.memory_space<hbm>> -> memref<1x64xf32, #tpu.memory_space<hbm>>
          tpu.enqueue_dma source(%dma_start3A_1490 : memref<1x64xf32, #tpu.memory_space<hbm>>) target(%dma_start3A_1488 : memref<1x64xf32, #tpu.memory_space<vmem>>) target_semaphore(%arg22 : memref<!tpu.dma_semaphore, #tpu.memory_space<semaphore_mem>>)
          %slice3A_1491 = vector.extract_strided_slice %get3A_1308 {offsets = [13], sizes = [1], strides = [1]} : vector<16xi32> to vector<1xi32>
          %squeeze3A_1492 = vector.extract %slice3A_1491[0] : i32 from vector<1xi32>
          %mul3A_1493 = arith.constant 16 : i32
          %mul3A_1494 = arith.muli %scan3A_1304, %mul3A_1493 : i32
          %add3A_1495 = arith.constant 13 : i32
          %add3A_1496 = arith.addi %mul3A_1494, %add3A_1495 : i32
          %dma_start3A_1497 = arith.constant 0 : i32
          %dma_start3A_1498 = tpu.memref_slice %arg15[%add3A_1496, %dma_start3A_1497] : memref<320x64xf32, #tpu.memory_space<vmem>> -> memref<1x64xf32, #tpu.memory_space<vmem>>
          %dma_start3A_1499 = arith.constant 0 : i32
          %dma_start3A_1500 = tpu.memref_slice %arg6[%squeeze3A_1492, %dma_start3A_1499] : memref<1000000x64xf32, #tpu.memory_space<hbm>> -> memref<1x64xf32, #tpu.memory_space<hbm>>
          %dma_start3A_1501 = arith.constant 0 : i32
          %dma_start3A_1502 = tpu.memref_slice %arg15[%add3A_1496, %dma_start3A_1501] : memref<320x64xf32, #tpu.memory_space<vmem>> -> memref<1x64xf32, #tpu.memory_space<vmem>>
          %dma_start3A_1503 = arith.constant 0 : i32
          %dma_start3A_1504 = tpu.memref_slice %arg6[%squeeze3A_1492, %dma_start3A_1503] : memref<1000000x64xf32, #tpu.memory_space<hbm>> -> memref<1x64xf32, #tpu.memory_space<hbm>>
          tpu.enqueue_dma source(%dma_start3A_1504 : memref<1x64xf32, #tpu.memory_space<hbm>>) target(%dma_start3A_1502 : memref<1x64xf32, #tpu.memory_space<vmem>>) target_semaphore(%arg22 : memref<!tpu.dma_semaphore, #tpu.memory_space<semaphore_mem>>)
          %slice3A_1505 = vector.extract_strided_slice %get3A_1308 {offsets = [14], sizes = [1], strides = [1]} : vector<16xi32> to vector<1xi32>
          %squeeze3A_1506 = vector.extract %slice3A_1505[0] : i32 from vector<1xi32>
          %mul3A_1507 = arith.constant 16 : i32
          %mul3A_1508 = arith.muli %scan3A_1304, %mul3A_1507 : i32
          %add3A_1509 = arith.constant 14 : i32
          %add3A_1510 = arith.addi %mul3A_1508, %add3A_1509 : i32
          %dma_start3A_1511 = arith.constant 0 : i32
          %dma_start3A_1512 = tpu.memref_slice %arg15[%add3A_1510, %dma_start3A_1511] : memref<320x64xf32, #tpu.memory_space<vmem>> -> memref<1x64xf32, #tpu.memory_space<vmem>>
          %dma_start3A_1513 = arith.constant 0 : i32
          %dma_start3A_1514 = tpu.memref_slice %arg6[%squeeze3A_1506, %dma_start3A_1513] : memref<1000000x64xf32, #tpu.memory_space<hbm>> -> memref<1x64xf32, #tpu.memory_space<hbm>>
          %dma_start3A_1515 = arith.constant 0 : i32
          %dma_start3A_1516 = tpu.memref_slice %arg15[%add3A_1510, %dma_start3A_1515] : memref<320x64xf32, #tpu.memory_space<vmem>> -> memref<1x64xf32, #tpu.memory_space<vmem>>
          %dma_start3A_1517 = arith.constant 0 : i32
          %dma_start3A_1518 = tpu.memref_slice %arg6[%squeeze3A_1506, %dma_start3A_1517] : memref<1000000x64xf32, #tpu.memory_space<hbm>> -> memref<1x64xf32, #tpu.memory_space<hbm>>
          tpu.enqueue_dma source(%dma_start3A_1518 : memref<1x64xf32, #tpu.memory_space<hbm>>) target(%dma_start3A_1516 : memref<1x64xf32, #tpu.memory_space<vmem>>) target_semaphore(%arg22 : memref<!tpu.dma_semaphore, #tpu.memory_space<semaphore_mem>>)
          %slice3A_1519 = vector.extract_strided_slice %get3A_1308 {offsets = [15], sizes = [1], strides = [1]} : vector<16xi32> to vector<1xi32>
          %squeeze3A_1520 = vector.extract %slice3A_1519[0] : i32 from vector<1xi32>
          %mul3A_1521 = arith.constant 16 : i32
          %mul3A_1522 = arith.muli %scan3A_1304, %mul3A_1521 : i32
          %add3A_1523 = arith.constant 15 : i32
          %add3A_1524 = arith.addi %mul3A_1522, %add3A_1523 : i32
          %dma_start3A_1525 = arith.constant 0 : i32
          %dma_start3A_1526 = tpu.memref_slice %arg15[%add3A_1524, %dma_start3A_1525] : memref<320x64xf32, #tpu.memory_space<vmem>> -> memref<1x64xf32, #tpu.memory_space<vmem>>
          %dma_start3A_1527 = arith.constant 0 : i32
          %dma_start3A_1528 = tpu.memref_slice %arg6[%squeeze3A_1520, %dma_start3A_1527] : memref<1000000x64xf32, #tpu.memory_space<hbm>> -> memref<1x64xf32, #tpu.memory_space<hbm>>
          %dma_start3A_1529 = arith.constant 0 : i32
          %dma_start3A_1530 = tpu.memref_slice %arg15[%add3A_1524, %dma_start3A_1529] : memref<320x64xf32, #tpu.memory_space<vmem>> -> memref<1x64xf32, #tpu.memory_space<vmem>>
          %dma_start3A_1531 = arith.constant 0 : i32
          %dma_start3A_1532 = tpu.memref_slice %arg6[%squeeze3A_1520, %dma_start3A_1531] : memref<1000000x64xf32, #tpu.memory_space<hbm>> -> memref<1x64xf32, #tpu.memory_space<hbm>>
          tpu.enqueue_dma source(%dma_start3A_1532 : memref<1x64xf32, #tpu.memory_space<hbm>>) target(%dma_start3A_1530 : memref<1x64xf32, #tpu.memory_space<vmem>>) target_semaphore(%arg22 : memref<!tpu.dma_semaphore, #tpu.memory_space<semaphore_mem>>)
        }
        %scan3A_1303 = arith.constant 20 : i32
      } else {
      }
      %dma_wait3A_875 = arith.constant 0 : i32
      %dma_wait3A_876 = arith.constant 0 : i32
      %dma_wait3A_877 = tpu.memref_slice %arg5[%dma_wait3A_875, %dma_wait3A_876] : memref<1000000x64xf32, #tpu.memory_space<hbm>> -> memref<16x64xf32, #tpu.memory_space<hbm>>
      %dma_wait3A_878 = arith.constant 0 : i32
      %dma_wait3A_879 = arith.constant 0 : i32
      %dma_wait3A_880 = tpu.memref_slice %arg5[%dma_wait3A_878, %dma_wait3A_879] : memref<1000000x64xf32, #tpu.memory_space<hbm>> -> memref<16x64xf32, #tpu.memory_space<hbm>>
      tpu.wait_dma2 semaphore(%arg23 : memref<!tpu.dma_semaphore, #tpu.memory_space<semaphore_mem>>) src(%dma_wait3A_880 : memref<16x64xf32, #tpu.memory_space<hbm>>) dst(%arg16 : memref<16x64xf32, #tpu.memory_space<vmem>>)
      %dma_wait3A_881 = arith.constant 0 : i32
      %dma_wait3A_882 = arith.constant 0 : i32
      %dma_wait3A_883 = tpu.memref_slice %arg6[%dma_wait3A_881, %dma_wait3A_882] : memref<1000000x64xf32, #tpu.memory_space<hbm>> -> memref<16x64xf32, #tpu.memory_space<hbm>>
      %dma_wait3A_884 = arith.constant 0 : i32
      %dma_wait3A_885 = arith.constant 0 : i32
      %dma_wait3A_886 = tpu.memref_slice %arg6[%dma_wait3A_884, %dma_wait3A_885] : memref<1000000x64xf32, #tpu.memory_space<hbm>> -> memref<16x64xf32, #tpu.memory_space<hbm>>
      tpu.wait_dma2 semaphore(%arg23 : memref<!tpu.dma_semaphore, #tpu.memory_space<semaphore_mem>>) src(%dma_wait3A_886 : memref<16x64xf32, #tpu.memory_space<hbm>>) dst(%arg17 : memref<16x64xf32, #tpu.memory_space<vmem>>)
      %dma_wait3A_887 = arith.constant 0 : i32
      %dma_wait3A_888 = arith.constant 0 : i32
      %dma_wait3A_889 = tpu.memref_slice %arg6[%dma_wait3A_887, %dma_wait3A_888] : memref<1000000x64xf32, #tpu.memory_space<hbm>> -> memref<320x64xf32, #tpu.memory_space<hbm>>
      %dma_wait3A_890 = arith.constant 0 : i32
      %dma_wait3A_891 = arith.constant 0 : i32
      %dma_wait3A_892 = tpu.memref_slice %arg6[%dma_wait3A_890, %dma_wait3A_891] : memref<1000000x64xf32, #tpu.memory_space<hbm>> -> memref<320x64xf32, #tpu.memory_space<hbm>>
      tpu.wait_dma2 semaphore(%arg23 : memref<!tpu.dma_semaphore, #tpu.memory_space<semaphore_mem>>) src(%dma_wait3A_892 : memref<320x64xf32, #tpu.memory_space<hbm>>) dst(%arg18 : memref<320x64xf32, #tpu.memory_space<vmem>>)
      %add3A_893 = arith.constant 1 : i32
      %add3A_894 = arith.addi %mul3A_444, %add3A_893 : i32
      %mul3A_895 = arith.constant 16 : i32
      %mul3A_896 = arith.muli %add3A_894, %mul3A_895 : i32
      %scan3A_897 = arith.constant 0 : i32
      %scan3A_898 = arith.constant 0 : i32
      %scan3A_899 = arith.constant 16 : i32
      %scan3A_900 = arith.addi %scan3A_898, %scan3A_899 : i32
      %scan3A_901 = arith.constant 1 : i32
      scf.for %scan3A_903 = %scan3A_898 to %scan3A_900 step %scan3A_901  : i32 {
        %add3A_904 = arith.addi %mul3A_896, %scan3A_903 : i32
        %get3A_905 = arith.index_cast %scan3A_903 : i32 to index
        %get3A_906 = arith.constant 0 : index
        %get3A_907 = tpu.vector_load %arg16[%get3A_905, %get3A_906] {strides = array<i32>} : memref<16x64xf32, #tpu.memory_space<vmem>>, vector<16xf32>,
        %get3A_908 = arith.index_cast %scan3A_903 : i32 to index
        %get3A_909 = arith.constant 16 : index
        %get3A_910 = tpu.vector_load %arg16[%get3A_908, %get3A_909] {strides = array<i32>} : memref<16x64xf32, #tpu.memory_space<vmem>>, vector<16xf32>,
        %get3A_911 = arith.index_cast %scan3A_903 : i32 to index
        %get3A_912 = arith.constant 32 : index
        %get3A_913 = tpu.vector_load %arg16[%get3A_911, %get3A_912] {strides = array<i32>} : memref<16x64xf32, #tpu.memory_space<vmem>>, vector<16xf32>,
        %get3A_914 = arith.index_cast %scan3A_903 : i32 to index
        %get3A_915 = arith.constant 48 : index
        %get3A_916 = tpu.vector_load %arg16[%get3A_914, %get3A_915] {strides = array<i32>} : memref<16x64xf32, #tpu.memory_space<vmem>>, vector<16xf32>,
        %get3A_917 = arith.index_cast %scan3A_903 : i32 to index
        %get3A_918 = arith.constant 0 : index
        %get3A_919 = tpu.vector_load %arg17[%get3A_917, %get3A_918] {strides = array<i32>} : memref<16x64xf32, #tpu.memory_space<vmem>>, vector<16xf32>,
        %get3A_920 = arith.index_cast %scan3A_903 : i32 to index
        %get3A_921 = arith.constant 16 : index
        %get3A_922 = tpu.vector_load %arg17[%get3A_920, %get3A_921] {strides = array<i32>} : memref<16x64xf32, #tpu.memory_space<vmem>>, vector<16xf32>,
        %get3A_923 = arith.index_cast %scan3A_903 : i32 to index
        %get3A_924 = arith.constant 32 : index
        %get3A_925 = tpu.vector_load %arg17[%get3A_923, %get3A_924] {strides = array<i32>} : memref<16x64xf32, #tpu.memory_space<vmem>>, vector<16xf32>,
        %get3A_926 = arith.index_cast %scan3A_903 : i32 to index
        %get3A_927 = arith.constant 48 : index
        %get3A_928 = tpu.vector_load %arg17[%get3A_926, %get3A_927] {strides = array<i32>} : memref<16x64xf32, #tpu.memory_space<vmem>>, vector<16xf32>,
        %mul3A_929 = arith.mulf %get3A_907, %get3A_919 : vector<16xf32>
        %mul3A_930 = arith.mulf %get3A_910, %get3A_922 : vector<16xf32>
        %add3A_931 = arith.addf %mul3A_929, %mul3A_930 : vector<16xf32>
        %mul3A_932 = arith.mulf %get3A_913, %get3A_925 : vector<16xf32>
        %mul3A_933 = arith.mulf %get3A_916, %get3A_928 : vector<16xf32>
        %add3A_934 = arith.addf %mul3A_932, %mul3A_933 : vector<16xf32>
        %add3A_935 = arith.addf %add3A_931, %add3A_934 : vector<16xf32>
        %broadcast_in_dim3A = arith.constant true
        %broadcast_in_dim3A_936 = vector.broadcast %broadcast_in_dim3A : i1 to vector<16xi1>
        %masked_cumsum3A = tpu.scan <sum>, %add3A_935 masked %broadcast_in_dim3A_936 : vector<16xf32>, vector<16xi1> -> vector<16xf32>
        %swap3A = arith.constant 320 : index
        %swap3A_937 = tpu.vector_load %arg21[%swap3A] {strides = array<i32>} : memref<640xf32, #tpu.memory_space<vmem>>, vector<16xf32>,
        tpu.vector_store %arg21[%swap3A], %masked_cumsum3A {strides = array<i32>} : memref<640xf32, #tpu.memory_space<vmem>>, vector<16xf32>,
        %mul3A_938 = arith.constant 20 : i32
        %mul3A_939 = arith.muli %scan3A_903, %mul3A_938 : i32
        %add3A_940 = arith.constant 0 : i32
        %add3A_941 = arith.addi %mul3A_939, %add3A_940 : i32
        %get3A_942 = arith.index_cast %add3A_941 : i32 to index
        %get3A_943 = arith.constant 0 : index
        %get3A_944 = tpu.vector_load %arg18[%get3A_942, %get3A_943] {strides = array<i32>} : memref<320x64xf32, #tpu.memory_space<vmem>>, vector<16xf32>,
        %add3A_945 = arith.constant 0 : i32
        %add3A_946 = arith.addi %mul3A_939, %add3A_945 : i32
        %get3A_947 = arith.index_cast %add3A_946 : i32 to index
        %get3A_948 = arith.constant 16 : index
        %get3A_949 = tpu.vector_load %arg18[%get3A_947, %get3A_948] {strides = array<i32>} : memref<320x64xf32, #tpu.memory_space<vmem>>, vector<16xf32>,
        %add3A_950 = arith.constant 0 : i32
        %add3A_951 = arith.addi %mul3A_939, %add3A_950 : i32
        %get3A_952 = arith.index_cast %add3A_951 : i32 to index
        %get3A_953 = arith.constant 32 : index
        %get3A_954 = tpu.vector_load %arg18[%get3A_952, %get3A_953] {strides = array<i32>} : memref<320x64xf32, #tpu.memory_space<vmem>>, vector<16xf32>,
        %add3A_955 = arith.constant 0 : i32
        %add3A_956 = arith.addi %mul3A_939, %add3A_955 : i32
        %get3A_957 = arith.index_cast %add3A_956 : i32 to index
        %get3A_958 = arith.constant 48 : index
        %get3A_959 = tpu.vector_load %arg18[%get3A_957, %get3A_958] {strides = array<i32>} : memref<320x64xf32, #tpu.memory_space<vmem>>, vector<16xf32>,
        %mul3A_960 = arith.mulf %get3A_907, %get3A_944 : vector<16xf32>
        %mul3A_961 = arith.mulf %get3A_910, %get3A_949 : vector<16xf32>
        %add3A_962 = arith.addf %mul3A_960, %mul3A_961 : vector<16xf32>
        %mul3A_963 = arith.mulf %get3A_913, %get3A_954 : vector<16xf32>
        %mul3A_964 = arith.mulf %get3A_916, %get3A_959 : vector<16xf32>
        %add3A_965 = arith.addf %mul3A_963, %mul3A_964 : vector<16xf32>
        %add3A_966 = arith.addf %add3A_962, %add3A_965 : vector<16xf32>
        %broadcast_in_dim3A_967 = arith.constant true
        %broadcast_in_dim3A_968 = vector.broadcast %broadcast_in_dim3A_967 : i1 to vector<16xi1>
        %masked_cumsum3A_969 = tpu.scan <sum>, %add3A_966 masked %broadcast_in_dim3A_968 : vector<16xf32>, vector<16xi1> -> vector<16xf32>
        %swap3A_970 = arith.constant 0 : index
        %swap3A_971 = tpu.vector_load %arg21[%swap3A_970] {strides = array<i32>} : memref<640xf32, #tpu.memory_space<vmem>>, vector<16xf32>,
        tpu.vector_store %arg21[%swap3A_970], %masked_cumsum3A_969 {strides = array<i32>} : memref<640xf32, #tpu.memory_space<vmem>>, vector<16xf32>,
        %add3A_972 = arith.constant 1 : i32
        %add3A_973 = arith.addi %mul3A_939, %add3A_972 : i32
        %get3A_974 = arith.index_cast %add3A_973 : i32 to index
        %get3A_975 = arith.constant 0 : index
        %get3A_976 = tpu.vector_load %arg18[%get3A_974, %get3A_975] {strides = array<i32>} : memref<320x64xf32, #tpu.memory_space<vmem>>, vector<16xf32>,
        %add3A_977 = arith.constant 1 : i32
        %add3A_978 = arith.addi %mul3A_939, %add3A_977 : i32
        %get3A_979 = arith.index_cast %add3A_978 : i32 to index
        %get3A_980 = arith.constant 16 : index
        %get3A_981 = tpu.vector_load %arg18[%get3A_979, %get3A_980] {strides = array<i32>} : memref<320x64xf32, #tpu.memory_space<vmem>>, vector<16xf32>,
        %add3A_982 = arith.constant 1 : i32
        %add3A_983 = arith.addi %mul3A_939, %add3A_982 : i32
        %get3A_984 = arith.index_cast %add3A_983 : i32 to index
        %get3A_985 = arith.constant 32 : index
        %get3A_986 = tpu.vector_load %arg18[%get3A_984, %get3A_985] {strides = array<i32>} : memref<320x64xf32, #tpu.memory_space<vmem>>, vector<16xf32>,
        %add3A_987 = arith.constant 1 : i32
        %add3A_988 = arith.addi %mul3A_939, %add3A_987 : i32
        %get3A_989 = arith.index_cast %add3A_988 : i32 to index
        %get3A_990 = arith.constant 48 : index
        %get3A_991 = tpu.vector_load %arg18[%get3A_989, %get3A_990] {strides = array<i32>} : memref<320x64xf32, #tpu.memory_space<vmem>>, vector<16xf32>,
        %mul3A_992 = arith.mulf %get3A_907, %get3A_976 : vector<16xf32>
        %mul3A_993 = arith.mulf %get3A_910, %get3A_981 : vector<16xf32>
        %add3A_994 = arith.addf %mul3A_992, %mul3A_993 : vector<16xf32>
        %mul3A_995 = arith.mulf %get3A_913, %get3A_986 : vector<16xf32>
        %mul3A_996 = arith.mulf %get3A_916, %get3A_991 : vector<16xf32>
        %add3A_997 = arith.addf %mul3A_995, %mul3A_996 : vector<16xf32>
        %add3A_998 = arith.addf %add3A_994, %add3A_997 : vector<16xf32>
        %broadcast_in_dim3A_999 = arith.constant true
        %broadcast_in_dim3A_1000 = vector.broadcast %broadcast_in_dim3A_999 : i1 to vector<16xi1>
        %masked_cumsum3A_1001 = tpu.scan <sum>, %add3A_998 masked %broadcast_in_dim3A_1000 : vector<16xf32>, vector<16xi1> -> vector<16xf32>
        %swap3A_1002 = arith.constant 16 : index
        %swap3A_1003 = tpu.vector_load %arg21[%swap3A_1002] {strides = array<i32>} : memref<640xf32, #tpu.memory_space<vmem>>, vector<16xf32>,
        tpu.vector_store %arg21[%swap3A_1002], %masked_cumsum3A_1001 {strides = array<i32>} : memref<640xf32, #tpu.memory_space<vmem>>, vector<16xf32>,
        %add3A_1004 = arith.constant 2 : i32
        %add3A_1005 = arith.addi %mul3A_939, %add3A_1004 : i32
        %get3A_1006 = arith.index_cast %add3A_1005 : i32 to index
        %get3A_1007 = arith.constant 0 : index
        %get3A_1008 = tpu.vector_load %arg18[%get3A_1006, %get3A_1007] {strides = array<i32>} : memref<320x64xf32, #tpu.memory_space<vmem>>, vector<16xf32>,
        %add3A_1009 = arith.constant 2 : i32
        %add3A_1010 = arith.addi %mul3A_939, %add3A_1009 : i32
        %get3A_1011 = arith.index_cast %add3A_1010 : i32 to index
        %get3A_1012 = arith.constant 16 : index
        %get3A_1013 = tpu.vector_load %arg18[%get3A_1011, %get3A_1012] {strides = array<i32>} : memref<320x64xf32, #tpu.memory_space<vmem>>, vector<16xf32>,
        %add3A_1014 = arith.constant 2 : i32
        %add3A_1015 = arith.addi %mul3A_939, %add3A_1014 : i32
        %get3A_1016 = arith.index_cast %add3A_1015 : i32 to index
        %get3A_1017 = arith.constant 32 : index
        %get3A_1018 = tpu.vector_load %arg18[%get3A_1016, %get3A_1017] {strides = array<i32>} : memref<320x64xf32, #tpu.memory_space<vmem>>, vector<16xf32>,
        %add3A_1019 = arith.constant 2 : i32
        %add3A_1020 = arith.addi %mul3A_939, %add3A_1019 : i32
        %get3A_1021 = arith.index_cast %add3A_1020 : i32 to index
        %get3A_1022 = arith.constant 48 : index
        %get3A_1023 = tpu.vector_load %arg18[%get3A_1021, %get3A_1022] {strides = array<i32>} : memref<320x64xf32, #tpu.memory_space<vmem>>, vector<16xf32>,
        %mul3A_1024 = arith.mulf %get3A_907, %get3A_1008 : vector<16xf32>
        %mul3A_1025 = arith.mulf %get3A_910, %get3A_1013 : vector<16xf32>
        %add3A_1026 = arith.addf %mul3A_1024, %mul3A_1025 : vector<16xf32>
        %mul3A_1027 = arith.mulf %get3A_913, %get3A_1018 : vector<16xf32>
        %mul3A_1028 = arith.mulf %get3A_916, %get3A_1023 : vector<16xf32>
        %add3A_1029 = arith.addf %mul3A_1027, %mul3A_1028 : vector<16xf32>
        %add3A_1030 = arith.addf %add3A_1026, %add3A_1029 : vector<16xf32>
        %broadcast_in_dim3A_1031 = arith.constant true
        %broadcast_in_dim3A_1032 = vector.broadcast %broadcast_in_dim3A_1031 : i1 to vector<16xi1>
        %masked_cumsum3A_1033 = tpu.scan <sum>, %add3A_1030 masked %broadcast_in_dim3A_1032 : vector<16xf32>, vector<16xi1> -> vector<16xf32>
        %swap3A_1034 = arith.constant 32 : index
        %swap3A_1035 = tpu.vector_load %arg21[%swap3A_1034] {strides = array<i32>} : memref<640xf32, #tpu.memory_space<vmem>>, vector<16xf32>,
        tpu.vector_store %arg21[%swap3A_1034], %masked_cumsum3A_1033 {strides = array<i32>} : memref<640xf32, #tpu.memory_space<vmem>>, vector<16xf32>,
        %add3A_1036 = arith.constant 3 : i32
        %add3A_1037 = arith.addi %mul3A_939, %add3A_1036 : i32
        %get3A_1038 = arith.index_cast %add3A_1037 : i32 to index
        %get3A_1039 = arith.constant 0 : index
        %get3A_1040 = tpu.vector_load %arg18[%get3A_1038, %get3A_1039] {strides = array<i32>} : memref<320x64xf32, #tpu.memory_space<vmem>>, vector<16xf32>,
        %add3A_1041 = arith.constant 3 : i32
        %add3A_1042 = arith.addi %mul3A_939, %add3A_1041 : i32
        %get3A_1043 = arith.index_cast %add3A_1042 : i32 to index
        %get3A_1044 = arith.constant 16 : index
        %get3A_1045 = tpu.vector_load %arg18[%get3A_1043, %get3A_1044] {strides = array<i32>} : memref<320x64xf32, #tpu.memory_space<vmem>>, vector<16xf32>,
        %add3A_1046 = arith.constant 3 : i32
        %add3A_1047 = arith.addi %mul3A_939, %add3A_1046 : i32
        %get3A_1048 = arith.index_cast %add3A_1047 : i32 to index
        %get3A_1049 = arith.constant 32 : index
        %get3A_1050 = tpu.vector_load %arg18[%get3A_1048, %get3A_1049] {strides = array<i32>} : memref<320x64xf32, #tpu.memory_space<vmem>>, vector<16xf32>,
        %add3A_1051 = arith.constant 3 : i32
        %add3A_1052 = arith.addi %mul3A_939, %add3A_1051 : i32
        %get3A_1053 = arith.index_cast %add3A_1052 : i32 to index
        %get3A_1054 = arith.constant 48 : index
        %get3A_1055 = tpu.vector_load %arg18[%get3A_1053, %get3A_1054] {strides = array<i32>} : memref<320x64xf32, #tpu.memory_space<vmem>>, vector<16xf32>,
        %mul3A_1056 = arith.mulf %get3A_907, %get3A_1040 : vector<16xf32>
        %mul3A_1057 = arith.mulf %get3A_910, %get3A_1045 : vector<16xf32>
        %add3A_1058 = arith.addf %mul3A_1056, %mul3A_1057 : vector<16xf32>
        %mul3A_1059 = arith.mulf %get3A_913, %get3A_1050 : vector<16xf32>
        %mul3A_1060 = arith.mulf %get3A_916, %get3A_1055 : vector<16xf32>
        %add3A_1061 = arith.addf %mul3A_1059, %mul3A_1060 : vector<16xf32>
        %add3A_1062 = arith.addf %add3A_1058, %add3A_1061 : vector<16xf32>
        %broadcast_in_dim3A_1063 = arith.constant true
        %broadcast_in_dim3A_1064 = vector.broadcast %broadcast_in_dim3A_1063 : i1 to vector<16xi1>
        %masked_cumsum3A_1065 = tpu.scan <sum>, %add3A_1062 masked %broadcast_in_dim3A_1064 : vector<16xf32>, vector<16xi1> -> vector<16xf32>
        %swap3A_1066 = arith.constant 48 : index
        %swap3A_1067 = tpu.vector_load %arg21[%swap3A_1066] {strides = array<i32>} : memref<640xf32, #tpu.memory_space<vmem>>, vector<16xf32>,
        tpu.vector_store %arg21[%swap3A_1066], %masked_cumsum3A_1065 {strides = array<i32>} : memref<640xf32, #tpu.memory_space<vmem>>, vector<16xf32>,
        %add3A_1068 = arith.constant 4 : i32
        %add3A_1069 = arith.addi %mul3A_939, %add3A_1068 : i32
        %get3A_1070 = arith.index_cast %add3A_1069 : i32 to index
        %get3A_1071 = arith.constant 0 : index
        %get3A_1072 = tpu.vector_load %arg18[%get3A_1070, %get3A_1071] {strides = array<i32>} : memref<320x64xf32, #tpu.memory_space<vmem>>, vector<16xf32>,
        %add3A_1073 = arith.constant 4 : i32
        %add3A_1074 = arith.addi %mul3A_939, %add3A_1073 : i32
        %get3A_1075 = arith.index_cast %add3A_1074 : i32 to index
        %get3A_1076 = arith.constant 16 : index
        %get3A_1077 = tpu.vector_load %arg18[%get3A_1075, %get3A_1076] {strides = array<i32>} : memref<320x64xf32, #tpu.memory_space<vmem>>, vector<16xf32>,
        %add3A_1078 = arith.constant 4 : i32
        %add3A_1079 = arith.addi %mul3A_939, %add3A_1078 : i32
        %get3A_1080 = arith.index_cast %add3A_1079 : i32 to index
        %get3A_1081 = arith.constant 32 : index
        %get3A_1082 = tpu.vector_load %arg18[%get3A_1080, %get3A_1081] {strides = array<i32>} : memref<320x64xf32, #tpu.memory_space<vmem>>, vector<16xf32>,
        %add3A_1083 = arith.constant 4 : i32
        %add3A_1084 = arith.addi %mul3A_939, %add3A_1083 : i32
        %get3A_1085 = arith.index_cast %add3A_1084 : i32 to index
        %get3A_1086 = arith.constant 48 : index
        %get3A_1087 = tpu.vector_load %arg18[%get3A_1085, %get3A_1086] {strides = array<i32>} : memref<320x64xf32, #tpu.memory_space<vmem>>, vector<16xf32>,
        %mul3A_1088 = arith.mulf %get3A_907, %get3A_1072 : vector<16xf32>
        %mul3A_1089 = arith.mulf %get3A_910, %get3A_1077 : vector<16xf32>
        %add3A_1090 = arith.addf %mul3A_1088, %mul3A_1089 : vector<16xf32>
        %mul3A_1091 = arith.mulf %get3A_913, %get3A_1082 : vector<16xf32>
        %mul3A_1092 = arith.mulf %get3A_916, %get3A_1087 : vector<16xf32>
        %add3A_1093 = arith.addf %mul3A_1091, %mul3A_1092 : vector<16xf32>
        %add3A_1094 = arith.addf %add3A_1090, %add3A_1093 : vector<16xf32>
        %broadcast_in_dim3A_1095 = arith.constant true
        %broadcast_in_dim3A_1096 = vector.broadcast %broadcast_in_dim3A_1095 : i1 to vector<16xi1>
        %masked_cumsum3A_1097 = tpu.scan <sum>, %add3A_1094 masked %broadcast_in_dim3A_1096 : vector<16xf32>, vector<16xi1> -> vector<16xf32>
        %swap3A_1098 = arith.constant 64 : index
        %swap3A_1099 = tpu.vector_load %arg21[%swap3A_1098] {strides = array<i32>} : memref<640xf32, #tpu.memory_space<vmem>>, vector<16xf32>,
        tpu.vector_store %arg21[%swap3A_1098], %masked_cumsum3A_1097 {strides = array<i32>} : memref<640xf32, #tpu.memory_space<vmem>>, vector<16xf32>,
        %add3A_1100 = arith.constant 5 : i32
        %add3A_1101 = arith.addi %mul3A_939, %add3A_1100 : i32
        %get3A_1102 = arith.index_cast %add3A_1101 : i32 to index
        %get3A_1103 = arith.constant 0 : index
        %get3A_1104 = tpu.vector_load %arg18[%get3A_1102, %get3A_1103] {strides = array<i32>} : memref<320x64xf32, #tpu.memory_space<vmem>>, vector<16xf32>,
        %add3A_1105 = arith.constant 5 : i32
        %add3A_1106 = arith.addi %mul3A_939, %add3A_1105 : i32
        %get3A_1107 = arith.index_cast %add3A_1106 : i32 to index
        %get3A_1108 = arith.constant 16 : index
        %get3A_1109 = tpu.vector_load %arg18[%get3A_1107, %get3A_1108] {strides = array<i32>} : memref<320x64xf32, #tpu.memory_space<vmem>>, vector<16xf32>,
        %add3A_1110 = arith.constant 5 : i32
        %add3A_1111 = arith.addi %mul3A_939, %add3A_1110 : i32
        %get3A_1112 = arith.index_cast %add3A_1111 : i32 to index
        %get3A_1113 = arith.constant 32 : index
        %get3A_1114 = tpu.vector_load %arg18[%get3A_1112, %get3A_1113] {strides = array<i32>} : memref<320x64xf32, #tpu.memory_space<vmem>>, vector<16xf32>,
        %add3A_1115 = arith.constant 5 : i32
        %add3A_1116 = arith.addi %mul3A_939, %add3A_1115 : i32
        %get3A_1117 = arith.index_cast %add3A_1116 : i32 to index
        %get3A_1118 = arith.constant 48 : index
        %get3A_1119 = tpu.vector_load %arg18[%get3A_1117, %get3A_1118] {strides = array<i32>} : memref<320x64xf32, #tpu.memory_space<vmem>>, vector<16xf32>,
        %mul3A_1120 = arith.mulf %get3A_907, %get3A_1104 : vector<16xf32>
        %mul3A_1121 = arith.mulf %get3A_910, %get3A_1109 : vector<16xf32>
        %add3A_1122 = arith.addf %mul3A_1120, %mul3A_1121 : vector<16xf32>
        %mul3A_1123 = arith.mulf %get3A_913, %get3A_1114 : vector<16xf32>
        %mul3A_1124 = arith.mulf %get3A_916, %get3A_1119 : vector<16xf32>
        %add3A_1125 = arith.addf %mul3A_1123, %mul3A_1124 : vector<16xf32>
        %add3A_1126 = arith.addf %add3A_1122, %add3A_1125 : vector<16xf32>
        %broadcast_in_dim3A_1127 = arith.constant true
        %broadcast_in_dim3A_1128 = vector.broadcast %broadcast_in_dim3A_1127 : i1 to vector<16xi1>
        %masked_cumsum3A_1129 = tpu.scan <sum>, %add3A_1126 masked %broadcast_in_dim3A_1128 : vector<16xf32>, vector<16xi1> -> vector<16xf32>
        %swap3A_1130 = arith.constant 80 : index
        %swap3A_1131 = tpu.vector_load %arg21[%swap3A_1130] {strides = array<i32>} : memref<640xf32, #tpu.memory_space<vmem>>, vector<16xf32>,
        tpu.vector_store %arg21[%swap3A_1130], %masked_cumsum3A_1129 {strides = array<i32>} : memref<640xf32, #tpu.memory_space<vmem>>, vector<16xf32>,
        %add3A_1132 = arith.constant 6 : i32
        %add3A_1133 = arith.addi %mul3A_939, %add3A_1132 : i32
        %get3A_1134 = arith.index_cast %add3A_1133 : i32 to index
        %get3A_1135 = arith.constant 0 : index
        %get3A_1136 = tpu.vector_load %arg18[%get3A_1134, %get3A_1135] {strides = array<i32>} : memref<320x64xf32, #tpu.memory_space<vmem>>, vector<16xf32>,
        %add3A_1137 = arith.constant 6 : i32
        %add3A_1138 = arith.addi %mul3A_939, %add3A_1137 : i32
        %get3A_1139 = arith.index_cast %add3A_1138 : i32 to index
        %get3A_1140 = arith.constant 16 : index
        %get3A_1141 = tpu.vector_load %arg18[%get3A_1139, %get3A_1140] {strides = array<i32>} : memref<320x64xf32, #tpu.memory_space<vmem>>, vector<16xf32>,
        %add3A_1142 = arith.constant 6 : i32
        %add3A_1143 = arith.addi %mul3A_939, %add3A_1142 : i32
        %get3A_1144 = arith.index_cast %add3A_1143 : i32 to index
        %get3A_1145 = arith.constant 32 : index
        %get3A_1146 = tpu.vector_load %arg18[%get3A_1144, %get3A_1145] {strides = array<i32>} : memref<320x64xf32, #tpu.memory_space<vmem>>, vector<16xf32>,
        %add3A_1147 = arith.constant 6 : i32
        %add3A_1148 = arith.addi %mul3A_939, %add3A_1147 : i32
        %get3A_1149 = arith.index_cast %add3A_1148 : i32 to index
        %get3A_1150 = arith.constant 48 : index
        %get3A_1151 = tpu.vector_load %arg18[%get3A_1149, %get3A_1150] {strides = array<i32>} : memref<320x64xf32, #tpu.memory_space<vmem>>, vector<16xf32>,
        %mul3A_1152 = arith.mulf %get3A_907, %get3A_1136 : vector<16xf32>
        %mul3A_1153 = arith.mulf %get3A_910, %get3A_1141 : vector<16xf32>
        %add3A_1154 = arith.addf %mul3A_1152, %mul3A_1153 : vector<16xf32>
        %mul3A_1155 = arith.mulf %get3A_913, %get3A_1146 : vector<16xf32>
        %mul3A_1156 = arith.mulf %get3A_916, %get3A_1151 : vector<16xf32>
        %add3A_1157 = arith.addf %mul3A_1155, %mul3A_1156 : vector<16xf32>
        %add3A_1158 = arith.addf %add3A_1154, %add3A_1157 : vector<16xf32>
        %broadcast_in_dim3A_1159 = arith.constant true
        %broadcast_in_dim3A_1160 = vector.broadcast %broadcast_in_dim3A_1159 : i1 to vector<16xi1>
        %masked_cumsum3A_1161 = tpu.scan <sum>, %add3A_1158 masked %broadcast_in_dim3A_1160 : vector<16xf32>, vector<16xi1> -> vector<16xf32>
        %swap3A_1162 = arith.constant 96 : index
        %swap3A_1163 = tpu.vector_load %arg21[%swap3A_1162] {strides = array<i32>} : memref<640xf32, #tpu.memory_space<vmem>>, vector<16xf32>,
        tpu.vector_store %arg21[%swap3A_1162], %masked_cumsum3A_1161 {strides = array<i32>} : memref<640xf32, #tpu.memory_space<vmem>>, vector<16xf32>,
        %add3A_1164 = arith.constant 7 : i32
        %add3A_1165 = arith.addi %mul3A_939, %add3A_1164 : i32
        %get3A_1166 = arith.index_cast %add3A_1165 : i32 to index
        %get3A_1167 = arith.constant 0 : index
        %get3A_1168 = tpu.vector_load %arg18[%get3A_1166, %get3A_1167] {strides = array<i32>} : memref<320x64xf32, #tpu.memory_space<vmem>>, vector<16xf32>,
        %add3A_1169 = arith.constant 7 : i32
        %add3A_1170 = arith.addi %mul3A_939, %add3A_1169 : i32
        %get3A_1171 = arith.index_cast %add3A_1170 : i32 to index
        %get3A_1172 = arith.constant 16 : index
        %get3A_1173 = tpu.vector_load %arg18[%get3A_1171, %get3A_1172] {strides = array<i32>} : memref<320x64xf32, #tpu.memory_space<vmem>>, vector<16xf32>,
        %add3A_1174 = arith.constant 7 : i32
        %add3A_1175 = arith.addi %mul3A_939, %add3A_1174 : i32
        %get3A_1176 = arith.index_cast %add3A_1175 : i32 to index
        %get3A_1177 = arith.constant 32 : index
        %get3A_1178 = tpu.vector_load %arg18[%get3A_1176, %get3A_1177] {strides = array<i32>} : memref<320x64xf32, #tpu.memory_space<vmem>>, vector<16xf32>,
        %add3A_1179 = arith.constant 7 : i32
        %add3A_1180 = arith.addi %mul3A_939, %add3A_1179 : i32
        %get3A_1181 = arith.index_cast %add3A_1180 : i32 to index
        %get3A_1182 = arith.constant 48 : index
        %get3A_1183 = tpu.vector_load %arg18[%get3A_1181, %get3A_1182] {strides = array<i32>} : memref<320x64xf32, #tpu.memory_space<vmem>>, vector<16xf32>,
        %mul3A_1184 = arith.mulf %get3A_907, %get3A_1168 : vector<16xf32>
        %mul3A_1185 = arith.mulf %get3A_910, %get3A_1173 : vector<16xf32>
        %add3A_1186 = arith.addf %mul3A_1184, %mul3A_1185 : vector<16xf32>
        %mul3A_1187 = arith.mulf %get3A_913, %get3A_1178 : vector<16xf32>
        %mul3A_1188 = arith.mulf %get3A_916, %get3A_1183 : vector<16xf32>
        %add3A_1189 = arith.addf %mul3A_1187, %mul3A_1188 : vector<16xf32>
        %add3A_1190 = arith.addf %add3A_1186, %add3A_1189 : vector<16xf32>
        %broadcast_in_dim3A_1191 = arith.constant true
        %broadcast_in_dim3A_1192 = vector.broadcast %broadcast_in_dim3A_1191 : i1 to vector<16xi1>
        %masked_cumsum3A_1193 = tpu.scan <sum>, %add3A_1190 masked %broadcast_in_dim3A_1192 : vector<16xf32>, vector<16xi1> -> vector<16xf32>
        %swap3A_1194 = arith.constant 112 : index
        %swap3A_1195 = tpu.vector_load %arg21[%swap3A_1194] {strides = array<i32>} : memref<640xf32, #tpu.memory_space<vmem>>, vector<16xf32>,
        tpu.vector_store %arg21[%swap3A_1194], %masked_cumsum3A_1193 {strides = array<i32>} : memref<640xf32, #tpu.memory_space<vmem>>, vector<16xf32>,
        %add3A_1196 = arith.constant 8 : i32
        %add3A_1197 = arith.addi %mul3A_939, %add3A_1196 : i32
        %get3A_1198 = arith.index_cast %add3A_1197 : i32 to index
        %get3A_1199 = arith.constant 0 : index
        %get3A_1200 = tpu.vector_load %arg18[%get3A_1198, %get3A_1199] {strides = array<i32>} : memref<320x64xf32, #tpu.memory_space<vmem>>, vector<16xf32>,
        %add3A_1201 = arith.constant 8 : i32
        %add3A_1202 = arith.addi %mul3A_939, %add3A_1201 : i32
        %get3A_1203 = arith.index_cast %add3A_1202 : i32 to index
        %get3A_1204 = arith.constant 16 : index
        %get3A_1205 = tpu.vector_load %arg18[%get3A_1203, %get3A_1204] {strides = array<i32>} : memref<320x64xf32, #tpu.memory_space<vmem>>, vector<16xf32>,
        %add3A_1206 = arith.constant 8 : i32
        %add3A_1207 = arith.addi %mul3A_939, %add3A_1206 : i32
        %get3A_1208 = arith.index_cast %add3A_1207 : i32 to index
        %get3A_1209 = arith.constant 32 : index
        %get3A_1210 = tpu.vector_load %arg18[%get3A_1208, %get3A_1209] {strides = array<i32>} : memref<320x64xf32, #tpu.memory_space<vmem>>, vector<16xf32>,
        %add3A_1211 = arith.constant 8 : i32
        %add3A_1212 = arith.addi %mul3A_939, %add3A_1211 : i32
        %get3A_1213 = arith.index_cast %add3A_1212 : i32 to index
        %get3A_1214 = arith.constant 48 : index
        %get3A_1215 = tpu.vector_load %arg18[%get3A_1213, %get3A_1214] {strides = array<i32>} : memref<320x64xf32, #tpu.memory_space<vmem>>, vector<16xf32>,
        %mul3A_1216 = arith.mulf %get3A_907, %get3A_1200 : vector<16xf32>
        %mul3A_1217 = arith.mulf %get3A_910, %get3A_1205 : vector<16xf32>
        %add3A_1218 = arith.addf %mul3A_1216, %mul3A_1217 : vector<16xf32>
        %mul3A_1219 = arith.mulf %get3A_913, %get3A_1210 : vector<16xf32>
        %mul3A_1220 = arith.mulf %get3A_916, %get3A_1215 : vector<16xf32>
        %add3A_1221 = arith.addf %mul3A_1219, %mul3A_1220 : vector<16xf32>
        %add3A_1222 = arith.addf %add3A_1218, %add3A_1221 : vector<16xf32>
        %broadcast_in_dim3A_1223 = arith.constant true
        %broadcast_in_dim3A_1224 = vector.broadcast %broadcast_in_dim3A_1223 : i1 to vector<16xi1>
        %masked_cumsum3A_1225 = tpu.scan <sum>, %add3A_1222 masked %broadcast_in_dim3A_1224 : vector<16xf32>, vector<16xi1> -> vector<16xf32>
        %swap3A_1226 = arith.constant 128 : index
        %swap3A_1227 = tpu.vector_load %arg21[%swap3A_1226] {strides = array<i32>} : memref<640xf32, #tpu.memory_space<vmem>>, vector<16xf32>,
        tpu.vector_store %arg21[%swap3A_1226], %masked_cumsum3A_1225 {strides = array<i32>} : memref<640xf32, #tpu.memory_space<vmem>>, vector<16xf32>,
        %add3A_1228 = arith.constant 9 : i32
        %add3A_1229 = arith.addi %mul3A_939, %add3A_1228 : i32
        %get3A_1230 = arith.index_cast %add3A_1229 : i32 to index
        %get3A_1231 = arith.constant 0 : index
        %get3A_1232 = tpu.vector_load %arg18[%get3A_1230, %get3A_1231] {strides = array<i32>} : memref<320x64xf32, #tpu.memory_space<vmem>>, vector<16xf32>,
        %add3A_1233 = arith.constant 9 : i32
        %add3A_1234 = arith.addi %mul3A_939, %add3A_1233 : i32
        %get3A_1235 = arith.index_cast %add3A_1234 : i32 to index
        %get3A_1236 = arith.constant 16 : index
        %get3A_1237 = tpu.vector_load %arg18[%get3A_1235, %get3A_1236] {strides = array<i32>} : memref<320x64xf32, #tpu.memory_space<vmem>>, vector<16xf32>,
        %add3A_1238 = arith.constant 9 : i32
        %add3A_1239 = arith.addi %mul3A_939, %add3A_1238 : i32
        %get3A_1240 = arith.index_cast %add3A_1239 : i32 to index
        %get3A_1241 = arith.constant 32 : index
        %get3A_1242 = tpu.vector_load %arg18[%get3A_1240, %get3A_1241] {strides = array<i32>} : memref<320x64xf32, #tpu.memory_space<vmem>>, vector<16xf32>,
        %add3A_1243 = arith.constant 9 : i32
        %add3A_1244 = arith.addi %mul3A_939, %add3A_1243 : i32
        %get3A_1245 = arith.index_cast %add3A_1244 : i32 to index
        %get3A_1246 = arith.constant 48 : index
        %get3A_1247 = tpu.vector_load %arg18[%get3A_1245, %get3A_1246] {strides = array<i32>} : memref<320x64xf32, #tpu.memory_space<vmem>>, vector<16xf32>,
        %mul3A_1248 = arith.mulf %get3A_907, %get3A_1232 : vector<16xf32>
        %mul3A_1249 = arith.mulf %get3A_910, %get3A_1237 : vector<16xf32>
        %add3A_1250 = arith.addf %mul3A_1248, %mul3A_1249 : vector<16xf32>
        %mul3A_1251 = arith.mulf %get3A_913, %get3A_1242 : vector<16xf32>
        %mul3A_1252 = arith.mulf %get3A_916, %get3A_1247 : vector<16xf32>
        %add3A_1253 = arith.addf %mul3A_1251, %mul3A_1252 : vector<16xf32>
        %add3A_1254 = arith.addf %add3A_1250, %add3A_1253 : vector<16xf32>
        %broadcast_in_dim3A_1255 = arith.constant true
        %broadcast_in_dim3A_1256 = vector.broadcast %broadcast_in_dim3A_1255 : i1 to vector<16xi1>
        %masked_cumsum3A_1257 = tpu.scan <sum>, %add3A_1254 masked %broadcast_in_dim3A_1256 : vector<16xf32>, vector<16xi1> -> vector<16xf32>
        %swap3A_1258 = arith.constant 144 : index
        %swap3A_1259 = tpu.vector_load %arg21[%swap3A_1258] {strides = array<i32>} : memref<640xf32, #tpu.memory_space<vmem>>, vector<16xf32>,
        tpu.vector_store %arg21[%swap3A_1258], %masked_cumsum3A_1257 {strides = array<i32>} : memref<640xf32, #tpu.memory_space<vmem>>, vector<16xf32>,
        %add3A_1260 = arith.constant 10 : i32
        %add3A_1261 = arith.addi %mul3A_939, %add3A_1260 : i32
        %get3A_1262 = arith.index_cast %add3A_1261 : i32 to index
        %get3A_1263 = arith.constant 0 : index
        %get3A_1264 = tpu.vector_load %arg18[%get3A_1262, %get3A_1263] {strides = array<i32>} : memref<320x64xf32, #tpu.memory_space<vmem>>, vector<16xf32>,
        %add3A_1265 = arith.constant 10 : i32
        %add3A_1266 = arith.addi %mul3A_939, %add3A_1265 : i32
        %get3A_1267 = arith.index_cast %add3A_1266 : i32 to index
        %get3A_1268 = arith.constant 16 : index
        %get3A_1269 = tpu.vector_load %arg18[%get3A_1267, %get3A_1268] {strides = array<i32>} : memref<320x64xf32, #tpu.memory_space<vmem>>, vector<16xf32>,
        %add3A_1270 = arith.constant 10 : i32
        %add3A_1271 = arith.addi %mul3A_939, %add3A_1270 : i32
        %get3A_1272 = arith.index_cast %add3A_1271 : i32 to index
        %get3A_1273 = arith.constant 32 : index
        %get3A_1274 = tpu.vector_load %arg18[%get3A_1272, %get3A_1273] {strides = array<i32>} : memref<320x64xf32, #tpu.memory_space<vmem>>, vector<16xf32>,
        %add3A_1275 = arith.constant 10 : i32
        %add3A_1276 = arith.addi %mul3A_939, %add3A_1275 : i32
        %get3A_1277 = arith.index_cast %add3A_1276 : i32 to index
        %get3A_1278 = arith.constant 48 : index
        %get3A_1279 = tpu.vector_load %arg18[%get3A_1277, %get3A_1278] {strides = array<i32>} : memref<320x64xf32, #tpu.memory_space<vmem>>, vector<16xf32>,
        %mul3A_1280 = arith.mulf %get3A_907, %get3A_1264 : vector<16xf32>
        %mul3A_1281 = arith.mulf %get3A_910, %get3A_1269 : vector<16xf32>
        %add3A_1282 = arith.addf %mul3A_1280, %mul3A_1281 : vector<16xf32>
        %mul3A_1283 = arith.mulf %get3A_913, %get3A_1274 : vector<16xf32>
        %mul3A_1284 = arith.mulf %get3A_916, %get3A_1279 : vector<16xf32>
        %add3A_1285 = arith.addf %mul3A_1283, %mul3A_1284 : vector<16xf32>
        %add3A_1286 = arith.addf %add3A_1282, %add3A_1285 : vector<16xf32>
        %broadcast_in_dim3A_1287 = arith.constant true
        %broadcast_in_dim3A_1288 = vector.broadcast %broadcast_in_dim3A_1287 : i1 to vector<16xi1>
        %masked_cumsum3A_1289 = tpu.scan <sum>, %add3A_1286 masked %broadcast_in_dim3A_1288 : vector<16xf32>, vector<16xi1> -> vector<16xf32>
        %swap3A_1290 = arith.constant 160 : index
        %swap3A_1291 = tpu.vector_load %arg21[%swap3A_1290] {strides = array<i32>} : memref<640xf32, #tpu.memory_space<vmem>>, vector<16xf32>,
        tpu.vector_store %arg21[%swap3A_1290], %masked_cumsum3A_1289 {strides = array<i32>} : memref<640xf32, #tpu.memory_space<vmem>>, vector<16xf32>,
        %add3A_1292 = arith.constant 11 : i32
        %add3A_1293 = arith.addi %mul3A_939, %add3A_1292 : i32
        %get3A_1294 = arith.index_cast %add3A_1293 : i32 to index
        %get3A_1295 = arith.constant 0 : index
        %get3A_1296 = tpu.vector_load %arg18[%get3A_1294, %get3A_1295] {strides = array<i32>} : memref<320x64xf32, #tpu.memory_space<vmem>>, vector<16xf32>,
        %add3A_1297 = arith.constant 11 : i32
        %add3A_1298 = arith.addi %mul3A_939, %add3A_1297 : i32
        %get3A_1299 = arith.index_cast %add3A_1298 : i32 to index
        %get3A_1300 = arith.constant 16 : index
        %get3A_1301 = tpu.vector_load %arg18[%get3A_1299, %get3A_1300] {strides = array<i32>} : memref<320x64xf32, #tpu.memory_space<vmem>>, vector<16xf32>,
        %add3A_1302 = arith.constant 11 : i32
        %add3A_1303 = arith.addi %mul3A_939, %add3A_1302 : i32
        %get3A_1304 = arith.index_cast %add3A_1303 : i32 to index
        %get3A_1305 = arith.constant 32 : index
        %get3A_1306 = tpu.vector_load %arg18[%get3A_1304, %get3A_1305] {strides = array<i32>} : memref<320x64xf32, #tpu.memory_space<vmem>>, vector<16xf32>,
        %add3A_1307 = arith.constant 11 : i32
        %add3A_1308 = arith.addi %mul3A_939, %add3A_1307 : i32
        %get3A_1309 = arith.index_cast %add3A_1308 : i32 to index
        %get3A_1310 = arith.constant 48 : index
        %get3A_1311 = tpu.vector_load %arg18[%get3A_1309, %get3A_1310] {strides = array<i32>} : memref<320x64xf32, #tpu.memory_space<vmem>>, vector<16xf32>,
        %mul3A_1312 = arith.mulf %get3A_907, %get3A_1296 : vector<16xf32>
        %mul3A_1313 = arith.mulf %get3A_910, %get3A_1301 : vector<16xf32>
        %add3A_1314 = arith.addf %mul3A_1312, %mul3A_1313 : vector<16xf32>
        %mul3A_1315 = arith.mulf %get3A_913, %get3A_1306 : vector<16xf32>
        %mul3A_1316 = arith.mulf %get3A_916, %get3A_1311 : vector<16xf32>
        %add3A_1317 = arith.addf %mul3A_1315, %mul3A_1316 : vector<16xf32>
        %add3A_1318 = arith.addf %add3A_1314, %add3A_1317 : vector<16xf32>
        %broadcast_in_dim3A_1319 = arith.constant true
        %broadcast_in_dim3A_1320 = vector.broadcast %broadcast_in_dim3A_1319 : i1 to vector<16xi1>
        %masked_cumsum3A_1321 = tpu.scan <sum>, %add3A_1318 masked %broadcast_in_dim3A_1320 : vector<16xf32>, vector<16xi1> -> vector<16xf32>
        %swap3A_1322 = arith.constant 176 : index
        %swap3A_1323 = tpu.vector_load %arg21[%swap3A_1322] {strides = array<i32>} : memref<640xf32, #tpu.memory_space<vmem>>, vector<16xf32>,
        tpu.vector_store %arg21[%swap3A_1322], %masked_cumsum3A_1321 {strides = array<i32>} : memref<640xf32, #tpu.memory_space<vmem>>, vector<16xf32>,
        %add3A_1324 = arith.constant 12 : i32
        %add3A_1325 = arith.addi %mul3A_939, %add3A_1324 : i32
        %get3A_1326 = arith.index_cast %add3A_1325 : i32 to index
        %get3A_1327 = arith.constant 0 : index
        %get3A_1328 = tpu.vector_load %arg18[%get3A_1326, %get3A_1327] {strides = array<i32>} : memref<320x64xf32, #tpu.memory_space<vmem>>, vector<16xf32>,
        %add3A_1329 = arith.constant 12 : i32
        %add3A_1330 = arith.addi %mul3A_939, %add3A_1329 : i32
        %get3A_1331 = arith.index_cast %add3A_1330 : i32 to index
        %get3A_1332 = arith.constant 16 : index
        %get3A_1333 = tpu.vector_load %arg18[%get3A_1331, %get3A_1332] {strides = array<i32>} : memref<320x64xf32, #tpu.memory_space<vmem>>, vector<16xf32>,
        %add3A_1334 = arith.constant 12 : i32
        %add3A_1335 = arith.addi %mul3A_939, %add3A_1334 : i32
        %get3A_1336 = arith.index_cast %add3A_1335 : i32 to index
        %get3A_1337 = arith.constant 32 : index
        %get3A_1338 = tpu.vector_load %arg18[%get3A_1336, %get3A_1337] {strides = array<i32>} : memref<320x64xf32, #tpu.memory_space<vmem>>, vector<16xf32>,
        %add3A_1339 = arith.constant 12 : i32
        %add3A_1340 = arith.addi %mul3A_939, %add3A_1339 : i32
        %get3A_1341 = arith.index_cast %add3A_1340 : i32 to index
        %get3A_1342 = arith.constant 48 : index
        %get3A_1343 = tpu.vector_load %arg18[%get3A_1341, %get3A_1342] {strides = array<i32>} : memref<320x64xf32, #tpu.memory_space<vmem>>, vector<16xf32>,
        %mul3A_1344 = arith.mulf %get3A_907, %get3A_1328 : vector<16xf32>
        %mul3A_1345 = arith.mulf %get3A_910, %get3A_1333 : vector<16xf32>
        %add3A_1346 = arith.addf %mul3A_1344, %mul3A_1345 : vector<16xf32>
        %mul3A_1347 = arith.mulf %get3A_913, %get3A_1338 : vector<16xf32>
        %mul3A_1348 = arith.mulf %get3A_916, %get3A_1343 : vector<16xf32>
        %add3A_1349 = arith.addf %mul3A_1347, %mul3A_1348 : vector<16xf32>
        %add3A_1350 = arith.addf %add3A_1346, %add3A_1349 : vector<16xf32>
        %broadcast_in_dim3A_1351 = arith.constant true
        %broadcast_in_dim3A_1352 = vector.broadcast %broadcast_in_dim3A_1351 : i1 to vector<16xi1>
        %masked_cumsum3A_1353 = tpu.scan <sum>, %add3A_1350 masked %broadcast_in_dim3A_1352 : vector<16xf32>, vector<16xi1> -> vector<16xf32>
        %swap3A_1354 = arith.constant 192 : index
        %swap3A_1355 = tpu.vector_load %arg21[%swap3A_1354] {strides = array<i32>} : memref<640xf32, #tpu.memory_space<vmem>>, vector<16xf32>,
        tpu.vector_store %arg21[%swap3A_1354], %masked_cumsum3A_1353 {strides = array<i32>} : memref<640xf32, #tpu.memory_space<vmem>>, vector<16xf32>,
        %add3A_1356 = arith.constant 13 : i32
        %add3A_1357 = arith.addi %mul3A_939, %add3A_1356 : i32
        %get3A_1358 = arith.index_cast %add3A_1357 : i32 to index
        %get3A_1359 = arith.constant 0 : index
        %get3A_1360 = tpu.vector_load %arg18[%get3A_1358, %get3A_1359] {strides = array<i32>} : memref<320x64xf32, #tpu.memory_space<vmem>>, vector<16xf32>,
        %add3A_1361 = arith.constant 13 : i32
        %add3A_1362 = arith.addi %mul3A_939, %add3A_1361 : i32
        %get3A_1363 = arith.index_cast %add3A_1362 : i32 to index
        %get3A_1364 = arith.constant 16 : index
        %get3A_1365 = tpu.vector_load %arg18[%get3A_1363, %get3A_1364] {strides = array<i32>} : memref<320x64xf32, #tpu.memory_space<vmem>>, vector<16xf32>,
        %add3A_1366 = arith.constant 13 : i32
        %add3A_1367 = arith.addi %mul3A_939, %add3A_1366 : i32
        %get3A_1368 = arith.index_cast %add3A_1367 : i32 to index
        %get3A_1369 = arith.constant 32 : index
        %get3A_1370 = tpu.vector_load %arg18[%get3A_1368, %get3A_1369] {strides = array<i32>} : memref<320x64xf32, #tpu.memory_space<vmem>>, vector<16xf32>,
        %add3A_1371 = arith.constant 13 : i32
        %add3A_1372 = arith.addi %mul3A_939, %add3A_1371 : i32
        %get3A_1373 = arith.index_cast %add3A_1372 : i32 to index
        %get3A_1374 = arith.constant 48 : index
        %get3A_1375 = tpu.vector_load %arg18[%get3A_1373, %get3A_1374] {strides = array<i32>} : memref<320x64xf32, #tpu.memory_space<vmem>>, vector<16xf32>,
        %mul3A_1376 = arith.mulf %get3A_907, %get3A_1360 : vector<16xf32>
        %mul3A_1377 = arith.mulf %get3A_910, %get3A_1365 : vector<16xf32>
        %add3A_1378 = arith.addf %mul3A_1376, %mul3A_1377 : vector<16xf32>
        %mul3A_1379 = arith.mulf %get3A_913, %get3A_1370 : vector<16xf32>
        %mul3A_1380 = arith.mulf %get3A_916, %get3A_1375 : vector<16xf32>
        %add3A_1381 = arith.addf %mul3A_1379, %mul3A_1380 : vector<16xf32>
        %add3A_1382 = arith.addf %add3A_1378, %add3A_1381 : vector<16xf32>
        %broadcast_in_dim3A_1383 = arith.constant true
        %broadcast_in_dim3A_1384 = vector.broadcast %broadcast_in_dim3A_1383 : i1 to vector<16xi1>
        %masked_cumsum3A_1385 = tpu.scan <sum>, %add3A_1382 masked %broadcast_in_dim3A_1384 : vector<16xf32>, vector<16xi1> -> vector<16xf32>
        %swap3A_1386 = arith.constant 208 : index
        %swap3A_1387 = tpu.vector_load %arg21[%swap3A_1386] {strides = array<i32>} : memref<640xf32, #tpu.memory_space<vmem>>, vector<16xf32>,
        tpu.vector_store %arg21[%swap3A_1386], %masked_cumsum3A_1385 {strides = array<i32>} : memref<640xf32, #tpu.memory_space<vmem>>, vector<16xf32>,
        %add3A_1388 = arith.constant 14 : i32
        %add3A_1389 = arith.addi %mul3A_939, %add3A_1388 : i32
        %get3A_1390 = arith.index_cast %add3A_1389 : i32 to index
        %get3A_1391 = arith.constant 0 : index
        %get3A_1392 = tpu.vector_load %arg18[%get3A_1390, %get3A_1391] {strides = array<i32>} : memref<320x64xf32, #tpu.memory_space<vmem>>, vector<16xf32>,
        %add3A_1393 = arith.constant 14 : i32
        %add3A_1394 = arith.addi %mul3A_939, %add3A_1393 : i32
        %get3A_1395 = arith.index_cast %add3A_1394 : i32 to index
        %get3A_1396 = arith.constant 16 : index
        %get3A_1397 = tpu.vector_load %arg18[%get3A_1395, %get3A_1396] {strides = array<i32>} : memref<320x64xf32, #tpu.memory_space<vmem>>, vector<16xf32>,
        %add3A_1398 = arith.constant 14 : i32
        %add3A_1399 = arith.addi %mul3A_939, %add3A_1398 : i32
        %get3A_1400 = arith.index_cast %add3A_1399 : i32 to index
        %get3A_1401 = arith.constant 32 : index
        %get3A_1402 = tpu.vector_load %arg18[%get3A_1400, %get3A_1401] {strides = array<i32>} : memref<320x64xf32, #tpu.memory_space<vmem>>, vector<16xf32>,
        %add3A_1403 = arith.constant 14 : i32
        %add3A_1404 = arith.addi %mul3A_939, %add3A_1403 : i32
        %get3A_1405 = arith.index_cast %add3A_1404 : i32 to index
        %get3A_1406 = arith.constant 48 : index
        %get3A_1407 = tpu.vector_load %arg18[%get3A_1405, %get3A_1406] {strides = array<i32>} : memref<320x64xf32, #tpu.memory_space<vmem>>, vector<16xf32>,
        %mul3A_1408 = arith.mulf %get3A_907, %get3A_1392 : vector<16xf32>
        %mul3A_1409 = arith.mulf %get3A_910, %get3A_1397 : vector<16xf32>
        %add3A_1410 = arith.addf %mul3A_1408, %mul3A_1409 : vector<16xf32>
        %mul3A_1411 = arith.mulf %get3A_913, %get3A_1402 : vector<16xf32>
        %mul3A_1412 = arith.mulf %get3A_916, %get3A_1407 : vector<16xf32>
        %add3A_1413 = arith.addf %mul3A_1411, %mul3A_1412 : vector<16xf32>
        %add3A_1414 = arith.addf %add3A_1410, %add3A_1413 : vector<16xf32>
        %broadcast_in_dim3A_1415 = arith.constant true
        %broadcast_in_dim3A_1416 = vector.broadcast %broadcast_in_dim3A_1415 : i1 to vector<16xi1>
        %masked_cumsum3A_1417 = tpu.scan <sum>, %add3A_1414 masked %broadcast_in_dim3A_1416 : vector<16xf32>, vector<16xi1> -> vector<16xf32>
        %swap3A_1418 = arith.constant 224 : index
        %swap3A_1419 = tpu.vector_load %arg21[%swap3A_1418] {strides = array<i32>} : memref<640xf32, #tpu.memory_space<vmem>>, vector<16xf32>,
        tpu.vector_store %arg21[%swap3A_1418], %masked_cumsum3A_1417 {strides = array<i32>} : memref<640xf32, #tpu.memory_space<vmem>>, vector<16xf32>,
        %add3A_1420 = arith.constant 15 : i32
        %add3A_1421 = arith.addi %mul3A_939, %add3A_1420 : i32
        %get3A_1422 = arith.index_cast %add3A_1421 : i32 to index
        %get3A_1423 = arith.constant 0 : index
        %get3A_1424 = tpu.vector_load %arg18[%get3A_1422, %get3A_1423] {strides = array<i32>} : memref<320x64xf32, #tpu.memory_space<vmem>>, vector<16xf32>,
        %add3A_1425 = arith.constant 15 : i32
        %add3A_1426 = arith.addi %mul3A_939, %add3A_1425 : i32
        %get3A_1427 = arith.index_cast %add3A_1426 : i32 to index
        %get3A_1428 = arith.constant 16 : index
        %get3A_1429 = tpu.vector_load %arg18[%get3A_1427, %get3A_1428] {strides = array<i32>} : memref<320x64xf32, #tpu.memory_space<vmem>>, vector<16xf32>,
        %add3A_1430 = arith.constant 15 : i32
        %add3A_1431 = arith.addi %mul3A_939, %add3A_1430 : i32
        %get3A_1432 = arith.index_cast %add3A_1431 : i32 to index
        %get3A_1433 = arith.constant 32 : index
        %get3A_1434 = tpu.vector_load %arg18[%get3A_1432, %get3A_1433] {strides = array<i32>} : memref<320x64xf32, #tpu.memory_space<vmem>>, vector<16xf32>,
        %add3A_1435 = arith.constant 15 : i32
        %add3A_1436 = arith.addi %mul3A_939, %add3A_1435 : i32
        %get3A_1437 = arith.index_cast %add3A_1436 : i32 to index
        %get3A_1438 = arith.constant 48 : index
        %get3A_1439 = tpu.vector_load %arg18[%get3A_1437, %get3A_1438] {strides = array<i32>} : memref<320x64xf32, #tpu.memory_space<vmem>>, vector<16xf32>,
        %mul3A_1440 = arith.mulf %get3A_907, %get3A_1424 : vector<16xf32>
        %mul3A_1441 = arith.mulf %get3A_910, %get3A_1429 : vector<16xf32>
        %add3A_1442 = arith.addf %mul3A_1440, %mul3A_1441 : vector<16xf32>
        %mul3A_1443 = arith.mulf %get3A_913, %get3A_1434 : vector<16xf32>
        %mul3A_1444 = arith.mulf %get3A_916, %get3A_1439 : vector<16xf32>
        %add3A_1445 = arith.addf %mul3A_1443, %mul3A_1444 : vector<16xf32>
        %add3A_1446 = arith.addf %add3A_1442, %add3A_1445 : vector<16xf32>
        %broadcast_in_dim3A_1447 = arith.constant true
        %broadcast_in_dim3A_1448 = vector.broadcast %broadcast_in_dim3A_1447 : i1 to vector<16xi1>
        %masked_cumsum3A_1449 = tpu.scan <sum>, %add3A_1446 masked %broadcast_in_dim3A_1448 : vector<16xf32>, vector<16xi1> -> vector<16xf32>
        %swap3A_1450 = arith.constant 240 : index
        %swap3A_1451 = tpu.vector_load %arg21[%swap3A_1450] {strides = array<i32>} : memref<640xf32, #tpu.memory_space<vmem>>, vector<16xf32>,
        tpu.vector_store %arg21[%swap3A_1450], %masked_cumsum3A_1449 {strides = array<i32>} : memref<640xf32, #tpu.memory_space<vmem>>, vector<16xf32>,
        %add3A_1452 = arith.constant 16 : i32
        %add3A_1453 = arith.addi %mul3A_939, %add3A_1452 : i32
        %get3A_1454 = arith.index_cast %add3A_1453 : i32 to index
        %get3A_1455 = arith.constant 0 : index
        %get3A_1456 = tpu.vector_load %arg18[%get3A_1454, %get3A_1455] {strides = array<i32>} : memref<320x64xf32, #tpu.memory_space<vmem>>, vector<16xf32>,
        %add3A_1457 = arith.constant 16 : i32
        %add3A_1458 = arith.addi %mul3A_939, %add3A_1457 : i32
        %get3A_1459 = arith.index_cast %add3A_1458 : i32 to index
        %get3A_1460 = arith.constant 16 : index
        %get3A_1461 = tpu.vector_load %arg18[%get3A_1459, %get3A_1460] {strides = array<i32>} : memref<320x64xf32, #tpu.memory_space<vmem>>, vector<16xf32>,
        %add3A_1462 = arith.constant 16 : i32
        %add3A_1463 = arith.addi %mul3A_939, %add3A_1462 : i32
        %get3A_1464 = arith.index_cast %add3A_1463 : i32 to index
        %get3A_1465 = arith.constant 32 : index
        %get3A_1466 = tpu.vector_load %arg18[%get3A_1464, %get3A_1465] {strides = array<i32>} : memref<320x64xf32, #tpu.memory_space<vmem>>, vector<16xf32>,
        %add3A_1467 = arith.constant 16 : i32
        %add3A_1468 = arith.addi %mul3A_939, %add3A_1467 : i32
        %get3A_1469 = arith.index_cast %add3A_1468 : i32 to index
        %get3A_1470 = arith.constant 48 : index
        %get3A_1471 = tpu.vector_load %arg18[%get3A_1469, %get3A_1470] {strides = array<i32>} : memref<320x64xf32, #tpu.memory_space<vmem>>, vector<16xf32>,
        %mul3A_1472 = arith.mulf %get3A_907, %get3A_1456 : vector<16xf32>
        %mul3A_1473 = arith.mulf %get3A_910, %get3A_1461 : vector<16xf32>
        %add3A_1474 = arith.addf %mul3A_1472, %mul3A_1473 : vector<16xf32>
        %mul3A_1475 = arith.mulf %get3A_913, %get3A_1466 : vector<16xf32>
        %mul3A_1476 = arith.mulf %get3A_916, %get3A_1471 : vector<16xf32>
        %add3A_1477 = arith.addf %mul3A_1475, %mul3A_1476 : vector<16xf32>
        %add3A_1478 = arith.addf %add3A_1474, %add3A_1477 : vector<16xf32>
        %broadcast_in_dim3A_1479 = arith.constant true
        %broadcast_in_dim3A_1480 = vector.broadcast %broadcast_in_dim3A_1479 : i1 to vector<16xi1>
        %masked_cumsum3A_1481 = tpu.scan <sum>, %add3A_1478 masked %broadcast_in_dim3A_1480 : vector<16xf32>, vector<16xi1> -> vector<16xf32>
        %swap3A_1482 = arith.constant 256 : index
        %swap3A_1483 = tpu.vector_load %arg21[%swap3A_1482] {strides = array<i32>} : memref<640xf32, #tpu.memory_space<vmem>>, vector<16xf32>,
        tpu.vector_store %arg21[%swap3A_1482], %masked_cumsum3A_1481 {strides = array<i32>} : memref<640xf32, #tpu.memory_space<vmem>>, vector<16xf32>,
        %add3A_1484 = arith.constant 17 : i32
        %add3A_1485 = arith.addi %mul3A_939, %add3A_1484 : i32
        %get3A_1486 = arith.index_cast %add3A_1485 : i32 to index
        %get3A_1487 = arith.constant 0 : index
        %get3A_1488 = tpu.vector_load %arg18[%get3A_1486, %get3A_1487] {strides = array<i32>} : memref<320x64xf32, #tpu.memory_space<vmem>>, vector<16xf32>,
        %add3A_1489 = arith.constant 17 : i32
        %add3A_1490 = arith.addi %mul3A_939, %add3A_1489 : i32
        %get3A_1491 = arith.index_cast %add3A_1490 : i32 to index
        %get3A_1492 = arith.constant 16 : index
        %get3A_1493 = tpu.vector_load %arg18[%get3A_1491, %get3A_1492] {strides = array<i32>} : memref<320x64xf32, #tpu.memory_space<vmem>>, vector<16xf32>,
        %add3A_1494 = arith.constant 17 : i32
        %add3A_1495 = arith.addi %mul3A_939, %add3A_1494 : i32
        %get3A_1496 = arith.index_cast %add3A_1495 : i32 to index
        %get3A_1497 = arith.constant 32 : index
        %get3A_1498 = tpu.vector_load %arg18[%get3A_1496, %get3A_1497] {strides = array<i32>} : memref<320x64xf32, #tpu.memory_space<vmem>>, vector<16xf32>,
        %add3A_1499 = arith.constant 17 : i32
        %add3A_1500 = arith.addi %mul3A_939, %add3A_1499 : i32
        %get3A_1501 = arith.index_cast %add3A_1500 : i32 to index
        %get3A_1502 = arith.constant 48 : index
        %get3A_1503 = tpu.vector_load %arg18[%get3A_1501, %get3A_1502] {strides = array<i32>} : memref<320x64xf32, #tpu.memory_space<vmem>>, vector<16xf32>,
        %mul3A_1504 = arith.mulf %get3A_907, %get3A_1488 : vector<16xf32>
        %mul3A_1505 = arith.mulf %get3A_910, %get3A_1493 : vector<16xf32>
        %add3A_1506 = arith.addf %mul3A_1504, %mul3A_1505 : vector<16xf32>
        %mul3A_1507 = arith.mulf %get3A_913, %get3A_1498 : vector<16xf32>
        %mul3A_1508 = arith.mulf %get3A_916, %get3A_1503 : vector<16xf32>
        %add3A_1509 = arith.addf %mul3A_1507, %mul3A_1508 : vector<16xf32>
        %add3A_1510 = arith.addf %add3A_1506, %add3A_1509 : vector<16xf32>
        %broadcast_in_dim3A_1511 = arith.constant true
        %broadcast_in_dim3A_1512 = vector.broadcast %broadcast_in_dim3A_1511 : i1 to vector<16xi1>
        %masked_cumsum3A_1513 = tpu.scan <sum>, %add3A_1510 masked %broadcast_in_dim3A_1512 : vector<16xf32>, vector<16xi1> -> vector<16xf32>
        %swap3A_1514 = arith.constant 272 : index
        %swap3A_1515 = tpu.vector_load %arg21[%swap3A_1514] {strides = array<i32>} : memref<640xf32, #tpu.memory_space<vmem>>, vector<16xf32>,
        tpu.vector_store %arg21[%swap3A_1514], %masked_cumsum3A_1513 {strides = array<i32>} : memref<640xf32, #tpu.memory_space<vmem>>, vector<16xf32>,
        %add3A_1516 = arith.constant 18 : i32
        %add3A_1517 = arith.addi %mul3A_939, %add3A_1516 : i32
        %get3A_1518 = arith.index_cast %add3A_1517 : i32 to index
        %get3A_1519 = arith.constant 0 : index
        %get3A_1520 = tpu.vector_load %arg18[%get3A_1518, %get3A_1519] {strides = array<i32>} : memref<320x64xf32, #tpu.memory_space<vmem>>, vector<16xf32>,
        %add3A_1521 = arith.constant 18 : i32
        %add3A_1522 = arith.addi %mul3A_939, %add3A_1521 : i32
        %get3A_1523 = arith.index_cast %add3A_1522 : i32 to index
        %get3A_1524 = arith.constant 16 : index
        %get3A_1525 = tpu.vector_load %arg18[%get3A_1523, %get3A_1524] {strides = array<i32>} : memref<320x64xf32, #tpu.memory_space<vmem>>, vector<16xf32>,
        %add3A_1526 = arith.constant 18 : i32
        %add3A_1527 = arith.addi %mul3A_939, %add3A_1526 : i32
        %get3A_1528 = arith.index_cast %add3A_1527 : i32 to index
        %get3A_1529 = arith.constant 32 : index
        %get3A_1530 = tpu.vector_load %arg18[%get3A_1528, %get3A_1529] {strides = array<i32>} : memref<320x64xf32, #tpu.memory_space<vmem>>, vector<16xf32>,
        %add3A_1531 = arith.constant 18 : i32
        %add3A_1532 = arith.addi %mul3A_939, %add3A_1531 : i32
        %get3A_1533 = arith.index_cast %add3A_1532 : i32 to index
        %get3A_1534 = arith.constant 48 : index
        %get3A_1535 = tpu.vector_load %arg18[%get3A_1533, %get3A_1534] {strides = array<i32>} : memref<320x64xf32, #tpu.memory_space<vmem>>, vector<16xf32>,
        %mul3A_1536 = arith.mulf %get3A_907, %get3A_1520 : vector<16xf32>
        %mul3A_1537 = arith.mulf %get3A_910, %get3A_1525 : vector<16xf32>
        %add3A_1538 = arith.addf %mul3A_1536, %mul3A_1537 : vector<16xf32>
        %mul3A_1539 = arith.mulf %get3A_913, %get3A_1530 : vector<16xf32>
        %mul3A_1540 = arith.mulf %get3A_916, %get3A_1535 : vector<16xf32>
        %add3A_1541 = arith.addf %mul3A_1539, %mul3A_1540 : vector<16xf32>
        %add3A_1542 = arith.addf %add3A_1538, %add3A_1541 : vector<16xf32>
        %broadcast_in_dim3A_1543 = arith.constant true
        %broadcast_in_dim3A_1544 = vector.broadcast %broadcast_in_dim3A_1543 : i1 to vector<16xi1>
        %masked_cumsum3A_1545 = tpu.scan <sum>, %add3A_1542 masked %broadcast_in_dim3A_1544 : vector<16xf32>, vector<16xi1> -> vector<16xf32>
        %swap3A_1546 = arith.constant 288 : index
        %swap3A_1547 = tpu.vector_load %arg21[%swap3A_1546] {strides = array<i32>} : memref<640xf32, #tpu.memory_space<vmem>>, vector<16xf32>,
        tpu.vector_store %arg21[%swap3A_1546], %masked_cumsum3A_1545 {strides = array<i32>} : memref<640xf32, #tpu.memory_space<vmem>>, vector<16xf32>,
        %add3A_1548 = arith.constant 19 : i32
        %add3A_1549 = arith.addi %mul3A_939, %add3A_1548 : i32
        %get3A_1550 = arith.index_cast %add3A_1549 : i32 to index
        %get3A_1551 = arith.constant 0 : index
        %get3A_1552 = tpu.vector_load %arg18[%get3A_1550, %get3A_1551] {strides = array<i32>} : memref<320x64xf32, #tpu.memory_space<vmem>>, vector<16xf32>,
        %add3A_1553 = arith.constant 19 : i32
        %add3A_1554 = arith.addi %mul3A_939, %add3A_1553 : i32
        %get3A_1555 = arith.index_cast %add3A_1554 : i32 to index
        %get3A_1556 = arith.constant 16 : index
        %get3A_1557 = tpu.vector_load %arg18[%get3A_1555, %get3A_1556] {strides = array<i32>} : memref<320x64xf32, #tpu.memory_space<vmem>>, vector<16xf32>,
        %add3A_1558 = arith.constant 19 : i32
        %add3A_1559 = arith.addi %mul3A_939, %add3A_1558 : i32
        %get3A_1560 = arith.index_cast %add3A_1559 : i32 to index
        %get3A_1561 = arith.constant 32 : index
        %get3A_1562 = tpu.vector_load %arg18[%get3A_1560, %get3A_1561] {strides = array<i32>} : memref<320x64xf32, #tpu.memory_space<vmem>>, vector<16xf32>,
        %add3A_1563 = arith.constant 19 : i32
        %add3A_1564 = arith.addi %mul3A_939, %add3A_1563 : i32
        %get3A_1565 = arith.index_cast %add3A_1564 : i32 to index
        %get3A_1566 = arith.constant 48 : index
        %get3A_1567 = tpu.vector_load %arg18[%get3A_1565, %get3A_1566] {strides = array<i32>} : memref<320x64xf32, #tpu.memory_space<vmem>>, vector<16xf32>,
        %mul3A_1568 = arith.mulf %get3A_907, %get3A_1552 : vector<16xf32>
        %mul3A_1569 = arith.mulf %get3A_910, %get3A_1557 : vector<16xf32>
        %add3A_1570 = arith.addf %mul3A_1568, %mul3A_1569 : vector<16xf32>
        %mul3A_1571 = arith.mulf %get3A_913, %get3A_1562 : vector<16xf32>
        %mul3A_1572 = arith.mulf %get3A_916, %get3A_1567 : vector<16xf32>
        %add3A_1573 = arith.addf %mul3A_1571, %mul3A_1572 : vector<16xf32>
        %add3A_1574 = arith.addf %add3A_1570, %add3A_1573 : vector<16xf32>
        %broadcast_in_dim3A_1575 = arith.constant true
        %broadcast_in_dim3A_1576 = vector.broadcast %broadcast_in_dim3A_1575 : i1 to vector<16xi1>
        %masked_cumsum3A_1577 = tpu.scan <sum>, %add3A_1574 masked %broadcast_in_dim3A_1576 : vector<16xf32>, vector<16xi1> -> vector<16xf32>
        %swap3A_1578 = arith.constant 304 : index
        %swap3A_1579 = tpu.vector_load %arg21[%swap3A_1578] {strides = array<i32>} : memref<640xf32, #tpu.memory_space<vmem>>, vector<16xf32>,
        tpu.vector_store %arg21[%swap3A_1578], %masked_cumsum3A_1577 {strides = array<i32>} : memref<640xf32, #tpu.memory_space<vmem>>, vector<16xf32>,
        %broadcast_in_dim3A_1580 = vector.broadcast %add3A_904 : i32 to vector<16xi32>
        %mul3A_1581 = arith.constant 16 : i32
        %mul3A_1582 = vector.broadcast %mul3A_1581 : i32 to vector<16xi32>
        %mul3A_1583 = arith.muli %iota3A, %mul3A_1582 : vector<16xi32>
        %add3A_1584 = arith.constant 15 : i32
        %add3A_1585 = vector.broadcast %add3A_1584 : i32 to vector<16xi32>
        %add3A_1586 = arith.addi %mul3A_1583, %add3A_1585 : vector<16xi32>
        %gather3A = tpu.vector_load_idx %arg21[%add3A_1586] : memref<640xf32, #tpu.memory_space<vmem>>[vector<16xi32>], vector<16xf32>,
        %mul3A_1587 = arith.constant 512 : i32
        %mul3A_1588 = vector.broadcast %mul3A_1587 : i32 to vector<16xi32>
        %mul3A_1589 = arith.muli %iota3A, %mul3A_1588 : vector<16xi32>
        %add3A_1590 = arith.addi %mul3A_1589, %broadcast_in_dim3A_1580 : vector<16xi32>
        tpu.vector_store_idx %arg20[%add3A_1590], %gather3A : memref<10240xf32, #tpu.memory_space<vmem>>[vector<16xi32>], vector<16xf32>,
        %add3A_1591 = arith.constant 16 : i32
        %add3A_1592 = vector.broadcast %add3A_1591 : i32 to vector<16xi32>
        %add3A_1593 = arith.addi %iota3A, %add3A_1592 : vector<16xi32>
        %mul3A_1594 = arith.constant 16 : i32
        %mul3A_1595 = vector.broadcast %mul3A_1594 : i32 to vector<16xi32>
        %mul3A_1596 = arith.muli %add3A_1593, %mul3A_1595 : vector<16xi32>
        %add3A_1597 = arith.constant 15 : i32
        %add3A_1598 = vector.broadcast %add3A_1597 : i32 to vector<16xi32>
        %add3A_1599 = arith.addi %mul3A_1596, %add3A_1598 : vector<16xi32>
        %gather3A_1600 = tpu.vector_load_idx %arg21[%add3A_1599] : memref<640xf32, #tpu.memory_space<vmem>>[vector<16xi32>], vector<16xf32>,
        %add3A_1601 = arith.constant 16 : i32
        %add3A_1602 = vector.broadcast %add3A_1601 : i32 to vector<16xi32>
        %add3A_1603 = arith.addi %iota3A, %add3A_1602 : vector<16xi32>
        %mul3A_1604 = arith.constant 512 : i32
        %mul3A_1605 = vector.broadcast %mul3A_1604 : i32 to vector<16xi32>
        %mul3A_1606 = arith.muli %add3A_1603, %mul3A_1605 : vector<16xi32>
        %add3A_1607 = arith.addi %mul3A_1606, %broadcast_in_dim3A_1580 : vector<16xi32>
        %lt3A_1608 = arith.constant 4 : i32
        %lt3A_1609 = vector.broadcast %lt3A_1608 : i32 to vector<16xi32>
        %lt3A_1610 = arith.cmpi slt, %iota3A, %lt3A_1609 : vector<16xi32>
        tpu.vector_store_idx %arg20[%add3A_1607], %gather3A_1600 masked %lt3A_1610 : memref<10240xf32, #tpu.memory_space<vmem>>[vector<16xi32>], vector<16xf32>, vector<16xi1>
        %eq3A = arith.constant 4 : i32
        %eq3A_1611 = vector.broadcast %eq3A : i32 to vector<16xi32>
        %eq3A_1612 = arith.cmpi eq, %iota3A, %eq3A_1611 : vector<16xi32>
        tpu.vector_store_idx %arg19[%broadcast_in_dim3A_1580], %gather3A_1600 masked %eq3A_1612 : memref<512xf32, #tpu.memory_space<vmem>>[vector<16xi32>], vector<16xf32>, vector<16xi1>
      }
      %scan3A_902 = arith.constant 16 : i32
    }
    %scan3A_401 = arith.constant 16 : i32
    "tpu.region"() ({
      %run_scoped3A = tpu.sem_alloc : memref<!tpu.dma_semaphore, #tpu.memory_space<semaphore_mem>>
      %dma_start3A_442 = tpu.memref_slice %arg7[%mul3A_2] : memref<16384xf32, #tpu.memory_space<hbm>> -> memref<512xf32, #tpu.memory_space<hbm>>
      %dma_start3A_443 = tpu.memref_slice %arg7[%mul3A_2] : memref<16384xf32, #tpu.memory_space<hbm>> -> memref<512xf32, #tpu.memory_space<hbm>>
      tpu.enqueue_dma source(%arg19 : memref<512xf32, #tpu.memory_space<vmem>>) target(%dma_start3A_443 : memref<512xf32, #tpu.memory_space<hbm>>) target_semaphore(%run_scoped3A : memref<!tpu.dma_semaphore, #tpu.memory_space<semaphore_mem>>)
      %dma_wait3A = tpu.memref_slice %arg7[%mul3A_2] : memref<16384xf32, #tpu.memory_space<hbm>> -> memref<512xf32, #tpu.memory_space<hbm>>
      %dma_wait3A_444 = tpu.memref_slice %arg7[%mul3A_2] : memref<16384xf32, #tpu.memory_space<hbm>> -> memref<512xf32, #tpu.memory_space<hbm>>
      tpu.wait_dma2 semaphore(%run_scoped3A : memref<!tpu.dma_semaphore, #tpu.memory_space<semaphore_mem>>) src(%arg19 : memref<512xf32, #tpu.memory_space<vmem>>) dst(%dma_wait3A_444 : memref<512xf32, #tpu.memory_space<hbm>>)
      tpu.yield
    }) : () -> ()
    %add3A_402 = arith.constant 0 : i32
    %add3A_403 = arith.addi %add3A_402, %mul3A_2 : i32
    "tpu.region"() ({
      %run_scoped3A = tpu.sem_alloc : memref<!tpu.dma_semaphore, #tpu.memory_space<semaphore_mem>>
      %dma_start3A_442 = arith.constant 0 : i32
      %dma_start3A_443 = tpu.memref_slice %arg20[%dma_start3A_442] : memref<10240xf32, #tpu.memory_space<vmem>> -> memref<512xf32, #tpu.memory_space<vmem>>
      %dma_start3A_444 = tpu.memref_slice %arg8[%add3A_403] : memref<327680xf32, #tpu.memory_space<hbm>> -> memref<512xf32, #tpu.memory_space<hbm>>
      %dma_start3A_445 = tpu.memref_slice %arg8[%add3A_403] : memref<327680xf32, #tpu.memory_space<hbm>> -> memref<512xf32, #tpu.memory_space<hbm>>
      %dma_start3A_446 = arith.constant 0 : i32
      %dma_start3A_447 = tpu.memref_slice %arg20[%dma_start3A_446] : memref<10240xf32, #tpu.memory_space<vmem>> -> memref<512xf32, #tpu.memory_space<vmem>>
      tpu.enqueue_dma source(%dma_start3A_447 : memref<512xf32, #tpu.memory_space<vmem>>) target(%dma_start3A_445 : memref<512xf32, #tpu.memory_space<hbm>>) target_semaphore(%run_scoped3A : memref<!tpu.dma_semaphore, #tpu.memory_space<semaphore_mem>>)
      %dma_wait3A = arith.constant 0 : i32
      %dma_wait3A_448 = tpu.memref_slice %arg20[%dma_wait3A] : memref<10240xf32, #tpu.memory_space<vmem>> -> memref<512xf32, #tpu.memory_space<vmem>>
      %dma_wait3A_449 = tpu.memref_slice %arg8[%add3A_403] : memref<327680xf32, #tpu.memory_space<hbm>> -> memref<512xf32, #tpu.memory_space<hbm>>
      %dma_wait3A_450 = tpu.memref_slice %arg8[%add3A_403] : memref<327680xf32, #tpu.memory_space<hbm>> -> memref<512xf32, #tpu.memory_space<hbm>>
      %dma_wait3A_451 = arith.constant 0 : i32
      %dma_wait3A_452 = tpu.memref_slice %arg20[%dma_wait3A_451] : memref<10240xf32, #tpu.memory_space<vmem>> -> memref<512xf32, #tpu.memory_space<vmem>>
      tpu.wait_dma2 semaphore(%run_scoped3A : memref<!tpu.dma_semaphore, #tpu.memory_space<semaphore_mem>>) src(%dma_wait3A_452 : memref<512xf32, #tpu.memory_space<vmem>>) dst(%dma_wait3A_450 : memref<512xf32, #tpu.memory_space<hbm>>)
      tpu.yield
    }) : () -> ()
    %add3A_404 = arith.constant 16384 : i32
    %add3A_405 = arith.addi %add3A_404, %mul3A_2 : i32
    "tpu.region"() ({
      %run_scoped3A = tpu.sem_alloc : memref<!tpu.dma_semaphore, #tpu.memory_space<semaphore_mem>>
      %dma_start3A_442 = arith.constant 512 : i32
      %dma_start3A_443 = tpu.memref_slice %arg20[%dma_start3A_442] : memref<10240xf32, #tpu.memory_space<vmem>> -> memref<512xf32, #tpu.memory_space<vmem>>
      %dma_start3A_444 = tpu.memref_slice %arg8[%add3A_405] : memref<327680xf32, #tpu.memory_space<hbm>> -> memref<512xf32, #tpu.memory_space<hbm>>
      %dma_start3A_445 = tpu.memref_slice %arg8[%add3A_405] : memref<327680xf32, #tpu.memory_space<hbm>> -> memref<512xf32, #tpu.memory_space<hbm>>
      %dma_start3A_446 = arith.constant 512 : i32
      %dma_start3A_447 = tpu.memref_slice %arg20[%dma_start3A_446] : memref<10240xf32, #tpu.memory_space<vmem>> -> memref<512xf32, #tpu.memory_space<vmem>>
      tpu.enqueue_dma source(%dma_start3A_447 : memref<512xf32, #tpu.memory_space<vmem>>) target(%dma_start3A_445 : memref<512xf32, #tpu.memory_space<hbm>>) target_semaphore(%run_scoped3A : memref<!tpu.dma_semaphore, #tpu.memory_space<semaphore_mem>>)
      %dma_wait3A = arith.constant 512 : i32
      %dma_wait3A_448 = tpu.memref_slice %arg20[%dma_wait3A] : memref<10240xf32, #tpu.memory_space<vmem>> -> memref<512xf32, #tpu.memory_space<vmem>>
      %dma_wait3A_449 = tpu.memref_slice %arg8[%add3A_405] : memref<327680xf32, #tpu.memory_space<hbm>> -> memref<512xf32, #tpu.memory_space<hbm>>
      %dma_wait3A_450 = tpu.memref_slice %arg8[%add3A_405] : memref<327680xf32, #tpu.memory_space<hbm>> -> memref<512xf32, #tpu.memory_space<hbm>>
      %dma_wait3A_451 = arith.constant 512 : i32
      %dma_wait3A_452 = tpu.memref_slice %arg20[%dma_wait3A_451] : memref<10240xf32, #tpu.memory_space<vmem>> -> memref<512xf32, #tpu.memory_space<vmem>>
      tpu.wait_dma2 semaphore(%run_scoped3A : memref<!tpu.dma_semaphore, #tpu.memory_space<semaphore_mem>>) src(%dma_wait3A_452 : memref<512xf32, #tpu.memory_space<vmem>>) dst(%dma_wait3A_450 : memref<512xf32, #tpu.memory_space<hbm>>)
      tpu.yield
    }) : () -> ()
    %add3A_406 = arith.constant 32768 : i32
    %add3A_407 = arith.addi %add3A_406, %mul3A_2 : i32
    "tpu.region"() ({
      %run_scoped3A = tpu.sem_alloc : memref<!tpu.dma_semaphore, #tpu.memory_space<semaphore_mem>>
      %dma_start3A_442 = arith.constant 1024 : i32
      %dma_start3A_443 = tpu.memref_slice %arg20[%dma_start3A_442] : memref<10240xf32, #tpu.memory_space<vmem>> -> memref<512xf32, #tpu.memory_space<vmem>>
      %dma_start3A_444 = tpu.memref_slice %arg8[%add3A_407] : memref<327680xf32, #tpu.memory_space<hbm>> -> memref<512xf32, #tpu.memory_space<hbm>>
      %dma_start3A_445 = tpu.memref_slice %arg8[%add3A_407] : memref<327680xf32, #tpu.memory_space<hbm>> -> memref<512xf32, #tpu.memory_space<hbm>>
      %dma_start3A_446 = arith.constant 1024 : i32
      %dma_start3A_447 = tpu.memref_slice %arg20[%dma_start3A_446] : memref<10240xf32, #tpu.memory_space<vmem>> -> memref<512xf32, #tpu.memory_space<vmem>>
      tpu.enqueue_dma source(%dma_start3A_447 : memref<512xf32, #tpu.memory_space<vmem>>) target(%dma_start3A_445 : memref<512xf32, #tpu.memory_space<hbm>>) target_semaphore(%run_scoped3A : memref<!tpu.dma_semaphore, #tpu.memory_space<semaphore_mem>>)
      %dma_wait3A = arith.constant 1024 : i32
      %dma_wait3A_448 = tpu.memref_slice %arg20[%dma_wait3A] : memref<10240xf32, #tpu.memory_space<vmem>> -> memref<512xf32, #tpu.memory_space<vmem>>
      %dma_wait3A_449 = tpu.memref_slice %arg8[%add3A_407] : memref<327680xf32, #tpu.memory_space<hbm>> -> memref<512xf32, #tpu.memory_space<hbm>>
      %dma_wait3A_450 = tpu.memref_slice %arg8[%add3A_407] : memref<327680xf32, #tpu.memory_space<hbm>> -> memref<512xf32, #tpu.memory_space<hbm>>
      %dma_wait3A_451 = arith.constant 1024 : i32
      %dma_wait3A_452 = tpu.memref_slice %arg20[%dma_wait3A_451] : memref<10240xf32, #tpu.memory_space<vmem>> -> memref<512xf32, #tpu.memory_space<vmem>>
      tpu.wait_dma2 semaphore(%run_scoped3A : memref<!tpu.dma_semaphore, #tpu.memory_space<semaphore_mem>>) src(%dma_wait3A_452 : memref<512xf32, #tpu.memory_space<vmem>>) dst(%dma_wait3A_450 : memref<512xf32, #tpu.memory_space<hbm>>)
      tpu.yield
    }) : () -> ()
    %add3A_408 = arith.constant 49152 : i32
    %add3A_409 = arith.addi %add3A_408, %mul3A_2 : i32
    "tpu.region"() ({
      %run_scoped3A = tpu.sem_alloc : memref<!tpu.dma_semaphore, #tpu.memory_space<semaphore_mem>>
      %dma_start3A_442 = arith.constant 1536 : i32
      %dma_start3A_443 = tpu.memref_slice %arg20[%dma_start3A_442] : memref<10240xf32, #tpu.memory_space<vmem>> -> memref<512xf32, #tpu.memory_space<vmem>>
      %dma_start3A_444 = tpu.memref_slice %arg8[%add3A_409] : memref<327680xf32, #tpu.memory_space<hbm>> -> memref<512xf32, #tpu.memory_space<hbm>>
      %dma_start3A_445 = tpu.memref_slice %arg8[%add3A_409] : memref<327680xf32, #tpu.memory_space<hbm>> -> memref<512xf32, #tpu.memory_space<hbm>>
      %dma_start3A_446 = arith.constant 1536 : i32
      %dma_start3A_447 = tpu.memref_slice %arg20[%dma_start3A_446] : memref<10240xf32, #tpu.memory_space<vmem>> -> memref<512xf32, #tpu.memory_space<vmem>>
      tpu.enqueue_dma source(%dma_start3A_447 : memref<512xf32, #tpu.memory_space<vmem>>) target(%dma_start3A_445 : memref<512xf32, #tpu.memory_space<hbm>>) target_semaphore(%run_scoped3A : memref<!tpu.dma_semaphore, #tpu.memory_space<semaphore_mem>>)
      %dma_wait3A = arith.constant 1536 : i32
      %dma_wait3A_448 = tpu.memref_slice %arg20[%dma_wait3A] : memref<10240xf32, #tpu.memory_space<vmem>> -> memref<512xf32, #tpu.memory_space<vmem>>
      %dma_wait3A_449 = tpu.memref_slice %arg8[%add3A_409] : memref<327680xf32, #tpu.memory_space<hbm>> -> memref<512xf32, #tpu.memory_space<hbm>>
      %dma_wait3A_450 = tpu.memref_slice %arg8[%add3A_409] : memref<327680xf32, #tpu.memory_space<hbm>> -> memref<512xf32, #tpu.memory_space<hbm>>
      %dma_wait3A_451 = arith.constant 1536 : i32
      %dma_wait3A_452 = tpu.memref_slice %arg20[%dma_wait3A_451] : memref<10240xf32, #tpu.memory_space<vmem>> -> memref<512xf32, #tpu.memory_space<vmem>>
      tpu.wait_dma2 semaphore(%run_scoped3A : memref<!tpu.dma_semaphore, #tpu.memory_space<semaphore_mem>>) src(%dma_wait3A_452 : memref<512xf32, #tpu.memory_space<vmem>>) dst(%dma_wait3A_450 : memref<512xf32, #tpu.memory_space<hbm>>)
      tpu.yield
    }) : () -> ()
    %add3A_410 = arith.constant 65536 : i32
    %add3A_411 = arith.addi %add3A_410, %mul3A_2 : i32
    "tpu.region"() ({
      %run_scoped3A = tpu.sem_alloc : memref<!tpu.dma_semaphore, #tpu.memory_space<semaphore_mem>>
      %dma_start3A_442 = arith.constant 2048 : i32
      %dma_start3A_443 = tpu.memref_slice %arg20[%dma_start3A_442] : memref<10240xf32, #tpu.memory_space<vmem>> -> memref<512xf32, #tpu.memory_space<vmem>>
      %dma_start3A_444 = tpu.memref_slice %arg8[%add3A_411] : memref<327680xf32, #tpu.memory_space<hbm>> -> memref<512xf32, #tpu.memory_space<hbm>>
      %dma_start3A_445 = tpu.memref_slice %arg8[%add3A_411] : memref<327680xf32, #tpu.memory_space<hbm>> -> memref<512xf32, #tpu.memory_space<hbm>>
      %dma_start3A_446 = arith.constant 2048 : i32
      %dma_start3A_447 = tpu.memref_slice %arg20[%dma_start3A_446] : memref<10240xf32, #tpu.memory_space<vmem>> -> memref<512xf32, #tpu.memory_space<vmem>>
      tpu.enqueue_dma source(%dma_start3A_447 : memref<512xf32, #tpu.memory_space<vmem>>) target(%dma_start3A_445 : memref<512xf32, #tpu.memory_space<hbm>>) target_semaphore(%run_scoped3A : memref<!tpu.dma_semaphore, #tpu.memory_space<semaphore_mem>>)
      %dma_wait3A = arith.constant 2048 : i32
      %dma_wait3A_448 = tpu.memref_slice %arg20[%dma_wait3A] : memref<10240xf32, #tpu.memory_space<vmem>> -> memref<512xf32, #tpu.memory_space<vmem>>
      %dma_wait3A_449 = tpu.memref_slice %arg8[%add3A_411] : memref<327680xf32, #tpu.memory_space<hbm>> -> memref<512xf32, #tpu.memory_space<hbm>>
      %dma_wait3A_450 = tpu.memref_slice %arg8[%add3A_411] : memref<327680xf32, #tpu.memory_space<hbm>> -> memref<512xf32, #tpu.memory_space<hbm>>
      %dma_wait3A_451 = arith.constant 2048 : i32
      %dma_wait3A_452 = tpu.memref_slice %arg20[%dma_wait3A_451] : memref<10240xf32, #tpu.memory_space<vmem>> -> memref<512xf32, #tpu.memory_space<vmem>>
      tpu.wait_dma2 semaphore(%run_scoped3A : memref<!tpu.dma_semaphore, #tpu.memory_space<semaphore_mem>>) src(%dma_wait3A_452 : memref<512xf32, #tpu.memory_space<vmem>>) dst(%dma_wait3A_450 : memref<512xf32, #tpu.memory_space<hbm>>)
      tpu.yield
    }) : () -> ()
    %add3A_412 = arith.constant 81920 : i32
    %add3A_413 = arith.addi %add3A_412, %mul3A_2 : i32
    "tpu.region"() ({
      %run_scoped3A = tpu.sem_alloc : memref<!tpu.dma_semaphore, #tpu.memory_space<semaphore_mem>>
      %dma_start3A_442 = arith.constant 2560 : i32
      %dma_start3A_443 = tpu.memref_slice %arg20[%dma_start3A_442] : memref<10240xf32, #tpu.memory_space<vmem>> -> memref<512xf32, #tpu.memory_space<vmem>>
      %dma_start3A_444 = tpu.memref_slice %arg8[%add3A_413] : memref<327680xf32, #tpu.memory_space<hbm>> -> memref<512xf32, #tpu.memory_space<hbm>>
      %dma_start3A_445 = tpu.memref_slice %arg8[%add3A_413] : memref<327680xf32, #tpu.memory_space<hbm>> -> memref<512xf32, #tpu.memory_space<hbm>>
      %dma_start3A_446 = arith.constant 2560 : i32
      %dma_start3A_447 = tpu.memref_slice %arg20[%dma_start3A_446] : memref<10240xf32, #tpu.memory_space<vmem>> -> memref<512xf32, #tpu.memory_space<vmem>>
      tpu.enqueue_dma source(%dma_start3A_447 : memref<512xf32, #tpu.memory_space<vmem>>) target(%dma_start3A_445 : memref<512xf32, #tpu.memory_space<hbm>>) target_semaphore(%run_scoped3A : memref<!tpu.dma_semaphore, #tpu.memory_space<semaphore_mem>>)
      %dma_wait3A = arith.constant 2560 : i32
      %dma_wait3A_448 = tpu.memref_slice %arg20[%dma_wait3A] : memref<10240xf32, #tpu.memory_space<vmem>> -> memref<512xf32, #tpu.memory_space<vmem>>
      %dma_wait3A_449 = tpu.memref_slice %arg8[%add3A_413] : memref<327680xf32, #tpu.memory_space<hbm>> -> memref<512xf32, #tpu.memory_space<hbm>>
      %dma_wait3A_450 = tpu.memref_slice %arg8[%add3A_413] : memref<327680xf32, #tpu.memory_space<hbm>> -> memref<512xf32, #tpu.memory_space<hbm>>
      %dma_wait3A_451 = arith.constant 2560 : i32
      %dma_wait3A_452 = tpu.memref_slice %arg20[%dma_wait3A_451] : memref<10240xf32, #tpu.memory_space<vmem>> -> memref<512xf32, #tpu.memory_space<vmem>>
      tpu.wait_dma2 semaphore(%run_scoped3A : memref<!tpu.dma_semaphore, #tpu.memory_space<semaphore_mem>>) src(%dma_wait3A_452 : memref<512xf32, #tpu.memory_space<vmem>>) dst(%dma_wait3A_450 : memref<512xf32, #tpu.memory_space<hbm>>)
      tpu.yield
    }) : () -> ()
    %add3A_414 = arith.constant 98304 : i32
    %add3A_415 = arith.addi %add3A_414, %mul3A_2 : i32
    "tpu.region"() ({
      %run_scoped3A = tpu.sem_alloc : memref<!tpu.dma_semaphore, #tpu.memory_space<semaphore_mem>>
      %dma_start3A_442 = arith.constant 3072 : i32
      %dma_start3A_443 = tpu.memref_slice %arg20[%dma_start3A_442] : memref<10240xf32, #tpu.memory_space<vmem>> -> memref<512xf32, #tpu.memory_space<vmem>>
      %dma_start3A_444 = tpu.memref_slice %arg8[%add3A_415] : memref<327680xf32, #tpu.memory_space<hbm>> -> memref<512xf32, #tpu.memory_space<hbm>>
      %dma_start3A_445 = tpu.memref_slice %arg8[%add3A_415] : memref<327680xf32, #tpu.memory_space<hbm>> -> memref<512xf32, #tpu.memory_space<hbm>>
      %dma_start3A_446 = arith.constant 3072 : i32
      %dma_start3A_447 = tpu.memref_slice %arg20[%dma_start3A_446] : memref<10240xf32, #tpu.memory_space<vmem>> -> memref<512xf32, #tpu.memory_space<vmem>>
      tpu.enqueue_dma source(%dma_start3A_447 : memref<512xf32, #tpu.memory_space<vmem>>) target(%dma_start3A_445 : memref<512xf32, #tpu.memory_space<hbm>>) target_semaphore(%run_scoped3A : memref<!tpu.dma_semaphore, #tpu.memory_space<semaphore_mem>>)
      %dma_wait3A = arith.constant 3072 : i32
      %dma_wait3A_448 = tpu.memref_slice %arg20[%dma_wait3A] : memref<10240xf32, #tpu.memory_space<vmem>> -> memref<512xf32, #tpu.memory_space<vmem>>
      %dma_wait3A_449 = tpu.memref_slice %arg8[%add3A_415] : memref<327680xf32, #tpu.memory_space<hbm>> -> memref<512xf32, #tpu.memory_space<hbm>>
      %dma_wait3A_450 = tpu.memref_slice %arg8[%add3A_415] : memref<327680xf32, #tpu.memory_space<hbm>> -> memref<512xf32, #tpu.memory_space<hbm>>
      %dma_wait3A_451 = arith.constant 3072 : i32
      %dma_wait3A_452 = tpu.memref_slice %arg20[%dma_wait3A_451] : memref<10240xf32, #tpu.memory_space<vmem>> -> memref<512xf32, #tpu.memory_space<vmem>>
      tpu.wait_dma2 semaphore(%run_scoped3A : memref<!tpu.dma_semaphore, #tpu.memory_space<semaphore_mem>>) src(%dma_wait3A_452 : memref<512xf32, #tpu.memory_space<vmem>>) dst(%dma_wait3A_450 : memref<512xf32, #tpu.memory_space<hbm>>)
      tpu.yield
    }) : () -> ()
    %add3A_416 = arith.constant 114688 : i32
    %add3A_417 = arith.addi %add3A_416, %mul3A_2 : i32
    "tpu.region"() ({
      %run_scoped3A = tpu.sem_alloc : memref<!tpu.dma_semaphore, #tpu.memory_space<semaphore_mem>>
      %dma_start3A_442 = arith.constant 3584 : i32
      %dma_start3A_443 = tpu.memref_slice %arg20[%dma_start3A_442] : memref<10240xf32, #tpu.memory_space<vmem>> -> memref<512xf32, #tpu.memory_space<vmem>>
      %dma_start3A_444 = tpu.memref_slice %arg8[%add3A_417] : memref<327680xf32, #tpu.memory_space<hbm>> -> memref<512xf32, #tpu.memory_space<hbm>>
      %dma_start3A_445 = tpu.memref_slice %arg8[%add3A_417] : memref<327680xf32, #tpu.memory_space<hbm>> -> memref<512xf32, #tpu.memory_space<hbm>>
      %dma_start3A_446 = arith.constant 3584 : i32
      %dma_start3A_447 = tpu.memref_slice %arg20[%dma_start3A_446] : memref<10240xf32, #tpu.memory_space<vmem>> -> memref<512xf32, #tpu.memory_space<vmem>>
      tpu.enqueue_dma source(%dma_start3A_447 : memref<512xf32, #tpu.memory_space<vmem>>) target(%dma_start3A_445 : memref<512xf32, #tpu.memory_space<hbm>>) target_semaphore(%run_scoped3A : memref<!tpu.dma_semaphore, #tpu.memory_space<semaphore_mem>>)
      %dma_wait3A = arith.constant 3584 : i32
      %dma_wait3A_448 = tpu.memref_slice %arg20[%dma_wait3A] : memref<10240xf32, #tpu.memory_space<vmem>> -> memref<512xf32, #tpu.memory_space<vmem>>
      %dma_wait3A_449 = tpu.memref_slice %arg8[%add3A_417] : memref<327680xf32, #tpu.memory_space<hbm>> -> memref<512xf32, #tpu.memory_space<hbm>>
      %dma_wait3A_450 = tpu.memref_slice %arg8[%add3A_417] : memref<327680xf32, #tpu.memory_space<hbm>> -> memref<512xf32, #tpu.memory_space<hbm>>
      %dma_wait3A_451 = arith.constant 3584 : i32
      %dma_wait3A_452 = tpu.memref_slice %arg20[%dma_wait3A_451] : memref<10240xf32, #tpu.memory_space<vmem>> -> memref<512xf32, #tpu.memory_space<vmem>>
      tpu.wait_dma2 semaphore(%run_scoped3A : memref<!tpu.dma_semaphore, #tpu.memory_space<semaphore_mem>>) src(%dma_wait3A_452 : memref<512xf32, #tpu.memory_space<vmem>>) dst(%dma_wait3A_450 : memref<512xf32, #tpu.memory_space<hbm>>)
      tpu.yield
    }) : () -> ()
    %add3A_418 = arith.constant 131072 : i32
    %add3A_419 = arith.addi %add3A_418, %mul3A_2 : i32
    "tpu.region"() ({
      %run_scoped3A = tpu.sem_alloc : memref<!tpu.dma_semaphore, #tpu.memory_space<semaphore_mem>>
      %dma_start3A_442 = arith.constant 4096 : i32
      %dma_start3A_443 = tpu.memref_slice %arg20[%dma_start3A_442] : memref<10240xf32, #tpu.memory_space<vmem>> -> memref<512xf32, #tpu.memory_space<vmem>>
      %dma_start3A_444 = tpu.memref_slice %arg8[%add3A_419] : memref<327680xf32, #tpu.memory_space<hbm>> -> memref<512xf32, #tpu.memory_space<hbm>>
      %dma_start3A_445 = tpu.memref_slice %arg8[%add3A_419] : memref<327680xf32, #tpu.memory_space<hbm>> -> memref<512xf32, #tpu.memory_space<hbm>>
      %dma_start3A_446 = arith.constant 4096 : i32
      %dma_start3A_447 = tpu.memref_slice %arg20[%dma_start3A_446] : memref<10240xf32, #tpu.memory_space<vmem>> -> memref<512xf32, #tpu.memory_space<vmem>>
      tpu.enqueue_dma source(%dma_start3A_447 : memref<512xf32, #tpu.memory_space<vmem>>) target(%dma_start3A_445 : memref<512xf32, #tpu.memory_space<hbm>>) target_semaphore(%run_scoped3A : memref<!tpu.dma_semaphore, #tpu.memory_space<semaphore_mem>>)
      %dma_wait3A = arith.constant 4096 : i32
      %dma_wait3A_448 = tpu.memref_slice %arg20[%dma_wait3A] : memref<10240xf32, #tpu.memory_space<vmem>> -> memref<512xf32, #tpu.memory_space<vmem>>
      %dma_wait3A_449 = tpu.memref_slice %arg8[%add3A_419] : memref<327680xf32, #tpu.memory_space<hbm>> -> memref<512xf32, #tpu.memory_space<hbm>>
      %dma_wait3A_450 = tpu.memref_slice %arg8[%add3A_419] : memref<327680xf32, #tpu.memory_space<hbm>> -> memref<512xf32, #tpu.memory_space<hbm>>
      %dma_wait3A_451 = arith.constant 4096 : i32
      %dma_wait3A_452 = tpu.memref_slice %arg20[%dma_wait3A_451] : memref<10240xf32, #tpu.memory_space<vmem>> -> memref<512xf32, #tpu.memory_space<vmem>>
      tpu.wait_dma2 semaphore(%run_scoped3A : memref<!tpu.dma_semaphore, #tpu.memory_space<semaphore_mem>>) src(%dma_wait3A_452 : memref<512xf32, #tpu.memory_space<vmem>>) dst(%dma_wait3A_450 : memref<512xf32, #tpu.memory_space<hbm>>)
      tpu.yield
    }) : () -> ()
    %add3A_420 = arith.constant 147456 : i32
    %add3A_421 = arith.addi %add3A_420, %mul3A_2 : i32
    "tpu.region"() ({
      %run_scoped3A = tpu.sem_alloc : memref<!tpu.dma_semaphore, #tpu.memory_space<semaphore_mem>>
      %dma_start3A_442 = arith.constant 4608 : i32
      %dma_start3A_443 = tpu.memref_slice %arg20[%dma_start3A_442] : memref<10240xf32, #tpu.memory_space<vmem>> -> memref<512xf32, #tpu.memory_space<vmem>>
      %dma_start3A_444 = tpu.memref_slice %arg8[%add3A_421] : memref<327680xf32, #tpu.memory_space<hbm>> -> memref<512xf32, #tpu.memory_space<hbm>>
      %dma_start3A_445 = tpu.memref_slice %arg8[%add3A_421] : memref<327680xf32, #tpu.memory_space<hbm>> -> memref<512xf32, #tpu.memory_space<hbm>>
      %dma_start3A_446 = arith.constant 4608 : i32
      %dma_start3A_447 = tpu.memref_slice %arg20[%dma_start3A_446] : memref<10240xf32, #tpu.memory_space<vmem>> -> memref<512xf32, #tpu.memory_space<vmem>>
      tpu.enqueue_dma source(%dma_start3A_447 : memref<512xf32, #tpu.memory_space<vmem>>) target(%dma_start3A_445 : memref<512xf32, #tpu.memory_space<hbm>>) target_semaphore(%run_scoped3A : memref<!tpu.dma_semaphore, #tpu.memory_space<semaphore_mem>>)
      %dma_wait3A = arith.constant 4608 : i32
      %dma_wait3A_448 = tpu.memref_slice %arg20[%dma_wait3A] : memref<10240xf32, #tpu.memory_space<vmem>> -> memref<512xf32, #tpu.memory_space<vmem>>
      %dma_wait3A_449 = tpu.memref_slice %arg8[%add3A_421] : memref<327680xf32, #tpu.memory_space<hbm>> -> memref<512xf32, #tpu.memory_space<hbm>>
      %dma_wait3A_450 = tpu.memref_slice %arg8[%add3A_421] : memref<327680xf32, #tpu.memory_space<hbm>> -> memref<512xf32, #tpu.memory_space<hbm>>
      %dma_wait3A_451 = arith.constant 4608 : i32
      %dma_wait3A_452 = tpu.memref_slice %arg20[%dma_wait3A_451] : memref<10240xf32, #tpu.memory_space<vmem>> -> memref<512xf32, #tpu.memory_space<vmem>>
      tpu.wait_dma2 semaphore(%run_scoped3A : memref<!tpu.dma_semaphore, #tpu.memory_space<semaphore_mem>>) src(%dma_wait3A_452 : memref<512xf32, #tpu.memory_space<vmem>>) dst(%dma_wait3A_450 : memref<512xf32, #tpu.memory_space<hbm>>)
      tpu.yield
    }) : () -> ()
    %add3A_422 = arith.constant 163840 : i32
    %add3A_423 = arith.addi %add3A_422, %mul3A_2 : i32
    "tpu.region"() ({
      %run_scoped3A = tpu.sem_alloc : memref<!tpu.dma_semaphore, #tpu.memory_space<semaphore_mem>>
      %dma_start3A_442 = arith.constant 5120 : i32
      %dma_start3A_443 = tpu.memref_slice %arg20[%dma_start3A_442] : memref<10240xf32, #tpu.memory_space<vmem>> -> memref<512xf32, #tpu.memory_space<vmem>>
      %dma_start3A_444 = tpu.memref_slice %arg8[%add3A_423] : memref<327680xf32, #tpu.memory_space<hbm>> -> memref<512xf32, #tpu.memory_space<hbm>>
      %dma_start3A_445 = tpu.memref_slice %arg8[%add3A_423] : memref<327680xf32, #tpu.memory_space<hbm>> -> memref<512xf32, #tpu.memory_space<hbm>>
      %dma_start3A_446 = arith.constant 5120 : i32
      %dma_start3A_447 = tpu.memref_slice %arg20[%dma_start3A_446] : memref<10240xf32, #tpu.memory_space<vmem>> -> memref<512xf32, #tpu.memory_space<vmem>>
      tpu.enqueue_dma source(%dma_start3A_447 : memref<512xf32, #tpu.memory_space<vmem>>) target(%dma_start3A_445 : memref<512xf32, #tpu.memory_space<hbm>>) target_semaphore(%run_scoped3A : memref<!tpu.dma_semaphore, #tpu.memory_space<semaphore_mem>>)
      %dma_wait3A = arith.constant 5120 : i32
      %dma_wait3A_448 = tpu.memref_slice %arg20[%dma_wait3A] : memref<10240xf32, #tpu.memory_space<vmem>> -> memref<512xf32, #tpu.memory_space<vmem>>
      %dma_wait3A_449 = tpu.memref_slice %arg8[%add3A_423] : memref<327680xf32, #tpu.memory_space<hbm>> -> memref<512xf32, #tpu.memory_space<hbm>>
      %dma_wait3A_450 = tpu.memref_slice %arg8[%add3A_423] : memref<327680xf32, #tpu.memory_space<hbm>> -> memref<512xf32, #tpu.memory_space<hbm>>
      %dma_wait3A_451 = arith.constant 5120 : i32
      %dma_wait3A_452 = tpu.memref_slice %arg20[%dma_wait3A_451] : memref<10240xf32, #tpu.memory_space<vmem>> -> memref<512xf32, #tpu.memory_space<vmem>>
      tpu.wait_dma2 semaphore(%run_scoped3A : memref<!tpu.dma_semaphore, #tpu.memory_space<semaphore_mem>>) src(%dma_wait3A_452 : memref<512xf32, #tpu.memory_space<vmem>>) dst(%dma_wait3A_450 : memref<512xf32, #tpu.memory_space<hbm>>)
      tpu.yield
    }) : () -> ()
    %add3A_424 = arith.constant 180224 : i32
    %add3A_425 = arith.addi %add3A_424, %mul3A_2 : i32
    "tpu.region"() ({
      %run_scoped3A = tpu.sem_alloc : memref<!tpu.dma_semaphore, #tpu.memory_space<semaphore_mem>>
      %dma_start3A_442 = arith.constant 5632 : i32
      %dma_start3A_443 = tpu.memref_slice %arg20[%dma_start3A_442] : memref<10240xf32, #tpu.memory_space<vmem>> -> memref<512xf32, #tpu.memory_space<vmem>>
      %dma_start3A_444 = tpu.memref_slice %arg8[%add3A_425] : memref<327680xf32, #tpu.memory_space<hbm>> -> memref<512xf32, #tpu.memory_space<hbm>>
      %dma_start3A_445 = tpu.memref_slice %arg8[%add3A_425] : memref<327680xf32, #tpu.memory_space<hbm>> -> memref<512xf32, #tpu.memory_space<hbm>>
      %dma_start3A_446 = arith.constant 5632 : i32
      %dma_start3A_447 = tpu.memref_slice %arg20[%dma_start3A_446] : memref<10240xf32, #tpu.memory_space<vmem>> -> memref<512xf32, #tpu.memory_space<vmem>>
      tpu.enqueue_dma source(%dma_start3A_447 : memref<512xf32, #tpu.memory_space<vmem>>) target(%dma_start3A_445 : memref<512xf32, #tpu.memory_space<hbm>>) target_semaphore(%run_scoped3A : memref<!tpu.dma_semaphore, #tpu.memory_space<semaphore_mem>>)
      %dma_wait3A = arith.constant 5632 : i32
      %dma_wait3A_448 = tpu.memref_slice %arg20[%dma_wait3A] : memref<10240xf32, #tpu.memory_space<vmem>> -> memref<512xf32, #tpu.memory_space<vmem>>
      %dma_wait3A_449 = tpu.memref_slice %arg8[%add3A_425] : memref<327680xf32, #tpu.memory_space<hbm>> -> memref<512xf32, #tpu.memory_space<hbm>>
      %dma_wait3A_450 = tpu.memref_slice %arg8[%add3A_425] : memref<327680xf32, #tpu.memory_space<hbm>> -> memref<512xf32, #tpu.memory_space<hbm>>
      %dma_wait3A_451 = arith.constant 5632 : i32
      %dma_wait3A_452 = tpu.memref_slice %arg20[%dma_wait3A_451] : memref<10240xf32, #tpu.memory_space<vmem>> -> memref<512xf32, #tpu.memory_space<vmem>>
      tpu.wait_dma2 semaphore(%run_scoped3A : memref<!tpu.dma_semaphore, #tpu.memory_space<semaphore_mem>>) src(%dma_wait3A_452 : memref<512xf32, #tpu.memory_space<vmem>>) dst(%dma_wait3A_450 : memref<512xf32, #tpu.memory_space<hbm>>)
      tpu.yield
    }) : () -> ()
    %add3A_426 = arith.constant 196608 : i32
    %add3A_427 = arith.addi %add3A_426, %mul3A_2 : i32
    "tpu.region"() ({
      %run_scoped3A = tpu.sem_alloc : memref<!tpu.dma_semaphore, #tpu.memory_space<semaphore_mem>>
      %dma_start3A_442 = arith.constant 6144 : i32
      %dma_start3A_443 = tpu.memref_slice %arg20[%dma_start3A_442] : memref<10240xf32, #tpu.memory_space<vmem>> -> memref<512xf32, #tpu.memory_space<vmem>>
      %dma_start3A_444 = tpu.memref_slice %arg8[%add3A_427] : memref<327680xf32, #tpu.memory_space<hbm>> -> memref<512xf32, #tpu.memory_space<hbm>>
      %dma_start3A_445 = tpu.memref_slice %arg8[%add3A_427] : memref<327680xf32, #tpu.memory_space<hbm>> -> memref<512xf32, #tpu.memory_space<hbm>>
      %dma_start3A_446 = arith.constant 6144 : i32
      %dma_start3A_447 = tpu.memref_slice %arg20[%dma_start3A_446] : memref<10240xf32, #tpu.memory_space<vmem>> -> memref<512xf32, #tpu.memory_space<vmem>>
      tpu.enqueue_dma source(%dma_start3A_447 : memref<512xf32, #tpu.memory_space<vmem>>) target(%dma_start3A_445 : memref<512xf32, #tpu.memory_space<hbm>>) target_semaphore(%run_scoped3A : memref<!tpu.dma_semaphore, #tpu.memory_space<semaphore_mem>>)
      %dma_wait3A = arith.constant 6144 : i32
      %dma_wait3A_448 = tpu.memref_slice %arg20[%dma_wait3A] : memref<10240xf32, #tpu.memory_space<vmem>> -> memref<512xf32, #tpu.memory_space<vmem>>
      %dma_wait3A_449 = tpu.memref_slice %arg8[%add3A_427] : memref<327680xf32, #tpu.memory_space<hbm>> -> memref<512xf32, #tpu.memory_space<hbm>>
      %dma_wait3A_450 = tpu.memref_slice %arg8[%add3A_427] : memref<327680xf32, #tpu.memory_space<hbm>> -> memref<512xf32, #tpu.memory_space<hbm>>
      %dma_wait3A_451 = arith.constant 6144 : i32
      %dma_wait3A_452 = tpu.memref_slice %arg20[%dma_wait3A_451] : memref<10240xf32, #tpu.memory_space<vmem>> -> memref<512xf32, #tpu.memory_space<vmem>>
      tpu.wait_dma2 semaphore(%run_scoped3A : memref<!tpu.dma_semaphore, #tpu.memory_space<semaphore_mem>>) src(%dma_wait3A_452 : memref<512xf32, #tpu.memory_space<vmem>>) dst(%dma_wait3A_450 : memref<512xf32, #tpu.memory_space<hbm>>)
      tpu.yield
    }) : () -> ()
    %add3A_428 = arith.constant 212992 : i32
    %add3A_429 = arith.addi %add3A_428, %mul3A_2 : i32
    "tpu.region"() ({
      %run_scoped3A = tpu.sem_alloc : memref<!tpu.dma_semaphore, #tpu.memory_space<semaphore_mem>>
      %dma_start3A_442 = arith.constant 6656 : i32
      %dma_start3A_443 = tpu.memref_slice %arg20[%dma_start3A_442] : memref<10240xf32, #tpu.memory_space<vmem>> -> memref<512xf32, #tpu.memory_space<vmem>>
      %dma_start3A_444 = tpu.memref_slice %arg8[%add3A_429] : memref<327680xf32, #tpu.memory_space<hbm>> -> memref<512xf32, #tpu.memory_space<hbm>>
      %dma_start3A_445 = tpu.memref_slice %arg8[%add3A_429] : memref<327680xf32, #tpu.memory_space<hbm>> -> memref<512xf32, #tpu.memory_space<hbm>>
      %dma_start3A_446 = arith.constant 6656 : i32
      %dma_start3A_447 = tpu.memref_slice %arg20[%dma_start3A_446] : memref<10240xf32, #tpu.memory_space<vmem>> -> memref<512xf32, #tpu.memory_space<vmem>>
      tpu.enqueue_dma source(%dma_start3A_447 : memref<512xf32, #tpu.memory_space<vmem>>) target(%dma_start3A_445 : memref<512xf32, #tpu.memory_space<hbm>>) target_semaphore(%run_scoped3A : memref<!tpu.dma_semaphore, #tpu.memory_space<semaphore_mem>>)
      %dma_wait3A = arith.constant 6656 : i32
      %dma_wait3A_448 = tpu.memref_slice %arg20[%dma_wait3A] : memref<10240xf32, #tpu.memory_space<vmem>> -> memref<512xf32, #tpu.memory_space<vmem>>
      %dma_wait3A_449 = tpu.memref_slice %arg8[%add3A_429] : memref<327680xf32, #tpu.memory_space<hbm>> -> memref<512xf32, #tpu.memory_space<hbm>>
      %dma_wait3A_450 = tpu.memref_slice %arg8[%add3A_429] : memref<327680xf32, #tpu.memory_space<hbm>> -> memref<512xf32, #tpu.memory_space<hbm>>
      %dma_wait3A_451 = arith.constant 6656 : i32
      %dma_wait3A_452 = tpu.memref_slice %arg20[%dma_wait3A_451] : memref<10240xf32, #tpu.memory_space<vmem>> -> memref<512xf32, #tpu.memory_space<vmem>>
      tpu.wait_dma2 semaphore(%run_scoped3A : memref<!tpu.dma_semaphore, #tpu.memory_space<semaphore_mem>>) src(%dma_wait3A_452 : memref<512xf32, #tpu.memory_space<vmem>>) dst(%dma_wait3A_450 : memref<512xf32, #tpu.memory_space<hbm>>)
      tpu.yield
    }) : () -> ()
    %add3A_430 = arith.constant 229376 : i32
    %add3A_431 = arith.addi %add3A_430, %mul3A_2 : i32
    "tpu.region"() ({
      %run_scoped3A = tpu.sem_alloc : memref<!tpu.dma_semaphore, #tpu.memory_space<semaphore_mem>>
      %dma_start3A_442 = arith.constant 7168 : i32
      %dma_start3A_443 = tpu.memref_slice %arg20[%dma_start3A_442] : memref<10240xf32, #tpu.memory_space<vmem>> -> memref<512xf32, #tpu.memory_space<vmem>>
      %dma_start3A_444 = tpu.memref_slice %arg8[%add3A_431] : memref<327680xf32, #tpu.memory_space<hbm>> -> memref<512xf32, #tpu.memory_space<hbm>>
      %dma_start3A_445 = tpu.memref_slice %arg8[%add3A_431] : memref<327680xf32, #tpu.memory_space<hbm>> -> memref<512xf32, #tpu.memory_space<hbm>>
      %dma_start3A_446 = arith.constant 7168 : i32
      %dma_start3A_447 = tpu.memref_slice %arg20[%dma_start3A_446] : memref<10240xf32, #tpu.memory_space<vmem>> -> memref<512xf32, #tpu.memory_space<vmem>>
      tpu.enqueue_dma source(%dma_start3A_447 : memref<512xf32, #tpu.memory_space<vmem>>) target(%dma_start3A_445 : memref<512xf32, #tpu.memory_space<hbm>>) target_semaphore(%run_scoped3A : memref<!tpu.dma_semaphore, #tpu.memory_space<semaphore_mem>>)
      %dma_wait3A = arith.constant 7168 : i32
      %dma_wait3A_448 = tpu.memref_slice %arg20[%dma_wait3A] : memref<10240xf32, #tpu.memory_space<vmem>> -> memref<512xf32, #tpu.memory_space<vmem>>
      %dma_wait3A_449 = tpu.memref_slice %arg8[%add3A_431] : memref<327680xf32, #tpu.memory_space<hbm>> -> memref<512xf32, #tpu.memory_space<hbm>>
      %dma_wait3A_450 = tpu.memref_slice %arg8[%add3A_431] : memref<327680xf32, #tpu.memory_space<hbm>> -> memref<512xf32, #tpu.memory_space<hbm>>
      %dma_wait3A_451 = arith.constant 7168 : i32
      %dma_wait3A_452 = tpu.memref_slice %arg20[%dma_wait3A_451] : memref<10240xf32, #tpu.memory_space<vmem>> -> memref<512xf32, #tpu.memory_space<vmem>>
      tpu.wait_dma2 semaphore(%run_scoped3A : memref<!tpu.dma_semaphore, #tpu.memory_space<semaphore_mem>>) src(%dma_wait3A_452 : memref<512xf32, #tpu.memory_space<vmem>>) dst(%dma_wait3A_450 : memref<512xf32, #tpu.memory_space<hbm>>)
      tpu.yield
    }) : () -> ()
    %add3A_432 = arith.constant 245760 : i32
    %add3A_433 = arith.addi %add3A_432, %mul3A_2 : i32
    "tpu.region"() ({
      %run_scoped3A = tpu.sem_alloc : memref<!tpu.dma_semaphore, #tpu.memory_space<semaphore_mem>>
      %dma_start3A_442 = arith.constant 7680 : i32
      %dma_start3A_443 = tpu.memref_slice %arg20[%dma_start3A_442] : memref<10240xf32, #tpu.memory_space<vmem>> -> memref<512xf32, #tpu.memory_space<vmem>>
      %dma_start3A_444 = tpu.memref_slice %arg8[%add3A_433] : memref<327680xf32, #tpu.memory_space<hbm>> -> memref<512xf32, #tpu.memory_space<hbm>>
      %dma_start3A_445 = tpu.memref_slice %arg8[%add3A_433] : memref<327680xf32, #tpu.memory_space<hbm>> -> memref<512xf32, #tpu.memory_space<hbm>>
      %dma_start3A_446 = arith.constant 7680 : i32
      %dma_start3A_447 = tpu.memref_slice %arg20[%dma_start3A_446] : memref<10240xf32, #tpu.memory_space<vmem>> -> memref<512xf32, #tpu.memory_space<vmem>>
      tpu.enqueue_dma source(%dma_start3A_447 : memref<512xf32, #tpu.memory_space<vmem>>) target(%dma_start3A_445 : memref<512xf32, #tpu.memory_space<hbm>>) target_semaphore(%run_scoped3A : memref<!tpu.dma_semaphore, #tpu.memory_space<semaphore_mem>>)
      %dma_wait3A = arith.constant 7680 : i32
      %dma_wait3A_448 = tpu.memref_slice %arg20[%dma_wait3A] : memref<10240xf32, #tpu.memory_space<vmem>> -> memref<512xf32, #tpu.memory_space<vmem>>
      %dma_wait3A_449 = tpu.memref_slice %arg8[%add3A_433] : memref<327680xf32, #tpu.memory_space<hbm>> -> memref<512xf32, #tpu.memory_space<hbm>>
      %dma_wait3A_450 = tpu.memref_slice %arg8[%add3A_433] : memref<327680xf32, #tpu.memory_space<hbm>> -> memref<512xf32, #tpu.memory_space<hbm>>
      %dma_wait3A_451 = arith.constant 7680 : i32
      %dma_wait3A_452 = tpu.memref_slice %arg20[%dma_wait3A_451] : memref<10240xf32, #tpu.memory_space<vmem>> -> memref<512xf32, #tpu.memory_space<vmem>>
      tpu.wait_dma2 semaphore(%run_scoped3A : memref<!tpu.dma_semaphore, #tpu.memory_space<semaphore_mem>>) src(%dma_wait3A_452 : memref<512xf32, #tpu.memory_space<vmem>>) dst(%dma_wait3A_450 : memref<512xf32, #tpu.memory_space<hbm>>)
      tpu.yield
    }) : () -> ()
    %add3A_434 = arith.constant 262144 : i32
    %add3A_435 = arith.addi %add3A_434, %mul3A_2 : i32
    "tpu.region"() ({
      %run_scoped3A = tpu.sem_alloc : memref<!tpu.dma_semaphore, #tpu.memory_space<semaphore_mem>>
      %dma_start3A_442 = arith.constant 8192 : i32
      %dma_start3A_443 = tpu.memref_slice %arg20[%dma_start3A_442] : memref<10240xf32, #tpu.memory_space<vmem>> -> memref<512xf32, #tpu.memory_space<vmem>>
      %dma_start3A_444 = tpu.memref_slice %arg8[%add3A_435] : memref<327680xf32, #tpu.memory_space<hbm>> -> memref<512xf32, #tpu.memory_space<hbm>>
      %dma_start3A_445 = tpu.memref_slice %arg8[%add3A_435] : memref<327680xf32, #tpu.memory_space<hbm>> -> memref<512xf32, #tpu.memory_space<hbm>>
      %dma_start3A_446 = arith.constant 8192 : i32
      %dma_start3A_447 = tpu.memref_slice %arg20[%dma_start3A_446] : memref<10240xf32, #tpu.memory_space<vmem>> -> memref<512xf32, #tpu.memory_space<vmem>>
      tpu.enqueue_dma source(%dma_start3A_447 : memref<512xf32, #tpu.memory_space<vmem>>) target(%dma_start3A_445 : memref<512xf32, #tpu.memory_space<hbm>>) target_semaphore(%run_scoped3A : memref<!tpu.dma_semaphore, #tpu.memory_space<semaphore_mem>>)
      %dma_wait3A = arith.constant 8192 : i32
      %dma_wait3A_448 = tpu.memref_slice %arg20[%dma_wait3A] : memref<10240xf32, #tpu.memory_space<vmem>> -> memref<512xf32, #tpu.memory_space<vmem>>
      %dma_wait3A_449 = tpu.memref_slice %arg8[%add3A_435] : memref<327680xf32, #tpu.memory_space<hbm>> -> memref<512xf32, #tpu.memory_space<hbm>>
      %dma_wait3A_450 = tpu.memref_slice %arg8[%add3A_435] : memref<327680xf32, #tpu.memory_space<hbm>> -> memref<512xf32, #tpu.memory_space<hbm>>
      %dma_wait3A_451 = arith.constant 8192 : i32
      %dma_wait3A_452 = tpu.memref_slice %arg20[%dma_wait3A_451] : memref<10240xf32, #tpu.memory_space<vmem>> -> memref<512xf32, #tpu.memory_space<vmem>>
      tpu.wait_dma2 semaphore(%run_scoped3A : memref<!tpu.dma_semaphore, #tpu.memory_space<semaphore_mem>>) src(%dma_wait3A_452 : memref<512xf32, #tpu.memory_space<vmem>>) dst(%dma_wait3A_450 : memref<512xf32, #tpu.memory_space<hbm>>)
      tpu.yield
    }) : () -> ()
    %add3A_436 = arith.constant 278528 : i32
    %add3A_437 = arith.addi %add3A_436, %mul3A_2 : i32
    "tpu.region"() ({
      %run_scoped3A = tpu.sem_alloc : memref<!tpu.dma_semaphore, #tpu.memory_space<semaphore_mem>>
      %dma_start3A_442 = arith.constant 8704 : i32
      %dma_start3A_443 = tpu.memref_slice %arg20[%dma_start3A_442] : memref<10240xf32, #tpu.memory_space<vmem>> -> memref<512xf32, #tpu.memory_space<vmem>>
      %dma_start3A_444 = tpu.memref_slice %arg8[%add3A_437] : memref<327680xf32, #tpu.memory_space<hbm>> -> memref<512xf32, #tpu.memory_space<hbm>>
      %dma_start3A_445 = tpu.memref_slice %arg8[%add3A_437] : memref<327680xf32, #tpu.memory_space<hbm>> -> memref<512xf32, #tpu.memory_space<hbm>>
      %dma_start3A_446 = arith.constant 8704 : i32
      %dma_start3A_447 = tpu.memref_slice %arg20[%dma_start3A_446] : memref<10240xf32, #tpu.memory_space<vmem>> -> memref<512xf32, #tpu.memory_space<vmem>>
      tpu.enqueue_dma source(%dma_start3A_447 : memref<512xf32, #tpu.memory_space<vmem>>) target(%dma_start3A_445 : memref<512xf32, #tpu.memory_space<hbm>>) target_semaphore(%run_scoped3A : memref<!tpu.dma_semaphore, #tpu.memory_space<semaphore_mem>>)
      %dma_wait3A = arith.constant 8704 : i32
      %dma_wait3A_448 = tpu.memref_slice %arg20[%dma_wait3A] : memref<10240xf32, #tpu.memory_space<vmem>> -> memref<512xf32, #tpu.memory_space<vmem>>
      %dma_wait3A_449 = tpu.memref_slice %arg8[%add3A_437] : memref<327680xf32, #tpu.memory_space<hbm>> -> memref<512xf32, #tpu.memory_space<hbm>>
      %dma_wait3A_450 = tpu.memref_slice %arg8[%add3A_437] : memref<327680xf32, #tpu.memory_space<hbm>> -> memref<512xf32, #tpu.memory_space<hbm>>
      %dma_wait3A_451 = arith.constant 8704 : i32
      %dma_wait3A_452 = tpu.memref_slice %arg20[%dma_wait3A_451] : memref<10240xf32, #tpu.memory_space<vmem>> -> memref<512xf32, #tpu.memory_space<vmem>>
      tpu.wait_dma2 semaphore(%run_scoped3A : memref<!tpu.dma_semaphore, #tpu.memory_space<semaphore_mem>>) src(%dma_wait3A_452 : memref<512xf32, #tpu.memory_space<vmem>>) dst(%dma_wait3A_450 : memref<512xf32, #tpu.memory_space<hbm>>)
      tpu.yield
    }) : () -> ()
    %add3A_438 = arith.constant 294912 : i32
    %add3A_439 = arith.addi %add3A_438, %mul3A_2 : i32
    "tpu.region"() ({
      %run_scoped3A = tpu.sem_alloc : memref<!tpu.dma_semaphore, #tpu.memory_space<semaphore_mem>>
      %dma_start3A_442 = arith.constant 9216 : i32
      %dma_start3A_443 = tpu.memref_slice %arg20[%dma_start3A_442] : memref<10240xf32, #tpu.memory_space<vmem>> -> memref<512xf32, #tpu.memory_space<vmem>>
      %dma_start3A_444 = tpu.memref_slice %arg8[%add3A_439] : memref<327680xf32, #tpu.memory_space<hbm>> -> memref<512xf32, #tpu.memory_space<hbm>>
      %dma_start3A_445 = tpu.memref_slice %arg8[%add3A_439] : memref<327680xf32, #tpu.memory_space<hbm>> -> memref<512xf32, #tpu.memory_space<hbm>>
      %dma_start3A_446 = arith.constant 9216 : i32
      %dma_start3A_447 = tpu.memref_slice %arg20[%dma_start3A_446] : memref<10240xf32, #tpu.memory_space<vmem>> -> memref<512xf32, #tpu.memory_space<vmem>>
      tpu.enqueue_dma source(%dma_start3A_447 : memref<512xf32, #tpu.memory_space<vmem>>) target(%dma_start3A_445 : memref<512xf32, #tpu.memory_space<hbm>>) target_semaphore(%run_scoped3A : memref<!tpu.dma_semaphore, #tpu.memory_space<semaphore_mem>>)
      %dma_wait3A = arith.constant 9216 : i32
      %dma_wait3A_448 = tpu.memref_slice %arg20[%dma_wait3A] : memref<10240xf32, #tpu.memory_space<vmem>> -> memref<512xf32, #tpu.memory_space<vmem>>
      %dma_wait3A_449 = tpu.memref_slice %arg8[%add3A_439] : memref<327680xf32, #tpu.memory_space<hbm>> -> memref<512xf32, #tpu.memory_space<hbm>>
      %dma_wait3A_450 = tpu.memref_slice %arg8[%add3A_439] : memref<327680xf32, #tpu.memory_space<hbm>> -> memref<512xf32, #tpu.memory_space<hbm>>
      %dma_wait3A_451 = arith.constant 9216 : i32
      %dma_wait3A_452 = tpu.memref_slice %arg20[%dma_wait3A_451] : memref<10240xf32, #tpu.memory_space<vmem>> -> memref<512xf32, #tpu.memory_space<vmem>>
      tpu.wait_dma2 semaphore(%run_scoped3A : memref<!tpu.dma_semaphore, #tpu.memory_space<semaphore_mem>>) src(%dma_wait3A_452 : memref<512xf32, #tpu.memory_space<vmem>>) dst(%dma_wait3A_450 : memref<512xf32, #tpu.memory_space<hbm>>)
      tpu.yield
    }) : () -> ()
    %add3A_440 = arith.constant 311296 : i32
    %add3A_441 = arith.addi %add3A_440, %mul3A_2 : i32
    "tpu.region"() ({
      %run_scoped3A = tpu.sem_alloc : memref<!tpu.dma_semaphore, #tpu.memory_space<semaphore_mem>>
      %dma_start3A_442 = arith.constant 9728 : i32
      %dma_start3A_443 = tpu.memref_slice %arg20[%dma_start3A_442] : memref<10240xf32, #tpu.memory_space<vmem>> -> memref<512xf32, #tpu.memory_space<vmem>>
      %dma_start3A_444 = tpu.memref_slice %arg8[%add3A_441] : memref<327680xf32, #tpu.memory_space<hbm>> -> memref<512xf32, #tpu.memory_space<hbm>>
      %dma_start3A_445 = tpu.memref_slice %arg8[%add3A_441] : memref<327680xf32, #tpu.memory_space<hbm>> -> memref<512xf32, #tpu.memory_space<hbm>>
      %dma_start3A_446 = arith.constant 9728 : i32
      %dma_start3A_447 = tpu.memref_slice %arg20[%dma_start3A_446] : memref<10240xf32, #tpu.memory_space<vmem>> -> memref<512xf32, #tpu.memory_space<vmem>>
      tpu.enqueue_dma source(%dma_start3A_447 : memref<512xf32, #tpu.memory_space<vmem>>) target(%dma_start3A_445 : memref<512xf32, #tpu.memory_space<hbm>>) target_semaphore(%run_scoped3A : memref<!tpu.dma_semaphore, #tpu.memory_space<semaphore_mem>>)
      %dma_wait3A = arith.constant 9728 : i32
      %dma_wait3A_448 = tpu.memref_slice %arg20[%dma_wait3A] : memref<10240xf32, #tpu.memory_space<vmem>> -> memref<512xf32, #tpu.memory_space<vmem>>
      %dma_wait3A_449 = tpu.memref_slice %arg8[%add3A_441] : memref<327680xf32, #tpu.memory_space<hbm>> -> memref<512xf32, #tpu.memory_space<hbm>>
      %dma_wait3A_450 = tpu.memref_slice %arg8[%add3A_441] : memref<327680xf32, #tpu.memory_space<hbm>> -> memref<512xf32, #tpu.memory_space<hbm>>
      %dma_wait3A_451 = arith.constant 9728 : i32
      %dma_wait3A_452 = tpu.memref_slice %arg20[%dma_wait3A_451] : memref<10240xf32, #tpu.memory_space<vmem>> -> memref<512xf32, #tpu.memory_space<vmem>>
      tpu.wait_dma2 semaphore(%run_scoped3A : memref<!tpu.dma_semaphore, #tpu.memory_space<semaphore_mem>>) src(%dma_wait3A_452 : memref<512xf32, #tpu.memory_space<vmem>>) dst(%dma_wait3A_450 : memref<512xf32, #tpu.memory_space<hbm>>)
      tpu.yield
    }) : () -> ()
    return
  }
}

module attributes {stable_mosaic.version = 14 : i64} {
  func.func @_loss_body(%arg0: memref<128x128xf32, #tpu.memory_space<vmem>>, %arg1: memref<20x16384xf32, #tpu.memory_space<vmem>>, %arg2: memref<1x1xf32, #tpu.memory_space<vmem>>) attributes {dimension_semantics = [], scalar_prefetch = 0 : i64, scratch_operands = 0 : i64, tpu.core_type = #tpu.core_type<tc>} {
    %get3A = arith.constant 0 : index
    %get3A_0 = arith.constant 0 : index
    %get3A_1 = vector.load %arg0[%get3A, %get3A_0] : memref<128x128xf32, #tpu.memory_space<vmem>>, vector<128x128xf32>
    %jit3A = arith.constant -1.000000e+01 : f32
    %jit3A_2 = arith.constant 1.000000e+01 : f32
    %max3A = vector.broadcast %jit3A : f32 to vector<128x128xf32>
    %max3A_3 = arith.maximumf %max3A, %get3A_1 : vector<128x128xf32>
    %min3A = vector.broadcast %jit3A_2 : f32 to vector<128x128xf32>
    %min3A_4 = arith.minimumf %min3A, %max3A_3 : vector<128x128xf32>
    %neg3A = arith.constant 0.000000e+00 : f32
    %neg3A_5 = vector.broadcast %neg3A : f32 to vector<128x128xf32>
    %neg3A_6 = arith.subf %neg3A_5, %min3A_4 : vector<128x128xf32>
    %custom_jvp_call3A = arith.constant 0.000000e+00 : f32
    %max3A_7 = vector.broadcast %custom_jvp_call3A : f32 to vector<128x128xf32>
    %max3A_8 = arith.maximumf %neg3A_6, %max3A_7 : vector<128x128xf32>
    %sub3A = vector.broadcast %custom_jvp_call3A : f32 to vector<128x128xf32>
    %sub3A_9 = arith.subf %neg3A_6, %sub3A : vector<128x128xf32>
    %ne3A = arith.cmpf one, %sub3A_9, %sub3A_9 : vector<128x128xf32>
    %add3A = vector.broadcast %custom_jvp_call3A : f32 to vector<128x128xf32>
    %add3A_10 = arith.addf %neg3A_6, %add3A : vector<128x128xf32>
    %abs3A = math.absf %sub3A_9 : vector<128x128xf32>
    %neg3A_11 = arith.constant 0.000000e+00 : f32
    %neg3A_12 = vector.broadcast %neg3A_11 : f32 to vector<128x128xf32>
    %neg3A_13 = arith.subf %neg3A_12, %abs3A : vector<128x128xf32>
    %exp3A = math.exp %neg3A_13 : vector<128x128xf32>
    %log1p3A = math.log1p %exp3A : vector<128x128xf32>
    %add3A_14 = arith.addf %max3A_8, %log1p3A : vector<128x128xf32>
    %select_n3A = arith.select %ne3A, %add3A_10, %add3A_14 : vector<128x128xi1>, vector<128x128xf32>
    %neg3A_15 = arith.constant 0.000000e+00 : f32
    %neg3A_16 = vector.broadcast %neg3A_15 : f32 to vector<128x128xf32>
    %neg3A_17 = arith.subf %neg3A_16, %select_n3A : vector<128x128xf32>
    %reduce_sum3A = vector.shape_cast %neg3A_17 : vector<128x128xf32> to vector<1x128x128xf32>
    %reduce_sum3A_18 = arith.constant dense<0.000000e+00> : vector<1xf32>
    %reduce_sum3A_19 = vector.multi_reduction <add>, %reduce_sum3A, %reduce_sum3A_18 [1, 2] : vector<1x128x128xf32> to vector<1xf32>
    %reduce_sum3A_20 = vector.shape_cast %reduce_sum3A_19 : vector<1xf32> to vector<1x1x1xf32>
    %reduce_sum3A_21 = vector.extract %reduce_sum3A_20[0, 0, 0] : f32 from vector<1x1x1xf32>
    %get3A_22 = arith.constant 0 : index
    %get3A_23 = arith.constant 0 : index
    %get3A_24 = vector.load %arg1[%get3A_22, %get3A_23] : memref<20x16384xf32, #tpu.memory_space<vmem>>, vector<20x16384xf32>
    %jit3A_25 = arith.constant -1.000000e+01 : f32
    %jit3A_26 = arith.constant 1.000000e+01 : f32
    %max3A_27 = vector.broadcast %jit3A_25 : f32 to vector<20x16384xf32>
    %max3A_28 = arith.maximumf %max3A_27, %get3A_24 : vector<20x16384xf32>
    %min3A_29 = vector.broadcast %jit3A_26 : f32 to vector<20x16384xf32>
    %min3A_30 = arith.minimumf %min3A_29, %max3A_28 : vector<20x16384xf32>
    %neg3A_31 = arith.constant 0.000000e+00 : f32
    %neg3A_32 = vector.broadcast %neg3A_31 : f32 to vector<20x16384xf32>
    %neg3A_33 = arith.subf %neg3A_32, %min3A_30 : vector<20x16384xf32>
    %neg3A_34 = arith.constant 0.000000e+00 : f32
    %neg3A_35 = vector.broadcast %neg3A_34 : f32 to vector<20x16384xf32>
    %neg3A_36 = arith.subf %neg3A_35, %neg3A_33 : vector<20x16384xf32>
    %custom_jvp_call3A_37 = arith.constant 0.000000e+00 : f32
    %max3A_38 = vector.broadcast %custom_jvp_call3A_37 : f32 to vector<20x16384xf32>
    %max3A_39 = arith.maximumf %neg3A_36, %max3A_38 : vector<20x16384xf32>
    %sub3A_40 = vector.broadcast %custom_jvp_call3A_37 : f32 to vector<20x16384xf32>
    %sub3A_41 = arith.subf %neg3A_36, %sub3A_40 : vector<20x16384xf32>
    %ne3A_42 = arith.cmpf one, %sub3A_41, %sub3A_41 : vector<20x16384xf32>
    %add3A_43 = vector.broadcast %custom_jvp_call3A_37 : f32 to vector<20x16384xf32>
    %add3A_44 = arith.addf %neg3A_36, %add3A_43 : vector<20x16384xf32>
    %abs3A_45 = math.absf %sub3A_41 : vector<20x16384xf32>
    %neg3A_46 = arith.constant 0.000000e+00 : f32
    %neg3A_47 = vector.broadcast %neg3A_46 : f32 to vector<20x16384xf32>
    %neg3A_48 = arith.subf %neg3A_47, %abs3A_45 : vector<20x16384xf32>
    %exp3A_49 = math.exp %neg3A_48 : vector<20x16384xf32>
    %log1p3A_50 = math.log1p %exp3A_49 : vector<20x16384xf32>
    %add3A_51 = arith.addf %max3A_39, %log1p3A_50 : vector<20x16384xf32>
    %select_n3A_52 = arith.select %ne3A_42, %add3A_44, %add3A_51 : vector<20x16384xi1>, vector<20x16384xf32>
    %neg3A_53 = arith.constant 0.000000e+00 : f32
    %neg3A_54 = vector.broadcast %neg3A_53 : f32 to vector<20x16384xf32>
    %neg3A_55 = arith.subf %neg3A_54, %select_n3A_52 : vector<20x16384xf32>
    %reduce_sum3A_56 = vector.shape_cast %neg3A_55 : vector<20x16384xf32> to vector<1x20x16384xf32>
    %reduce_sum3A_57 = arith.constant dense<0.000000e+00> : vector<1xf32>
    %reduce_sum3A_58 = vector.multi_reduction <add>, %reduce_sum3A_56, %reduce_sum3A_57 [1, 2] : vector<1x20x16384xf32> to vector<1xf32>
    %reduce_sum3A_59 = vector.shape_cast %reduce_sum3A_58 : vector<1xf32> to vector<1x1x1xf32>
    %reduce_sum3A_60 = vector.extract %reduce_sum3A_59[0, 0, 0] : f32 from vector<1x1x1xf32>
    %div3A = arith.constant 1.638400e+04 : f32
    %div3A_61 = arith.divf %reduce_sum3A_21, %div3A : f32
    %neg3A_62 = arith.constant 0.000000e+00 : f32
    %neg3A_63 = arith.subf %neg3A_62, %div3A_61 : f32
    %div3A_64 = arith.constant 3.276800e+05 : f32
    %div3A_65 = arith.divf %reduce_sum3A_60, %div3A_64 : f32
    %sub3A_66 = arith.subf %neg3A_63, %div3A_65 : f32
    %broadcast_in_dim3A = vector.broadcast %sub3A_66 : f32 to vector<1x1xf32>
    %swap3A = arith.constant 0 : index
    %swap3A_67 = arith.constant 0 : index
    %swap3A_68 = vector.load %arg2[%swap3A, %swap3A_67] : memref<1x1xf32, #tpu.memory_space<vmem>>, vector<1x1xf32>
    tpu.vector_store %arg2[%swap3A, %swap3A_67], %broadcast_in_dim3A {strides = array<i32>} : memref<1x1xf32, #tpu.memory_space<vmem>>, vector<1x1xf32>,
    return
  }
}

</mosaic_0001>

<sc_bundles>
// kernel: kernel.4.cloned.1.call-start
scs
__scs_entry_jumppad:
0x0: {  	(pc) =	sbr.rel $0x88, $3  }
0x1: {  	(tag) =	ssettag $0x0;
	lr =	simm.s32 $0x1  }
0x2: {  	[smem:$0x3F9C] =	sst lr;
	_ =	strace $0xD0000000  }
0x3: {  	_ = 	snop  }
0x4: {  	_ = 	snop  }
0x5: {  	_ = 	snop  }
0x6: {  	_ = 	snop  }
0x7: {  	_ = 	snop  }
__scs_overlays_trampoline_lowered:
0x8: {  	[smem:$0x3FAB] =	sst s0  }
0x9: {  	[smem:$0x3FAC] =	sst s1  }
0xa: {  	[smem:$0x3FAD] =	sst s2  }
0xb: {  	[smem:$0x3FAE] =	sst s3  }
0xc: {  	[smem:$0x3FAF] =	sst s4  }
0xd: {  	[smem:$0x3FB0] =	sst s5  }
0xe: {  	[smem:$0x3FB1] =	sst s6  }
0xf: {  	[smem:$0x3FB2] =	sst s7  }
0x10: {  	[smem:$0x3FB3] =	sst s8  }
0x11: {  	[smem:$0x3FB4] =	sst s9;
	s0 =	simm.s32 @!p0 $0x0  }
0x12: {  	s1 =	sld [smem:$0x3F9A];
	s0 =	simm.s32 @p0 $0x1  }
0x13: {  	[smem:$0x3FB5] =	sst s0;
	s0 =	simm.s32 @!p1 $0x0  }
0x14: {  	s2 =	sld [smem:$0x3F99];
	s0 =	simm.s32 @p1 $0x1  }
0x15: {  	[smem:$0x3FB6] =	sst s0;
	s0 =	simm.s32 @!p2 $0x0  }
0x16: {  	s3 =	sld [smem:$0x3FDB];
	s0 =	simm.s32 @p2 $0x1  }
0x17: {  	s4 =	simm.s32 $0x1BF5;
	[smem:$0x3FB8] =	sst s0  }
0x18: {  	s0 =	sld [smem:$0x3F9B];
	_ =	swait.ge [sflag:s4], $0x0  }
0x19: {  	s7 =	sld [smem:$0x3F9C]  }
0x1a: {  	s8 =	sadd.s32 $0xFFFFE003, lr  }
0x1b: {  	s9 =	sadd.s32 $0xFFFFFEF7, lr;
	s5 =	simm.s32 $0xFFFFFFFF;
	p2 =	slt.u32 s8, $0xFFFFF086  }
0x1c: {  	p1 =	slt.u32 s9, $0xF7A;
	s5 =	simm.s32 @!p2 $0x0  }
0x1d: {  	s5 =	simm.s32 @p1 $0x1;
	p0 =	seq.s32 s7, s2  }
0x1e: {  	s7 =	smul.u32 @!p0 $0xF7A, s2;
	p2 =	seq.s32 @!p0 s5, $0x0  }
0x1f: {  	s9 =	smul.u32 $0xF7A, s1;
	s8 =	simm.s32 @!p0 $0x1BF5;
	p2 =	por !p2, p0  }
0x20: {  	[sflag:s8] =	ssyncset.s32 @!p0 $0xFFFFF086;
	s6 =	sadd.s32 @!p0 s3, s7;
	s7 =	simm.s32 @!p0 $0x108  }
0x21: {  	s3 =	sadd.s32 s3, s9;
	s6 =	sadd.s32 @!p0 $0x88, s6;
	s7 =	simm.s32 @p2 $0x1082  }
0x22: {  	[simem:s7], [sflag:s8] =	dma.local @!p0 [hbm:s6], $0xF7A  }
0x23: {  	s9 =	sor.u32 $0xD0000000, s2;
	s6 =	simm.s32 $0x108;
	_ =	swait.ge @!p0 [sflag:s8], $0x0  }
0x24: {  	s3 =	sadd.s32 $0x88, s3;
	s6 =	simm.s32 @!p1 $0x1082;
	[sflag:s4] =	ssyncset.s32 $0xFFFFF086  }
0x25: {  	[simem:s6], [sflag:s4] =	dma.local [hbm:s3], $0xF7A  }
0x26: {  	[smem:$0x3F9C] =	sst s1;
	(tag) =	ssettag s2;
	_ =	strace s9  }
0x27: {  	s1 =	sld [smem:$0x3FAC]  }
0x28: {  	s2 =	sld [smem:$0x3FAD]  }
0x29: {  	s4 =	sld [smem:$0x3FAF]  }
0x2a: {  	p0 =	seq.s32 s5, $0x0;
	s5 =	sld [smem:$0x3FB0]  }
0x2b: {  	s6 =	sld [smem:$0x3FB1]  }
0x2c: {  	s7 =	sld [smem:$0x3FB2]  }
0x2d: {  	s3 =	simm.s32 $0x108;
	s8 =	sld [smem:$0x3FB3]  }
0x2e: {  	s3 =	simm.s32 @!p0 $0x1082;
	s9 =	sld [smem:$0x3FB4]  }
0x2f: {  	lr =	sadd.s32 s0, s3;
	s0 =	sld [smem:$0x3FAB]  }
0x30: {  	s3 =	sld [smem:$0x3FAE]  }
0x31: {  	[smem:$0x3FB7] =	sst s10  }
0x32: {  	s10 =	sld [smem:$0x3FB5];
	_ =	sdelay $0x3  }
0x33: {  	p0 =	seq.s32 s10, $0x1;
	s10 =	sld [smem:$0x3FB7];
	_ =	sdelay $0x3  }
0x34: {  	[smem:$0x3FB7] =	sst s10  }
0x35: {  	s10 =	sld [smem:$0x3FB6];
	_ =	sdelay $0x3  }
0x36: {  	p1 =	seq.s32 s10, $0x1;
	s10 =	sld [smem:$0x3FB7];
	_ =	sdelay $0x3  }
0x37: {  	[smem:$0x3FB7] =	sst s10  }
0x38: {  	s10 =	sld [smem:$0x3FB8]  }
0x39: {  	_ = 	snop;
	(pc) =	sbr.ind lr, $3  }
0x3a: {  	_ = 	snop  }
0x3b: {  	_ = 	snop  }
0x3c: {  	p2 =	seq.s32 s10, $0x1;
	s10 =	sld [smem:$0x3FB7]  }
0x3d: {  	_ =	shalt  }
0x3e: {  	_ =	shalt  }
0x3f: {  	_ =	shalt  }
0x40: {  	_ =	shalt  }
0x41: {  	_ =	shalt  }
0x42: {  	_ =	shalt  }
0x43: {  	_ =	shalt  }
0x44: {  	_ =	shalt  }
0x45: {  	_ =	shalt  }
0x46: {  	_ =	shalt  }
0x47: {  	_ =	shalt  }
0x48: {  	_ =	shalt  }
0x49: {  	_ =	shalt  }
0x4a: {  	_ =	shalt  }
0x4b: {  	_ =	shalt  }
0x4c: {  	_ =	shalt  }
0x4d: {  	_ =	shalt  }
0x4e: {  	_ =	shalt  }
0x4f: {  	_ =	shalt  }
0x50: {  	_ =	shalt  }
0x51: {  	_ =	shalt  }
0x52: {  	_ =	shalt  }
0x53: {  	_ =	shalt  }
0x54: {  	_ =	shalt  }
0x55: {  	_ =	shalt  }
0x56: {  	_ =	shalt  }
0x57: {  	_ =	shalt  }
0x58: {  	_ =	shalt  }
0x59: {  	_ =	shalt  }
0x5a: {  	_ =	shalt  }
0x5b: {  	_ =	shalt  }
0x5c: {  	_ =	shalt  }
0x5d: {  	_ =	shalt  }
0x5e: {  	_ =	shalt  }
0x5f: {  	_ =	shalt  }
0x60: {  	_ =	shalt  }
0x61: {  	_ =	shalt  }
0x62: {  	_ =	shalt  }
0x63: {  	_ =	shalt  }
0x64: {  	_ =	shalt  }
0x65: {  	_ =	shalt  }
0x66: {  	_ =	shalt  }
0x67: {  	_ =	shalt  }
0x68: {  	_ =	shalt  }
0x69: {  	_ =	shalt  }
0x6a: {  	_ =	shalt  }
0x6b: {  	_ =	shalt  }
0x6c: {  	_ =	shalt  }
0x6d: {  	_ =	shalt  }
0x6e: {  	_ =	shalt  }
0x6f: {  	_ =	shalt  }
0x70: {  	_ =	shalt  }
0x71: {  	_ =	shalt  }
0x72: {  	_ =	shalt  }
0x73: {  	_ =	shalt  }
0x74: {  	_ =	shalt  }
0x75: {  	_ =	shalt  }
0x76: {  	_ =	shalt  }
0x77: {  	_ =	shalt  }
0x78: {  	_ =	shalt  }
0x79: {  	_ =	shalt  }
0x7a: {  	_ =	shalt  }
0x7b: {  	_ =	shalt  }
0x7c: {  	_ =	shalt  }
0x7d: {  	_ =	shalt  }
0x7e: {  	_ =	shalt  }
0x7f: {  	_ =	shalt  }
0x80: {  	_ =	shalt  }
0x81: {  	_ =	shalt  }
0x82: {  	_ =	shalt  }
0x83: {  	_ =	shalt  }
0x84: {  	_ =	shalt  }
0x85: {  	_ =	shalt  }
0x86: {  	_ =	shalt  }
0x87: {  	_ =	shalt  }
.Lfunc_end0:
.L_simem_size_0:
called_computation_lowered:
.L_overlay_start_0:
0x88: {  	s2 =	sld [smem:$0x3FD9]  }
0x89: {  	s3 =	sld [smem:$0x3FFE];
	_ =	sdelay $0x1  }
0x8a: {  	s1 =	srdreg.scid  }
0x8b: {  	s0 =	sand.u32 $0x1, s1  }
0x8c: {  	s17 =	sshll.u32 s0, $0xA;
	s2 =	sadd.s32 s3, s2  }
0x8d: {  	s2 =	sadd.s32 s2, s17  }
0x8e: {  	[smem:$0x3FC3] =	sst s2  }
0x8f: {  	_ = 	snop  }
0x90: {  	s2 =	sld [smem:$0x3FC9]  }
0x91: {  	s18 =	sld [smem:$0x3FC8];
	(tm) =	ssettm $0x1  }
0x92: {  	s4 =	sld [smem:$0x3FFB];
	_ =	sdelay $0x3  }
0x93: {  	_ =	strace s4  }
0x94: {  	s4 =	sld [smem:$0x3FFC];
	_ =	sdelay $0x3  }
0x95: {  	_ =	strace s4  }
0x96: {  	s4 =	sld [smem:$0x3FFD];
	_ =	sdelay $0x3  }
0x97: {  	_ =	strace s4  }
0x98: {  	_ =	strace $0x8FFFFFFF  }
0x99: {  	s19 =	sld [smem:$0x3FDB];
	_ =	sdelay $0x1  }
0x9a: {  	s5 =	simm.s32 $_scs_section_size  }
0x9b: {  	s6 =	simm.s32 $_size__tile_overlayer_lowered;
	s7 =	simm.s32 $_tile_overlayer_lowered  }
0x9c: {  	s22 =	simm.s32 $0x1BFF;
	s21 =	sshll.u32 s7, $0x1;
	s4 =	sadd.s32 s5, s19  }
0x9d: {  	s8 =	simm.s32 $0x0;
	s20 =	sshll.u32 s6, $0x1;
	s6 =	sadd.s32 s21, s4  }
0x9e: {  	[timem:s8], [sflag:s22] =	dma.local [hbm:s6], s20  }
0x9f: {  	_ =	swait.ge [sflag:s22], s20  }
0xa0: {  	s5 =	ssub.s32 $0x0, s20;
	[sflag:s22] =	ssyncset.done $0x0  }
0xa1: {  	[sflag:s22] =	ssyncadd.s32 s5;
	_ =	sdelay $0x1  }
0xa2: {  	s23 =	simm.s32 $0x1B8B  }
0xa3: {  	_ =	swait.ge [sflag:s23], $0x1  }
0xa4: {  	[sflag:s23] =	ssyncset.done $0x0  }
0xa5: {  	s25 =	simm.s32 $0x1B8E;
	s24 =	sld [smem:$0x3FFE];
	[sflag:s23] =	ssyncadd.s32 $0xFFFFFFFF  }
0xa6: {  	s26 =	simm.s32 $execute0_lowered;
	[smem:$0x3FD2] =	sst s25  }
0xa7: {  	s6 =	sshll.u32 s26, $0x1;
	_ =	strace $0x80000046;
	[dreg:$0x1] =	wrdreg $0xFFFFFFFF  }
0xa8: {  	s28 =	simm.s32 $_size_execute0_lowered;
	s4 =	sadd.s32 s4, s6;
	[dreg:$0x0] =	wrdreg $0x0  }
0xa9: {  	s6 =	sshll.u32 s28, $0x1;
	[dreg:$0x2] =	wrdreg s4  }
0xaa: {  	[dreg:$0x3] =	wrdreg s6  }
0xab: {  	[dreg:$0x4] =	wrdreg $0xC0  }
0xac: {  	_ =	task [dreg:s8], $0x5FFFF  }
0xad: {  	[dreg:$0x1] =	wrdreg $0xFFFFFFFF  }
0xae: {  	[dreg:$0x0] =	wrdreg $0x60  }
0xaf: {  	[dreg:$0x2] =	wrdreg s2  }
0xb0: {  	[dreg:$0x3] =	wrdreg s18  }
0xb1: {  	[dreg:$0x4] =	wrdreg s24  }
0xb2: {  	[dreg:$0x5] =	wrdreg $0x9  }
0xb3: {  	_ =	task.clear_ibuf [dreg:s8], $0x6FFFF;
	_ =	strace $0x90000046  }
0xb4: {  	s29 =	simm.s32 $0x9;
	_ =	strace $0x80000048  }
0xb5: {  	_ =	swait.ge [sflag:s29], $0x1  }
0xb6: {  	[sflag:s29] =	ssyncadd.s32 $0xFFFFFFFF  }
0xb7: {  	_ =	strace $0x90000048  }
0xb8: {  	_ =	sfence  }
0xb9: {  	s30 =	sld [smem:$0x0];
	_ =	sdelay $0x2  }
0xba: {  	s31 =	sshll.u32 s1, $0xD;
	s1 =	sshrl.u32 s1, $0x2  }
0xbb: {  	s3 =	sand.u32 $0x4000, s31;
	s1 =	sadd.s32 s1, s30  }
0xbc: {  	s0 =	sor.u32 s3, s0;
	s1 =	sshll.u32 s1, $0x11  }
0xbd: {  	s0 =	sor.u32 s1, s0  }
0xbe: {  	s0 =	sadd.s32 $0x8F2B, s0  }
0xbf: {  	[sflag:s0] =	ssyncadd.remote.s32 $0x1  }
0xc0: {  	_ =	sfence.sel $0xFFFF  }
0xc1: {  	[dreg:$0x0] =	wrdreg $0xFFFFFFFF;
	(pc) =	sbr.abs _section_cstart, $3  }
0xc2: {  	[dreg:$0x1] =	wrdreg $0xFFFFFFFF  }
0xc3: {  	_ =	task.clear_ibuf [dreg:s8], $0x2FFFF;
	_ =	strace $0x9FFFFFFF  }
0xc4: {  	(tm) =	ssettm $0x7FFFFFFF  }
0xc5: {  	_ =	shalt  }
tec
execute0_lowered:
.L_overlay_start_1:
0x0: {  	(tag) =	ssettag $0x1  }
0x1: {  	s0 =	rddreg [dreg:$0x0]  }
0x2: {  	s1 =	rddreg [dreg:$0x1]  }
0x3: {  	s6 =	rddreg [dreg:$0x2]  }
0x4: {  	s2 =	simm.s32 $0x0;
	s3 =	srdreg.scid;
	s4 =	stileid.u32  }
0x5: {  	[smem:$0x7FF] =	sst s2;
	s7 =	sand.u32 $0x1, s3;
	s24 =	sshll.u32 s4, $0x1  }
0x6: {  	s30 =	sadd.s32 $0xA00, s6;
	_ =	strace $0x80000047;
	s8 =	sor.u32 s7, s24  }
0x7: {  	[dreg:$0x9] =	wrdreg s30;
	s9 =	sshll.u32 s8, $0x6;
	s5 =	sshll.u32 s8, $0x9  }
0x8: {  	[dreg:$0x4] =	wrdreg s5;
	s0 =	sadd.s32 s0, s9  }
0x9: {  	s11 =	sadd.s32 s9, s6;
	s23 =	sadd.s32 s1, s9;
	[dreg:$0x14] =	wrdreg s0  }
0xa: {  	s25 =	sadd.s32 $0x1E99200, s11;
	[dreg:$0x17] =	wrdreg s23  }
0xb: {  	s26 =	sadd.s32 $0x1E8F200, s11;
	[dreg:$0x5] =	wrdreg s25  }
0xc: {  	s28 =	sadd.s32 $0x1E8FA00, s11;
	[dreg:$0x6] =	wrdreg s26  }
0xd: {  	s29 =	sadd.s32 $0x1E90200, s11;
	[dreg:$0x7] =	wrdreg s28  }
0xe: {  	s31 =	sadd.s32 $0x1E90A00, s11;
	[dreg:$0x8] =	wrdreg s29  }
0xf: {  	s10 =	sadd.s32 $0x1E91200, s11;
	[dreg:$0xa] =	wrdreg s31  }
0x10: {  	s12 =	sadd.s32 $0x1E91A00, s11;
	[dreg:$0xb] =	wrdreg s10  }
0x11: {  	s13 =	sadd.s32 $0x1E92200, s11;
	[dreg:$0xc] =	wrdreg s12  }
0x12: {  	s15 =	sadd.s32 $0x1E92A00, s11;
	[dreg:$0xd] =	wrdreg s13  }
0x13: {  	s16 =	sadd.s32 $0x1E93200, s11;
	[dreg:$0xe] =	wrdreg s15  }
0x14: {  	s18 =	sadd.s32 $0x1E94200, s11;
	[dreg:$0xf] =	wrdreg s16  }
0x15: {  	s19 =	sadd.s32 $0x1E94A00, s11;
	[dreg:$0x11] =	wrdreg s18  }
0x16: {  	s20 =	sadd.s32 $0x1E95200, s11;
	[dreg:$0x12] =	wrdreg s19  }
0x17: {  	s3 =	sadd.s32 $0xAA00, s6;
	s21 =	sadd.s32 $0x1E95A00, s11;
	[dreg:$0x13] =	wrdreg s20  }
0x18: {  	s4 =	sadd.s32 $0xF4CE00, s6;
	s22 =	sadd.s32 $0x1E96200, s11;
	[dreg:$0x15] =	wrdreg s21  }
0x19: {  	s14 =	ssub.s32 $0x2, s7;
	s24 =	sadd.s32 $0x1E96A00, s11;
	[dreg:$0x16] =	wrdreg s22  }
0x1a: {  	s8 =	smul.u32 $0x500, s8;
	s10 =	sadd.s32 $0x1E93A00, s11;
	[dreg:$0x18] =	wrdreg s24  }
0x1b: {  	s17 =	sshrl.u32 s14, $0x1;
	s25 =	sadd.s32 $0x1E97200, s11;
	[dreg:$0x10] =	wrdreg s10  }
0x1c: {  	s6 =	ssub.s32 s14, s17;
	s26 =	sadd.s32 s30, s8;
	[dreg:$0x19] =	wrdreg s25  }
0x1d: {  	s1 =	simm.s32 $0x0;
	s28 =	sadd.s32 $0x1E97A00, s11;
	[dreg:$0x1a] =	wrdreg s26  }
0x1e: {  	v0 =	vlaneseq.u32;
	s23 =	simm.s32 $0x16900;
	s29 =	sadd.s32 $0x1E98200, s11;
	[dreg:$0x1b] =	wrdreg s28  }
0x1f: {  	v2 =	vmul.u32 $0x10, v0;
	v0 =	vmul.u32 $0x200, v0;
	s30 =	sadd.s32 $0x1E98A00, s11;
	s31 =	smax.u32 s6, $0x1;
	[dreg:$0x1c] =	wrdreg s29  }
0x20: {  	vm0 =	vcmask $0x1310;
	s22 =	simm.s32 $0x19100;
	s24 =	simm.s32 $0x16700;
	[dreg:$0x1d] =	wrdreg s30  }
0x21: {  	v1 =	vor.u32 $0xF, v2;
	v2 =	vor.u32 $0x10F, v2;
	v3 =	vor.u32 $0x2000, v0;
	[dreg:$0x1e] =	wrdreg s31;
	s10 =	simm.s32 $0x3;
	s26 =	simm.s32 $0x0  }
.LBB2_1:
0x22: {  	[dreg:$0x1f] =	wrdreg s1  }
0x23: {  	s0 =	rddreg [dreg:$0x14]  }
0x24: {  	[tilespmem:s2], [sflag:$0x3] =	stream.linear.gather [hbm4b:s0+s2], $0x200, $0x38;
	[tilespmem:$0x19380] =	vst v63  }
0x25: {  	_ =	swait.ge [sflag:s10], $0x200  }
0x26: {  	[sflag:s10] =	ssyncset.done $0x0  }
0x27: {  	s20 =	simm.s32 $0x200;
	s19 =	rddreg [dreg:$0x17];
	[sflag:s10] =	ssyncadd.s32 $0xFFFFFE00  }
0x28: {  	[tilespmem:s20], [sflag:$0x3] =	stream.linear.gather [hbm4b:s19+s2], $0x200, $0x38;
	[tilespmem:$0x19380] =	vst v63  }
0x29: {  	_ =	swait.ge [sflag:s10], $0x200  }
0x2a: {  	[sflag:s10] =	ssyncset.done $0x0  }
0x2b: {  	s28 =	simm.s32 $0x400;
	s21 =	rddreg [dreg:$0x1a];
	[sflag:s10] =	ssyncadd.s32 $0xFFFFFE00  }
0x2c: {  	[tilespmem:s28], [sflag:$0x3] =	stream.linear.gather [hbm4b:s21+s2], $0x140, $0x38;
	[tilespmem:$0x19380] =	vst v63  }
0x2d: {  	_ =	swait.ge [sflag:s10], $0x140  }
0x2e: {  	[sflag:s10] =	ssyncset.done $0x0  }
0x2f: {  	[sflag:s10] =	ssyncadd.s32 $0xFFFFFEC0  }
0x30: {  	v4 =	vld [tilespmem:$0x0];
	_ =	sdelay $0x4  }
0x31: {  	v5 =	vshll.u32 v4, $0x4  }
0x32: {  	(v2sf) =	vpush v5, $0x0;
	_ =	sdelay $0x4  }
0x33: {  	v6 =	vld [tilespmem:$0x200];
	_ =	sdelay $0x4  }
0x34: {  	v4 =	vshll.u32 v6, $0x4  }
0x35: {  	(v2sf) =	vpush v4, $0x0  }
0x36: {  	(v2sf) =	vpush v5, $0x1;
	_ =	sdelay $0x1  }
0x37: {  	(v2sf) =	vpush v4, $0x1  }
0x38: {  	s25 =	spop (v2sf);
	(v2sf) =	vpush v5, $0x2;
	_ =	sdelay $0x1  }
0x39: {  	(v2sf) =	vpush v4, $0x2;
	_ =	sdelay $0x1  }
0x3a: {  	(v2sf) =	vpush v5, $0x3;
	_ =	sdelay $0x2  }
0x3b: {  	(v2sf) =	vpush v4, $0x3;
	_ =	sdelay $0x3  }
0x3c: {  	s0 =	sand.u32 $0x1FFFFFF0, s25;
	s30 =	spop (v2sf)  }
0x3d: {  	s29 =	simm.s32 $0x700;
	s0 =	sadd.s32 s3, s0;
	s5 =	spop (v2sf)  }
0x3e: {  	[tilespmem:s29], [sflag:$0x1] =	stream.linear.gather [hbm4b:s0+s2], $0x80, $0x38;
	[tilespmem:$0x19380] =	vst v63  }
0x3f: {  	s7 =	spop (v2sf)  }
0x40: {  	s9 =	spop (v2sf);
	(v2sf) =	vpush v5, $0x4  }
0x41: {  	s0 =	sand.u32 $0x1FFFFFF0, s30  }
0x42: {  	s31 =	simm.s32 $0xF00;
	s0 =	sadd.s32 s4, s0;
	s12 =	spop (v2sf);
	(v2sf) =	vpush v4, $0x4  }
0x43: {  	[tilespmem:s31], [sflag:$0x1] =	stream.linear.gather [hbm4b:s0+s2], $0x80, $0x38;
	[tilespmem:$0x19380] =	vst v63  }
0x44: {  	s0 =	sand.u32 $0x1FFFFFF0, s5;
	s14 =	spop (v2sf);
	(v2sf) =	vpush v5, $0x5  }
0x45: {  	s6 =	simm.s32 $0x780;
	s0 =	sadd.s32 s3, s0  }
0x46: {  	[tilespmem:s6], [sflag:$0x1] =	stream.linear.gather [hbm4b:s0+s2], $0x80, $0x38;
	[tilespmem:$0x19380] =	vst v63  }
0x47: {  	s16 =	spop (v2sf);
	(v2sf) =	vpush v4, $0x5  }
0x48: {  	s0 =	sand.u32 $0x1FFFFFF0, s7  }
0x49: {  	s8 =	simm.s32 $0xF80;
	s0 =	sadd.s32 s4, s0  }
0x4a: {  	[tilespmem:s8], [sflag:$0x1] =	stream.linear.gather [hbm4b:s0+s2], $0x80, $0x38;
	[tilespmem:$0x19380] =	vst v63  }
0x4b: {  	s0 =	sand.u32 $0x1FFFFFF0, s9  }
0x4c: {  	s11 =	simm.s32 $0x800;
	s0 =	sadd.s32 s3, s0  }
0x4d: {  	[tilespmem:s11], [sflag:$0x1] =	stream.linear.gather [hbm4b:s0+s2], $0x80, $0x38;
	[tilespmem:$0x19380] =	vst v63  }
0x4e: {  	s0 =	sand.u32 $0x1FFFFFF0, s12  }
0x4f: {  	s13 =	simm.s32 $0x1000;
	s0 =	sadd.s32 s4, s0;
	s18 =	spop (v2sf);
	(v2sf) =	vpush v5, $0x6  }
0x50: {  	[tilespmem:s13], [sflag:$0x1] =	stream.linear.gather [hbm4b:s0+s2], $0x80, $0x38;
	[tilespmem:$0x19380] =	vst v63  }
0x51: {  	s20 =	spop (v2sf);
	(v2sf) =	vpush v4, $0x6  }
0x52: {  	s0 =	sand.u32 $0x1FFFFFF0, s14  }
0x53: {  	s15 =	simm.s32 $0x880;
	s0 =	sadd.s32 s3, s0;
	s25 =	spop (v2sf);
	(v2sf) =	vpush v5, $0x7  }
0x54: {  	[tilespmem:s15], [sflag:$0x1] =	stream.linear.gather [hbm4b:s0+s2], $0x80, $0x38;
	[tilespmem:$0x19380] =	vst v63  }
0x55: {  	s0 =	sand.u32 $0x1FFFFFF0, s16  }
0x56: {  	s17 =	simm.s32 $0x1080;
	s0 =	sadd.s32 s4, s0;
	s30 =	spop (v2sf);
	(v2sf) =	vpush v4, $0x7  }
0x57: {  	[tilespmem:s17], [sflag:$0x1] =	stream.linear.gather [hbm4b:s0+s2], $0x80, $0x38;
	[tilespmem:$0x19380] =	vst v63  }
0x58: {  	s0 =	sand.u32 $0x1FFFFFF0, s18  }
0x59: {  	s19 =	simm.s32 $0x900;
	s0 =	sadd.s32 s3, s0  }
0x5a: {  	[tilespmem:s19], [sflag:$0x1] =	stream.linear.gather [hbm4b:s0+s2], $0x80, $0x38;
	[tilespmem:$0x19380] =	vst v63  }
0x5b: {  	s0 =	sand.u32 $0x1FFFFFF0, s20  }
0x5c: {  	s21 =	simm.s32 $0x1100;
	s0 =	sadd.s32 s4, s0  }
0x5d: {  	[tilespmem:s21], [sflag:$0x1] =	stream.linear.gather [hbm4b:s0+s2], $0x80, $0x38;
	[tilespmem:$0x19380] =	vst v63  }
0x5e: {  	s5 =	spop (v2sf);
	(v2sf) =	vpush v5, $0x8  }
0x5f: {  	s0 =	sand.u32 $0x1FFFFFF0, s25  }
0x60: {  	s29 =	simm.s32 $0x980;
	s0 =	sadd.s32 s3, s0;
	s7 =	spop (v2sf);
	(v2sf) =	vpush v4, $0x8  }
0x61: {  	[tilespmem:s29], [sflag:$0x1] =	stream.linear.gather [hbm4b:s0+s2], $0x80, $0x38;
	[tilespmem:$0x19380] =	vst v63  }
0x62: {  	s0 =	sand.u32 $0x1FFFFFF0, s30;
	s9 =	spop (v2sf);
	(v2sf) =	vpush v5, $0x9  }
0x63: {  	s31 =	simm.s32 $0x1180;
	s0 =	sadd.s32 s4, s0  }
0x64: {  	[tilespmem:s31], [sflag:$0x1] =	stream.linear.gather [hbm4b:s0+s2], $0x80, $0x38;
	[tilespmem:$0x19380] =	vst v63  }
0x65: {  	s12 =	spop (v2sf);
	(v2sf) =	vpush v4, $0x9  }
0x66: {  	s0 =	sand.u32 $0x1FFFFFF0, s5  }
0x67: {  	s6 =	simm.s32 $0xA00;
	s0 =	sadd.s32 s3, s0  }
0x68: {  	[tilespmem:s6], [sflag:$0x1] =	stream.linear.gather [hbm4b:s0+s2], $0x80, $0x38;
	[tilespmem:$0x19380] =	vst v63  }
0x69: {  	s0 =	sand.u32 $0x1FFFFFF0, s7  }
0x6a: {  	s8 =	simm.s32 $0x1200;
	s0 =	sadd.s32 s4, s0  }
0x6b: {  	[tilespmem:s8], [sflag:$0x1] =	stream.linear.gather [hbm4b:s0+s2], $0x80, $0x38;
	[tilespmem:$0x19380] =	vst v63  }
0x6c: {  	s0 =	sand.u32 $0x1FFFFFF0, s9  }
0x6d: {  	s11 =	simm.s32 $0xA80;
	s0 =	sadd.s32 s3, s0;
	s14 =	spop (v2sf);
	(v2sf) =	vpush v5, $0xA  }
0x6e: {  	[tilespmem:s11], [sflag:$0x1] =	stream.linear.gather [hbm4b:s0+s2], $0x80, $0x38;
	[tilespmem:$0x19380] =	vst v63  }
0x6f: {  	s16 =	spop (v2sf);
	(v2sf) =	vpush v4, $0xA  }
0x70: {  	s0 =	sand.u32 $0x1FFFFFF0, s12  }
0x71: {  	s13 =	simm.s32 $0x1280;
	s0 =	sadd.s32 s4, s0;
	s18 =	spop (v2sf);
	(v2sf) =	vpush v5, $0xB  }
0x72: {  	[tilespmem:s13], [sflag:$0x1] =	stream.linear.gather [hbm4b:s0+s2], $0x80, $0x38;
	[tilespmem:$0x19380] =	vst v63  }
0x73: {  	s0 =	sand.u32 $0x1FFFFFF0, s14  }
0x74: {  	s15 =	simm.s32 $0xB00;
	s0 =	sadd.s32 s3, s0;
	s20 =	spop (v2sf);
	(v2sf) =	vpush v4, $0xB  }
0x75: {  	[tilespmem:s15], [sflag:$0x1] =	stream.linear.gather [hbm4b:s0+s2], $0x80, $0x38;
	[tilespmem:$0x19380] =	vst v63  }
0x76: {  	s0 =	sand.u32 $0x1FFFFFF0, s16  }
0x77: {  	s17 =	simm.s32 $0x1300;
	s0 =	sadd.s32 s4, s0  }
0x78: {  	[tilespmem:s17], [sflag:$0x1] =	stream.linear.gather [hbm4b:s0+s2], $0x80, $0x38;
	[tilespmem:$0x19380] =	vst v63  }
0x79: {  	s0 =	sand.u32 $0x1FFFFFF0, s18  }
0x7a: {  	s19 =	simm.s32 $0xB80;
	s0 =	sadd.s32 s3, s0  }
0x7b: {  	[tilespmem:s19], [sflag:$0x1] =	stream.linear.gather [hbm4b:s0+s2], $0x80, $0x38;
	[tilespmem:$0x19380] =	vst v63  }
0x7c: {  	s25 =	spop (v2sf);
	(v2sf) =	vpush v5, $0xC  }
0x7d: {  	s0 =	sand.u32 $0x1FFFFFF0, s20  }
0x7e: {  	s21 =	simm.s32 $0x1380;
	s0 =	sadd.s32 s4, s0;
	s30 =	spop (v2sf);
	(v2sf) =	vpush v4, $0xC  }
0x7f: {  	[tilespmem:s21], [sflag:$0x1] =	stream.linear.gather [hbm4b:s0+s2], $0x80, $0x38;
	[tilespmem:$0x19380] =	vst v63  }
0x80: {  	s0 =	sand.u32 $0x1FFFFFF0, s25;
	s5 =	spop (v2sf);
	(v2sf) =	vpush v5, $0xD  }
0x81: {  	s29 =	simm.s32 $0xC00;
	s0 =	sadd.s32 s3, s0  }
0x82: {  	[tilespmem:s29], [sflag:$0x1] =	stream.linear.gather [hbm4b:s0+s2], $0x80, $0x38;
	[tilespmem:$0x19380] =	vst v63  }
0x83: {  	s7 =	spop (v2sf);
	(v2sf) =	vpush v4, $0xD  }
0x84: {  	s0 =	sand.u32 $0x1FFFFFF0, s30  }
0x85: {  	s31 =	simm.s32 $0x1400;
	s0 =	sadd.s32 s4, s0  }
0x86: {  	[tilespmem:s31], [sflag:$0x1] =	stream.linear.gather [hbm4b:s0+s2], $0x80, $0x38;
	[tilespmem:$0x19380] =	vst v63  }
0x87: {  	s0 =	sand.u32 $0x1FFFFFF0, s5  }
0x88: {  	s6 =	simm.s32 $0xC80;
	s0 =	sadd.s32 s3, s0  }
0x89: {  	[tilespmem:s6], [sflag:$0x1] =	stream.linear.gather [hbm4b:s0+s2], $0x80, $0x38;
	[tilespmem:$0x19380] =	vst v63  }
0x8a: {  	s0 =	sand.u32 $0x1FFFFFF0, s7  }
0x8b: {  	s8 =	simm.s32 $0x1480;
	s0 =	sadd.s32 s4, s0;
	s9 =	spop (v2sf);
	(v2sf) =	vpush v5, $0xE  }
0x8c: {  	[tilespmem:s8], [sflag:$0x1] =	stream.linear.gather [hbm4b:s0+s2], $0x80, $0x38;
	[tilespmem:$0x19380] =	vst v63  }
0x8d: {  	s12 =	spop (v2sf);
	(v2sf) =	vpush v4, $0xE  }
0x8e: {  	s0 =	sand.u32 $0x1FFFFFF0, s9  }
0x8f: {  	s11 =	simm.s32 $0xD00;
	s0 =	sadd.s32 s3, s0;
	s14 =	spop (v2sf)  }
0x90: {  	(v2sf) =	vpush v5, $0xF;
	[tilespmem:s11], [sflag:$0x1] =	stream.linear.gather [hbm4b:s0+s2], $0x80, $0x38;
	[tilespmem:$0x19380] =	vst v63  }
0x91: {  	s0 =	sand.u32 $0x1FFFFFF0, s12  }
0x92: {  	s13 =	simm.s32 $0x1500;
	s16 =	spop (v2sf);
	s0 =	sadd.s32 s4, s0  }
0x93: {  	(v2sf) =	vpush v4, $0xF;
	[tilespmem:s13], [sflag:$0x1] =	stream.linear.gather [hbm4b:s0+s2], $0x80, $0x38;
	[tilespmem:$0x19380] =	vst v63  }
0x94: {  	s0 =	sand.u32 $0x1FFFFFF0, s14  }
0x95: {  	s15 =	simm.s32 $0xD80;
	s0 =	sadd.s32 s3, s0  }
0x96: {  	[tilespmem:s15], [sflag:$0x1] =	stream.linear.gather [hbm4b:s0+s2], $0x80, $0x38;
	[tilespmem:$0x19380] =	vst v63  }
0x97: {  	s0 =	sand.u32 $0x1FFFFFF0, s16  }
0x98: {  	s17 =	simm.s32 $0x1580;
	s0 =	sadd.s32 s4, s0  }
0x99: {  	[tilespmem:s17], [sflag:$0x1] =	stream.linear.gather [hbm4b:s0+s2], $0x80, $0x38;
	[tilespmem:$0x19380] =	vst v63  }
0x9a: {  	s18 =	spop (v2sf)  }
0x9b: {  	s0 =	sand.u32 $0x1FFFFFF0, s18  }
0x9c: {  	s19 =	simm.s32 $0xE00;
	s20 =	spop (v2sf);
	s0 =	sadd.s32 s3, s0  }
0x9d: {  	[tilespmem:s19], [sflag:$0x1] =	stream.linear.gather [hbm4b:s0+s2], $0x80, $0x38;
	[tilespmem:$0x19380] =	vst v63  }
0x9e: {  	s0 =	sand.u32 $0x1FFFFFF0, s20  }
0x9f: {  	s21 =	simm.s32 $0x1600;
	s25 =	spop (v2sf);
	s0 =	sadd.s32 s4, s0  }
0xa0: {  	[tilespmem:s21], [sflag:$0x1] =	stream.linear.gather [hbm4b:s0+s2], $0x80, $0x38;
	[tilespmem:$0x19380] =	vst v63  }
0xa1: {  	s0 =	sand.u32 $0x1FFFFFF0, s25  }
0xa2: {  	s29 =	simm.s32 $0xE80;
	s30 =	spop (v2sf);
	s0 =	sadd.s32 s3, s0  }
0xa3: {  	[tilespmem:s29], [sflag:$0x1] =	stream.linear.gather [hbm4b:s0+s2], $0x80, $0x38;
	[tilespmem:$0x19380] =	vst v63  }
0xa4: {  	s0 =	sand.u32 $0x1FFFFFF0, s30  }
0xa5: {  	s31 =	simm.s32 $0x1680;
	s0 =	sadd.s32 s4, s0  }
0xa6: {  	[tilespmem:s31], [sflag:$0x1] =	stream.linear.gather [hbm4b:s0+s2], $0x80, $0x38;
	[tilespmem:$0x19380] =	vst v63  }
0xa7: {  	v4 =	vld [tilespmem:s28+$0x0];
	_ =	sdelay $0x4  }
0xa8: {  	v4 =	vshll.u32 v4, $0x4  }
0xa9: {  	(v2sf) =	vpush v4, $0x0  }
0xaa: {  	(v2sf) =	vpush v4, $0x1  }
0xab: {  	(v2sf) =	vpush v4, $0x2;
	_ =	sdelay $0x1  }
0xac: {  	(v2sf) =	vpush v4, $0x4;
	_ =	sdelay $0x1  }
0xad: {  	(v2sf) =	vpush v4, $0x3  }
0xae: {  	(v2sf) =	vpush v4, $0x5  }
0xaf: {  	s6 =	simm.s32 $0x2000;
	s0 =	simm.s32 $0x0;
	(v2sf) =	vpush v4, $0x6  }
.LBB2_2:
0xb0: {  	p0 =	sne.s32 s6, $0x26000  }
0xb1: {  	s15 =	sadd.s32 $0x1780, s0;
	s30 =	sadd.s32 $0x1C80, s0;
	s7 =	smov.u32 s6  }
0xb2: {  	s6 =	sadd.s32 $0x2000, s6;
	s12 =	sadd.s32 $0x1A80, s0;
	s8 =	sadd.s32 $0x1D00, s0;
	(v2sf) =	vpush v4, $0x7  }
0xb3: {  	s14 =	sadd.s32 $0x1980, s0;
	s9 =	sadd.s32 $0x1B00, s0;
	s29 =	sadd.s32 $0x1D80, s0  }
0xb4: {  	s16 =	sadd.s32 $0x1700, s0;
	s17 =	sadd.s32 $0x1900, s0;
	(v2sf) =	vpush v4, $0x8  }
0xb5: {  	s31 =	sadd.s32 $0x1A00, s0;
	s28 =	sadd.s32 $0x10, s28  }
0xb6: {  	s18 =	sadd.s32 $0x1800, s0;
	s11 =	sadd.s32 $0x1C00, s0;
	s13 =	spop (v2sf);
	(v2sf) =	vpush v4, $0x9  }
0xb7: {  	s19 =	sand.u32 $0x1FFFFFF0, s13;
	s13 =	sadd.s32 $0x1B80, s0;
	s20 =	spop (v2sf)  }
0xb8: {  	s19 =	sadd.s32 s4, s19;
	s20 =	sand.u32 $0x1FFFFFF0, s20;
	s5 =	spop (v2sf);
	(v2sf) =	vpush v4, $0xA  }
0xb9: {  	[tilespmem:s16], [sflag:$0x1] =	stream.linear.gather [hbm4b:s19+s26], $0x80, $0x38;
	[tilespmem:$0x19380] =	vst v63  }
0xba: {  	s16 =	sadd.s32 s4, s20;
	s19 =	sadd.s32 $0x1880, s0;
	s20 =	spop (v2sf);
	(v2sf) =	vpush v4, $0xB  }
0xbb: {  	[tilespmem:s15], [sflag:$0x1] =	stream.linear.gather [hbm4b:s16+s26], $0x80, $0x38;
	[tilespmem:$0x19380] =	vst v63  }
0xbc: {  	s5 =	sand.u32 $0x1FFFFFF0, s5;
	s15 =	sand.u32 $0x1FFFFFF0, s20;
	s16 =	spop (v2sf);
	(v2sf) =	vpush v4, $0xC  }
0xbd: {  	s5 =	sadd.s32 s4, s5;
	s16 =	sand.u32 $0x1FFFFFF0, s16;
	s20 =	spop (v2sf)  }
0xbe: {  	[tilespmem:s18], [sflag:$0x1] =	stream.linear.gather [hbm4b:s5+s26], $0x80, $0x38;
	(v2sf) =	vpush v4, $0xD;
	[tilespmem:$0x19380] =	vst v63  }
0xbf: {  	s5 =	sadd.s32 s4, s16;
	s16 =	sand.u32 $0x1FFFFFF0, s20;
	s18 =	spop (v2sf)  }
0xc0: {  	[tilespmem:s19], [sflag:$0x1] =	stream.linear.gather [hbm4b:s5+s26], $0x80, $0x38;
	(v2sf) =	vpush v4, $0xE;
	[tilespmem:$0x19380] =	vst v63  }
0xc1: {  	s5 =	sadd.s32 s4, s15;
	s15 =	sand.u32 $0x1FFFFFF0, s18;
	s18 =	spop (v2sf)  }
0xc2: {  	[tilespmem:s17], [sflag:$0x1] =	stream.linear.gather [hbm4b:s5+s26], $0x80, $0x38;
	(v2sf) =	vpush v4, $0xF;
	[tilespmem:$0x19380] =	vst v63  }
0xc3: {  	s5 =	sadd.s32 s4, s16;
	s16 =	sand.u32 $0x1FFFFFF0, s18;
	s17 =	spop (v2sf)  }
0xc4: {  	[tilespmem:s14], [sflag:$0x1] =	stream.linear.gather [hbm4b:s5+s26], $0x80, $0x38;
	[tilespmem:$0x19380] =	vst v63  }
0xc5: {  	s5 =	sadd.s32 s4, s15;
	s14 =	sand.u32 $0x1FFFFFF0, s17;
	s15 =	spop (v2sf)  }
0xc6: {  	[tilespmem:s31], [sflag:$0x1] =	stream.linear.gather [hbm4b:s5+s26], $0x80, $0x38;
	[tilespmem:$0x19380] =	vst v63  }
0xc7: {  	s5 =	sadd.s32 s4, s16;
	s15 =	sand.u32 $0x1FFFFFF0, s15;
	s16 =	spop (v2sf)  }
0xc8: {  	[tilespmem:s12], [sflag:$0x1] =	stream.linear.gather [hbm4b:s5+s26], $0x80, $0x38;
	[tilespmem:$0x19380] =	vst v63  }
0xc9: {  	s5 =	sadd.s32 s4, s14;
	s12 =	sand.u32 $0x1FFFFFF0, s16;
	s14 =	spop (v2sf)  }
0xca: {  	[tilespmem:s9], [sflag:$0x1] =	stream.linear.gather [hbm4b:s5+s26], $0x80, $0x38;
	[tilespmem:$0x19380] =	vst v63  }
0xcb: {  	s5 =	sadd.s32 s4, s15;
	s9 =	sand.u32 $0x1FFFFFF0, s14;
	s14 =	spop (v2sf)  }
0xcc: {  	[tilespmem:s13], [sflag:$0x1] =	stream.linear.gather [hbm4b:s5+s26], $0x80, $0x38;
	[tilespmem:$0x19380] =	vst v63  }
0xcd: {  	s5 =	sadd.s32 s4, s12;
	s12 =	sand.u32 $0x1FFFFFF0, s14;
	s13 =	spop (v2sf)  }
0xce: {  	[tilespmem:s11], [sflag:$0x1] =	stream.linear.gather [hbm4b:s5+s26], $0x80, $0x38;
	[tilespmem:$0x19380] =	vst v63  }
0xcf: {  	s5 =	sadd.s32 s4, s9;
	s9 =	sand.u32 $0x1FFFFFF0, s13;
	s11 =	spop (v2sf)  }
0xd0: {  	[tilespmem:s30], [sflag:$0x1] =	stream.linear.gather [hbm4b:s5+s26], $0x80, $0x38;
	[tilespmem:$0x19380] =	vst v63  }
0xd1: {  	s5 =	sadd.s32 s4, s12;
	s11 =	sand.u32 $0x1FFFFFF0, s11;
	s12 =	spop (v2sf)  }
0xd2: {  	[tilespmem:s8], [sflag:$0x1] =	stream.linear.gather [hbm4b:s5+s26], $0x80, $0x38;
	[tilespmem:$0x19380] =	vst v63  }
0xd3: {  	s5 =	sadd.s32 s4, s9;
	s8 =	sand.u32 $0x1FFFFFF0, s12  }
0xd4: {  	[tilespmem:s29], [sflag:$0x1] =	stream.linear.gather [hbm4b:s5+s26], $0x80, $0x38;
	[tilespmem:$0x19380] =	vst v63  }
0xd5: {  	s9 =	sadd.s32 s4, s11;
	s5 =	sadd.s32 $0x1E00, s0  }
0xd6: {  	[tilespmem:s5], [sflag:$0x1] =	stream.linear.gather [hbm4b:s9+s26], $0x80, $0x38;
	[tilespmem:$0x19380] =	vst v63  }
0xd7: {  	s0 =	sadd.s32 $0x1E80, s0;
	s5 =	sadd.s32 s4, s8  }
0xd8: {  	[tilespmem:s0], [sflag:$0x1] =	stream.linear.gather [hbm4b:s5+s26], $0x80, $0x38;
	[tilespmem:$0x19380] =	vst v63  }
0xd9: {  	v4 =	vld [tilespmem:s28+$0x0];
	_ =	sdelay $0x4  }
0xda: {  	v4 =	vshll.u32 v4, $0x4  }
0xdb: {  	(v2sf) =	vpush v4, $0x0  }
0xdc: {  	(v2sf) =	vpush v4, $0x1  }
0xdd: {  	(v2sf) =	vpush v4, $0x2;
	_ =	sdelay $0x1  }
0xde: {  	(v2sf) =	vpush v4, $0x4  }
.Ltmp0:
0xdf: {  	(pc) =	sbr.rel @p0 .LBB2_2-.Ltmp0, $3  }
0xe0: {  	(v2sf) =	vpush v4, $0x3  }
0xe1: {  	(v2sf) =	vpush v4, $0x5;
	_ =	sdelay $0x1  }
0xe2: {  	s0 =	sshra.s32 s7, $0x2;
	(v2sf) =	vpush v4, $0x6  }
0xe3: {  	_ = 	snop  }
0xe4: {  	s5 =	sadd.s32 $0x1780, s0  }
0xe5: {  	s8 =	sadd.s32 $0x1C80, s0;
	s9 =	sadd.s32 $0x1A80, s0;
	s6 =	sadd.s32 $0x1D00, s0  }
0xe6: {  	(v2sf) =	vpush v4, $0x7;
	s11 =	sadd.s32 $0x1980, s0;
	s12 =	sadd.s32 $0x1B00, s0;
	s7 =	sadd.s32 $0x1D80, s0  }
0xe7: {  	s13 =	sadd.s32 $0x1700, s0;
	s14 =	sadd.s32 $0x1900, s0;
	s15 =	sadd.s32 $0x1A00, s0  }
0xe8: {  	s17 =	sadd.s32 $0x1800, s0;
	s20 =	sadd.s32 $0x1880, s0;
	(v2sf) =	vpush v4, $0x8;
	s16 =	spop (v2sf)  }
0xe9: {  	s28 =	simm.s32 $0x10;
	s16 =	sand.u32 $0x1FFFFFF0, s16;
	s18 =	spop (v2sf)  }
0xea: {  	(v2sf) =	vpush v4, $0x9;
	s16 =	sadd.s32 s4, s16;
	s18 =	sand.u32 $0x1FFFFFF0, s18;
	s19 =	spop (v2sf)  }
0xeb: {  	[tilespmem:s13], [sflag:$0x1] =	stream.linear.gather [hbm4b:s16+s26], $0x80, $0x38;
	[tilespmem:$0x19380] =	vst v63  }
0xec: {  	s30 =	simm.s32 $0x0;
	(v2sf) =	vpush v4, $0xA;
	s31 =	sadd.s32 s4, s18;
	s1 =	spop (v2sf)  }
0xed: {  	[tilespmem:s5], [sflag:$0x1] =	stream.linear.gather [hbm4b:s31+s26], $0x80, $0x38;
	[tilespmem:$0x19380] =	vst v63  }
0xee: {  	s13 =	sadd.s32 $0x1C00, s0;
	s19 =	sand.u32 $0x1FFFFFF0, s19;
	(v2sf) =	vpush v4, $0xB;
	s21 =	spop (v2sf)  }
0xef: {  	s16 =	sadd.s32 s4, s19;
	s5 =	sadd.s32 $0x1B80, s0;
	s19 =	sand.u32 $0x1FFFFFF0, s21  }
0xf0: {  	(v2sf) =	vpush v4, $0xC;
	[tilespmem:s17], [sflag:$0x1] =	stream.linear.gather [hbm4b:s16+s26], $0x80, $0x38;
	[tilespmem:$0x19380] =	vst v63  }
0xf1: {  	s25 =	sand.u32 $0x1FFFFFF0, s1;
	s29 =	spop (v2sf);
	s31 =	sadd.s32 s4, s19  }
0xf2: {  	(v2sf) =	vpush v4, $0xD;
	[tilespmem:s20], [sflag:$0x1] =	stream.linear.gather [hbm4b:s31+s26], $0x80, $0x38;
	[tilespmem:$0x19380] =	vst v63  }
0xf3: {  	s16 =	sadd.s32 s4, s25;
	s17 =	sand.u32 $0x1FFFFFF0, s29;
	s1 =	spop (v2sf)  }
0xf4: {  	(v2sf) =	vpush v4, $0xE;
	[tilespmem:s14], [sflag:$0x1] =	stream.linear.gather [hbm4b:s16+s26], $0x80, $0x38;
	[tilespmem:$0x19380] =	vst v63  }
0xf5: {  	s17 =	sadd.s32 s4, s17;
	s18 =	sand.u32 $0x1FFFFFF0, s1;
	s19 =	spop (v2sf)  }
0xf6: {  	(v2sf) =	vpush v4, $0xF;
	[tilespmem:s11], [sflag:$0x1] =	stream.linear.gather [hbm4b:s17+s26], $0x80, $0x38;
	[tilespmem:$0x19380] =	vst v63  }
0xf7: {  	s20 =	sand.u32 $0x1FFFFFF0, s19;
	s21 =	spop (v2sf);
	s14 =	sadd.s32 s4, s18  }
0xf8: {  	[tilespmem:s15], [sflag:$0x1] =	stream.linear.gather [hbm4b:s14+s26], $0x80, $0x38;
	[tilespmem:$0x19380] =	vst v63  }
0xf9: {  	s25 =	sand.u32 $0x1FFFFFF0, s21;
	s11 =	sadd.s32 s4, s20;
	s29 =	spop (v2sf)  }
0xfa: {  	[tilespmem:s9], [sflag:$0x1] =	stream.linear.gather [hbm4b:s11+s26], $0x80, $0x38;
	[tilespmem:$0x19380] =	vst v63  }
0xfb: {  	s14 =	sadd.s32 s4, s25;
	s31 =	sand.u32 $0x1FFFFFF0, s29;
	s1 =	spop (v2sf)  }
0xfc: {  	[tilespmem:s12], [sflag:$0x1] =	stream.linear.gather [hbm4b:s14+s26], $0x80, $0x38;
	[tilespmem:$0x19380] =	vst v63  }
0xfd: {  	s11 =	sand.u32 $0x1FFFFFF0, s1;
	s9 =	sadd.s32 s4, s31;
	s14 =	spop (v2sf)  }
0xfe: {  	[tilespmem:s5], [sflag:$0x1] =	stream.linear.gather [hbm4b:s9+s26], $0x80, $0x38;
	[tilespmem:$0x19380] =	vst v63  }
0xff: {  	s11 =	sadd.s32 s4, s11;
	s15 =	sand.u32 $0x1FFFFFF0, s14;
	s16 =	spop (v2sf)  }
0x100: {  	[tilespmem:s13], [sflag:$0x1] =	stream.linear.gather [hbm4b:s11+s26], $0x80, $0x38;
	[tilespmem:$0x19380] =	vst v63  }
0x101: {  	s5 =	sadd.s32 s4, s15;
	s9 =	sand.u32 $0x1FFFFFF0, s16;
	s17 =	spop (v2sf)  }
0x102: {  	[tilespmem:s8], [sflag:$0x1] =	stream.linear.gather [hbm4b:s5+s26], $0x80, $0x38;
	[tilespmem:$0x19380] =	vst v63  }
0x103: {  	s18 =	sand.u32 $0x1FFFFFF0, s17;
	s9 =	sadd.s32 s4, s9;
	s19 =	spop (v2sf)  }
0x104: {  	[tilespmem:s6], [sflag:$0x1] =	stream.linear.gather [hbm4b:s9+s26], $0x80, $0x38;
	[tilespmem:$0x19380] =	vst v63  }
0x105: {  	s20 =	sand.u32 $0x1FFFFFF0, s19;
	s21 =	spop (v2sf);
	s5 =	sadd.s32 s4, s18  }
0x106: {  	[tilespmem:s7], [sflag:$0x1] =	stream.linear.gather [hbm4b:s5+s26], $0x80, $0x38;
	[tilespmem:$0x19380] =	vst v63  }
0x107: {  	s29 =	sadd.s32 $0x1E00, s0;
	s25 =	sand.u32 $0x1FFFFFF0, s21;
	s6 =	sadd.s32 s4, s20  }
0x108: {  	[tilespmem:s29], [sflag:$0x1] =	stream.linear.gather [hbm4b:s6+s26], $0x80, $0x38;
	[tilespmem:$0x19380] =	vst v63  }
0x109: {  	s31 =	sadd.s32 $0x1E80, s0;
	s5 =	sadd.s32 s4, s25;
	s7 =	simm.s32 $0x0  }
0x10a: {  	[tilespmem:s31], [sflag:$0x1] =	stream.linear.gather [hbm4b:s5+s26], $0x80, $0x38;
	[tilespmem:$0x19380] =	vst v63  }
.LBB2_4:
0x10b: {  	s31 =	sshll.u32 s30, $0x5  }
0x10c: {  	s1 =	rddreg [dreg:$0x4];
	s0 =	sor.u32 $0x10, s31  }
0x10d: {  	s0 =	sadd.s32 s1, s0  }
0x10e: {  	s0 =	smul.u32 $0x14, s0;
	_ =	sdelay $0x1  }
0x10f: {  	s5 =	rddreg [dreg:$0x9];
	s0 =	sshrl.u32 s0, $0x3  }
0x110: {  	s5 =	sadd.s32 s5, s0;
	s0 =	simm.s32 $0x580  }
0x111: {  	[tilespmem:s0], [sflag:$0x3] =	stream.linear.gather [hbm4b:s5+s26], $0x140, $0x38;
	[tilespmem:$0x19380] =	vst v63  }
0x112: {  	_ =	swait.ge [sflag:s10], $0x140  }
0x113: {  	[sflag:s10] =	ssyncset.done $0x0  }
0x114: {  	[sflag:s10] =	ssyncadd.s32 $0xFFFFFEC0  }
0x115: {  	v4 =	vld [tilespmem:s31+$0x10];
	_ =	sdelay $0x4  }
0x116: {  	v5 =	vshll.u32 v4, $0x4  }
0x117: {  	(v2sf) =	vpush v5, $0x0;
	_ =	sdelay $0x4  }
0x118: {  	v6 =	vld [tilespmem:s31+$0x210];
	_ =	sdelay $0x4  }
0x119: {  	v4 =	vshll.u32 v6, $0x4  }
0x11a: {  	(v2sf) =	vpush v4, $0x0  }
0x11b: {  	(v2sf) =	vpush v5, $0x1;
	_ =	sdelay $0x1  }
0x11c: {  	(v2sf) =	vpush v4, $0x1  }
0x11d: {  	s6 =	spop (v2sf);
	(v2sf) =	vpush v5, $0x2;
	_ =	sdelay $0x1  }
0x11e: {  	(v2sf) =	vpush v4, $0x2;
	_ =	sdelay $0x1  }
0x11f: {  	(v2sf) =	vpush v5, $0x3;
	_ =	sdelay $0x2  }
0x120: {  	(v2sf) =	vpush v4, $0x3;
	_ =	sdelay $0x3  }
0x121: {  	s5 =	sand.u32 $0x1FFFFFF0, s6;
	s9 =	spop (v2sf)  }
0x122: {  	s8 =	simm.s32 $0xB700;
	s5 =	sadd.s32 s3, s5;
	s11 =	spop (v2sf)  }
0x123: {  	[tilespmem:s8], [sflag:$0x2] =	stream.linear.gather [hbm4b:s5+s26], $0x80, $0x38;
	[tilespmem:$0x19380] =	vst v63  }
0x124: {  	s13 =	spop (v2sf)  }
0x125: {  	s15 =	spop (v2sf);
	(v2sf) =	vpush v5, $0x4  }
0x126: {  	s5 =	sand.u32 $0x1FFFFFF0, s9  }
0x127: {  	s10 =	simm.s32 $0xBF00;
	s5 =	sadd.s32 s4, s5;
	s17 =	spop (v2sf);
	(v2sf) =	vpush v4, $0x4  }
0x128: {  	[tilespmem:s10], [sflag:$0x2] =	stream.linear.gather [hbm4b:s5+s26], $0x80, $0x38;
	[tilespmem:$0x19380] =	vst v63  }
0x129: {  	s5 =	sand.u32 $0x1FFFFFF0, s11;
	s19 =	spop (v2sf);
	(v2sf) =	vpush v5, $0x5  }
0x12a: {  	s12 =	simm.s32 $0xB780;
	s5 =	sadd.s32 s3, s5  }
0x12b: {  	[tilespmem:s12], [sflag:$0x2] =	stream.linear.gather [hbm4b:s5+s26], $0x80, $0x38;
	[tilespmem:$0x19380] =	vst v63  }
0x12c: {  	s21 =	spop (v2sf);
	(v2sf) =	vpush v4, $0x5  }
0x12d: {  	s5 =	sand.u32 $0x1FFFFFF0, s13  }
0x12e: {  	s14 =	simm.s32 $0xBF80;
	s5 =	sadd.s32 s4, s5  }
0x12f: {  	[tilespmem:s14], [sflag:$0x2] =	stream.linear.gather [hbm4b:s5+s26], $0x80, $0x38;
	[tilespmem:$0x19380] =	vst v63  }
0x130: {  	s5 =	sand.u32 $0x1FFFFFF0, s15  }
0x131: {  	s16 =	simm.s32 $0xB800;
	s5 =	sadd.s32 s3, s5  }
0x132: {  	[tilespmem:s16], [sflag:$0x2] =	stream.linear.gather [hbm4b:s5+s26], $0x80, $0x38;
	[tilespmem:$0x19380] =	vst v63  }
0x133: {  	s5 =	sand.u32 $0x1FFFFFF0, s17  }
0x134: {  	s18 =	simm.s32 $0xC000;
	s5 =	sadd.s32 s4, s5;
	s6 =	spop (v2sf);
	(v2sf) =	vpush v5, $0x6  }
0x135: {  	[tilespmem:s18], [sflag:$0x2] =	stream.linear.gather [hbm4b:s5+s26], $0x80, $0x38;
	[tilespmem:$0x19380] =	vst v63  }
0x136: {  	s9 =	spop (v2sf);
	(v2sf) =	vpush v4, $0x6  }
0x137: {  	s5 =	sand.u32 $0x1FFFFFF0, s19  }
0x138: {  	s20 =	simm.s32 $0xB880;
	s5 =	sadd.s32 s3, s5;
	s11 =	spop (v2sf);
	(v2sf) =	vpush v5, $0x7  }
0x139: {  	[tilespmem:s20], [sflag:$0x2] =	stream.linear.gather [hbm4b:s5+s26], $0x80, $0x38;
	[tilespmem:$0x19380] =	vst v63  }
0x13a: {  	s5 =	sand.u32 $0x1FFFFFF0, s21  }
0x13b: {  	s25 =	simm.s32 $0xC080;
	s5 =	sadd.s32 s4, s5;
	s13 =	spop (v2sf);
	(v2sf) =	vpush v4, $0x7  }
0x13c: {  	[tilespmem:s25], [sflag:$0x2] =	stream.linear.gather [hbm4b:s5+s26], $0x80, $0x38;
	[tilespmem:$0x19380] =	vst v63  }
0x13d: {  	s5 =	sand.u32 $0x1FFFFFF0, s6  }
0x13e: {  	s8 =	simm.s32 $0xB900;
	s5 =	sadd.s32 s3, s5  }
0x13f: {  	[tilespmem:s8], [sflag:$0x2] =	stream.linear.gather [hbm4b:s5+s26], $0x80, $0x38;
	[tilespmem:$0x19380] =	vst v63  }
0x140: {  	s5 =	sand.u32 $0x1FFFFFF0, s9  }
0x141: {  	s10 =	simm.s32 $0xC100;
	s5 =	sadd.s32 s4, s5  }
0x142: {  	[tilespmem:s10], [sflag:$0x2] =	stream.linear.gather [hbm4b:s5+s26], $0x80, $0x38;
	[tilespmem:$0x19380] =	vst v63  }
0x143: {  	s15 =	spop (v2sf);
	(v2sf) =	vpush v5, $0x8  }
0x144: {  	s5 =	sand.u32 $0x1FFFFFF0, s11  }
0x145: {  	s12 =	simm.s32 $0xB980;
	s5 =	sadd.s32 s3, s5;
	s17 =	spop (v2sf);
	(v2sf) =	vpush v4, $0x8  }
0x146: {  	[tilespmem:s12], [sflag:$0x2] =	stream.linear.gather [hbm4b:s5+s26], $0x80, $0x38;
	[tilespmem:$0x19380] =	vst v63  }
0x147: {  	s5 =	sand.u32 $0x1FFFFFF0, s13;
	s19 =	spop (v2sf);
	(v2sf) =	vpush v5, $0x9  }
0x148: {  	s14 =	simm.s32 $0xC180;
	s5 =	sadd.s32 s4, s5  }
0x149: {  	[tilespmem:s14], [sflag:$0x2] =	stream.linear.gather [hbm4b:s5+s26], $0x80, $0x38;
	[tilespmem:$0x19380] =	vst v63  }
0x14a: {  	s21 =	spop (v2sf);
	(v2sf) =	vpush v4, $0x9  }
0x14b: {  	s5 =	sand.u32 $0x1FFFFFF0, s15  }
0x14c: {  	s16 =	simm.s32 $0xBA00;
	s5 =	sadd.s32 s3, s5  }
0x14d: {  	[tilespmem:s16], [sflag:$0x2] =	stream.linear.gather [hbm4b:s5+s26], $0x80, $0x38;
	[tilespmem:$0x19380] =	vst v63  }
0x14e: {  	s5 =	sand.u32 $0x1FFFFFF0, s17  }
0x14f: {  	s18 =	simm.s32 $0xC200;
	s5 =	sadd.s32 s4, s5  }
0x150: {  	[tilespmem:s18], [sflag:$0x2] =	stream.linear.gather [hbm4b:s5+s26], $0x80, $0x38;
	[tilespmem:$0x19380] =	vst v63  }
0x151: {  	s5 =	sand.u32 $0x1FFFFFF0, s19  }
0x152: {  	s20 =	simm.s32 $0xBA80;
	s5 =	sadd.s32 s3, s5;
	s6 =	spop (v2sf);
	(v2sf) =	vpush v5, $0xA  }
0x153: {  	[tilespmem:s20], [sflag:$0x2] =	stream.linear.gather [hbm4b:s5+s26], $0x80, $0x38;
	[tilespmem:$0x19380] =	vst v63  }
0x154: {  	s9 =	spop (v2sf);
	(v2sf) =	vpush v4, $0xA  }
0x155: {  	s5 =	sand.u32 $0x1FFFFFF0, s21  }
0x156: {  	s25 =	simm.s32 $0xC280;
	s5 =	sadd.s32 s4, s5;
	s11 =	spop (v2sf);
	(v2sf) =	vpush v5, $0xB  }
0x157: {  	[tilespmem:s25], [sflag:$0x2] =	stream.linear.gather [hbm4b:s5+s26], $0x80, $0x38;
	[tilespmem:$0x19380] =	vst v63  }
0x158: {  	s5 =	sand.u32 $0x1FFFFFF0, s6  }
0x159: {  	s8 =	simm.s32 $0xBB00;
	s5 =	sadd.s32 s3, s5;
	s13 =	spop (v2sf);
	(v2sf) =	vpush v4, $0xB  }
0x15a: {  	[tilespmem:s8], [sflag:$0x2] =	stream.linear.gather [hbm4b:s5+s26], $0x80, $0x38;
	[tilespmem:$0x19380] =	vst v63  }
0x15b: {  	s5 =	sand.u32 $0x1FFFFFF0, s9  }
0x15c: {  	s10 =	simm.s32 $0xC300;
	s5 =	sadd.s32 s4, s5  }
0x15d: {  	[tilespmem:s10], [sflag:$0x2] =	stream.linear.gather [hbm4b:s5+s26], $0x80, $0x38;
	[tilespmem:$0x19380] =	vst v63  }
0x15e: {  	s5 =	sand.u32 $0x1FFFFFF0, s11  }
0x15f: {  	s12 =	simm.s32 $0xBB80;
	s5 =	sadd.s32 s3, s5  }
0x160: {  	[tilespmem:s12], [sflag:$0x2] =	stream.linear.gather [hbm4b:s5+s26], $0x80, $0x38;
	[tilespmem:$0x19380] =	vst v63  }
0x161: {  	s15 =	spop (v2sf);
	(v2sf) =	vpush v5, $0xC  }
0x162: {  	s5 =	sand.u32 $0x1FFFFFF0, s13  }
0x163: {  	s14 =	simm.s32 $0xC380;
	s5 =	sadd.s32 s4, s5;
	s17 =	spop (v2sf);
	(v2sf) =	vpush v4, $0xC  }
0x164: {  	[tilespmem:s14], [sflag:$0x2] =	stream.linear.gather [hbm4b:s5+s26], $0x80, $0x38;
	[tilespmem:$0x19380] =	vst v63  }
0x165: {  	s5 =	sand.u32 $0x1FFFFFF0, s15;
	s19 =	spop (v2sf);
	(v2sf) =	vpush v5, $0xD  }
0x166: {  	s16 =	simm.s32 $0xBC00;
	s5 =	sadd.s32 s3, s5  }
0x167: {  	[tilespmem:s16], [sflag:$0x2] =	stream.linear.gather [hbm4b:s5+s26], $0x80, $0x38;
	[tilespmem:$0x19380] =	vst v63  }
0x168: {  	s21 =	spop (v2sf);
	(v2sf) =	vpush v4, $0xD  }
0x169: {  	s5 =	sand.u32 $0x1FFFFFF0, s17  }
0x16a: {  	s18 =	simm.s32 $0xC400;
	s5 =	sadd.s32 s4, s5  }
0x16b: {  	[tilespmem:s18], [sflag:$0x2] =	stream.linear.gather [hbm4b:s5+s26], $0x80, $0x38;
	[tilespmem:$0x19380] =	vst v63  }
0x16c: {  	s5 =	sand.u32 $0x1FFFFFF0, s19  }
0x16d: {  	s20 =	simm.s32 $0xBC80;
	s5 =	sadd.s32 s3, s5  }
0x16e: {  	[tilespmem:s20], [sflag:$0x2] =	stream.linear.gather [hbm4b:s5+s26], $0x80, $0x38;
	[tilespmem:$0x19380] =	vst v63  }
0x16f: {  	s5 =	sand.u32 $0x1FFFFFF0, s21  }
0x170: {  	s25 =	simm.s32 $0xC480;
	s5 =	sadd.s32 s4, s5;
	s6 =	spop (v2sf);
	(v2sf) =	vpush v5, $0xE  }
0x171: {  	[tilespmem:s25], [sflag:$0x2] =	stream.linear.gather [hbm4b:s5+s26], $0x80, $0x38;
	[tilespmem:$0x19380] =	vst v63  }
0x172: {  	s9 =	spop (v2sf);
	(v2sf) =	vpush v4, $0xE  }
0x173: {  	s5 =	sand.u32 $0x1FFFFFF0, s6  }
0x174: {  	s8 =	simm.s32 $0xBD00;
	s5 =	sadd.s32 s3, s5;
	s11 =	spop (v2sf)  }
0x175: {  	(v2sf) =	vpush v5, $0xF;
	[tilespmem:s8], [sflag:$0x2] =	stream.linear.gather [hbm4b:s5+s26], $0x80, $0x38;
	[tilespmem:$0x19380] =	vst v63  }
0x176: {  	s5 =	sand.u32 $0x1FFFFFF0, s9  }
0x177: {  	s10 =	simm.s32 $0xC500;
	s13 =	spop (v2sf);
	s5 =	sadd.s32 s4, s5  }
0x178: {  	(v2sf) =	vpush v4, $0xF;
	[tilespmem:s10], [sflag:$0x2] =	stream.linear.gather [hbm4b:s5+s26], $0x80, $0x38;
	[tilespmem:$0x19380] =	vst v63  }
0x179: {  	s5 =	sand.u32 $0x1FFFFFF0, s11  }
0x17a: {  	s12 =	simm.s32 $0xBD80;
	s5 =	sadd.s32 s3, s5  }
0x17b: {  	[tilespmem:s12], [sflag:$0x2] =	stream.linear.gather [hbm4b:s5+s26], $0x80, $0x38;
	[tilespmem:$0x19380] =	vst v63  }
0x17c: {  	s5 =	sand.u32 $0x1FFFFFF0, s13  }
0x17d: {  	s14 =	simm.s32 $0xC580;
	s5 =	sadd.s32 s4, s5  }
0x17e: {  	[tilespmem:s14], [sflag:$0x2] =	stream.linear.gather [hbm4b:s5+s26], $0x80, $0x38;
	[tilespmem:$0x19380] =	vst v63  }
0x17f: {  	s15 =	spop (v2sf)  }
0x180: {  	s5 =	sand.u32 $0x1FFFFFF0, s15  }
0x181: {  	s16 =	simm.s32 $0xBE00;
	s17 =	spop (v2sf);
	s5 =	sadd.s32 s3, s5  }
0x182: {  	[tilespmem:s16], [sflag:$0x2] =	stream.linear.gather [hbm4b:s5+s26], $0x80, $0x38;
	[tilespmem:$0x19380] =	vst v63  }
0x183: {  	s5 =	sand.u32 $0x1FFFFFF0, s17  }
0x184: {  	s18 =	simm.s32 $0xC600;
	s19 =	spop (v2sf);
	s5 =	sadd.s32 s4, s5  }
0x185: {  	[tilespmem:s18], [sflag:$0x2] =	stream.linear.gather [hbm4b:s5+s26], $0x80, $0x38;
	[tilespmem:$0x19380] =	vst v63  }
0x186: {  	s5 =	sand.u32 $0x1FFFFFF0, s19  }
0x187: {  	s20 =	simm.s32 $0xBE80;
	s21 =	spop (v2sf);
	s5 =	sadd.s32 s3, s5  }
0x188: {  	[tilespmem:s20], [sflag:$0x2] =	stream.linear.gather [hbm4b:s5+s26], $0x80, $0x38;
	[tilespmem:$0x19380] =	vst v63  }
0x189: {  	s5 =	sand.u32 $0x1FFFFFF0, s21  }
0x18a: {  	s25 =	simm.s32 $0xC680;
	s5 =	sadd.s32 s4, s5  }
0x18b: {  	[tilespmem:s25], [sflag:$0x2] =	stream.linear.gather [hbm4b:s5+s26], $0x80, $0x38;
	[tilespmem:$0x19380] =	vst v63  }
0x18c: {  	v4 =	vld [tilespmem:s0+$0x0];
	_ =	sdelay $0x4  }
0x18d: {  	v4 =	vshll.u32 v4, $0x4  }
0x18e: {  	(v2sf) =	vpush v4, $0x0  }
0x18f: {  	(v2sf) =	vpush v4, $0x1  }
0x190: {  	(v2sf) =	vpush v4, $0x2;
	_ =	sdelay $0x1  }
0x191: {  	(v2sf) =	vpush v4, $0x4;
	_ =	sdelay $0x1  }
0x192: {  	(v2sf) =	vpush v4, $0x3  }
0x193: {  	(v2sf) =	vpush v4, $0x5  }
0x194: {  	s29 =	simm.s32 $0x2000;
	s6 =	simm.s32 $0x0;
	(v2sf) =	vpush v4, $0x6  }
.LBB2_5:
0x195: {  	p0 =	sne.s32 s29, $0x26000  }
0x196: {  	s5 =	sadd.s32 $0xC780, s6;
	s12 =	sadd.s32 $0xCC80, s6;
	s8 =	smov.u32 s29  }
0x197: {  	s29 =	sadd.s32 $0x2000, s29;
	s15 =	sadd.s32 $0xCA80, s6;
	s9 =	sadd.s32 $0xCD00, s6;
	(v2sf) =	vpush v4, $0x7  }
0x198: {  	s17 =	sadd.s32 $0xC980, s6;
	s14 =	sadd.s32 $0xCB00, s6;
	s11 =	sadd.s32 $0xCD80, s6  }
0x199: {  	s18 =	sadd.s32 $0xC700, s6;
	s19 =	sadd.s32 $0xC900, s6;
	(v2sf) =	vpush v4, $0x8  }
0x19a: {  	s20 =	sadd.s32 $0xCA00, s6;
	s0 =	sadd.s32 $0x10, s0  }
0x19b: {  	s10 =	sadd.s32 $0xC800, s6;
	s13 =	sadd.s32 $0xCC00, s6;
	s16 =	spop (v2sf);
	(v2sf) =	vpush v4, $0x9  }
0x19c: {  	s1 =	sand.u32 $0x1FFFFFF0, s16;
	s16 =	sadd.s32 $0xCB80, s6;
	s21 =	spop (v2sf)  }
0x19d: {  	s1 =	sadd.s32 s4, s1;
	s21 =	sand.u32 $0x1FFFFFF0, s21;
	s25 =	spop (v2sf);
	(v2sf) =	vpush v4, $0xA  }
0x19e: {  	[tilespmem:s18], [sflag:$0x2] =	stream.linear.gather [hbm4b:s1+s2], $0x80, $0x38;
	[tilespmem:$0x19380] =	vst v63  }
0x19f: {  	s1 =	sadd.s32 s4, s21;
	s18 =	sadd.s32 $0xC880, s6;
	s21 =	spop (v2sf);
	(v2sf) =	vpush v4, $0xB  }
0x1a0: {  	[tilespmem:s5], [sflag:$0x2] =	stream.linear.gather [hbm4b:s1+s2], $0x80, $0x38;
	[tilespmem:$0x19380] =	vst v63  }
0x1a1: {  	s1 =	sand.u32 $0x1FFFFFF0, s25;
	s5 =	sand.u32 $0x1FFFFFF0, s21;
	s21 =	spop (v2sf);
	(v2sf) =	vpush v4, $0xC  }
0x1a2: {  	s1 =	sadd.s32 s4, s1;
	s21 =	sand.u32 $0x1FFFFFF0, s21;
	s25 =	spop (v2sf)  }
0x1a3: {  	[tilespmem:s10], [sflag:$0x2] =	stream.linear.gather [hbm4b:s1+s2], $0x80, $0x38;
	(v2sf) =	vpush v4, $0xD;
	[tilespmem:$0x19380] =	vst v63  }
0x1a4: {  	s1 =	sadd.s32 s4, s21;
	s10 =	sand.u32 $0x1FFFFFF0, s25;
	s21 =	spop (v2sf)  }
0x1a5: {  	[tilespmem:s18], [sflag:$0x2] =	stream.linear.gather [hbm4b:s1+s2], $0x80, $0x38;
	(v2sf) =	vpush v4, $0xE;
	[tilespmem:$0x19380] =	vst v63  }
0x1a6: {  	s1 =	sadd.s32 s4, s5;
	s5 =	sand.u32 $0x1FFFFFF0, s21;
	s18 =	spop (v2sf)  }
0x1a7: {  	[tilespmem:s19], [sflag:$0x2] =	stream.linear.gather [hbm4b:s1+s2], $0x80, $0x38;
	(v2sf) =	vpush v4, $0xF;
	[tilespmem:$0x19380] =	vst v63  }
0x1a8: {  	s1 =	sadd.s32 s4, s10;
	s10 =	sand.u32 $0x1FFFFFF0, s18;
	s18 =	spop (v2sf)  }
0x1a9: {  	[tilespmem:s17], [sflag:$0x2] =	stream.linear.gather [hbm4b:s1+s2], $0x80, $0x38;
	[tilespmem:$0x19380] =	vst v63  }
0x1aa: {  	s1 =	sadd.s32 s4, s5;
	s5 =	sand.u32 $0x1FFFFFF0, s18;
	s17 =	spop (v2sf)  }
0x1ab: {  	[tilespmem:s20], [sflag:$0x2] =	stream.linear.gather [hbm4b:s1+s2], $0x80, $0x38;
	[tilespmem:$0x19380] =	vst v63  }
0x1ac: {  	s1 =	sadd.s32 s4, s10;
	s10 =	sand.u32 $0x1FFFFFF0, s17;
	s17 =	spop (v2sf)  }
0x1ad: {  	[tilespmem:s15], [sflag:$0x2] =	stream.linear.gather [hbm4b:s1+s2], $0x80, $0x38;
	[tilespmem:$0x19380] =	vst v63  }
0x1ae: {  	s1 =	sadd.s32 s4, s5;
	s5 =	sand.u32 $0x1FFFFFF0, s17;
	s15 =	spop (v2sf)  }
0x1af: {  	[tilespmem:s14], [sflag:$0x2] =	stream.linear.gather [hbm4b:s1+s2], $0x80, $0x38;
	[tilespmem:$0x19380] =	vst v63  }
0x1b0: {  	s1 =	sadd.s32 s4, s10;
	s10 =	sand.u32 $0x1FFFFFF0, s15;
	s14 =	spop (v2sf)  }
0x1b1: {  	[tilespmem:s16], [sflag:$0x2] =	stream.linear.gather [hbm4b:s1+s2], $0x80, $0x38;
	[tilespmem:$0x19380] =	vst v63  }
0x1b2: {  	s1 =	sadd.s32 s4, s5;
	s5 =	sand.u32 $0x1FFFFFF0, s14;
	s14 =	spop (v2sf)  }
0x1b3: {  	[tilespmem:s13], [sflag:$0x2] =	stream.linear.gather [hbm4b:s1+s2], $0x80, $0x38;
	[tilespmem:$0x19380] =	vst v63  }
0x1b4: {  	s1 =	sadd.s32 s4, s10;
	s10 =	sand.u32 $0x1FFFFFF0, s14;
	s13 =	spop (v2sf)  }
0x1b5: {  	[tilespmem:s12], [sflag:$0x2] =	stream.linear.gather [hbm4b:s1+s2], $0x80, $0x38;
	[tilespmem:$0x19380] =	vst v63  }
0x1b6: {  	s1 =	sadd.s32 s4, s5;
	s5 =	sand.u32 $0x1FFFFFF0, s13;
	s12 =	spop (v2sf)  }
0x1b7: {  	[tilespmem:s9], [sflag:$0x2] =	stream.linear.gather [hbm4b:s1+s2], $0x80, $0x38;
	[tilespmem:$0x19380] =	vst v63  }
0x1b8: {  	s1 =	sadd.s32 s4, s10;
	s9 =	sand.u32 $0x1FFFFFF0, s12  }
0x1b9: {  	[tilespmem:s11], [sflag:$0x2] =	stream.linear.gather [hbm4b:s1+s2], $0x80, $0x38;
	[tilespmem:$0x19380] =	vst v63  }
0x1ba: {  	s5 =	sadd.s32 s4, s5;
	s1 =	sadd.s32 $0xCE00, s6  }
0x1bb: {  	[tilespmem:s1], [sflag:$0x2] =	stream.linear.gather [hbm4b:s5+s2], $0x80, $0x38;
	[tilespmem:$0x19380] =	vst v63  }
0x1bc: {  	s1 =	sadd.s32 $0xCE80, s6;
	s5 =	sadd.s32 s4, s9  }
0x1bd: {  	[tilespmem:s1], [sflag:$0x2] =	stream.linear.gather [hbm4b:s5+s2], $0x80, $0x38;
	[tilespmem:$0x19380] =	vst v63  }
0x1be: {  	v4 =	vld [tilespmem:s0+$0x0];
	_ =	sdelay $0x4  }
0x1bf: {  	v4 =	vshll.u32 v4, $0x4  }
0x1c0: {  	(v2sf) =	vpush v4, $0x0  }
0x1c1: {  	(v2sf) =	vpush v4, $0x1  }
0x1c2: {  	(v2sf) =	vpush v4, $0x2;
	_ =	sdelay $0x1  }
0x1c3: {  	(v2sf) =	vpush v4, $0x4  }
.Ltmp1:
0x1c4: {  	(pc) =	sbr.rel @p0 .LBB2_5-.Ltmp1, $3  }
0x1c5: {  	(v2sf) =	vpush v4, $0x3  }
0x1c6: {  	(v2sf) =	vpush v4, $0x5;
	_ =	sdelay $0x1  }
0x1c7: {  	s6 =	sshra.s32 s8, $0x2;
	(v2sf) =	vpush v4, $0x6  }
0x1c8: {  	_ =	sdelay $0x1  }
0x1c9: {  	s1 =	sadd.s32 $0xC780, s6;
	s9 =	sadd.s32 $0xCC80, s6  }
0x1ca: {  	s5 =	sadd.s32 $0xCA80, s6;
	s0 =	sadd.s32 $0xCD00, s6;
	(v2sf) =	vpush v4, $0x7;
	s10 =	sadd.s32 $0xC980, s6  }
0x1cb: {  	s11 =	sadd.s32 $0xCB00, s6;
	s8 =	sadd.s32 $0xCD80, s6;
	s12 =	sadd.s32 $0xC700, s6  }
0x1cc: {  	s13 =	sadd.s32 $0xC900, s6;
	s14 =	sadd.s32 $0xCA00, s6;
	(v2sf) =	vpush v4, $0x8;
	s15 =	spop (v2sf)  }
0x1cd: {  	s16 =	sadd.s32 $0xC800, s6;
	s15 =	sand.u32 $0x1FFFFFF0, s15;
	s17 =	spop (v2sf)  }
0x1ce: {  	(v2sf) =	vpush v4, $0x9;
	s15 =	sadd.s32 s4, s15;
	s17 =	sand.u32 $0x1FFFFFF0, s17;
	s18 =	spop (v2sf)  }
0x1cf: {  	[tilespmem:s12], [sflag:$0x2] =	stream.linear.gather [hbm4b:s15+s2], $0x80, $0x38;
	[tilespmem:$0x19380] =	vst v63  }
0x1d0: {  	s19 =	sadd.s32 $0xC880, s6;
	(v2sf) =	vpush v4, $0xA;
	s21 =	sadd.s32 s4, s17;
	s25 =	spop (v2sf)  }
0x1d1: {  	[tilespmem:s1], [sflag:$0x2] =	stream.linear.gather [hbm4b:s21+s2], $0x80, $0x38;
	[tilespmem:$0x19380] =	vst v63  }
0x1d2: {  	s12 =	sadd.s32 $0xCC00, s6;
	s18 =	sand.u32 $0x1FFFFFF0, s18;
	(v2sf) =	vpush v4, $0xB;
	s20 =	spop (v2sf)  }
0x1d3: {  	s15 =	sadd.s32 s4, s18;
	s1 =	sadd.s32 $0xCB80, s6;
	s18 =	sand.u32 $0x1FFFFFF0, s20  }
0x1d4: {  	(v2sf) =	vpush v4, $0xC;
	[tilespmem:s16], [sflag:$0x2] =	stream.linear.gather [hbm4b:s15+s2], $0x80, $0x38;
	[tilespmem:$0x19380] =	vst v63  }
0x1d5: {  	s21 =	sand.u32 $0x1FFFFFF0, s25;
	s25 =	spop (v2sf);
	s18 =	sadd.s32 s4, s18  }
0x1d6: {  	(v2sf) =	vpush v4, $0xD;
	[tilespmem:s19], [sflag:$0x2] =	stream.linear.gather [hbm4b:s18+s2], $0x80, $0x38;
	[tilespmem:$0x19380] =	vst v63  }
0x1d7: {  	s15 =	sadd.s32 s4, s21;
	s16 =	sand.u32 $0x1FFFFFF0, s25;
	s20 =	spop (v2sf)  }
0x1d8: {  	(v2sf) =	vpush v4, $0xE;
	[tilespmem:s13], [sflag:$0x2] =	stream.linear.gather [hbm4b:s15+s2], $0x80, $0x38;
	[tilespmem:$0x19380] =	vst v63  }
0x1d9: {  	s16 =	sadd.s32 s4, s16;
	s21 =	sand.u32 $0x1FFFFFF0, s20;
	s25 =	spop (v2sf)  }
0x1da: {  	(v2sf) =	vpush v4, $0xF;
	[tilespmem:s10], [sflag:$0x2] =	stream.linear.gather [hbm4b:s16+s2], $0x80, $0x38;
	[tilespmem:$0x19380] =	vst v63  }
0x1db: {  	s17 =	spop (v2sf);
	s13 =	sadd.s32 s4, s21;
	s16 =	sand.u32 $0x1FFFFFF0, s25  }
0x1dc: {  	[tilespmem:s14], [sflag:$0x2] =	stream.linear.gather [hbm4b:s13+s2], $0x80, $0x38;
	[tilespmem:$0x19380] =	vst v63  }
0x1dd: {  	s18 =	sand.u32 $0x1FFFFFF0, s17;
	s10 =	sadd.s32 s4, s16;
	s19 =	spop (v2sf)  }
0x1de: {  	[tilespmem:s5], [sflag:$0x2] =	stream.linear.gather [hbm4b:s10+s2], $0x80, $0x38;
	[tilespmem:$0x19380] =	vst v63  }
0x1df: {  	s13 =	sadd.s32 s4, s18;
	s20 =	sand.u32 $0x1FFFFFF0, s19;
	s21 =	spop (v2sf)  }
0x1e0: {  	[tilespmem:s11], [sflag:$0x2] =	stream.linear.gather [hbm4b:s13+s2], $0x80, $0x38;
	[tilespmem:$0x19380] =	vst v63  }
0x1e1: {  	s10 =	sand.u32 $0x1FFFFFF0, s21;
	s5 =	sadd.s32 s4, s20;
	s25 =	spop (v2sf)  }
0x1e2: {  	[tilespmem:s1], [sflag:$0x2] =	stream.linear.gather [hbm4b:s5+s2], $0x80, $0x38;
	[tilespmem:$0x19380] =	vst v63  }
0x1e3: {  	s10 =	sadd.s32 s4, s10;
	s11 =	sand.u32 $0x1FFFFFF0, s25;
	s13 =	spop (v2sf)  }
0x1e4: {  	[tilespmem:s12], [sflag:$0x2] =	stream.linear.gather [hbm4b:s10+s2], $0x80, $0x38;
	[tilespmem:$0x19380] =	vst v63  }
0x1e5: {  	s1 =	sadd.s32 s4, s11;
	s5 =	sand.u32 $0x1FFFFFF0, s13;
	s14 =	spop (v2sf)  }
0x1e6: {  	[tilespmem:s9], [sflag:$0x2] =	stream.linear.gather [hbm4b:s1+s2], $0x80, $0x38;
	[tilespmem:$0x19380] =	vst v63  }
0x1e7: {  	s15 =	sand.u32 $0x1FFFFFF0, s14;
	s5 =	sadd.s32 s4, s5;
	s16 =	spop (v2sf)  }
0x1e8: {  	[tilespmem:s0], [sflag:$0x2] =	stream.linear.gather [hbm4b:s5+s2], $0x80, $0x38;
	[tilespmem:$0x19380] =	vst v63  }
0x1e9: {  	s17 =	sand.u32 $0x1FFFFFF0, s16;
	s18 =	spop (v2sf);
	s1 =	sadd.s32 s4, s15  }
0x1ea: {  	[tilespmem:s8], [sflag:$0x2] =	stream.linear.gather [hbm4b:s1+s2], $0x80, $0x38;
	[tilespmem:$0x19380] =	vst v63  }
0x1eb: {  	s20 =	sadd.s32 $0xCE00, s6;
	s19 =	sand.u32 $0x1FFFFFF0, s18;
	s0 =	sadd.s32 s4, s17  }
0x1ec: {  	[tilespmem:s20], [sflag:$0x2] =	stream.linear.gather [hbm4b:s0+s2], $0x80, $0x38;
	[tilespmem:$0x19380] =	vst v63  }
0x1ed: {  	s21 =	sadd.s32 $0xCE80, s6;
	s25 =	simm.s32 $0x1;
	s1 =	sadd.s32 s4, s19  }
0x1ee: {  	[tilespmem:s21], [sflag:$0x2] =	stream.linear.gather [hbm4b:s1+s2], $0x80, $0x38;
	[tilespmem:$0x19380] =	vst v63  }
0x1ef: {  	_ =	swait.ge [sflag:s25], $0x800  }
0x1f0: {  	[sflag:s25] =	ssyncset.done $0x0  }
0x1f1: {  	[sflag:s25] =	ssyncadd.s32 $0xFFFFF800  }
0x1f2: {  	_ =	swait.ge [sflag:s25], $0x800  }
0x1f3: {  	[sflag:s25] =	ssyncset.done $0x0  }
0x1f4: {  	[sflag:s25] =	ssyncadd.s32 $0xFFFFF800  }
0x1f5: {  	_ =	swait.ge [sflag:s25], $0xA000  }
0x1f6: {  	s29 =	smov.u32 s7;
	[sflag:s25] =	ssyncset.done $0x0  }
0x1f7: {  	s6 =	simm.s32 $0x1C00;
	s0 =	simm.s32 $0x0;
	[sflag:s25] =	ssyncadd.s32 $0xFFFF6000  }
.LBB2_7:
0x1f8: {  	s1 =	sshra.s32 s0, $0x2  }
0x1f9: {  	v4 =	vld [tilespmem:s1+$0x700]  }
0x1fa: {  	v5 =	vld [tilespmem:s1+$0x710]  }
0x1fb: {  	v6 =	vld [tilespmem:s1+$0x720]  }
0x1fc: {  	v7 =	vld [tilespmem:s1+$0x730]  }
0x1fd: {  	v8 =	vld [tilespmem:s1+$0xF00]  }
0x1fe: {  	v9 =	vld [tilespmem:s1+$0xF10]  }
0x1ff: {  	v10 =	vld [tilespmem:s1+$0xF20]  }
0x200: {  	v11 =	vld [tilespmem:s1+$0xF30];
	_ =	sdelay $0x3  }
0x201: {  	v8 =	vmul.f32 v8, v4;
	v9 =	vmul.f32 v9, v5  }
0x202: {  	v10 =	vmul.f32 v10, v6;
	v11 =	vmul.f32 v11, v7;
	_ =	sdelay $0x1  }
0x203: {  	v8 =	vadd.f32 v9, v8;
	v35 =	vadd.f32 v11, v10;
	_ =	sdelay $0x1  }
0x204: {  	v8 =	vadd.f32 v35, v8;
	_ =	sdelay $0x1  }
0x205: {  	(xrf2) =	vadd.scan.msk.f32 $0xffff, v8;
	_ =	sdelay $0x9  }
0x206: {  	v8, _, _ =	vpop (xrf2)  }
0x207: {  	[tilespmem:$0x19240] =	vst v8  }
0x208: {  	v8 =	vld [tilespmem:s6+$0xFFFFFB00]  }
0x209: {  	v36 =	vld [tilespmem:s6+$0xFFFFFB10]  }
0x20a: {  	v37 =	vld [tilespmem:s6+$0xFFFFFB20]  }
0x20b: {  	v38 =	vld [tilespmem:s6+$0xFFFFFB30];
	_ =	sdelay $0x3  }
0x20c: {  	v8 =	vmul.f32 v8, v4;
	v9 =	vmul.f32 v36, v5  }
0x20d: {  	v10 =	vmul.f32 v37, v6;
	v11 =	vmul.f32 v38, v7;
	_ =	sdelay $0x1  }
0x20e: {  	v8 =	vadd.f32 v9, v8;
	v39 =	vadd.f32 v11, v10;
	_ =	sdelay $0x1  }
0x20f: {  	v8 =	vadd.f32 v39, v8;
	_ =	sdelay $0x1  }
0x210: {  	(xrf2) =	vadd.scan.msk.f32 $0xffff, v8;
	_ =	sdelay $0x9  }
0x211: {  	v8, _, _ =	vpop (xrf2)  }
0x212: {  	[tilespmem:$0x19100] =	vst v8  }
0x213: {  	v8 =	vld [tilespmem:s6+$0xFFFFFB80]  }
0x214: {  	v40 =	vld [tilespmem:s6+$0xFFFFFB90]  }
0x215: {  	v41 =	vld [tilespmem:s6+$0xFFFFFBA0]  }
0x216: {  	v42 =	vld [tilespmem:s6+$0xFFFFFBB0];
	_ =	sdelay $0x3  }
0x217: {  	v8 =	vmul.f32 v8, v4;
	v9 =	vmul.f32 v40, v5  }
0x218: {  	v10 =	vmul.f32 v41, v6;
	v11 =	vmul.f32 v42, v7;
	_ =	sdelay $0x1  }
0x219: {  	v8 =	vadd.f32 v9, v8;
	v43 =	vadd.f32 v11, v10;
	_ =	sdelay $0x1  }
0x21a: {  	v8 =	vadd.f32 v43, v8;
	_ =	sdelay $0x1  }
0x21b: {  	(xrf2) =	vadd.scan.msk.f32 $0xffff, v8;
	_ =	sdelay $0x9  }
0x21c: {  	v8, _, _ =	vpop (xrf2)  }
0x21d: {  	[tilespmem:$0x19110] =	vst v8  }
0x21e: {  	v8 =	vld [tilespmem:s6+$0xFFFFFC00]  }
0x21f: {  	v44 =	vld [tilespmem:s6+$0xFFFFFC10]  }
0x220: {  	v45 =	vld [tilespmem:s6+$0xFFFFFC20]  }
0x221: {  	v46 =	vld [tilespmem:s6+$0xFFFFFC30];
	_ =	sdelay $0x3  }
0x222: {  	v8 =	vmul.f32 v8, v4;
	v9 =	vmul.f32 v44, v5  }
0x223: {  	v10 =	vmul.f32 v45, v6;
	v11 =	vmul.f32 v46, v7;
	_ =	sdelay $0x1  }
0x224: {  	v8 =	vadd.f32 v9, v8;
	v47 =	vadd.f32 v11, v10;
	_ =	sdelay $0x1  }
0x225: {  	v8 =	vadd.f32 v47, v8;
	_ =	sdelay $0x1  }
0x226: {  	(xrf2) =	vadd.scan.msk.f32 $0xffff, v8;
	_ =	sdelay $0x9  }
0x227: {  	v8, _, _ =	vpop (xrf2)  }
0x228: {  	[tilespmem:$0x19120] =	vst v8  }
0x229: {  	v8 =	vld [tilespmem:s6+$0xFFFFFC80]  }
0x22a: {  	v48 =	vld [tilespmem:s6+$0xFFFFFC90]  }
0x22b: {  	v49 =	vld [tilespmem:s6+$0xFFFFFCA0]  }
0x22c: {  	v50 =	vld [tilespmem:s6+$0xFFFFFCB0];
	_ =	sdelay $0x3  }
0x22d: {  	v8 =	vmul.f32 v8, v4;
	v9 =	vmul.f32 v48, v5  }
0x22e: {  	v10 =	vmul.f32 v49, v6;
	v11 =	vmul.f32 v50, v7;
	_ =	sdelay $0x1  }
0x22f: {  	v8 =	vadd.f32 v9, v8;
	v51 =	vadd.f32 v11, v10;
	_ =	sdelay $0x1  }
0x230: {  	v8 =	vadd.f32 v51, v8;
	_ =	sdelay $0x1  }
0x231: {  	(xrf2) =	vadd.scan.msk.f32 $0xffff, v8;
	_ =	sdelay $0x9  }
0x232: {  	v8, _, _ =	vpop (xrf2)  }
0x233: {  	[tilespmem:$0x19130] =	vst v8  }
0x234: {  	v8 =	vld [tilespmem:s6+$0xFFFFFD00]  }
0x235: {  	v52 =	vld [tilespmem:s6+$0xFFFFFD10]  }
0x236: {  	v53 =	vld [tilespmem:s6+$0xFFFFFD20]  }
0x237: {  	v54 =	vld [tilespmem:s6+$0xFFFFFD30];
	_ =	sdelay $0x3  }
0x238: {  	v8 =	vmul.f32 v8, v4;
	v9 =	vmul.f32 v52, v5  }
0x239: {  	v10 =	vmul.f32 v53, v6;
	v11 =	vmul.f32 v54, v7;
	_ =	sdelay $0x1  }
0x23a: {  	v8 =	vadd.f32 v9, v8;
	v55 =	vadd.f32 v11, v10;
	_ =	sdelay $0x1  }
0x23b: {  	v8 =	vadd.f32 v55, v8;
	_ =	sdelay $0x1  }
0x23c: {  	(xrf2) =	vadd.scan.msk.f32 $0xffff, v8;
	_ =	sdelay $0x9  }
0x23d: {  	v8, _, _ =	vpop (xrf2)  }
0x23e: {  	[tilespmem:$0x19140] =	vst v8  }
0x23f: {  	v8 =	vld [tilespmem:s6+$0xFFFFFD80]  }
0x240: {  	v56 =	vld [tilespmem:s6+$0xFFFFFD90]  }
0x241: {  	v57 =	vld [tilespmem:s6+$0xFFFFFDA0]  }
0x242: {  	v58 =	vld [tilespmem:s6+$0xFFFFFDB0];
	_ =	sdelay $0x3  }
0x243: {  	v8 =	vmul.f32 v8, v4;
	v9 =	vmul.f32 v56, v5  }
0x244: {  	v10 =	vmul.f32 v57, v6;
	v11 =	vmul.f32 v58, v7;
	_ =	sdelay $0x1  }
0x245: {  	v8 =	vadd.f32 v9, v8;
	v59 =	vadd.f32 v11, v10;
	_ =	sdelay $0x1  }
0x246: {  	v8 =	vadd.f32 v59, v8;
	_ =	sdelay $0x1  }
0x247: {  	(xrf2) =	vadd.scan.msk.f32 $0xffff, v8;
	_ =	sdelay $0x9  }
0x248: {  	v8, _, _ =	vpop (xrf2)  }
0x249: {  	[tilespmem:$0x19150] =	vst v8  }
0x24a: {  	v8 =	vld [tilespmem:s6+$0xFFFFFE00]  }
0x24b: {  	v60 =	vld [tilespmem:s6+$0xFFFFFE10]  }
0x24c: {  	v61 =	vld [tilespmem:s6+$0xFFFFFE20]  }
0x24d: {  	v62 =	vld [tilespmem:s6+$0xFFFFFE30];
	_ =	sdelay $0x3  }
0x24e: {  	v8 =	vmul.f32 v8, v4;
	v9 =	vmul.f32 v60, v5  }
0x24f: {  	v10 =	vmul.f32 v61, v6;
	v11 =	vmul.f32 v62, v7;
	_ =	sdelay $0x1  }
0x250: {  	v8 =	vadd.f32 v9, v8;
	v63 =	vadd.f32 v11, v10;
	_ =	sdelay $0x1  }
0x251: {  	v8 =	vadd.f32 v63, v8;
	_ =	sdelay $0x1  }
0x252: {  	(xrf2) =	vadd.scan.msk.f32 $0xffff, v8;
	_ =	sdelay $0x9  }
0x253: {  	v8, _, _ =	vpop (xrf2)  }
0x254: {  	[tilespmem:$0x19160] =	vst v8  }
0x255: {  	v8 =	vld [tilespmem:s6+$0xFFFFFE80]  }
0x256: {  	v12 =	vld [tilespmem:s6+$0xFFFFFE90]  }
0x257: {  	v13 =	vld [tilespmem:s6+$0xFFFFFEA0]  }
0x258: {  	v14 =	vld [tilespmem:s6+$0xFFFFFEB0];
	_ =	sdelay $0x3  }
0x259: {  	v8 =	vmul.f32 v8, v4;
	v9 =	vmul.f32 v12, v5  }
0x25a: {  	v10 =	vmul.f32 v13, v6;
	v11 =	vmul.f32 v14, v7;
	_ =	sdelay $0x1  }
0x25b: {  	v8 =	vadd.f32 v9, v8;
	v15 =	vadd.f32 v11, v10;
	_ =	sdelay $0x1  }
0x25c: {  	v8 =	vadd.f32 v15, v8;
	_ =	sdelay $0x1  }
0x25d: {  	(xrf2) =	vadd.scan.msk.f32 $0xffff, v8;
	_ =	sdelay $0x9  }
0x25e: {  	v8, _, _ =	vpop (xrf2)  }
0x25f: {  	[tilespmem:$0x19170] =	vst v8  }
0x260: {  	v8 =	vld [tilespmem:s6+$0xFFFFFF00]  }
0x261: {  	v16 =	vld [tilespmem:s6+$0xFFFFFF10]  }
0x262: {  	v17 =	vld [tilespmem:s6+$0xFFFFFF20]  }
0x263: {  	v18 =	vld [tilespmem:s6+$0xFFFFFF30];
	_ =	sdelay $0x3  }
0x264: {  	v8 =	vmul.f32 v8, v4;
	v9 =	vmul.f32 v16, v5  }
0x265: {  	v10 =	vmul.f32 v17, v6;
	v11 =	vmul.f32 v18, v7;
	_ =	sdelay $0x1  }
0x266: {  	v8 =	vadd.f32 v9, v8;
	v19 =	vadd.f32 v11, v10;
	_ =	sdelay $0x1  }
0x267: {  	v8 =	vadd.f32 v19, v8;
	_ =	sdelay $0x1  }
0x268: {  	(xrf2) =	vadd.scan.msk.f32 $0xffff, v8;
	_ =	sdelay $0x9  }
0x269: {  	v8, _, _ =	vpop (xrf2)  }
0x26a: {  	[tilespmem:$0x19180] =	vst v8  }
0x26b: {  	v8 =	vld [tilespmem:s6+$0xFFFFFF80]  }
0x26c: {  	v20 =	vld [tilespmem:s6+$0xFFFFFF90]  }
0x26d: {  	v21 =	vld [tilespmem:s6+$0xFFFFFFA0]  }
0x26e: {  	v22 =	vld [tilespmem:s6+$0xFFFFFFB0];
	_ =	sdelay $0x3  }
0x26f: {  	v8 =	vmul.f32 v8, v4;
	v9 =	vmul.f32 v20, v5  }
0x270: {  	v10 =	vmul.f32 v21, v6;
	v11 =	vmul.f32 v22, v7;
	_ =	sdelay $0x1  }
0x271: {  	v8 =	vadd.f32 v9, v8;
	v23 =	vadd.f32 v11, v10;
	_ =	sdelay $0x1  }
0x272: {  	v8 =	vadd.f32 v23, v8;
	_ =	sdelay $0x1  }
0x273: {  	(xrf2) =	vadd.scan.msk.f32 $0xffff, v8;
	_ =	sdelay $0x9  }
0x274: {  	v8, _, _ =	vpop (xrf2)  }
0x275: {  	[tilespmem:$0x19190] =	vst v8  }
0x276: {  	v8 =	vld [tilespmem:s6+$0x0]  }
0x277: {  	v24 =	vld [tilespmem:s6+$0x10]  }
0x278: {  	v25 =	vld [tilespmem:s6+$0x20]  }
0x279: {  	v26 =	vld [tilespmem:s6+$0x30];
	_ =	sdelay $0x3  }
0x27a: {  	v8 =	vmul.f32 v8, v4;
	v9 =	vmul.f32 v24, v5  }
0x27b: {  	v10 =	vmul.f32 v25, v6;
	v11 =	vmul.f32 v26, v7;
	_ =	sdelay $0x1  }
0x27c: {  	v8 =	vadd.f32 v9, v8;
	v27 =	vadd.f32 v11, v10;
	_ =	sdelay $0x1  }
0x27d: {  	v8 =	vadd.f32 v27, v8;
	_ =	sdelay $0x1  }
0x27e: {  	(xrf2) =	vadd.scan.msk.f32 $0xffff, v8;
	_ =	sdelay $0x9  }
0x27f: {  	v8, _, _ =	vpop (xrf2)  }
0x280: {  	[tilespmem:$0x191A0] =	vst v8  }
0x281: {  	v8 =	vld [tilespmem:s6+$0x80]  }
0x282: {  	v28 =	vld [tilespmem:s6+$0x90]  }
0x283: {  	v29 =	vld [tilespmem:s6+$0xA0]  }
0x284: {  	v30 =	vld [tilespmem:s6+$0xB0];
	_ =	sdelay $0x3  }
0x285: {  	v8 =	vmul.f32 v8, v4;
	v9 =	vmul.f32 v28, v5  }
0x286: {  	v10 =	vmul.f32 v29, v6;
	v11 =	vmul.f32 v30, v7;
	_ =	sdelay $0x1  }
0x287: {  	v8 =	vadd.f32 v9, v8;
	v31 =	vadd.f32 v11, v10;
	_ =	sdelay $0x1  }
0x288: {  	v8 =	vadd.f32 v31, v8;
	_ =	sdelay $0x1  }
0x289: {  	(xrf2) =	vadd.scan.msk.f32 $0xffff, v8;
	_ =	sdelay $0x9  }
0x28a: {  	v8, _, _ =	vpop (xrf2)  }
0x28b: {  	[tilespmem:$0x191B0] =	vst v8  }
0x28c: {  	v8 =	vld [tilespmem:s6+$0x100]  }
0x28d: {  	v32 =	vld [tilespmem:s6+$0x110]  }
0x28e: {  	v33 =	vld [tilespmem:s6+$0x120]  }
0x28f: {  	v34 =	vld [tilespmem:s6+$0x130];
	_ =	sdelay $0x3  }
0x290: {  	v8 =	vmul.f32 v8, v4;
	v9 =	vmul.f32 v32, v5  }
0x291: {  	v10 =	vmul.f32 v33, v6;
	v11 =	vmul.f32 v34, v7;
	_ =	sdelay $0x1  }
0x292: {  	v8 =	vadd.f32 v9, v8;
	v35 =	vadd.f32 v11, v10;
	_ =	sdelay $0x1  }
0x293: {  	v8 =	vadd.f32 v35, v8;
	_ =	sdelay $0x1  }
0x294: {  	(xrf2) =	vadd.scan.msk.f32 $0xffff, v8;
	_ =	sdelay $0x9  }
0x295: {  	v8, _, _ =	vpop (xrf2)  }
0x296: {  	[tilespmem:$0x191C0] =	vst v8  }
0x297: {  	v8 =	vld [tilespmem:s6+$0x180]  }
0x298: {  	v36 =	vld [tilespmem:s6+$0x190]  }
0x299: {  	v37 =	vld [tilespmem:s6+$0x1A0]  }
0x29a: {  	v38 =	vld [tilespmem:s6+$0x1B0];
	_ =	sdelay $0x3  }
0x29b: {  	v8 =	vmul.f32 v8, v4;
	v9 =	vmul.f32 v36, v5  }
0x29c: {  	v10 =	vmul.f32 v37, v6;
	v11 =	vmul.f32 v38, v7;
	_ =	sdelay $0x1  }
0x29d: {  	v8 =	vadd.f32 v9, v8;
	v39 =	vadd.f32 v11, v10;
	_ =	sdelay $0x1  }
0x29e: {  	v8 =	vadd.f32 v39, v8;
	_ =	sdelay $0x1  }
0x29f: {  	(xrf2) =	vadd.scan.msk.f32 $0xffff, v8;
	_ =	sdelay $0x9  }
0x2a0: {  	v8, _, _ =	vpop (xrf2)  }
0x2a1: {  	[tilespmem:$0x191D0] =	vst v8  }
0x2a2: {  	v8 =	vld [tilespmem:s6+$0x200]  }
0x2a3: {  	v40 =	vld [tilespmem:s6+$0x210]  }
0x2a4: {  	v41 =	vld [tilespmem:s6+$0x220]  }
0x2a5: {  	v42 =	vld [tilespmem:s6+$0x230];
	_ =	sdelay $0x3  }
0x2a6: {  	v8 =	vmul.f32 v8, v4;
	v9 =	vmul.f32 v40, v5  }
0x2a7: {  	v10 =	vmul.f32 v41, v6;
	v11 =	vmul.f32 v42, v7;
	_ =	sdelay $0x1  }
0x2a8: {  	v8 =	vadd.f32 v9, v8;
	v43 =	vadd.f32 v11, v10;
	_ =	sdelay $0x1  }
0x2a9: {  	v8 =	vadd.f32 v43, v8;
	_ =	sdelay $0x1  }
0x2aa: {  	(xrf2) =	vadd.scan.msk.f32 $0xffff, v8;
	_ =	sdelay $0x9  }
0x2ab: {  	v8, _, _ =	vpop (xrf2)  }
0x2ac: {  	[tilespmem:$0x191E0] =	vst v8  }
0x2ad: {  	v8 =	vld [tilespmem:s6+$0x280]  }
0x2ae: {  	v44 =	vld [tilespmem:s6+$0x290]  }
0x2af: {  	v45 =	vld [tilespmem:s6+$0x2A0]  }
0x2b0: {  	v46 =	vld [tilespmem:s6+$0x2B0];
	_ =	sdelay $0x3  }
0x2b1: {  	v8 =	vmul.f32 v8, v4;
	v9 =	vmul.f32 v44, v5  }
0x2b2: {  	v10 =	vmul.f32 v45, v6;
	v11 =	vmul.f32 v46, v7;
	_ =	sdelay $0x1  }
0x2b3: {  	v8 =	vadd.f32 v9, v8;
	v47 =	vadd.f32 v11, v10;
	_ =	sdelay $0x1  }
0x2b4: {  	v8 =	vadd.f32 v47, v8;
	_ =	sdelay $0x1  }
0x2b5: {  	(xrf2) =	vadd.scan.msk.f32 $0xffff, v8;
	_ =	sdelay $0x9  }
0x2b6: {  	v8, _, _ =	vpop (xrf2)  }
0x2b7: {  	[tilespmem:$0x191F0] =	vst v8  }
0x2b8: {  	v8 =	vld [tilespmem:s6+$0x300]  }
0x2b9: {  	v48 =	vld [tilespmem:s6+$0x310]  }
0x2ba: {  	v49 =	vld [tilespmem:s6+$0x320]  }
0x2bb: {  	v50 =	vld [tilespmem:s6+$0x330];
	_ =	sdelay $0x3  }
0x2bc: {  	v8 =	vmul.f32 v8, v4;
	v9 =	vmul.f32 v48, v5  }
0x2bd: {  	v10 =	vmul.f32 v49, v6;
	v11 =	vmul.f32 v50, v7;
	_ =	sdelay $0x1  }
0x2be: {  	v8 =	vadd.f32 v9, v8;
	v51 =	vadd.f32 v11, v10;
	_ =	sdelay $0x1  }
0x2bf: {  	v8 =	vadd.f32 v51, v8;
	_ =	sdelay $0x1  }
0x2c0: {  	(xrf2) =	vadd.scan.msk.f32 $0xffff, v8;
	_ =	sdelay $0x9  }
0x2c1: {  	v8, _, _ =	vpop (xrf2)  }
0x2c2: {  	[tilespmem:$0x19200] =	vst v8  }
0x2c3: {  	v8 =	vld [tilespmem:s6+$0x380]  }
0x2c4: {  	v52 =	vld [tilespmem:s6+$0x390]  }
0x2c5: {  	v53 =	vld [tilespmem:s6+$0x3A0]  }
0x2c6: {  	v54 =	vld [tilespmem:s6+$0x3B0];
	_ =	sdelay $0x3  }
0x2c7: {  	v8 =	vmul.f32 v8, v4;
	v9 =	vmul.f32 v52, v5  }
0x2c8: {  	v10 =	vmul.f32 v53, v6;
	v11 =	vmul.f32 v54, v7;
	_ =	sdelay $0x1  }
0x2c9: {  	v8 =	vadd.f32 v9, v8;
	v55 =	vadd.f32 v11, v10;
	_ =	sdelay $0x1  }
0x2ca: {  	v8 =	vadd.f32 v55, v8;
	_ =	sdelay $0x1  }
0x2cb: {  	(xrf2) =	vadd.scan.msk.f32 $0xffff, v8;
	_ =	sdelay $0x9  }
0x2cc: {  	v8, _, _ =	vpop (xrf2)  }
0x2cd: {  	[tilespmem:$0x19210] =	vst v8  }
0x2ce: {  	v8 =	vld [tilespmem:s6+$0x400]  }
0x2cf: {  	v56 =	vld [tilespmem:s6+$0x410]  }
0x2d0: {  	v57 =	vld [tilespmem:s6+$0x420]  }
0x2d1: {  	v58 =	vld [tilespmem:s6+$0x430];
	_ =	sdelay $0x3  }
0x2d2: {  	v8 =	vmul.f32 v8, v4;
	v9 =	vmul.f32 v56, v5  }
0x2d3: {  	v10 =	vmul.f32 v57, v6;
	v11 =	vmul.f32 v58, v7;
	_ =	sdelay $0x1  }
0x2d4: {  	v8 =	vadd.f32 v9, v8;
	v59 =	vadd.f32 v11, v10;
	_ =	sdelay $0x1  }
0x2d5: {  	v8 =	vadd.f32 v59, v8;
	_ =	sdelay $0x1  }
0x2d6: {  	(xrf2) =	vadd.scan.msk.f32 $0xffff, v8;
	_ =	sdelay $0x9  }
0x2d7: {  	v8, _, _ =	vpop (xrf2)  }
0x2d8: {  	[tilespmem:$0x19220] =	vst v8  }
0x2d9: {  	v8 =	vld [tilespmem:s6+$0x480]  }
0x2da: {  	v60 =	vld [tilespmem:s6+$0x490]  }
0x2db: {  	v61 =	vld [tilespmem:s6+$0x4A0]  }
0x2dc: {  	v62 =	vld [tilespmem:s6+$0x4B0];
	_ =	sdelay $0x3  }
0x2dd: {  	v4 =	vmul.f32 v8, v4;
	v5 =	vmul.f32 v60, v5  }
0x2de: {  	v6 =	vmul.f32 v61, v6;
	v7 =	vmul.f32 v62, v7;
	_ =	sdelay $0x1  }
0x2df: {  	v4 =	vadd.f32 v5, v4;
	v5 =	vadd.f32 v7, v6;
	_ =	sdelay $0x1  }
0x2e0: {  	v4 =	vadd.f32 v5, v4;
	_ =	sdelay $0x1  }
0x2e1: {  	(xrf2) =	vadd.scan.msk.f32 $0xffff, v4;
	_ =	sdelay $0x9  }
0x2e2: {  	v4, _, _ =	vpop (xrf2)  }
0x2e3: {  	[tilespmem:$0x19230] =	vst v4  }
0x2e4: {  	v5 =	vor.u32 s29, v0;
	v4 =	vld.idx.msk [tilespmem:v1+s22+$0x0], $0xffff;
	_ =	sdelay $0x4  }
0x2e5: {  	[tilespmem:v5+s23+$0x0] =	vst.idx.msk $0xffff, v4  }
0x2e6: {  	v5 =	vor.u32 s29, v3;
	v4 =	vld.idx.msk [tilespmem:v2+s22+$0x0], $0xffff  }
0x2e7: {  	p0 =	sne.s32 s0, $0x1E00;
	v63 =	vmov s29  }
.Ltmp2:
0x2e8: {  	_ = 	snop;
	(pc) =	sbr.rel @p0 .LBB2_7-.Ltmp2, $3  }
0x2e9: {  	_ =	sdelay $0x1  }
0x2ea: {  	[tilespmem:v5+s23+$0x0] =	vst.idx.msk $0xf, v4  }
0x2eb: {  	s0 =	sadd.s32 $0x200, s0;
	s6 =	sadd.s32 $0xA00, s6;
	s29 =	sadd.s32 $0x1, s29;
	[tilespmem:v63+s24+$0x0] =	vst.idx.msk vm0, v4  }
0x2ec: {  	p0 =	seq.s32 s30, $0xF  }
.Ltmp3:
0x2ed: {  	_ = 	snop;
	(pc) =	sbr.rel @p0 .LBB2_12-.Ltmp3, $2  }
0x2ee: {  	_ =	sdelay $0x2  }
0x2ef: {  	s10 =	simm.s32 $0x3  }
0x2f0: {  	s0 =	sadd.s32 $0x20, s31;
	s1 =	rddreg [dreg:$0x4]  }
0x2f1: {  	s0 =	sadd.s32 s1, s0  }
0x2f2: {  	s0 =	smul.u32 $0x14, s0;
	_ =	sdelay $0x1  }
0x2f3: {  	s8 =	rddreg [dreg:$0x9];
	s0 =	sshrl.u32 s0, $0x3  }
0x2f4: {  	s6 =	simm.s32 $0x0;
	s1 =	sadd.s32 s8, s0;
	s0 =	simm.s32 $0x400  }
0x2f5: {  	[tilespmem:s0], [sflag:$0x3] =	stream.linear.gather [hbm4b:s1+s6], $0x140, $0x38;
	[tilespmem:$0x19380] =	vst v63  }
0x2f6: {  	_ =	swait.ge [sflag:s10], $0x140  }
0x2f7: {  	[sflag:s10] =	ssyncset.done $0x0  }
0x2f8: {  	[sflag:s10] =	ssyncadd.s32 $0xFFFFFEC0  }
0x2f9: {  	v4 =	vld [tilespmem:s31+$0x20];
	_ =	sdelay $0x4  }
0x2fa: {  	v5 =	vshll.u32 v4, $0x4  }
0x2fb: {  	(v2sf) =	vpush v5, $0x0;
	_ =	sdelay $0x4  }
0x2fc: {  	v6 =	vld [tilespmem:s31+$0x220];
	_ =	sdelay $0x4  }
0x2fd: {  	v4 =	vshll.u32 v6, $0x4  }
0x2fe: {  	(v2sf) =	vpush v4, $0x0  }
0x2ff: {  	(v2sf) =	vpush v5, $0x1;
	_ =	sdelay $0x1  }
0x300: {  	(v2sf) =	vpush v4, $0x1  }
0x301: {  	s9 =	spop (v2sf);
	(v2sf) =	vpush v5, $0x2;
	_ =	sdelay $0x1  }
0x302: {  	(v2sf) =	vpush v4, $0x2;
	_ =	sdelay $0x1  }
0x303: {  	(v2sf) =	vpush v5, $0x3;
	_ =	sdelay $0x2  }
0x304: {  	(v2sf) =	vpush v4, $0x3;
	_ =	sdelay $0x3  }
0x305: {  	s1 =	sand.u32 $0x1FFFFFF0, s9;
	s10 =	spop (v2sf)  }
0x306: {  	s5 =	simm.s32 $0x700;
	s1 =	sadd.s32 s3, s1;
	s12 =	spop (v2sf)  }
0x307: {  	[tilespmem:s5], [sflag:$0x1] =	stream.linear.gather [hbm4b:s1+s6], $0x80, $0x38;
	[tilespmem:$0x19380] =	vst v63  }
0x308: {  	s14 =	spop (v2sf)  }
0x309: {  	s16 =	spop (v2sf);
	(v2sf) =	vpush v5, $0x4  }
0x30a: {  	s1 =	sand.u32 $0x1FFFFFF0, s10  }
0x30b: {  	s11 =	simm.s32 $0xF00;
	s1 =	sadd.s32 s4, s1;
	s18 =	spop (v2sf);
	(v2sf) =	vpush v4, $0x4  }
0x30c: {  	[tilespmem:s11], [sflag:$0x1] =	stream.linear.gather [hbm4b:s1+s6], $0x80, $0x38;
	[tilespmem:$0x19380] =	vst v63  }
0x30d: {  	s1 =	sand.u32 $0x1FFFFFF0, s12;
	s20 =	spop (v2sf);
	(v2sf) =	vpush v5, $0x5  }
0x30e: {  	s13 =	simm.s32 $0x780;
	s1 =	sadd.s32 s3, s1  }
0x30f: {  	[tilespmem:s13], [sflag:$0x1] =	stream.linear.gather [hbm4b:s1+s6], $0x80, $0x38;
	[tilespmem:$0x19380] =	vst v63  }
0x310: {  	s25 =	spop (v2sf);
	(v2sf) =	vpush v4, $0x5  }
0x311: {  	s1 =	sand.u32 $0x1FFFFFF0, s14  }
0x312: {  	s15 =	simm.s32 $0xF80;
	s1 =	sadd.s32 s4, s1  }
0x313: {  	[tilespmem:s15], [sflag:$0x1] =	stream.linear.gather [hbm4b:s1+s6], $0x80, $0x38;
	[tilespmem:$0x19380] =	vst v63  }
0x314: {  	s1 =	sand.u32 $0x1FFFFFF0, s16  }
0x315: {  	s17 =	simm.s32 $0x800;
	s1 =	sadd.s32 s3, s1  }
0x316: {  	[tilespmem:s17], [sflag:$0x1] =	stream.linear.gather [hbm4b:s1+s6], $0x80, $0x38;
	[tilespmem:$0x19380] =	vst v63  }
0x317: {  	s1 =	sand.u32 $0x1FFFFFF0, s18  }
0x318: {  	s19 =	simm.s32 $0x1000;
	s1 =	sadd.s32 s4, s1;
	s8 =	spop (v2sf);
	(v2sf) =	vpush v5, $0x6  }
0x319: {  	[tilespmem:s19], [sflag:$0x1] =	stream.linear.gather [hbm4b:s1+s6], $0x80, $0x38;
	[tilespmem:$0x19380] =	vst v63  }
0x31a: {  	s10 =	spop (v2sf);
	(v2sf) =	vpush v4, $0x6  }
0x31b: {  	s1 =	sand.u32 $0x1FFFFFF0, s20  }
0x31c: {  	s21 =	simm.s32 $0x880;
	s1 =	sadd.s32 s3, s1;
	s12 =	spop (v2sf);
	(v2sf) =	vpush v5, $0x7  }
0x31d: {  	[tilespmem:s21], [sflag:$0x1] =	stream.linear.gather [hbm4b:s1+s6], $0x80, $0x38;
	[tilespmem:$0x19380] =	vst v63  }
0x31e: {  	s1 =	sand.u32 $0x1FFFFFF0, s25  }
0x31f: {  	s31 =	simm.s32 $0x1080;
	s1 =	sadd.s32 s4, s1;
	s14 =	spop (v2sf);
	(v2sf) =	vpush v4, $0x7  }
0x320: {  	[tilespmem:s31], [sflag:$0x1] =	stream.linear.gather [hbm4b:s1+s6], $0x80, $0x38;
	[tilespmem:$0x19380] =	vst v63  }
0x321: {  	s1 =	sand.u32 $0x1FFFFFF0, s8  }
0x322: {  	s9 =	simm.s32 $0x900;
	s1 =	sadd.s32 s3, s1  }
0x323: {  	[tilespmem:s9], [sflag:$0x1] =	stream.linear.gather [hbm4b:s1+s6], $0x80, $0x38;
	[tilespmem:$0x19380] =	vst v63  }
0x324: {  	s1 =	sand.u32 $0x1FFFFFF0, s10  }
0x325: {  	s11 =	simm.s32 $0x1100;
	s1 =	sadd.s32 s4, s1  }
0x326: {  	[tilespmem:s11], [sflag:$0x1] =	stream.linear.gather [hbm4b:s1+s6], $0x80, $0x38;
	[tilespmem:$0x19380] =	vst v63  }
0x327: {  	s16 =	spop (v2sf);
	(v2sf) =	vpush v5, $0x8  }
0x328: {  	s1 =	sand.u32 $0x1FFFFFF0, s12  }
0x329: {  	s13 =	simm.s32 $0x980;
	s1 =	sadd.s32 s3, s1;
	s18 =	spop (v2sf);
	(v2sf) =	vpush v4, $0x8  }
0x32a: {  	[tilespmem:s13], [sflag:$0x1] =	stream.linear.gather [hbm4b:s1+s6], $0x80, $0x38;
	[tilespmem:$0x19380] =	vst v63  }
0x32b: {  	s1 =	sand.u32 $0x1FFFFFF0, s14;
	s20 =	spop (v2sf);
	(v2sf) =	vpush v5, $0x9  }
0x32c: {  	s15 =	simm.s32 $0x1180;
	s1 =	sadd.s32 s4, s1  }
0x32d: {  	[tilespmem:s15], [sflag:$0x1] =	stream.linear.gather [hbm4b:s1+s6], $0x80, $0x38;
	[tilespmem:$0x19380] =	vst v63  }
0x32e: {  	s25 =	spop (v2sf);
	(v2sf) =	vpush v4, $0x9  }
0x32f: {  	s1 =	sand.u32 $0x1FFFFFF0, s16  }
0x330: {  	s17 =	simm.s32 $0xA00;
	s1 =	sadd.s32 s3, s1  }
0x331: {  	[tilespmem:s17], [sflag:$0x1] =	stream.linear.gather [hbm4b:s1+s6], $0x80, $0x38;
	[tilespmem:$0x19380] =	vst v63  }
0x332: {  	s1 =	sand.u32 $0x1FFFFFF0, s18  }
0x333: {  	s19 =	simm.s32 $0x1200;
	s1 =	sadd.s32 s4, s1  }
0x334: {  	[tilespmem:s19], [sflag:$0x1] =	stream.linear.gather [hbm4b:s1+s6], $0x80, $0x38;
	[tilespmem:$0x19380] =	vst v63  }
0x335: {  	s1 =	sand.u32 $0x1FFFFFF0, s20  }
0x336: {  	s21 =	simm.s32 $0xA80;
	s1 =	sadd.s32 s3, s1;
	s8 =	spop (v2sf);
	(v2sf) =	vpush v5, $0xA  }
0x337: {  	[tilespmem:s21], [sflag:$0x1] =	stream.linear.gather [hbm4b:s1+s6], $0x80, $0x38;
	[tilespmem:$0x19380] =	vst v63  }
0x338: {  	s10 =	spop (v2sf);
	(v2sf) =	vpush v4, $0xA  }
0x339: {  	s1 =	sand.u32 $0x1FFFFFF0, s25  }
0x33a: {  	s31 =	simm.s32 $0x1280;
	s1 =	sadd.s32 s4, s1;
	s12 =	spop (v2sf);
	(v2sf) =	vpush v5, $0xB  }
0x33b: {  	[tilespmem:s31], [sflag:$0x1] =	stream.linear.gather [hbm4b:s1+s6], $0x80, $0x38;
	[tilespmem:$0x19380] =	vst v63  }
0x33c: {  	s1 =	sand.u32 $0x1FFFFFF0, s8  }
0x33d: {  	s9 =	simm.s32 $0xB00;
	s1 =	sadd.s32 s3, s1;
	s14 =	spop (v2sf);
	(v2sf) =	vpush v4, $0xB  }
0x33e: {  	[tilespmem:s9], [sflag:$0x1] =	stream.linear.gather [hbm4b:s1+s6], $0x80, $0x38;
	[tilespmem:$0x19380] =	vst v63  }
0x33f: {  	s1 =	sand.u32 $0x1FFFFFF0, s10  }
0x340: {  	s11 =	simm.s32 $0x1300;
	s1 =	sadd.s32 s4, s1  }
0x341: {  	[tilespmem:s11], [sflag:$0x1] =	stream.linear.gather [hbm4b:s1+s6], $0x80, $0x38;
	[tilespmem:$0x19380] =	vst v63  }
0x342: {  	s1 =	sand.u32 $0x1FFFFFF0, s12  }
0x343: {  	s13 =	simm.s32 $0xB80;
	s1 =	sadd.s32 s3, s1  }
0x344: {  	[tilespmem:s13], [sflag:$0x1] =	stream.linear.gather [hbm4b:s1+s6], $0x80, $0x38;
	[tilespmem:$0x19380] =	vst v63  }
0x345: {  	s16 =	spop (v2sf);
	(v2sf) =	vpush v5, $0xC  }
0x346: {  	s1 =	sand.u32 $0x1FFFFFF0, s14  }
0x347: {  	s15 =	simm.s32 $0x1380;
	s1 =	sadd.s32 s4, s1;
	s18 =	spop (v2sf);
	(v2sf) =	vpush v4, $0xC  }
0x348: {  	[tilespmem:s15], [sflag:$0x1] =	stream.linear.gather [hbm4b:s1+s6], $0x80, $0x38;
	[tilespmem:$0x19380] =	vst v63  }
0x349: {  	s1 =	sand.u32 $0x1FFFFFF0, s16;
	s20 =	spop (v2sf);
	(v2sf) =	vpush v5, $0xD  }
0x34a: {  	s17 =	simm.s32 $0xC00;
	s1 =	sadd.s32 s3, s1  }
0x34b: {  	[tilespmem:s17], [sflag:$0x1] =	stream.linear.gather [hbm4b:s1+s6], $0x80, $0x38;
	[tilespmem:$0x19380] =	vst v63  }
0x34c: {  	s25 =	spop (v2sf);
	(v2sf) =	vpush v4, $0xD  }
0x34d: {  	s1 =	sand.u32 $0x1FFFFFF0, s18  }
0x34e: {  	s19 =	simm.s32 $0x1400;
	s1 =	sadd.s32 s4, s1  }
0x34f: {  	[tilespmem:s19], [sflag:$0x1] =	stream.linear.gather [hbm4b:s1+s6], $0x80, $0x38;
	[tilespmem:$0x19380] =	vst v63  }
0x350: {  	s1 =	sand.u32 $0x1FFFFFF0, s20  }
0x351: {  	s21 =	simm.s32 $0xC80;
	s1 =	sadd.s32 s3, s1  }
0x352: {  	[tilespmem:s21], [sflag:$0x1] =	stream.linear.gather [hbm4b:s1+s6], $0x80, $0x38;
	[tilespmem:$0x19380] =	vst v63  }
0x353: {  	s1 =	sand.u32 $0x1FFFFFF0, s25  }
0x354: {  	s31 =	simm.s32 $0x1480;
	s1 =	sadd.s32 s4, s1;
	s8 =	spop (v2sf);
	(v2sf) =	vpush v5, $0xE  }
0x355: {  	[tilespmem:s31], [sflag:$0x1] =	stream.linear.gather [hbm4b:s1+s6], $0x80, $0x38;
	[tilespmem:$0x19380] =	vst v63  }
0x356: {  	s10 =	spop (v2sf);
	(v2sf) =	vpush v4, $0xE  }
0x357: {  	s1 =	sand.u32 $0x1FFFFFF0, s8  }
0x358: {  	s9 =	simm.s32 $0xD00;
	s1 =	sadd.s32 s3, s1;
	s12 =	spop (v2sf)  }
0x359: {  	(v2sf) =	vpush v5, $0xF;
	[tilespmem:s9], [sflag:$0x1] =	stream.linear.gather [hbm4b:s1+s6], $0x80, $0x38;
	[tilespmem:$0x19380] =	vst v63  }
0x35a: {  	s1 =	sand.u32 $0x1FFFFFF0, s10  }
0x35b: {  	s11 =	simm.s32 $0x1500;
	s14 =	spop (v2sf);
	s1 =	sadd.s32 s4, s1  }
0x35c: {  	(v2sf) =	vpush v4, $0xF;
	[tilespmem:s11], [sflag:$0x1] =	stream.linear.gather [hbm4b:s1+s6], $0x80, $0x38;
	[tilespmem:$0x19380] =	vst v63  }
0x35d: {  	s1 =	sand.u32 $0x1FFFFFF0, s12  }
0x35e: {  	s13 =	simm.s32 $0xD80;
	s1 =	sadd.s32 s3, s1  }
0x35f: {  	[tilespmem:s13], [sflag:$0x1] =	stream.linear.gather [hbm4b:s1+s6], $0x80, $0x38;
	[tilespmem:$0x19380] =	vst v63  }
0x360: {  	s1 =	sand.u32 $0x1FFFFFF0, s14  }
0x361: {  	s15 =	simm.s32 $0x1580;
	s1 =	sadd.s32 s4, s1  }
0x362: {  	[tilespmem:s15], [sflag:$0x1] =	stream.linear.gather [hbm4b:s1+s6], $0x80, $0x38;
	[tilespmem:$0x19380] =	vst v63  }
0x363: {  	s16 =	spop (v2sf)  }
0x364: {  	s1 =	sand.u32 $0x1FFFFFF0, s16  }
0x365: {  	s17 =	simm.s32 $0xE00;
	s18 =	spop (v2sf);
	s1 =	sadd.s32 s3, s1  }
0x366: {  	[tilespmem:s17], [sflag:$0x1] =	stream.linear.gather [hbm4b:s1+s6], $0x80, $0x38;
	[tilespmem:$0x19380] =	vst v63  }
0x367: {  	s1 =	sand.u32 $0x1FFFFFF0, s18  }
0x368: {  	s19 =	simm.s32 $0x1600;
	s20 =	spop (v2sf);
	s1 =	sadd.s32 s4, s1  }
0x369: {  	[tilespmem:s19], [sflag:$0x1] =	stream.linear.gather [hbm4b:s1+s6], $0x80, $0x38;
	[tilespmem:$0x19380] =	vst v63  }
0x36a: {  	s1 =	sand.u32 $0x1FFFFFF0, s20  }
0x36b: {  	s21 =	simm.s32 $0xE80;
	s25 =	spop (v2sf);
	s1 =	sadd.s32 s3, s1  }
0x36c: {  	[tilespmem:s21], [sflag:$0x1] =	stream.linear.gather [hbm4b:s1+s6], $0x80, $0x38;
	[tilespmem:$0x19380] =	vst v63  }
0x36d: {  	s1 =	sand.u32 $0x1FFFFFF0, s25  }
0x36e: {  	s31 =	simm.s32 $0x1680;
	s1 =	sadd.s32 s4, s1  }
0x36f: {  	[tilespmem:s31], [sflag:$0x1] =	stream.linear.gather [hbm4b:s1+s6], $0x80, $0x38;
	[tilespmem:$0x19380] =	vst v63  }
0x370: {  	v4 =	vld [tilespmem:s0+$0x0];
	_ =	sdelay $0x4  }
0x371: {  	v4 =	vshll.u32 v4, $0x4  }
0x372: {  	(v2sf) =	vpush v4, $0x0  }
0x373: {  	(v2sf) =	vpush v4, $0x1  }
0x374: {  	(v2sf) =	vpush v4, $0x2;
	_ =	sdelay $0x1  }
0x375: {  	(v2sf) =	vpush v4, $0x4;
	_ =	sdelay $0x1  }
0x376: {  	(v2sf) =	vpush v4, $0x3  }
0x377: {  	(v2sf) =	vpush v4, $0x5  }
0x378: {  	s29 =	simm.s32 $0x2000;
	s6 =	simm.s32 $0x0;
	(v2sf) =	vpush v4, $0x6  }
.LBB2_10:
0x379: {  	p0 =	sne.s32 s29, $0x26000  }
0x37a: {  	s1 =	sadd.s32 $0x1780, s6;
	s12 =	sadd.s32 $0x1C80, s6;
	s8 =	smov.u32 s29  }
0x37b: {  	s29 =	sadd.s32 $0x2000, s29;
	s15 =	sadd.s32 $0x1A80, s6;
	s9 =	sadd.s32 $0x1D00, s6;
	(v2sf) =	vpush v4, $0x7  }
0x37c: {  	s17 =	sadd.s32 $0x1980, s6;
	s14 =	sadd.s32 $0x1B00, s6;
	s11 =	sadd.s32 $0x1D80, s6  }
0x37d: {  	s5 =	sadd.s32 $0x1700, s6;
	s10 =	sadd.s32 $0x1900, s6;
	(v2sf) =	vpush v4, $0x8  }
0x37e: {  	s18 =	sadd.s32 $0x1A00, s6;
	s0 =	sadd.s32 $0x10, s0  }
0x37f: {  	s19 =	sadd.s32 $0x1800, s6;
	s13 =	sadd.s32 $0x1C00, s6;
	s16 =	spop (v2sf);
	(v2sf) =	vpush v4, $0x9  }
0x380: {  	s20 =	sand.u32 $0x1FFFFFF0, s16;
	s16 =	sadd.s32 $0x1B80, s6;
	s21 =	spop (v2sf)  }
0x381: {  	s20 =	sadd.s32 s4, s20;
	s21 =	sand.u32 $0x1FFFFFF0, s21;
	s25 =	spop (v2sf);
	(v2sf) =	vpush v4, $0xA  }
0x382: {  	[tilespmem:s5], [sflag:$0x1] =	stream.linear.gather [hbm4b:s20+s2], $0x80, $0x38;
	[tilespmem:$0x19380] =	vst v63  }
0x383: {  	s5 =	sadd.s32 s4, s21;
	s20 =	sadd.s32 $0x1880, s6;
	s21 =	spop (v2sf);
	(v2sf) =	vpush v4, $0xB  }
0x384: {  	[tilespmem:s1], [sflag:$0x1] =	stream.linear.gather [hbm4b:s5+s2], $0x80, $0x38;
	[tilespmem:$0x19380] =	vst v63  }
0x385: {  	s1 =	sand.u32 $0x1FFFFFF0, s25;
	s5 =	sand.u32 $0x1FFFFFF0, s21;
	s21 =	spop (v2sf);
	(v2sf) =	vpush v4, $0xC  }
0x386: {  	s1 =	sadd.s32 s4, s1;
	s21 =	sand.u32 $0x1FFFFFF0, s21;
	s25 =	spop (v2sf)  }
0x387: {  	[tilespmem:s19], [sflag:$0x1] =	stream.linear.gather [hbm4b:s1+s2], $0x80, $0x38;
	(v2sf) =	vpush v4, $0xD;
	[tilespmem:$0x19380] =	vst v63  }
0x388: {  	s1 =	sadd.s32 s4, s21;
	s19 =	sand.u32 $0x1FFFFFF0, s25;
	s21 =	spop (v2sf)  }
0x389: {  	[tilespmem:s20], [sflag:$0x1] =	stream.linear.gather [hbm4b:s1+s2], $0x80, $0x38;
	(v2sf) =	vpush v4, $0xE;
	[tilespmem:$0x19380] =	vst v63  }
0x38a: {  	s1 =	sadd.s32 s4, s5;
	s5 =	sand.u32 $0x1FFFFFF0, s21;
	s20 =	spop (v2sf)  }
0x38b: {  	[tilespmem:s10], [sflag:$0x1] =	stream.linear.gather [hbm4b:s1+s2], $0x80, $0x38;
	(v2sf) =	vpush v4, $0xF;
	[tilespmem:$0x19380] =	vst v63  }
0x38c: {  	s1 =	sadd.s32 s4, s19;
	s10 =	sand.u32 $0x1FFFFFF0, s20;
	s19 =	spop (v2sf)  }
0x38d: {  	[tilespmem:s17], [sflag:$0x1] =	stream.linear.gather [hbm4b:s1+s2], $0x80, $0x38;
	[tilespmem:$0x19380] =	vst v63  }
0x38e: {  	s1 =	sadd.s32 s4, s5;
	s5 =	sand.u32 $0x1FFFFFF0, s19;
	s17 =	spop (v2sf)  }
0x38f: {  	[tilespmem:s18], [sflag:$0x1] =	stream.linear.gather [hbm4b:s1+s2], $0x80, $0x38;
	[tilespmem:$0x19380] =	vst v63  }
0x390: {  	s1 =	sadd.s32 s4, s10;
	s10 =	sand.u32 $0x1FFFFFF0, s17;
	s17 =	spop (v2sf)  }
0x391: {  	[tilespmem:s15], [sflag:$0x1] =	stream.linear.gather [hbm4b:s1+s2], $0x80, $0x38;
	[tilespmem:$0x19380] =	vst v63  }
0x392: {  	s1 =	sadd.s32 s4, s5;
	s5 =	sand.u32 $0x1FFFFFF0, s17;
	s15 =	spop (v2sf)  }
0x393: {  	[tilespmem:s14], [sflag:$0x1] =	stream.linear.gather [hbm4b:s1+s2], $0x80, $0x38;
	[tilespmem:$0x19380] =	vst v63  }
0x394: {  	s1 =	sadd.s32 s4, s10;
	s10 =	sand.u32 $0x1FFFFFF0, s15;
	s14 =	spop (v2sf)  }
0x395: {  	[tilespmem:s16], [sflag:$0x1] =	stream.linear.gather [hbm4b:s1+s2], $0x80, $0x38;
	[tilespmem:$0x19380] =	vst v63  }
0x396: {  	s1 =	sadd.s32 s4, s5;
	s5 =	sand.u32 $0x1FFFFFF0, s14;
	s14 =	spop (v2sf)  }
0x397: {  	[tilespmem:s13], [sflag:$0x1] =	stream.linear.gather [hbm4b:s1+s2], $0x80, $0x38;
	[tilespmem:$0x19380] =	vst v63  }
0x398: {  	s1 =	sadd.s32 s4, s10;
	s10 =	sand.u32 $0x1FFFFFF0, s14;
	s13 =	spop (v2sf)  }
0x399: {  	[tilespmem:s12], [sflag:$0x1] =	stream.linear.gather [hbm4b:s1+s2], $0x80, $0x38;
	[tilespmem:$0x19380] =	vst v63  }
0x39a: {  	s1 =	sadd.s32 s4, s5;
	s5 =	sand.u32 $0x1FFFFFF0, s13;
	s12 =	spop (v2sf)  }
0x39b: {  	[tilespmem:s9], [sflag:$0x1] =	stream.linear.gather [hbm4b:s1+s2], $0x80, $0x38;
	[tilespmem:$0x19380] =	vst v63  }
0x39c: {  	s1 =	sadd.s32 s4, s10;
	s9 =	sand.u32 $0x1FFFFFF0, s12  }
0x39d: {  	[tilespmem:s11], [sflag:$0x1] =	stream.linear.gather [hbm4b:s1+s2], $0x80, $0x38;
	[tilespmem:$0x19380] =	vst v63  }
0x39e: {  	s5 =	sadd.s32 s4, s5;
	s1 =	sadd.s32 $0x1E00, s6  }
0x39f: {  	[tilespmem:s1], [sflag:$0x1] =	stream.linear.gather [hbm4b:s5+s2], $0x80, $0x38;
	[tilespmem:$0x19380] =	vst v63  }
0x3a0: {  	s1 =	sadd.s32 $0x1E80, s6;
	s5 =	sadd.s32 s4, s9  }
0x3a1: {  	[tilespmem:s1], [sflag:$0x1] =	stream.linear.gather [hbm4b:s5+s2], $0x80, $0x38;
	[tilespmem:$0x19380] =	vst v63  }
0x3a2: {  	v4 =	vld [tilespmem:s0+$0x0];
	_ =	sdelay $0x4  }
0x3a3: {  	v4 =	vshll.u32 v4, $0x4  }
0x3a4: {  	(v2sf) =	vpush v4, $0x0  }
0x3a5: {  	(v2sf) =	vpush v4, $0x1  }
0x3a6: {  	(v2sf) =	vpush v4, $0x2;
	_ =	sdelay $0x1  }
0x3a7: {  	(v2sf) =	vpush v4, $0x4  }
.Ltmp4:
0x3a8: {  	(pc) =	sbr.rel @p0 .LBB2_10-.Ltmp4, $3  }
0x3a9: {  	(v2sf) =	vpush v4, $0x3  }
0x3aa: {  	(v2sf) =	vpush v4, $0x5;
	_ =	sdelay $0x1  }
0x3ab: {  	s6 =	sshra.s32 s8, $0x2;
	(v2sf) =	vpush v4, $0x6  }
0x3ac: {  	_ =	sdelay $0x1  }
0x3ad: {  	s1 =	sadd.s32 $0x1780, s6;
	s9 =	sadd.s32 $0x1C80, s6  }
0x3ae: {  	s5 =	sadd.s32 $0x1A80, s6;
	s0 =	sadd.s32 $0x1D00, s6;
	(v2sf) =	vpush v4, $0x7;
	s10 =	sadd.s32 $0x1980, s6  }
0x3af: {  	s11 =	sadd.s32 $0x1B00, s6;
	s8 =	sadd.s32 $0x1D80, s6;
	s12 =	sadd.s32 $0x1700, s6  }
0x3b0: {  	s13 =	sadd.s32 $0x1900, s6;
	s14 =	sadd.s32 $0x1A00, s6;
	(v2sf) =	vpush v4, $0x8;
	s15 =	spop (v2sf)  }
0x3b1: {  	s16 =	sadd.s32 $0x1800, s6;
	s15 =	sand.u32 $0x1FFFFFF0, s15;
	s17 =	spop (v2sf)  }
0x3b2: {  	(v2sf) =	vpush v4, $0x9;
	s15 =	sadd.s32 s4, s15;
	s17 =	sand.u32 $0x1FFFFFF0, s17;
	s18 =	spop (v2sf)  }
0x3b3: {  	[tilespmem:s12], [sflag:$0x1] =	stream.linear.gather [hbm4b:s15+s2], $0x80, $0x38;
	[tilespmem:$0x19380] =	vst v63  }
0x3b4: {  	s19 =	sadd.s32 $0x1880, s6;
	(v2sf) =	vpush v4, $0xA;
	s29 =	sadd.s32 s4, s17;
	s31 =	spop (v2sf)  }
0x3b5: {  	[tilespmem:s1], [sflag:$0x1] =	stream.linear.gather [hbm4b:s29+s2], $0x80, $0x38;
	[tilespmem:$0x19380] =	vst v63  }
0x3b6: {  	s12 =	sadd.s32 $0x1C00, s6;
	s18 =	sand.u32 $0x1FFFFFF0, s18;
	(v2sf) =	vpush v4, $0xB;
	s20 =	spop (v2sf)  }
0x3b7: {  	s15 =	sadd.s32 s4, s18;
	s1 =	sadd.s32 $0x1B80, s6;
	s18 =	sand.u32 $0x1FFFFFF0, s20  }
0x3b8: {  	(v2sf) =	vpush v4, $0xC;
	[tilespmem:s16], [sflag:$0x1] =	stream.linear.gather [hbm4b:s15+s2], $0x80, $0x38;
	[tilespmem:$0x19380] =	vst v63  }
0x3b9: {  	s21 =	sand.u32 $0x1FFFFFF0, s31;
	s25 =	spop (v2sf);
	s29 =	sadd.s32 s4, s18  }
0x3ba: {  	(v2sf) =	vpush v4, $0xD;
	[tilespmem:s19], [sflag:$0x1] =	stream.linear.gather [hbm4b:s29+s2], $0x80, $0x38;
	[tilespmem:$0x19380] =	vst v63  }
0x3bb: {  	s15 =	sadd.s32 s4, s21;
	s16 =	sand.u32 $0x1FFFFFF0, s25;
	s31 =	spop (v2sf)  }
0x3bc: {  	(v2sf) =	vpush v4, $0xE;
	[tilespmem:s13], [sflag:$0x1] =	stream.linear.gather [hbm4b:s15+s2], $0x80, $0x38;
	[tilespmem:$0x19380] =	vst v63  }
0x3bd: {  	s16 =	sadd.s32 s4, s16;
	s17 =	sand.u32 $0x1FFFFFF0, s31;
	s18 =	spop (v2sf)  }
0x3be: {  	(v2sf) =	vpush v4, $0xF;
	[tilespmem:s10], [sflag:$0x1] =	stream.linear.gather [hbm4b:s16+s2], $0x80, $0x38;
	[tilespmem:$0x19380] =	vst v63  }
0x3bf: {  	s19 =	sand.u32 $0x1FFFFFF0, s18;
	s20 =	spop (v2sf);
	s13 =	sadd.s32 s4, s17  }
0x3c0: {  	[tilespmem:s14], [sflag:$0x1] =	stream.linear.gather [hbm4b:s13+s2], $0x80, $0x38;
	[tilespmem:$0x19380] =	vst v63  }
0x3c1: {  	s21 =	sand.u32 $0x1FFFFFF0, s20;
	s10 =	sadd.s32 s4, s19;
	s25 =	spop (v2sf)  }
0x3c2: {  	[tilespmem:s5], [sflag:$0x1] =	stream.linear.gather [hbm4b:s10+s2], $0x80, $0x38;
	[tilespmem:$0x19380] =	vst v63  }
0x3c3: {  	s13 =	sadd.s32 s4, s21;
	s29 =	sand.u32 $0x1FFFFFF0, s25;
	s31 =	spop (v2sf)  }
0x3c4: {  	[tilespmem:s11], [sflag:$0x1] =	stream.linear.gather [hbm4b:s13+s2], $0x80, $0x38;
	[tilespmem:$0x19380] =	vst v63  }
0x3c5: {  	s10 =	sand.u32 $0x1FFFFFF0, s31;
	s5 =	sadd.s32 s4, s29;
	s14 =	spop (v2sf)  }
0x3c6: {  	[tilespmem:s1], [sflag:$0x1] =	stream.linear.gather [hbm4b:s5+s2], $0x80, $0x38;
	[tilespmem:$0x19380] =	vst v63  }
0x3c7: {  	s10 =	sadd.s32 s4, s10;
	s15 =	sand.u32 $0x1FFFFFF0, s14;
	s16 =	spop (v2sf)  }
0x3c8: {  	[tilespmem:s12], [sflag:$0x1] =	stream.linear.gather [hbm4b:s10+s2], $0x80, $0x38;
	[tilespmem:$0x19380] =	vst v63  }
0x3c9: {  	s1 =	sadd.s32 s4, s15;
	s5 =	sand.u32 $0x1FFFFFF0, s16;
	s17 =	spop (v2sf)  }
0x3ca: {  	[tilespmem:s9], [sflag:$0x1] =	stream.linear.gather [hbm4b:s1+s2], $0x80, $0x38;
	[tilespmem:$0x19380] =	vst v63  }
0x3cb: {  	s18 =	sand.u32 $0x1FFFFFF0, s17;
	s5 =	sadd.s32 s4, s5;
	s19 =	spop (v2sf)  }
0x3cc: {  	[tilespmem:s0], [sflag:$0x1] =	stream.linear.gather [hbm4b:s5+s2], $0x80, $0x38;
	[tilespmem:$0x19380] =	vst v63  }
0x3cd: {  	s20 =	sand.u32 $0x1FFFFFF0, s19;
	s21 =	spop (v2sf);
	s1 =	sadd.s32 s4, s18  }
0x3ce: {  	[tilespmem:s8], [sflag:$0x1] =	stream.linear.gather [hbm4b:s1+s2], $0x80, $0x38;
	[tilespmem:$0x19380] =	vst v63  }
0x3cf: {  	s29 =	sadd.s32 $0x1E00, s6;
	s25 =	sand.u32 $0x1FFFFFF0, s21;
	s0 =	sadd.s32 s4, s20  }
0x3d0: {  	[tilespmem:s29], [sflag:$0x1] =	stream.linear.gather [hbm4b:s0+s2], $0x80, $0x38;
	[tilespmem:$0x19380] =	vst v63  }
0x3d1: {  	s31 =	sadd.s32 $0x1E80, s6;
	s10 =	simm.s32 $0x3;
	s1 =	sadd.s32 s4, s25  }
0x3d2: {  	[tilespmem:s31], [sflag:$0x1] =	stream.linear.gather [hbm4b:s1+s2], $0x80, $0x38;
	[tilespmem:$0x19380] =	vst v63  }
.LBB2_12:
0x3d3: {  	s0 =	simm.s32 $0x2  }
0x3d4: {  	_ =	swait.ge [sflag:s0], $0x800  }
0x3d5: {  	[sflag:s0] =	ssyncset.done $0x0  }
0x3d6: {  	[sflag:s0] =	ssyncadd.s32 $0xFFFFF800  }
0x3d7: {  	_ =	swait.ge [sflag:s0], $0x800  }
0x3d8: {  	[sflag:s0] =	ssyncset.done $0x0  }
0x3d9: {  	[sflag:s0] =	ssyncadd.s32 $0xFFFFF800  }
0x3da: {  	_ =	swait.ge [sflag:s0], $0xA000  }
0x3db: {  	s6 =	simm.s32 $0xCC00;
	[sflag:s0] =	ssyncset.done $0x0  }
0x3dc: {  	s29 =	smov.u32 s28;
	[sflag:s0] =	ssyncadd.s32 $0xFFFF6000;
	s0 =	simm.s32 $0x0  }
.LBB2_13:
0x3dd: {  	s1 =	sshra.s32 s0, $0x2  }
0x3de: {  	v4 =	vld [tilespmem:s1+$0xB700]  }
0x3df: {  	v5 =	vld [tilespmem:s1+$0xB710]  }
0x3e0: {  	v6 =	vld [tilespmem:s1+$0xB720]  }
0x3e1: {  	v7 =	vld [tilespmem:s1+$0xB730]  }
0x3e2: {  	v8 =	vld [tilespmem:s1+$0xBF00]  }
0x3e3: {  	v9 =	vld [tilespmem:s1+$0xBF10]  }
0x3e4: {  	v10 =	vld [tilespmem:s1+$0xBF20]  }
0x3e5: {  	v11 =	vld [tilespmem:s1+$0xBF30];
	_ =	sdelay $0x3  }
0x3e6: {  	v8 =	vmul.f32 v8, v4;
	v9 =	vmul.f32 v9, v5  }
0x3e7: {  	v10 =	vmul.f32 v10, v6;
	v11 =	vmul.f32 v11, v7;
	_ =	sdelay $0x1  }
0x3e8: {  	v8 =	vadd.f32 v9, v8;
	v35 =	vadd.f32 v11, v10;
	_ =	sdelay $0x1  }
0x3e9: {  	v8 =	vadd.f32 v35, v8;
	_ =	sdelay $0x1  }
0x3ea: {  	(xrf2) =	vadd.scan.msk.f32 $0xffff, v8;
	_ =	sdelay $0x9  }
0x3eb: {  	v8, _, _ =	vpop (xrf2)  }
0x3ec: {  	[tilespmem:$0x19240] =	vst v8  }
0x3ed: {  	v8 =	vld [tilespmem:s6+$0xFFFFFB00]  }
0x3ee: {  	v36 =	vld [tilespmem:s6+$0xFFFFFB10]  }
0x3ef: {  	v37 =	vld [tilespmem:s6+$0xFFFFFB20]  }
0x3f0: {  	v38 =	vld [tilespmem:s6+$0xFFFFFB30];
	_ =	sdelay $0x3  }
0x3f1: {  	v8 =	vmul.f32 v8, v4;
	v9 =	vmul.f32 v36, v5  }
0x3f2: {  	v10 =	vmul.f32 v37, v6;
	v11 =	vmul.f32 v38, v7;
	_ =	sdelay $0x1  }
0x3f3: {  	v8 =	vadd.f32 v9, v8;
	v39 =	vadd.f32 v11, v10;
	_ =	sdelay $0x1  }
0x3f4: {  	v8 =	vadd.f32 v39, v8;
	_ =	sdelay $0x1  }
0x3f5: {  	(xrf2) =	vadd.scan.msk.f32 $0xffff, v8;
	_ =	sdelay $0x9  }
0x3f6: {  	v8, _, _ =	vpop (xrf2)  }
0x3f7: {  	[tilespmem:$0x19100] =	vst v8  }
0x3f8: {  	v8 =	vld [tilespmem:s6+$0xFFFFFB80]  }
0x3f9: {  	v40 =	vld [tilespmem:s6+$0xFFFFFB90]  }
0x3fa: {  	v41 =	vld [tilespmem:s6+$0xFFFFFBA0]  }
0x3fb: {  	v42 =	vld [tilespmem:s6+$0xFFFFFBB0];
	_ =	sdelay $0x3  }
0x3fc: {  	v8 =	vmul.f32 v8, v4;
	v9 =	vmul.f32 v40, v5  }
0x3fd: {  	v10 =	vmul.f32 v41, v6;
	v11 =	vmul.f32 v42, v7;
	_ =	sdelay $0x1  }
0x3fe: {  	v8 =	vadd.f32 v9, v8;
	v43 =	vadd.f32 v11, v10;
	_ =	sdelay $0x1  }
0x3ff: {  	v8 =	vadd.f32 v43, v8;
	_ =	sdelay $0x1  }
0x400: {  	(xrf2) =	vadd.scan.msk.f32 $0xffff, v8;
	_ =	sdelay $0x9  }
0x401: {  	v8, _, _ =	vpop (xrf2)  }
0x402: {  	[tilespmem:$0x19110] =	vst v8  }
0x403: {  	v8 =	vld [tilespmem:s6+$0xFFFFFC00]  }
0x404: {  	v44 =	vld [tilespmem:s6+$0xFFFFFC10]  }
0x405: {  	v45 =	vld [tilespmem:s6+$0xFFFFFC20]  }
0x406: {  	v46 =	vld [tilespmem:s6+$0xFFFFFC30];
	_ =	sdelay $0x3  }
0x407: {  	v8 =	vmul.f32 v8, v4;
	v9 =	vmul.f32 v44, v5  }
0x408: {  	v10 =	vmul.f32 v45, v6;
	v11 =	vmul.f32 v46, v7;
	_ =	sdelay $0x1  }
0x409: {  	v8 =	vadd.f32 v9, v8;
	v47 =	vadd.f32 v11, v10;
	_ =	sdelay $0x1  }
0x40a: {  	v8 =	vadd.f32 v47, v8;
	_ =	sdelay $0x1  }
0x40b: {  	(xrf2) =	vadd.scan.msk.f32 $0xffff, v8;
	_ =	sdelay $0x9  }
0x40c: {  	v8, _, _ =	vpop (xrf2)  }
0x40d: {  	[tilespmem:$0x19120] =	vst v8  }
0x40e: {  	v8 =	vld [tilespmem:s6+$0xFFFFFC80]  }
0x40f: {  	v48 =	vld [tilespmem:s6+$0xFFFFFC90]  }
0x410: {  	v49 =	vld [tilespmem:s6+$0xFFFFFCA0]  }
0x411: {  	v50 =	vld [tilespmem:s6+$0xFFFFFCB0];
	_ =	sdelay $0x3  }
0x412: {  	v8 =	vmul.f32 v8, v4;
	v9 =	vmul.f32 v48, v5  }
0x413: {  	v10 =	vmul.f32 v49, v6;
	v11 =	vmul.f32 v50, v7;
	_ =	sdelay $0x1  }
0x414: {  	v8 =	vadd.f32 v9, v8;
	v51 =	vadd.f32 v11, v10;
	_ =	sdelay $0x1  }
0x415: {  	v8 =	vadd.f32 v51, v8;
	_ =	sdelay $0x1  }
0x416: {  	(xrf2) =	vadd.scan.msk.f32 $0xffff, v8;
	_ =	sdelay $0x9  }
0x417: {  	v8, _, _ =	vpop (xrf2)  }
0x418: {  	[tilespmem:$0x19130] =	vst v8  }
0x419: {  	v8 =	vld [tilespmem:s6+$0xFFFFFD00]  }
0x41a: {  	v52 =	vld [tilespmem:s6+$0xFFFFFD10]  }
0x41b: {  	v53 =	vld [tilespmem:s6+$0xFFFFFD20]  }
0x41c: {  	v54 =	vld [tilespmem:s6+$0xFFFFFD30];
	_ =	sdelay $0x3  }
0x41d: {  	v8 =	vmul.f32 v8, v4;
	v9 =	vmul.f32 v52, v5  }
0x41e: {  	v10 =	vmul.f32 v53, v6;
	v11 =	vmul.f32 v54, v7;
	_ =	sdelay $0x1  }
0x41f: {  	v8 =	vadd.f32 v9, v8;
	v55 =	vadd.f32 v11, v10;
	_ =	sdelay $0x1  }
0x420: {  	v8 =	vadd.f32 v55, v8;
	_ =	sdelay $0x1  }
0x421: {  	(xrf2) =	vadd.scan.msk.f32 $0xffff, v8;
	_ =	sdelay $0x9  }
0x422: {  	v8, _, _ =	vpop (xrf2)  }
0x423: {  	[tilespmem:$0x19140] =	vst v8  }
0x424: {  	v8 =	vld [tilespmem:s6+$0xFFFFFD80]  }
0x425: {  	v56 =	vld [tilespmem:s6+$0xFFFFFD90]  }
0x426: {  	v57 =	vld [tilespmem:s6+$0xFFFFFDA0]  }
0x427: {  	v58 =	vld [tilespmem:s6+$0xFFFFFDB0];
	_ =	sdelay $0x3  }
0x428: {  	v8 =	vmul.f32 v8, v4;
	v9 =	vmul.f32 v56, v5  }
0x429: {  	v10 =	vmul.f32 v57, v6;
	v11 =	vmul.f32 v58, v7;
	_ =	sdelay $0x1  }
0x42a: {  	v8 =	vadd.f32 v9, v8;
	v59 =	vadd.f32 v11, v10;
	_ =	sdelay $0x1  }
0x42b: {  	v8 =	vadd.f32 v59, v8;
	_ =	sdelay $0x1  }
0x42c: {  	(xrf2) =	vadd.scan.msk.f32 $0xffff, v8;
	_ =	sdelay $0x9  }
0x42d: {  	v8, _, _ =	vpop (xrf2)  }
0x42e: {  	[tilespmem:$0x19150] =	vst v8  }
0x42f: {  	v8 =	vld [tilespmem:s6+$0xFFFFFE00]  }
0x430: {  	v60 =	vld [tilespmem:s6+$0xFFFFFE10]  }
0x431: {  	v61 =	vld [tilespmem:s6+$0xFFFFFE20]  }
0x432: {  	v62 =	vld [tilespmem:s6+$0xFFFFFE30];
	_ =	sdelay $0x3  }
0x433: {  	v8 =	vmul.f32 v8, v4;
	v9 =	vmul.f32 v60, v5  }
0x434: {  	v10 =	vmul.f32 v61, v6;
	v11 =	vmul.f32 v62, v7;
	_ =	sdelay $0x1  }
0x435: {  	v8 =	vadd.f32 v9, v8;
	v63 =	vadd.f32 v11, v10;
	_ =	sdelay $0x1  }
0x436: {  	v8 =	vadd.f32 v63, v8;
	_ =	sdelay $0x1  }
0x437: {  	(xrf2) =	vadd.scan.msk.f32 $0xffff, v8;
	_ =	sdelay $0x9  }
0x438: {  	v8, _, _ =	vpop (xrf2)  }
0x439: {  	[tilespmem:$0x19160] =	vst v8  }
0x43a: {  	v8 =	vld [tilespmem:s6+$0xFFFFFE80]  }
0x43b: {  	v12 =	vld [tilespmem:s6+$0xFFFFFE90]  }
0x43c: {  	v13 =	vld [tilespmem:s6+$0xFFFFFEA0]  }
0x43d: {  	v14 =	vld [tilespmem:s6+$0xFFFFFEB0];
	_ =	sdelay $0x3  }
0x43e: {  	v8 =	vmul.f32 v8, v4;
	v9 =	vmul.f32 v12, v5  }
0x43f: {  	v10 =	vmul.f32 v13, v6;
	v11 =	vmul.f32 v14, v7;
	_ =	sdelay $0x1  }
0x440: {  	v8 =	vadd.f32 v9, v8;
	v15 =	vadd.f32 v11, v10;
	_ =	sdelay $0x1  }
0x441: {  	v8 =	vadd.f32 v15, v8;
	_ =	sdelay $0x1  }
0x442: {  	(xrf2) =	vadd.scan.msk.f32 $0xffff, v8;
	_ =	sdelay $0x9  }
0x443: {  	v8, _, _ =	vpop (xrf2)  }
0x444: {  	[tilespmem:$0x19170] =	vst v8  }
0x445: {  	v8 =	vld [tilespmem:s6+$0xFFFFFF00]  }
0x446: {  	v16 =	vld [tilespmem:s6+$0xFFFFFF10]  }
0x447: {  	v17 =	vld [tilespmem:s6+$0xFFFFFF20]  }
0x448: {  	v18 =	vld [tilespmem:s6+$0xFFFFFF30];
	_ =	sdelay $0x3  }
0x449: {  	v8 =	vmul.f32 v8, v4;
	v9 =	vmul.f32 v16, v5  }
0x44a: {  	v10 =	vmul.f32 v17, v6;
	v11 =	vmul.f32 v18, v7;
	_ =	sdelay $0x1  }
0x44b: {  	v8 =	vadd.f32 v9, v8;
	v19 =	vadd.f32 v11, v10;
	_ =	sdelay $0x1  }
0x44c: {  	v8 =	vadd.f32 v19, v8;
	_ =	sdelay $0x1  }
0x44d: {  	(xrf2) =	vadd.scan.msk.f32 $0xffff, v8;
	_ =	sdelay $0x9  }
0x44e: {  	v8, _, _ =	vpop (xrf2)  }
0x44f: {  	[tilespmem:$0x19180] =	vst v8  }
0x450: {  	v8 =	vld [tilespmem:s6+$0xFFFFFF80]  }
0x451: {  	v20 =	vld [tilespmem:s6+$0xFFFFFF90]  }
0x452: {  	v21 =	vld [tilespmem:s6+$0xFFFFFFA0]  }
0x453: {  	v22 =	vld [tilespmem:s6+$0xFFFFFFB0];
	_ =	sdelay $0x3  }
0x454: {  	v8 =	vmul.f32 v8, v4;
	v9 =	vmul.f32 v20, v5  }
0x455: {  	v10 =	vmul.f32 v21, v6;
	v11 =	vmul.f32 v22, v7;
	_ =	sdelay $0x1  }
0x456: {  	v8 =	vadd.f32 v9, v8;
	v23 =	vadd.f32 v11, v10;
	_ =	sdelay $0x1  }
0x457: {  	v8 =	vadd.f32 v23, v8;
	_ =	sdelay $0x1  }
0x458: {  	(xrf2) =	vadd.scan.msk.f32 $0xffff, v8;
	_ =	sdelay $0x9  }
0x459: {  	v8, _, _ =	vpop (xrf2)  }
0x45a: {  	[tilespmem:$0x19190] =	vst v8  }
0x45b: {  	v8 =	vld [tilespmem:s6+$0x0]  }
0x45c: {  	v24 =	vld [tilespmem:s6+$0x10]  }
0x45d: {  	v25 =	vld [tilespmem:s6+$0x20]  }
0x45e: {  	v26 =	vld [tilespmem:s6+$0x30];
	_ =	sdelay $0x3  }
0x45f: {  	v8 =	vmul.f32 v8, v4;
	v9 =	vmul.f32 v24, v5  }
0x460: {  	v10 =	vmul.f32 v25, v6;
	v11 =	vmul.f32 v26, v7;
	_ =	sdelay $0x1  }
0x461: {  	v8 =	vadd.f32 v9, v8;
	v27 =	vadd.f32 v11, v10;
	_ =	sdelay $0x1  }
0x462: {  	v8 =	vadd.f32 v27, v8;
	_ =	sdelay $0x1  }
0x463: {  	(xrf2) =	vadd.scan.msk.f32 $0xffff, v8;
	_ =	sdelay $0x9  }
0x464: {  	v8, _, _ =	vpop (xrf2)  }
0x465: {  	[tilespmem:$0x191A0] =	vst v8  }
0x466: {  	v8 =	vld [tilespmem:s6+$0x80]  }
0x467: {  	v28 =	vld [tilespmem:s6+$0x90]  }
0x468: {  	v29 =	vld [tilespmem:s6+$0xA0]  }
0x469: {  	v30 =	vld [tilespmem:s6+$0xB0];
	_ =	sdelay $0x3  }
0x46a: {  	v8 =	vmul.f32 v8, v4;
	v9 =	vmul.f32 v28, v5  }
0x46b: {  	v10 =	vmul.f32 v29, v6;
	v11 =	vmul.f32 v30, v7;
	_ =	sdelay $0x1  }
0x46c: {  	v8 =	vadd.f32 v9, v8;
	v31 =	vadd.f32 v11, v10;
	_ =	sdelay $0x1  }
0x46d: {  	v8 =	vadd.f32 v31, v8;
	_ =	sdelay $0x1  }
0x46e: {  	(xrf2) =	vadd.scan.msk.f32 $0xffff, v8;
	_ =	sdelay $0x9  }
0x46f: {  	v8, _, _ =	vpop (xrf2)  }
0x470: {  	[tilespmem:$0x191B0] =	vst v8  }
0x471: {  	v8 =	vld [tilespmem:s6+$0x100]  }
0x472: {  	v32 =	vld [tilespmem:s6+$0x110]  }
0x473: {  	v33 =	vld [tilespmem:s6+$0x120]  }
0x474: {  	v34 =	vld [tilespmem:s6+$0x130];
	_ =	sdelay $0x3  }
0x475: {  	v8 =	vmul.f32 v8, v4;
	v9 =	vmul.f32 v32, v5  }
0x476: {  	v10 =	vmul.f32 v33, v6;
	v11 =	vmul.f32 v34, v7;
	_ =	sdelay $0x1  }
0x477: {  	v8 =	vadd.f32 v9, v8;
	v35 =	vadd.f32 v11, v10;
	_ =	sdelay $0x1  }
0x478: {  	v8 =	vadd.f32 v35, v8;
	_ =	sdelay $0x1  }
0x479: {  	(xrf2) =	vadd.scan.msk.f32 $0xffff, v8;
	_ =	sdelay $0x9  }
0x47a: {  	v8, _, _ =	vpop (xrf2)  }
0x47b: {  	[tilespmem:$0x191C0] =	vst v8  }
0x47c: {  	v8 =	vld [tilespmem:s6+$0x180]  }
0x47d: {  	v36 =	vld [tilespmem:s6+$0x190]  }
0x47e: {  	v37 =	vld [tilespmem:s6+$0x1A0]  }
0x47f: {  	v38 =	vld [tilespmem:s6+$0x1B0];
	_ =	sdelay $0x3  }
0x480: {  	v8 =	vmul.f32 v8, v4;
	v9 =	vmul.f32 v36, v5  }
0x481: {  	v10 =	vmul.f32 v37, v6;
	v11 =	vmul.f32 v38, v7;
	_ =	sdelay $0x1  }
0x482: {  	v8 =	vadd.f32 v9, v8;
	v39 =	vadd.f32 v11, v10;
	_ =	sdelay $0x1  }
0x483: {  	v8 =	vadd.f32 v39, v8;
	_ =	sdelay $0x1  }
0x484: {  	(xrf2) =	vadd.scan.msk.f32 $0xffff, v8;
	_ =	sdelay $0x9  }
0x485: {  	v8, _, _ =	vpop (xrf2)  }
0x486: {  	[tilespmem:$0x191D0] =	vst v8  }
0x487: {  	v8 =	vld [tilespmem:s6+$0x200]  }
0x488: {  	v40 =	vld [tilespmem:s6+$0x210]  }
0x489: {  	v41 =	vld [tilespmem:s6+$0x220]  }
0x48a: {  	v42 =	vld [tilespmem:s6+$0x230];
	_ =	sdelay $0x3  }
0x48b: {  	v8 =	vmul.f32 v8, v4;
	v9 =	vmul.f32 v40, v5  }
0x48c: {  	v10 =	vmul.f32 v41, v6;
	v11 =	vmul.f32 v42, v7;
	_ =	sdelay $0x1  }
0x48d: {  	v8 =	vadd.f32 v9, v8;
	v43 =	vadd.f32 v11, v10;
	_ =	sdelay $0x1  }
0x48e: {  	v8 =	vadd.f32 v43, v8;
	_ =	sdelay $0x1  }
0x48f: {  	(xrf2) =	vadd.scan.msk.f32 $0xffff, v8;
	_ =	sdelay $0x9  }
0x490: {  	v8, _, _ =	vpop (xrf2)  }
0x491: {  	[tilespmem:$0x191E0] =	vst v8  }
0x492: {  	v8 =	vld [tilespmem:s6+$0x280]  }
0x493: {  	v44 =	vld [tilespmem:s6+$0x290]  }
0x494: {  	v45 =	vld [tilespmem:s6+$0x2A0]  }
0x495: {  	v46 =	vld [tilespmem:s6+$0x2B0];
	_ =	sdelay $0x3  }
0x496: {  	v8 =	vmul.f32 v8, v4;
	v9 =	vmul.f32 v44, v5  }
0x497: {  	v10 =	vmul.f32 v45, v6;
	v11 =	vmul.f32 v46, v7;
	_ =	sdelay $0x1  }
0x498: {  	v8 =	vadd.f32 v9, v8;
	v47 =	vadd.f32 v11, v10;
	_ =	sdelay $0x1  }
0x499: {  	v8 =	vadd.f32 v47, v8;
	_ =	sdelay $0x1  }
0x49a: {  	(xrf2) =	vadd.scan.msk.f32 $0xffff, v8;
	_ =	sdelay $0x9  }
0x49b: {  	v8, _, _ =	vpop (xrf2)  }
0x49c: {  	[tilespmem:$0x191F0] =	vst v8  }
0x49d: {  	v8 =	vld [tilespmem:s6+$0x300]  }
0x49e: {  	v48 =	vld [tilespmem:s6+$0x310]  }
0x49f: {  	v49 =	vld [tilespmem:s6+$0x320]  }
0x4a0: {  	v50 =	vld [tilespmem:s6+$0x330];
	_ =	sdelay $0x3  }
0x4a1: {  	v8 =	vmul.f32 v8, v4;
	v9 =	vmul.f32 v48, v5  }
0x4a2: {  	v10 =	vmul.f32 v49, v6;
	v11 =	vmul.f32 v50, v7;
	_ =	sdelay $0x1  }
0x4a3: {  	v8 =	vadd.f32 v9, v8;
	v51 =	vadd.f32 v11, v10;
	_ =	sdelay $0x1  }
0x4a4: {  	v8 =	vadd.f32 v51, v8;
	_ =	sdelay $0x1  }
0x4a5: {  	(xrf2) =	vadd.scan.msk.f32 $0xffff, v8;
	_ =	sdelay $0x9  }
0x4a6: {  	v8, _, _ =	vpop (xrf2)  }
0x4a7: {  	[tilespmem:$0x19200] =	vst v8  }
0x4a8: {  	v8 =	vld [tilespmem:s6+$0x380]  }
0x4a9: {  	v52 =	vld [tilespmem:s6+$0x390]  }
0x4aa: {  	v53 =	vld [tilespmem:s6+$0x3A0]  }
0x4ab: {  	v54 =	vld [tilespmem:s6+$0x3B0];
	_ =	sdelay $0x3  }
0x4ac: {  	v8 =	vmul.f32 v8, v4;
	v9 =	vmul.f32 v52, v5  }
0x4ad: {  	v10 =	vmul.f32 v53, v6;
	v11 =	vmul.f32 v54, v7;
	_ =	sdelay $0x1  }
0x4ae: {  	v8 =	vadd.f32 v9, v8;
	v55 =	vadd.f32 v11, v10;
	_ =	sdelay $0x1  }
0x4af: {  	v8 =	vadd.f32 v55, v8;
	_ =	sdelay $0x1  }
0x4b0: {  	(xrf2) =	vadd.scan.msk.f32 $0xffff, v8;
	_ =	sdelay $0x9  }
0x4b1: {  	v8, _, _ =	vpop (xrf2)  }
0x4b2: {  	[tilespmem:$0x19210] =	vst v8  }
0x4b3: {  	v8 =	vld [tilespmem:s6+$0x400]  }
0x4b4: {  	v56 =	vld [tilespmem:s6+$0x410]  }
0x4b5: {  	v57 =	vld [tilespmem:s6+$0x420]  }
0x4b6: {  	v58 =	vld [tilespmem:s6+$0x430];
	_ =	sdelay $0x3  }
0x4b7: {  	v8 =	vmul.f32 v8, v4;
	v9 =	vmul.f32 v56, v5  }
0x4b8: {  	v10 =	vmul.f32 v57, v6;
	v11 =	vmul.f32 v58, v7;
	_ =	sdelay $0x1  }
0x4b9: {  	v8 =	vadd.f32 v9, v8;
	v59 =	vadd.f32 v11, v10;
	_ =	sdelay $0x1  }
0x4ba: {  	v8 =	vadd.f32 v59, v8;
	_ =	sdelay $0x1  }
0x4bb: {  	(xrf2) =	vadd.scan.msk.f32 $0xffff, v8;
	_ =	sdelay $0x9  }
0x4bc: {  	v8, _, _ =	vpop (xrf2)  }
0x4bd: {  	[tilespmem:$0x19220] =	vst v8  }
0x4be: {  	v8 =	vld [tilespmem:s6+$0x480]  }
0x4bf: {  	v60 =	vld [tilespmem:s6+$0x490]  }
0x4c0: {  	v61 =	vld [tilespmem:s6+$0x4A0]  }
0x4c1: {  	v62 =	vld [tilespmem:s6+$0x4B0];
	_ =	sdelay $0x3  }
0x4c2: {  	v4 =	vmul.f32 v8, v4;
	v5 =	vmul.f32 v60, v5  }
0x4c3: {  	v6 =	vmul.f32 v61, v6;
	v7 =	vmul.f32 v62, v7;
	_ =	sdelay $0x1  }
0x4c4: {  	v4 =	vadd.f32 v5, v4;
	v5 =	vadd.f32 v7, v6;
	_ =	sdelay $0x1  }
0x4c5: {  	v4 =	vadd.f32 v5, v4;
	_ =	sdelay $0x1  }
0x4c6: {  	(xrf2) =	vadd.scan.msk.f32 $0xffff, v4;
	_ =	sdelay $0x9  }
0x4c7: {  	v4, _, _ =	vpop (xrf2)  }
0x4c8: {  	[tilespmem:$0x19230] =	vst v4  }
0x4c9: {  	v5 =	vor.u32 s29, v0;
	v4 =	vld.idx.msk [tilespmem:v1+s22+$0x0], $0xffff;
	_ =	sdelay $0x4  }
0x4ca: {  	[tilespmem:v5+s23+$0x0] =	vst.idx.msk $0xffff, v4  }
0x4cb: {  	v5 =	vor.u32 s29, v3;
	v4 =	vld.idx.msk [tilespmem:v2+s22+$0x0], $0xffff  }
0x4cc: {  	p0 =	sne.s32 s0, $0x1E00;
	v63 =	vmov s29  }
.Ltmp5:
0x4cd: {  	_ = 	snop;
	(pc) =	sbr.rel @p0 .LBB2_13-.Ltmp5, $3  }
0x4ce: {  	_ =	sdelay $0x1  }
0x4cf: {  	[tilespmem:v5+s23+$0x0] =	vst.idx.msk $0xf, v4  }
0x4d0: {  	s0 =	sadd.s32 $0x200, s0;
	s6 =	sadd.s32 $0xA00, s6;
	s29 =	sadd.s32 $0x1, s29;
	[tilespmem:v63+s24+$0x0] =	vst.idx.msk vm0, v4  }
0x4d1: {  	s30 =	sadd.s32 $0x1, s30  }
0x4d2: {  	p0 =	sne.s32 s30, $0x10  }
.Ltmp6:
0x4d3: {  	_ = 	snop;
	(pc) =	sbr.rel @p0 .LBB2_4-.Ltmp6, $2  }
0x4d4: {  	_ =	sdelay $0x2  }
0x4d5: {  	s7 =	sadd.s32 $0x20, s7;
	s28 =	sadd.s32 $0x20, s28  }
0x4d6: {  	s0 =	rddreg [dreg:$0x5]  }
0x4d7: {  	[hbm4b:s0+s2] =	stream.linear.scatter [tilespmem:s24], [sflag:$0x3], $0x200, $0x38;
	[tilespmem:$0x19380] =	vst v63  }
0x4d8: {  	_ =	swait.ge [sflag:s10], $0x200  }
0x4d9: {  	[sflag:s10] =	ssyncset.done $0x0  }
0x4da: {  	s8 =	rddreg [dreg:$0x6];
	[sflag:s10] =	ssyncadd.s32 $0xFFFFFE00  }
0x4db: {  	[hbm4b:s8+s2] =	stream.linear.scatter [tilespmem:s23], [sflag:$0x3], $0x200, $0x38;
	[tilespmem:$0x19380] =	vst v63  }
0x4dc: {  	_ =	swait.ge [sflag:s10], $0x200  }
0x4dd: {  	[sflag:s10] =	ssyncset.done $0x0  }
0x4de: {  	s1 =	simm.s32 $0x16B00;
	s9 =	rddreg [dreg:$0x7];
	[sflag:s10] =	ssyncadd.s32 $0xFFFFFE00  }
0x4df: {  	[hbm4b:s9+s2] =	stream.linear.scatter [tilespmem:s1], [sflag:$0x3], $0x200, $0x38;
	[tilespmem:$0x19380] =	vst v63  }
0x4e0: {  	_ =	swait.ge [sflag:s10], $0x200  }
0x4e1: {  	[sflag:s10] =	ssyncset.done $0x0  }
0x4e2: {  	s12 =	simm.s32 $0x16D00;
	s11 =	rddreg [dreg:$0x8];
	[sflag:s10] =	ssyncadd.s32 $0xFFFFFE00  }
0x4e3: {  	[hbm4b:s11+s2] =	stream.linear.scatter [tilespmem:s12], [sflag:$0x3], $0x200, $0x38;
	[tilespmem:$0x19380] =	vst v63  }
0x4e4: {  	_ =	swait.ge [sflag:s10], $0x200  }
0x4e5: {  	[sflag:s10] =	ssyncset.done $0x0  }
0x4e6: {  	s14 =	simm.s32 $0x16F00;
	s13 =	rddreg [dreg:$0xa];
	[sflag:s10] =	ssyncadd.s32 $0xFFFFFE00  }
0x4e7: {  	[hbm4b:s13+s2] =	stream.linear.scatter [tilespmem:s14], [sflag:$0x3], $0x200, $0x38;
	[tilespmem:$0x19380] =	vst v63  }
0x4e8: {  	_ =	swait.ge [sflag:s10], $0x200  }
0x4e9: {  	[sflag:s10] =	ssyncset.done $0x0  }
0x4ea: {  	s16 =	simm.s32 $0x17100;
	s15 =	rddreg [dreg:$0xb];
	[sflag:s10] =	ssyncadd.s32 $0xFFFFFE00  }
0x4eb: {  	[hbm4b:s15+s2] =	stream.linear.scatter [tilespmem:s16], [sflag:$0x3], $0x200, $0x38;
	[tilespmem:$0x19380] =	vst v63  }
0x4ec: {  	_ =	swait.ge [sflag:s10], $0x200  }
0x4ed: {  	[sflag:s10] =	ssyncset.done $0x0  }
0x4ee: {  	s18 =	simm.s32 $0x17300;
	s17 =	rddreg [dreg:$0xc];
	[sflag:s10] =	ssyncadd.s32 $0xFFFFFE00  }
0x4ef: {  	[hbm4b:s17+s2] =	stream.linear.scatter [tilespmem:s18], [sflag:$0x3], $0x200, $0x38;
	[tilespmem:$0x19380] =	vst v63  }
0x4f0: {  	_ =	swait.ge [sflag:s10], $0x200  }
0x4f1: {  	[sflag:s10] =	ssyncset.done $0x0  }
0x4f2: {  	s20 =	simm.s32 $0x17500;
	s19 =	rddreg [dreg:$0xd];
	[sflag:s10] =	ssyncadd.s32 $0xFFFFFE00  }
0x4f3: {  	[hbm4b:s19+s2] =	stream.linear.scatter [tilespmem:s20], [sflag:$0x3], $0x200, $0x38;
	[tilespmem:$0x19380] =	vst v63  }
0x4f4: {  	_ =	swait.ge [sflag:s10], $0x200  }
0x4f5: {  	[sflag:s10] =	ssyncset.done $0x0  }
0x4f6: {  	s25 =	simm.s32 $0x17700;
	s21 =	rddreg [dreg:$0xe];
	[sflag:s10] =	ssyncadd.s32 $0xFFFFFE00  }
0x4f7: {  	[hbm4b:s21+s2] =	stream.linear.scatter [tilespmem:s25], [sflag:$0x3], $0x200, $0x38;
	[tilespmem:$0x19380] =	vst v63  }
0x4f8: {  	_ =	swait.ge [sflag:s10], $0x200  }
0x4f9: {  	[sflag:s10] =	ssyncset.done $0x0  }
0x4fa: {  	s29 =	simm.s32 $0x17900;
	s28 =	rddreg [dreg:$0xf];
	[sflag:s10] =	ssyncadd.s32 $0xFFFFFE00  }
0x4fb: {  	[hbm4b:s28+s2] =	stream.linear.scatter [tilespmem:s29], [sflag:$0x3], $0x200, $0x38;
	[tilespmem:$0x19380] =	vst v63  }
0x4fc: {  	_ =	swait.ge [sflag:s10], $0x200  }
0x4fd: {  	[sflag:s10] =	ssyncset.done $0x0  }
0x4fe: {  	s31 =	simm.s32 $0x17B00;
	s30 =	rddreg [dreg:$0x10];
	[sflag:s10] =	ssyncadd.s32 $0xFFFFFE00  }
0x4ff: {  	[hbm4b:s30+s2] =	stream.linear.scatter [tilespmem:s31], [sflag:$0x3], $0x200, $0x38;
	[tilespmem:$0x19380] =	vst v63  }
0x500: {  	_ =	swait.ge [sflag:s10], $0x200  }
0x501: {  	[sflag:s10] =	ssyncset.done $0x0  }
0x502: {  	s5 =	simm.s32 $0x17D00;
	s1 =	rddreg [dreg:$0x11];
	[sflag:s10] =	ssyncadd.s32 $0xFFFFFE00  }
0x503: {  	[hbm4b:s1+s2] =	stream.linear.scatter [tilespmem:s5], [sflag:$0x3], $0x200, $0x38;
	[tilespmem:$0x19380] =	vst v63  }
0x504: {  	_ =	swait.ge [sflag:s10], $0x200  }
0x505: {  	[sflag:s10] =	ssyncset.done $0x0  }
0x506: {  	s7 =	simm.s32 $0x17F00;
	s6 =	rddreg [dreg:$0x12];
	[sflag:s10] =	ssyncadd.s32 $0xFFFFFE00  }
0x507: {  	[hbm4b:s6+s2] =	stream.linear.scatter [tilespmem:s7], [sflag:$0x3], $0x200, $0x38;
	[tilespmem:$0x19380] =	vst v63  }
0x508: {  	_ =	swait.ge [sflag:s10], $0x200  }
0x509: {  	[sflag:s10] =	ssyncset.done $0x0  }
0x50a: {  	s9 =	simm.s32 $0x18100;
	s8 =	rddreg [dreg:$0x13];
	[sflag:s10] =	ssyncadd.s32 $0xFFFFFE00  }
0x50b: {  	[hbm4b:s8+s2] =	stream.linear.scatter [tilespmem:s9], [sflag:$0x3], $0x200, $0x38;
	[tilespmem:$0x19380] =	vst v63  }
0x50c: {  	_ =	swait.ge [sflag:s10], $0x200  }
0x50d: {  	[sflag:s10] =	ssyncset.done $0x0  }
0x50e: {  	s12 =	simm.s32 $0x18300;
	s11 =	rddreg [dreg:$0x15];
	[sflag:s10] =	ssyncadd.s32 $0xFFFFFE00  }
0x50f: {  	[hbm4b:s11+s2] =	stream.linear.scatter [tilespmem:s12], [sflag:$0x3], $0x200, $0x38;
	[tilespmem:$0x19380] =	vst v63  }
0x510: {  	_ =	swait.ge [sflag:s10], $0x200  }
0x511: {  	[sflag:s10] =	ssyncset.done $0x0  }
0x512: {  	s14 =	simm.s32 $0x18500;
	s13 =	rddreg [dreg:$0x16];
	[sflag:s10] =	ssyncadd.s32 $0xFFFFFE00  }
0x513: {  	[hbm4b:s13+s2] =	stream.linear.scatter [tilespmem:s14], [sflag:$0x3], $0x200, $0x38;
	[tilespmem:$0x19380] =	vst v63  }
0x514: {  	_ =	swait.ge [sflag:s10], $0x200  }
0x515: {  	[sflag:s10] =	ssyncset.done $0x0  }
0x516: {  	s16 =	simm.s32 $0x18700;
	s15 =	rddreg [dreg:$0x18];
	[sflag:s10] =	ssyncadd.s32 $0xFFFFFE00  }
0x517: {  	[hbm4b:s15+s2] =	stream.linear.scatter [tilespmem:s16], [sflag:$0x3], $0x200, $0x38;
	[tilespmem:$0x19380] =	vst v63  }
0x518: {  	_ =	swait.ge [sflag:s10], $0x200  }
0x519: {  	[sflag:s10] =	ssyncset.done $0x0  }
0x51a: {  	s18 =	simm.s32 $0x18900;
	s17 =	rddreg [dreg:$0x19];
	[sflag:s10] =	ssyncadd.s32 $0xFFFFFE00  }
0x51b: {  	[hbm4b:s17+s2] =	stream.linear.scatter [tilespmem:s18], [sflag:$0x3], $0x200, $0x38;
	[tilespmem:$0x19380] =	vst v63  }
0x51c: {  	_ =	swait.ge [sflag:s10], $0x200  }
0x51d: {  	[sflag:s10] =	ssyncset.done $0x0  }
0x51e: {  	s20 =	simm.s32 $0x18B00;
	s19 =	rddreg [dreg:$0x1b];
	[sflag:s10] =	ssyncadd.s32 $0xFFFFFE00  }
0x51f: {  	[hbm4b:s19+s2] =	stream.linear.scatter [tilespmem:s20], [sflag:$0x3], $0x200, $0x38;
	[tilespmem:$0x19380] =	vst v63  }
0x520: {  	_ =	swait.ge [sflag:s10], $0x200  }
0x521: {  	[sflag:s10] =	ssyncset.done $0x0  }
0x522: {  	s25 =	simm.s32 $0x18D00;
	s21 =	rddreg [dreg:$0x1c];
	[sflag:s10] =	ssyncadd.s32 $0xFFFFFE00  }
0x523: {  	[hbm4b:s21+s2] =	stream.linear.scatter [tilespmem:s25], [sflag:$0x3], $0x200, $0x38;
	[tilespmem:$0x19380] =	vst v63  }
0x524: {  	_ =	swait.ge [sflag:s10], $0x200  }
0x525: {  	[sflag:s10] =	ssyncset.done $0x0  }
0x526: {  	s29 =	simm.s32 $0x18F00;
	s28 =	rddreg [dreg:$0x1d];
	[sflag:s10] =	ssyncadd.s32 $0xFFFFFE00  }
0x527: {  	[hbm4b:s28+s2] =	stream.linear.scatter [tilespmem:s29], [sflag:$0x3], $0x200, $0x38;
	[tilespmem:$0x19380] =	vst v63  }
0x528: {  	_ =	swait.ge [sflag:s10], $0x200  }
0x529: {  	s30 =	rddreg [dreg:$0x1f]  }
0x52a: {  	s31 =	rddreg [dreg:$0x1e];
	s1 =	sadd.s32 $0x1, s30  }
0x52b: {  	p0 =	sne.s32 s1, s31  }
.Ltmp7:
0x52c: {  	_ = 	snop;
	(pc) =	sbr.rel @p0 .LBB2_1-.Ltmp7, $3  }
0x52d: {  	_ =	sdelay $0x1  }
0x52e: {  	[sflag:s10] =	ssyncset.done $0x0  }
0x52f: {  	[sflag:s10] =	ssyncadd.s32 $0xFFFFFE00  }
0x530: {  	_ =	sfence.sel $0x180000  }
0x531: {  	[bflag:$0x0] =	sbarrier.arrive $0xFFFF  }
0x532: {  	_ =	strace $0x90000047  }
0x533: {  	s0 =	stileid.u32;
	[bflag:$0x2] =	sbarrier.arrive $0xFFFF  }
0x534: {  	p0 =	sne.s32 s0, $0x0;
	s0 =	rddreg [dreg:$0x3]  }
0x535: {  	s0 =	sadd.s32 @!p0 $0x100000, s0  }
0x536: {  	[sflag:s0] =	ssyncadd.tile.s32 @!p0 $0x1;
	_ =	shalt  }
.Lfunc_end2:
_tile_overlayer_lowered:
.L_overlay_start_2:
0x537: {  	(tag) =	ssettag $0x2  }
0x538: {  	s0 =	rddreg [dreg:$0x0];
	s2 =	stileid.u32  }
0x539: {  	s1 =	rddreg [dreg:$0x1];
	p0 =	sne.s32 s2, $0x0  }
0x53a: {  	s3 =	rddreg [dreg:$0x2];
	[bflag:$0x3] =	sbarrier.arrive $0xFFFF;
	s2 =	simm.s32 @!p0 $0x1C03  }
0x53b: {  	[timem:s3], [sflag:s2] =	dma.local @!p0 [hbm:s0], s1  }
0x53c: {  	s0 =	simm.s32 @!p0 $0x3  }
0x53d: {  	_ =	swait.ge @!p0 [sflag:s0], s1  }
0x53e: {  	s1 =	ssub.s32 @!p0 $0x0, s1;
	[sflag:s0] =	ssyncset.done @!p0 $0x0  }
0x53f: {  	[sflag:s0] =	ssyncadd.s32 @!p0 s1  }
0x540: {  	[bflag:$0x3] =	sbarrier.arrive $0xFFFF  }
0x541: {  	_ =	shalt  }

</sc_bundles>
